<compile_context>
chip_gen: v7x
topology: tpu7x:2x2x1
jax: 0.10.2.dev20260603
libtpu: 0.0.44.dev20260713+nightly
codegen_flags: <defaults>
</compile_context>

<pallas_src>
import functools

import jax
import jax.numpy as jnp
from jax import lax
from jax.experimental import pallas as pl
from jax.experimental.pallas import tpu as pltpu
from jax.experimental.pallas import tpu_sc as plsc

N = 10000
NPAD = 10112
E = 320000
EPAD = 331776
D = 128
NEG = 0.2
NWORK = 32
CHUNKS = 216
B = 48
SCH = 8
NSUP = CHUNKS // SCH
PAIRS = CHUNKS // 2
PPS = SCH // 2


def _proj_body(x_ref, w_ref, b_ref, att_ref, feat_ref, epre_ref):
    feat = jnp.dot(x_ref[...], w_ref[...], preferred_element_type=jnp.float32)
    feat = feat + b_ref[...]
    feat_ref[pl.ds(0, N), :] = feat
    feat_ref[pl.ds(N, NPAD - N), :] = jnp.broadcast_to(b_ref[...],
                                                       (NPAD - N, D))
    epre = jnp.dot(feat, att_ref[...], preferred_element_type=jnp.float32)
    epre_ref[pl.ds(0, N), :] = epre
    epre_ref[pl.ds(N, NPAD - N), :] = jnp.zeros((NPAD - N, 2), jnp.float32)


def _project(x, W, b2, att):
    return pl.pallas_call(
        _proj_body,
        out_shape=(
            jax.ShapeDtypeStruct((NPAD, D), jnp.float32),
            jax.ShapeDtypeStruct((NPAD, 2), jnp.float32),
        ),
    )(x, W, b2, att)


def _edge_body(feat_hbm, esrc_hbm, etar_hbm, src_hbm, tar_hbm,
               out_ref, outs_ref,
               acc_s, esrc_v, etar_v, srcv, tarv, rows0, rows1, wbuf, s_v,
               gsem0, gsem1, ssem0, ssem1, isem):
    cid = lax.axis_index("c")
    sid = lax.axis_index("s")
    wid = cid * 16 + sid

    pltpu.sync_copy(esrc_hbm, esrc_v)
    pltpu.sync_copy(etar_hbm, etar_v)

    zero16 = jnp.zeros((16,), jnp.float32)
    lane = lax.broadcasted_iota(jnp.int32, (16,), 0)

    def _zs(j, _):
        s_v[pl.ds(j * 16, 16)] = zero16
        return 0

    lax.fori_loop(0, NPAD // 16, _zs, 0)

    def _zrow(j, _):
        for c in range(D // 16):
            rows0[j, pl.ds(c * 16, 16)] = zero16
        return 0

    lax.fori_loop(0, B, _zrow, 0)
    rows_per_tile = NPAD // 16
    base = sid * rows_per_tile
    for k in range(rows_per_tile // B):
        pltpu.sync_copy(rows0, acc_s.at[pl.ds(base + k * B, B)])
    rem = rows_per_tile % B
    if rem:
        pltpu.sync_copy(rows0.at[pl.ds(0, rem)],
                        acc_s.at[pl.ds(base + (rows_per_tile // B) * B, rem)])
    plsc.subcore_barrier()

    def _refill_issue(sup, half):
        pltpu.async_copy(src_hbm.at[wid, pl.ds(sup * SCH, SCH)],
                         srcv.at[half], isem)
        pltpu.async_copy(tar_hbm.at[wid, pl.ds(sup * SCH, SCH)],
                         tarv.at[half], isem)

    def _refill_wait(half):
        pltpu.make_async_copy(src_hbm.at[wid, pl.ds(0, SCH)],
                              srcv.at[half], isem).wait()
        pltpu.make_async_copy(tar_hbm.at[wid, pl.ds(0, SCH)],
                              tarv.at[half], isem).wait()

    def _weights(h, gg):
        for i in range(B // 16):
            s16 = srcv[h, gg, pl.ds(i * 16, 16)]
            t16 = tarv[h, gg, pl.ds(i * 16, 16)]
            z = (plsc.load_gather(esrc_v, [s16])
                 + plsc.load_gather(etar_v, [t16]))
            w16 = jnp.exp(jnp.maximum(z, NEG * z))
            wbuf[pl.ds(i * 16, 16)] = w16
            plsc.addupdate_scatter(s_v, [t16], w16)

    def _scale(rows):
        def _edge(j, _):
            wsp = plsc.load_gather(wbuf, [lane * 0 + j])
            for c in range(D // 16):
                rows[j, pl.ds(c * 16, 16)] = rows[j, pl.ds(c * 16, 16)] * wsp
            return 0

        lax.fori_loop(0, B, _edge, 0, unroll=8)

    pltpu.sync_copy(src_hbm.at[wid, pl.ds(0, SCH)], srcv.at[0])
    pltpu.sync_copy(tar_hbm.at[wid, pl.ds(0, SCH)], tarv.at[0])
    pltpu.async_copy(feat_hbm.at[srcv.at[0, 0]], rows0, gsem0)
    pltpu.async_copy(feat_hbm.at[srcv.at[0, 1]], rows1, gsem1)
    _refill_issue(1, 1)

    def _pair(p, _):
        sc = p // PPS
        pin = p % PPS
        h = sc & 1
        ga = (2 * p) % SCH
        gb = ga + 1

        @pl.when(jnp.logical_and(jnp.logical_and(pin == 0, p > 0),
                                 sc + 1 < NSUP))
        def _():
            _refill_issue(sc + 1, 1 - h)

        _weights(h, ga)
        pltpu.make_async_copy(feat_hbm.at[srcv.at[h, ga]], rows0, gsem0).wait()
        _scale(rows0)
        d_sa = pltpu.async_copy(rows0, acc_s.at[tarv.at[h, ga]], ssem0,
                                add=True)

        _weights(h, gb)
        pltpu.make_async_copy(feat_hbm.at[srcv.at[h, gb]], rows1, gsem1).wait()
        _scale(rows1)
        d_sb = pltpu.async_copy(rows1, acc_s.at[tarv.at[h, gb]], ssem1,
                                add=True)

        d_sa.wait()

        @pl.when(jnp.logical_and(pin == PPS - 1, p + 1 < PAIRS))
        def _():
            _refill_wait(1 - h)

        @pl.when(p + 1 < PAIRS)
        def _():
            nh = ((p + 1) // PPS) & 1
            nga = (2 * p + 2) % SCH
            pltpu.async_copy(feat_hbm.at[srcv.at[nh, nga]], rows0, gsem0)

        d_sb.wait()

        @pl.when(p + 1 < PAIRS)
        def _():
            nh = ((p + 1) // PPS) & 1
            ngb = (2 * p + 3) % SCH
            pltpu.async_copy(feat_hbm.at[srcv.at[nh, ngb]], rows1, gsem1)
        return 0

    lax.fori_loop(0, PAIRS, _pair, 0)
    plsc.subcore_barrier()

    for k in range(rows_per_tile // B):
        off = base + k * B
        pltpu.sync_copy(acc_s.at[pl.ds(off, B)], out_ref.at[cid, pl.ds(off, B)])
    if rem:
        off = base + (rows_per_tile // B) * B
        pltpu.sync_copy(acc_s.at[pl.ds(off, rem)],
                        out_ref.at[cid, pl.ds(off, rem)])
    pltpu.sync_copy(s_v, outs_ref.at[cid, sid])


def _edge_aggregate(feat, e_src, e_tar, src_p, tar_p):
    mesh = plsc.VectorSubcoreMesh(core_axis_name="c", subcore_axis_name="s")
    k = functools.partial(
        pl.kernel,
        out_type=(
            jax.ShapeDtypeStruct((2, NPAD, D), jnp.float32),
            jax.ShapeDtypeStruct((2, 16, NPAD), jnp.float32),
        ),
        mesh=mesh,
        compiler_params=pltpu.CompilerParams(needs_layout_passes=False),
        scratch_types=[
            pltpu.VMEM_SHARED((NPAD, D), jnp.float32),
            pltpu.VMEM((NPAD,), jnp.float32),
            pltpu.VMEM((NPAD,), jnp.float32),
            pltpu.VMEM((2, SCH, B), jnp.int32),
            pltpu.VMEM((2, SCH, B), jnp.int32),
            pltpu.VMEM((B, D), jnp.float32),
            pltpu.VMEM((B, D), jnp.float32),
            pltpu.VMEM((B,), jnp.float32),
            pltpu.VMEM((NPAD,), jnp.float32),
            pltpu.SemaphoreType.DMA,
            pltpu.SemaphoreType.DMA,
            pltpu.SemaphoreType.DMA,
            pltpu.SemaphoreType.DMA,
            pltpu.SemaphoreType.DMA,
        ],
    )(_edge_body)
    return k(feat, e_src, e_tar, src_p, tar_p)


def _final_body(part_ref, s_ref, feat_ref, epre_ref, out_ref):
    ep = epre_ref[...]
    z = ep[:, 0] + ep[:, 1]
    eself = jnp.exp(jnp.maximum(z, NEG * z))
    feat = feat_ref[...]
    num = part_ref[0] + part_ref[1] + eself[:, None] * feat
    den = jnp.sum(s_ref[...], axis=1) + eself
    out_ref[...] = num / den[:, None]


def _finalize(part, s_t, feat, epre):
    blk = 1000
    return pl.pallas_call(
        _final_body,
        grid=(N // blk,),
        in_specs=[
            pl.BlockSpec((2, blk, D), lambda i: (0, i, 0)),
            pl.BlockSpec((blk, NWORK), lambda i: (i, 0)),
            pl.BlockSpec((blk, D), lambda i: (i, 0)),
            pl.BlockSpec((blk, 2), lambda i: (i, 0)),
        ],
        out_specs=pl.BlockSpec((blk, D), lambda i: (i, 0)),
        out_shape=jax.ShapeDtypeStruct((N, D), jnp.float32),
    )(part, s_t, feat, epre)


def kernel(x, edge_index, W, b, att):
    feat, epre = _project(x, W, b.reshape(1, D), att)

    dummy = N + (jnp.arange(EPAD - E, dtype=jnp.int32) % (NPAD - N))
    ei_p = jnp.concatenate(
        [edge_index, jnp.broadcast_to(dummy, (2, EPAD - E))], axis=1)
    src_p = ei_p[1].reshape(NWORK, CHUNKS, B)
    tar_p = ei_p[0].reshape(NWORK, CHUNKS, B)

    e_src = epre[:, 0]
    e_tar = epre[:, 1]

    part, s_part = _edge_aggregate(feat, e_src, e_tar, src_p, tar_p)
    s_t = s_part.reshape(NWORK, NPAD).T
    return _finalize(part, s_t, feat, epre)

# --- scband reference (transcript-rebuilt; emitter-appended) ---
"""Pipeline reference for scband-ref-gatconv-52871047413956 (READ-ONLY COPY).

The authoritative reference and input builder live on the scoring server;
editing this copy changes nothing except your own understanding.
"""

import jax, jax.numpy as jnp
import numpy as np
import math

N_NODES = 10000
N_EDGES = 320000
D_IN = 128
D_OUT = 128
HEADS = 1
NEG_SLOPE = 0.2

def setup_inputs(seed: int = 0):
    key = jax.random.key(seed)
    k1, k2, k3, k4 = jax.random.split(key, 4)
    x = jax.random.normal(k1, (N_NODES, D_IN), dtype=jnp.float32)
    edge_index = jax.random.randint(k2, (2, N_EDGES), 0, N_NODES, dtype=jnp.int32)
    s_w = math.sqrt(6.0 / (D_IN + D_OUT * HEADS))
    W = jax.random.uniform(k3, (D_IN, D_OUT * HEADS), minval=-s_w, maxval=s_w, dtype=jnp.float32)
    b = jnp.zeros((D_OUT * HEADS,), dtype=jnp.float32)
    s_a = math.sqrt(6.0 / (HEADS * D_OUT + 2))
    att = jax.random.uniform(k4, (HEADS * D_OUT, 2), minval=-s_a, maxval=s_a, dtype=jnp.float32)
    return {"x": x, "edge_index": edge_index, "W": W, "b": b, "att": att}

def reference(x, edge_index, W, b, att):
    # flow='target_to_source': tid=0 (target), sid=1 (source)
    src = edge_index[1]
    tar = edge_index[0]
    feat = x @ W + b  # dense projection [N, heads*out_channels]
    n = feat.shape[0]
    e_pre = feat @ att  # [N, 2]
    e_src = e_pre[:, 0:1]
    e_tar = e_pre[:, 1:2]
    # gather per-edge attention logits
    e = jnp.exp(jax.nn.leaky_relu(e_src[src] + e_tar[tar], negative_slope=NEG_SLOPE))
    e_self = jnp.exp(jax.nn.leaky_relu(e_src + e_tar, negative_slope=NEG_SLOPE))
    # scatter-add denominator per target node (+ self loop)
    e_sum = jax.ops.segment_sum(e, tar, num_segments=n) + e_self
    alpha_self = e_self / e_sum
    alpha = e / e_sum[tar]
    # dropout == 0 and eval mode -> identity
    src_fm = feat[src]
    out = jax.ops.segment_sum(src_fm * alpha, tar, num_segments=n) + feat * alpha_self
    # concat=True, heads=1 -> output stays [N, heads*out_channels]
    return out

if __name__ == "__main__":
    import jax
    _d = setup_inputs()
    print(jax.jit(kernel)(*tuple(_d.values())))

</pallas_src>

<mosaic_0001>
#map = affine_map<(d0, d1) -> (0, 0)>
#map1 = affine_map<(d0, d1) -> (0)>
#map2 = affine_map<(d0, d1) -> (0, 0, 0)>
module attributes {stable_mosaic.version = 14 : i64} {
  func.func @_edge_body(%arg0: i32, %arg1: i32, %arg2: memref<10112x128xf32, #tpu.memory_space<hbm>>, %arg3: memref<10112xf32, #tpu.memory_space<hbm>>, %arg4: memref<10112xf32, #tpu.memory_space<hbm>>, %arg5: memref<32x216x48xi32, #tpu.memory_space<hbm>>, %arg6: memref<32x216x48xi32, #tpu.memory_space<hbm>>, %arg7: memref<2x10112x128xf32, #tpu.memory_space<hbm>>, %arg8: memref<2x16x10112xf32, #tpu.memory_space<hbm>>, %arg9: memref<10112x128xf32, #tpu.memory_space<vmem_shared>>, %arg10: memref<10112xf32, #tpu.memory_space<vmem>>, %arg11: memref<10112xf32, #tpu.memory_space<vmem>>, %arg12: memref<2x8x48xi32, #tpu.memory_space<vmem>>, %arg13: memref<2x8x48xi32, #tpu.memory_space<vmem>>, %arg14: memref<48x128xf32, #tpu.memory_space<vmem>>, %arg15: memref<48x128xf32, #tpu.memory_space<vmem>>, %arg16: memref<48xf32, #tpu.memory_space<vmem>>, %arg17: memref<10112xf32, #tpu.memory_space<vmem>>, %arg18: memref<!tpu.dma_semaphore, #tpu.memory_space<semaphore_mem>>, %arg19: memref<!tpu.dma_semaphore, #tpu.memory_space<semaphore_mem>>, %arg20: memref<!tpu.dma_semaphore, #tpu.memory_space<semaphore_mem>>, %arg21: memref<!tpu.dma_semaphore, #tpu.memory_space<semaphore_mem>>, %arg22: memref<!tpu.dma_semaphore, #tpu.memory_space<semaphore_mem>>) attributes {dimension_semantics = [#tpu.dimension_semantics<core_parallel>, #tpu.dimension_semantics<subcore_parallel>], iteration_bounds = array<i64: 2, 16>, scalar_prefetch = 0 : i64, scratch_operands = 14 : i64, tpu.core_type = #tpu.core_type<sc_vector_subcore>, window_params = [{transform_indices = #map}, {transform_indices = #map1}, {transform_indices = #map1}, {transform_indices = #map2}, {transform_indices = #map2}, {transform_indices = #map2}, {transform_indices = #map2}]} {
    %mul3A = arith.constant 16 : i32
    %mul3A_0 = arith.muli %arg0, %mul3A : i32
    %add3A = arith.addi %mul3A_0, %arg1 : i32
    "tpu.region"() ({
      %run_scoped3A_131 = tpu.sem_alloc : memref<!tpu.dma_semaphore, #tpu.memory_space<semaphore_mem>>
      tpu.enqueue_dma source(%arg3 : memref<10112xf32, #tpu.memory_space<hbm>>) target(%arg10 : memref<10112xf32, #tpu.memory_space<vmem>>) target_semaphore(%run_scoped3A_131 : memref<!tpu.dma_semaphore, #tpu.memory_space<semaphore_mem>>)
      tpu.wait_dma2 semaphore(%run_scoped3A_131 : memref<!tpu.dma_semaphore, #tpu.memory_space<semaphore_mem>>) src(%arg3 : memref<10112xf32, #tpu.memory_space<hbm>>) dst(%arg10 : memref<10112xf32, #tpu.memory_space<vmem>>)
      tpu.yield
    }) : () -> ()
    "tpu.region"() ({
      %run_scoped3A_131 = tpu.sem_alloc : memref<!tpu.dma_semaphore, #tpu.memory_space<semaphore_mem>>
      tpu.enqueue_dma source(%arg4 : memref<10112xf32, #tpu.memory_space<hbm>>) target(%arg11 : memref<10112xf32, #tpu.memory_space<vmem>>) target_semaphore(%run_scoped3A_131 : memref<!tpu.dma_semaphore, #tpu.memory_space<semaphore_mem>>)
      tpu.wait_dma2 semaphore(%run_scoped3A_131 : memref<!tpu.dma_semaphore, #tpu.memory_space<semaphore_mem>>) src(%arg4 : memref<10112xf32, #tpu.memory_space<hbm>>) dst(%arg11 : memref<10112xf32, #tpu.memory_space<vmem>>)
      tpu.yield
    }) : () -> ()
    %broadcast_in_dim3A = arith.constant 0.000000e+00 : f32
    %broadcast_in_dim3A_1 = vector.broadcast %broadcast_in_dim3A : f32 to vector<16xf32>
    %iota3A = tpu.iota {dimensions = array<i32: 0>} : vector<16xi32>
    %scan3A = arith.constant 0 : i32
    %scan3A_2 = arith.constant 0 : i32
    %scan3A_3 = arith.constant 632 : i32
    %scan3A_4 = arith.addi %scan3A_2, %scan3A_3 : i32
    %scan3A_5 = arith.constant 1 : i32
    %scan3A_6 = scf.for %scan3A_131 = %scan3A_2 to %scan3A_4 step %scan3A_5 iter_args(%scan3A_132 = %scan3A) -> (i32)  : i32 {
      %mul3A_133 = arith.constant 16 : i32
      %mul3A_134 = arith.muli %scan3A_131, %mul3A_133 : i32
      %swap3A = arith.index_cast %mul3A_134 : i32 to index
      %swap3A_135 = tpu.vector_load %arg17[%swap3A] {strides = array<i32>} : memref<10112xf32, #tpu.memory_space<vmem>>, vector<16xf32>,
      tpu.vector_store %arg17[%swap3A], %broadcast_in_dim3A_1 {strides = array<i32>} : memref<10112xf32, #tpu.memory_space<vmem>>, vector<16xf32>,
      %scan3A_136 = arith.constant 0 : i32
      scf.yield %scan3A_136 : i32
    }
    %scan3A_7 = arith.constant 632 : i32
    %scan3A_8 = arith.constant 0 : i32
    %scan3A_9 = arith.constant 0 : i32
    %scan3A_10 = arith.constant 48 : i32
    %scan3A_11 = arith.addi %scan3A_9, %scan3A_10 : i32
    %scan3A_12 = arith.constant 1 : i32
    %scan3A_13 = scf.for %scan3A_131 = %scan3A_9 to %scan3A_11 step %scan3A_12 iter_args(%scan3A_132 = %scan3A_8) -> (i32)  : i32 {
      %swap3A = arith.index_cast %scan3A_131 : i32 to index
      %swap3A_133 = arith.constant 0 : index
      %swap3A_134 = tpu.vector_load %arg14[%swap3A, %swap3A_133] {strides = array<i32>} : memref<48x128xf32, #tpu.memory_space<vmem>>, vector<16xf32>,
      tpu.vector_store %arg14[%swap3A, %swap3A_133], %broadcast_in_dim3A_1 {strides = array<i32>} : memref<48x128xf32, #tpu.memory_space<vmem>>, vector<16xf32>,
      %swap3A_135 = arith.index_cast %scan3A_131 : i32 to index
      %swap3A_136 = arith.constant 16 : index
      %swap3A_137 = tpu.vector_load %arg14[%swap3A_135, %swap3A_136] {strides = array<i32>} : memref<48x128xf32, #tpu.memory_space<vmem>>, vector<16xf32>,
      tpu.vector_store %arg14[%swap3A_135, %swap3A_136], %broadcast_in_dim3A_1 {strides = array<i32>} : memref<48x128xf32, #tpu.memory_space<vmem>>, vector<16xf32>,
      %swap3A_138 = arith.index_cast %scan3A_131 : i32 to index
      %swap3A_139 = arith.constant 32 : index
      %swap3A_140 = tpu.vector_load %arg14[%swap3A_138, %swap3A_139] {strides = array<i32>} : memref<48x128xf32, #tpu.memory_space<vmem>>, vector<16xf32>,
      tpu.vector_store %arg14[%swap3A_138, %swap3A_139], %broadcast_in_dim3A_1 {strides = array<i32>} : memref<48x128xf32, #tpu.memory_space<vmem>>, vector<16xf32>,
      %swap3A_141 = arith.index_cast %scan3A_131 : i32 to index
      %swap3A_142 = arith.constant 48 : index
      %swap3A_143 = tpu.vector_load %arg14[%swap3A_141, %swap3A_142] {strides = array<i32>} : memref<48x128xf32, #tpu.memory_space<vmem>>, vector<16xf32>,
      tpu.vector_store %arg14[%swap3A_141, %swap3A_142], %broadcast_in_dim3A_1 {strides = array<i32>} : memref<48x128xf32, #tpu.memory_space<vmem>>, vector<16xf32>,
      %swap3A_144 = arith.index_cast %scan3A_131 : i32 to index
      %swap3A_145 = arith.constant 64 : index
      %swap3A_146 = tpu.vector_load %arg14[%swap3A_144, %swap3A_145] {strides = array<i32>} : memref<48x128xf32, #tpu.memory_space<vmem>>, vector<16xf32>,
      tpu.vector_store %arg14[%swap3A_144, %swap3A_145], %broadcast_in_dim3A_1 {strides = array<i32>} : memref<48x128xf32, #tpu.memory_space<vmem>>, vector<16xf32>,
      %swap3A_147 = arith.index_cast %scan3A_131 : i32 to index
      %swap3A_148 = arith.constant 80 : index
      %swap3A_149 = tpu.vector_load %arg14[%swap3A_147, %swap3A_148] {strides = array<i32>} : memref<48x128xf32, #tpu.memory_space<vmem>>, vector<16xf32>,
      tpu.vector_store %arg14[%swap3A_147, %swap3A_148], %broadcast_in_dim3A_1 {strides = array<i32>} : memref<48x128xf32, #tpu.memory_space<vmem>>, vector<16xf32>,
      %swap3A_150 = arith.index_cast %scan3A_131 : i32 to index
      %swap3A_151 = arith.constant 96 : index
      %swap3A_152 = tpu.vector_load %arg14[%swap3A_150, %swap3A_151] {strides = array<i32>} : memref<48x128xf32, #tpu.memory_space<vmem>>, vector<16xf32>,
      tpu.vector_store %arg14[%swap3A_150, %swap3A_151], %broadcast_in_dim3A_1 {strides = array<i32>} : memref<48x128xf32, #tpu.memory_space<vmem>>, vector<16xf32>,
      %swap3A_153 = arith.index_cast %scan3A_131 : i32 to index
      %swap3A_154 = arith.constant 112 : index
      %swap3A_155 = tpu.vector_load %arg14[%swap3A_153, %swap3A_154] {strides = array<i32>} : memref<48x128xf32, #tpu.memory_space<vmem>>, vector<16xf32>,
      tpu.vector_store %arg14[%swap3A_153, %swap3A_154], %broadcast_in_dim3A_1 {strides = array<i32>} : memref<48x128xf32, #tpu.memory_space<vmem>>, vector<16xf32>,
      %scan3A_156 = arith.constant 0 : i32
      scf.yield %scan3A_156 : i32
    }
    %scan3A_14 = arith.constant 48 : i32
    %mul3A_15 = arith.constant 632 : i32
    %mul3A_16 = arith.muli %arg1, %mul3A_15 : i32
    %add3A_17 = arith.constant 0 : i32
    %add3A_18 = arith.addi %mul3A_16, %add3A_17 : i32
    "tpu.region"() ({
      %run_scoped3A_131 = tpu.sem_alloc : memref<!tpu.dma_semaphore, #tpu.memory_space<semaphore_mem>>
      %dma_start3A_132 = arith.constant 0 : i32
      %dma_start3A_133 = tpu.memref_slice %arg9[%add3A_18, %dma_start3A_132] : memref<10112x128xf32, #tpu.memory_space<vmem_shared>> -> memref<48x128xf32, #tpu.memory_space<vmem_shared>>
      %dma_start3A_134 = arith.constant 0 : i32
      %dma_start3A_135 = tpu.memref_slice %arg9[%add3A_18, %dma_start3A_134] : memref<10112x128xf32, #tpu.memory_space<vmem_shared>> -> memref<48x128xf32, #tpu.memory_space<vmem_shared>>
      tpu.enqueue_dma source(%arg14 : memref<48x128xf32, #tpu.memory_space<vmem>>) target(%dma_start3A_135 : memref<48x128xf32, #tpu.memory_space<vmem_shared>>) target_semaphore(%run_scoped3A_131 : memref<!tpu.dma_semaphore, #tpu.memory_space<semaphore_mem>>)
      %dma_wait3A = arith.constant 0 : i32
      %dma_wait3A_136 = tpu.memref_slice %arg9[%add3A_18, %dma_wait3A] : memref<10112x128xf32, #tpu.memory_space<vmem_shared>> -> memref<48x128xf32, #tpu.memory_space<vmem_shared>>
      %dma_wait3A_137 = arith.constant 0 : i32
      %dma_wait3A_138 = tpu.memref_slice %arg9[%add3A_18, %dma_wait3A_137] : memref<10112x128xf32, #tpu.memory_space<vmem_shared>> -> memref<48x128xf32, #tpu.memory_space<vmem_shared>>
      tpu.wait_dma2 semaphore(%run_scoped3A_131 : memref<!tpu.dma_semaphore, #tpu.memory_space<semaphore_mem>>) src(%arg14 : memref<48x128xf32, #tpu.memory_space<vmem>>) dst(%dma_wait3A_138 : memref<48x128xf32, #tpu.memory_space<vmem_shared>>)
      tpu.yield
    }) : () -> ()
    %add3A_19 = arith.constant 48 : i32
    %add3A_20 = arith.addi %mul3A_16, %add3A_19 : i32
    "tpu.region"() ({
      %run_scoped3A_131 = tpu.sem_alloc : memref<!tpu.dma_semaphore, #tpu.memory_space<semaphore_mem>>
      %dma_start3A_132 = arith.constant 0 : i32
      %dma_start3A_133 = tpu.memref_slice %arg9[%add3A_20, %dma_start3A_132] : memref<10112x128xf32, #tpu.memory_space<vmem_shared>> -> memref<48x128xf32, #tpu.memory_space<vmem_shared>>
      %dma_start3A_134 = arith.constant 0 : i32
      %dma_start3A_135 = tpu.memref_slice %arg9[%add3A_20, %dma_start3A_134] : memref<10112x128xf32, #tpu.memory_space<vmem_shared>> -> memref<48x128xf32, #tpu.memory_space<vmem_shared>>
      tpu.enqueue_dma source(%arg14 : memref<48x128xf32, #tpu.memory_space<vmem>>) target(%dma_start3A_135 : memref<48x128xf32, #tpu.memory_space<vmem_shared>>) target_semaphore(%run_scoped3A_131 : memref<!tpu.dma_semaphore, #tpu.memory_space<semaphore_mem>>)
      %dma_wait3A = arith.constant 0 : i32
      %dma_wait3A_136 = tpu.memref_slice %arg9[%add3A_20, %dma_wait3A] : memref<10112x128xf32, #tpu.memory_space<vmem_shared>> -> memref<48x128xf32, #tpu.memory_space<vmem_shared>>
      %dma_wait3A_137 = arith.constant 0 : i32
      %dma_wait3A_138 = tpu.memref_slice %arg9[%add3A_20, %dma_wait3A_137] : memref<10112x128xf32, #tpu.memory_space<vmem_shared>> -> memref<48x128xf32, #tpu.memory_space<vmem_shared>>
      tpu.wait_dma2 semaphore(%run_scoped3A_131 : memref<!tpu.dma_semaphore, #tpu.memory_space<semaphore_mem>>) src(%arg14 : memref<48x128xf32, #tpu.memory_space<vmem>>) dst(%dma_wait3A_138 : memref<48x128xf32, #tpu.memory_space<vmem_shared>>)
      tpu.yield
    }) : () -> ()
    %add3A_21 = arith.constant 96 : i32
    %add3A_22 = arith.addi %mul3A_16, %add3A_21 : i32
    "tpu.region"() ({
      %run_scoped3A_131 = tpu.sem_alloc : memref<!tpu.dma_semaphore, #tpu.memory_space<semaphore_mem>>
      %dma_start3A_132 = arith.constant 0 : i32
      %dma_start3A_133 = tpu.memref_slice %arg9[%add3A_22, %dma_start3A_132] : memref<10112x128xf32, #tpu.memory_space<vmem_shared>> -> memref<48x128xf32, #tpu.memory_space<vmem_shared>>
      %dma_start3A_134 = arith.constant 0 : i32
      %dma_start3A_135 = tpu.memref_slice %arg9[%add3A_22, %dma_start3A_134] : memref<10112x128xf32, #tpu.memory_space<vmem_shared>> -> memref<48x128xf32, #tpu.memory_space<vmem_shared>>
      tpu.enqueue_dma source(%arg14 : memref<48x128xf32, #tpu.memory_space<vmem>>) target(%dma_start3A_135 : memref<48x128xf32, #tpu.memory_space<vmem_shared>>) target_semaphore(%run_scoped3A_131 : memref<!tpu.dma_semaphore, #tpu.memory_space<semaphore_mem>>)
      %dma_wait3A = arith.constant 0 : i32
      %dma_wait3A_136 = tpu.memref_slice %arg9[%add3A_22, %dma_wait3A] : memref<10112x128xf32, #tpu.memory_space<vmem_shared>> -> memref<48x128xf32, #tpu.memory_space<vmem_shared>>
      %dma_wait3A_137 = arith.constant 0 : i32
      %dma_wait3A_138 = tpu.memref_slice %arg9[%add3A_22, %dma_wait3A_137] : memref<10112x128xf32, #tpu.memory_space<vmem_shared>> -> memref<48x128xf32, #tpu.memory_space<vmem_shared>>
      tpu.wait_dma2 semaphore(%run_scoped3A_131 : memref<!tpu.dma_semaphore, #tpu.memory_space<semaphore_mem>>) src(%arg14 : memref<48x128xf32, #tpu.memory_space<vmem>>) dst(%dma_wait3A_138 : memref<48x128xf32, #tpu.memory_space<vmem_shared>>)
      tpu.yield
    }) : () -> ()
    %add3A_23 = arith.constant 144 : i32
    %add3A_24 = arith.addi %mul3A_16, %add3A_23 : i32
    "tpu.region"() ({
      %run_scoped3A_131 = tpu.sem_alloc : memref<!tpu.dma_semaphore, #tpu.memory_space<semaphore_mem>>
      %dma_start3A_132 = arith.constant 0 : i32
      %dma_start3A_133 = tpu.memref_slice %arg9[%add3A_24, %dma_start3A_132] : memref<10112x128xf32, #tpu.memory_space<vmem_shared>> -> memref<48x128xf32, #tpu.memory_space<vmem_shared>>
      %dma_start3A_134 = arith.constant 0 : i32
      %dma_start3A_135 = tpu.memref_slice %arg9[%add3A_24, %dma_start3A_134] : memref<10112x128xf32, #tpu.memory_space<vmem_shared>> -> memref<48x128xf32, #tpu.memory_space<vmem_shared>>
      tpu.enqueue_dma source(%arg14 : memref<48x128xf32, #tpu.memory_space<vmem>>) target(%dma_start3A_135 : memref<48x128xf32, #tpu.memory_space<vmem_shared>>) target_semaphore(%run_scoped3A_131 : memref<!tpu.dma_semaphore, #tpu.memory_space<semaphore_mem>>)
      %dma_wait3A = arith.constant 0 : i32
      %dma_wait3A_136 = tpu.memref_slice %arg9[%add3A_24, %dma_wait3A] : memref<10112x128xf32, #tpu.memory_space<vmem_shared>> -> memref<48x128xf32, #tpu.memory_space<vmem_shared>>
      %dma_wait3A_137 = arith.constant 0 : i32
      %dma_wait3A_138 = tpu.memref_slice %arg9[%add3A_24, %dma_wait3A_137] : memref<10112x128xf32, #tpu.memory_space<vmem_shared>> -> memref<48x128xf32, #tpu.memory_space<vmem_shared>>
      tpu.wait_dma2 semaphore(%run_scoped3A_131 : memref<!tpu.dma_semaphore, #tpu.memory_space<semaphore_mem>>) src(%arg14 : memref<48x128xf32, #tpu.memory_space<vmem>>) dst(%dma_wait3A_138 : memref<48x128xf32, #tpu.memory_space<vmem_shared>>)
      tpu.yield
    }) : () -> ()
    %add3A_25 = arith.constant 192 : i32
    %add3A_26 = arith.addi %mul3A_16, %add3A_25 : i32
    "tpu.region"() ({
      %run_scoped3A_131 = tpu.sem_alloc : memref<!tpu.dma_semaphore, #tpu.memory_space<semaphore_mem>>
      %dma_start3A_132 = arith.constant 0 : i32
      %dma_start3A_133 = tpu.memref_slice %arg9[%add3A_26, %dma_start3A_132] : memref<10112x128xf32, #tpu.memory_space<vmem_shared>> -> memref<48x128xf32, #tpu.memory_space<vmem_shared>>
      %dma_start3A_134 = arith.constant 0 : i32
      %dma_start3A_135 = tpu.memref_slice %arg9[%add3A_26, %dma_start3A_134] : memref<10112x128xf32, #tpu.memory_space<vmem_shared>> -> memref<48x128xf32, #tpu.memory_space<vmem_shared>>
      tpu.enqueue_dma source(%arg14 : memref<48x128xf32, #tpu.memory_space<vmem>>) target(%dma_start3A_135 : memref<48x128xf32, #tpu.memory_space<vmem_shared>>) target_semaphore(%run_scoped3A_131 : memref<!tpu.dma_semaphore, #tpu.memory_space<semaphore_mem>>)
      %dma_wait3A = arith.constant 0 : i32
      %dma_wait3A_136 = tpu.memref_slice %arg9[%add3A_26, %dma_wait3A] : memref<10112x128xf32, #tpu.memory_space<vmem_shared>> -> memref<48x128xf32, #tpu.memory_space<vmem_shared>>
      %dma_wait3A_137 = arith.constant 0 : i32
      %dma_wait3A_138 = tpu.memref_slice %arg9[%add3A_26, %dma_wait3A_137] : memref<10112x128xf32, #tpu.memory_space<vmem_shared>> -> memref<48x128xf32, #tpu.memory_space<vmem_shared>>
      tpu.wait_dma2 semaphore(%run_scoped3A_131 : memref<!tpu.dma_semaphore, #tpu.memory_space<semaphore_mem>>) src(%arg14 : memref<48x128xf32, #tpu.memory_space<vmem>>) dst(%dma_wait3A_138 : memref<48x128xf32, #tpu.memory_space<vmem_shared>>)
      tpu.yield
    }) : () -> ()
    %add3A_27 = arith.constant 240 : i32
    %add3A_28 = arith.addi %mul3A_16, %add3A_27 : i32
    "tpu.region"() ({
      %run_scoped3A_131 = tpu.sem_alloc : memref<!tpu.dma_semaphore, #tpu.memory_space<semaphore_mem>>
      %dma_start3A_132 = arith.constant 0 : i32
      %dma_start3A_133 = tpu.memref_slice %arg9[%add3A_28, %dma_start3A_132] : memref<10112x128xf32, #tpu.memory_space<vmem_shared>> -> memref<48x128xf32, #tpu.memory_space<vmem_shared>>
      %dma_start3A_134 = arith.constant 0 : i32
      %dma_start3A_135 = tpu.memref_slice %arg9[%add3A_28, %dma_start3A_134] : memref<10112x128xf32, #tpu.memory_space<vmem_shared>> -> memref<48x128xf32, #tpu.memory_space<vmem_shared>>
      tpu.enqueue_dma source(%arg14 : memref<48x128xf32, #tpu.memory_space<vmem>>) target(%dma_start3A_135 : memref<48x128xf32, #tpu.memory_space<vmem_shared>>) target_semaphore(%run_scoped3A_131 : memref<!tpu.dma_semaphore, #tpu.memory_space<semaphore_mem>>)
      %dma_wait3A = arith.constant 0 : i32
      %dma_wait3A_136 = tpu.memref_slice %arg9[%add3A_28, %dma_wait3A] : memref<10112x128xf32, #tpu.memory_space<vmem_shared>> -> memref<48x128xf32, #tpu.memory_space<vmem_shared>>
      %dma_wait3A_137 = arith.constant 0 : i32
      %dma_wait3A_138 = tpu.memref_slice %arg9[%add3A_28, %dma_wait3A_137] : memref<10112x128xf32, #tpu.memory_space<vmem_shared>> -> memref<48x128xf32, #tpu.memory_space<vmem_shared>>
      tpu.wait_dma2 semaphore(%run_scoped3A_131 : memref<!tpu.dma_semaphore, #tpu.memory_space<semaphore_mem>>) src(%arg14 : memref<48x128xf32, #tpu.memory_space<vmem>>) dst(%dma_wait3A_138 : memref<48x128xf32, #tpu.memory_space<vmem_shared>>)
      tpu.yield
    }) : () -> ()
    %add3A_29 = arith.constant 288 : i32
    %add3A_30 = arith.addi %mul3A_16, %add3A_29 : i32
    "tpu.region"() ({
      %run_scoped3A_131 = tpu.sem_alloc : memref<!tpu.dma_semaphore, #tpu.memory_space<semaphore_mem>>
      %dma_start3A_132 = arith.constant 0 : i32
      %dma_start3A_133 = tpu.memref_slice %arg9[%add3A_30, %dma_start3A_132] : memref<10112x128xf32, #tpu.memory_space<vmem_shared>> -> memref<48x128xf32, #tpu.memory_space<vmem_shared>>
      %dma_start3A_134 = arith.constant 0 : i32
      %dma_start3A_135 = tpu.memref_slice %arg9[%add3A_30, %dma_start3A_134] : memref<10112x128xf32, #tpu.memory_space<vmem_shared>> -> memref<48x128xf32, #tpu.memory_space<vmem_shared>>
      tpu.enqueue_dma source(%arg14 : memref<48x128xf32, #tpu.memory_space<vmem>>) target(%dma_start3A_135 : memref<48x128xf32, #tpu.memory_space<vmem_shared>>) target_semaphore(%run_scoped3A_131 : memref<!tpu.dma_semaphore, #tpu.memory_space<semaphore_mem>>)
      %dma_wait3A = arith.constant 0 : i32
      %dma_wait3A_136 = tpu.memref_slice %arg9[%add3A_30, %dma_wait3A] : memref<10112x128xf32, #tpu.memory_space<vmem_shared>> -> memref<48x128xf32, #tpu.memory_space<vmem_shared>>
      %dma_wait3A_137 = arith.constant 0 : i32
      %dma_wait3A_138 = tpu.memref_slice %arg9[%add3A_30, %dma_wait3A_137] : memref<10112x128xf32, #tpu.memory_space<vmem_shared>> -> memref<48x128xf32, #tpu.memory_space<vmem_shared>>
      tpu.wait_dma2 semaphore(%run_scoped3A_131 : memref<!tpu.dma_semaphore, #tpu.memory_space<semaphore_mem>>) src(%arg14 : memref<48x128xf32, #tpu.memory_space<vmem>>) dst(%dma_wait3A_138 : memref<48x128xf32, #tpu.memory_space<vmem_shared>>)
      tpu.yield
    }) : () -> ()
    %add3A_31 = arith.constant 336 : i32
    %add3A_32 = arith.addi %mul3A_16, %add3A_31 : i32
    "tpu.region"() ({
      %run_scoped3A_131 = tpu.sem_alloc : memref<!tpu.dma_semaphore, #tpu.memory_space<semaphore_mem>>
      %dma_start3A_132 = arith.constant 0 : i32
      %dma_start3A_133 = tpu.memref_slice %arg9[%add3A_32, %dma_start3A_132] : memref<10112x128xf32, #tpu.memory_space<vmem_shared>> -> memref<48x128xf32, #tpu.memory_space<vmem_shared>>
      %dma_start3A_134 = arith.constant 0 : i32
      %dma_start3A_135 = tpu.memref_slice %arg9[%add3A_32, %dma_start3A_134] : memref<10112x128xf32, #tpu.memory_space<vmem_shared>> -> memref<48x128xf32, #tpu.memory_space<vmem_shared>>
      tpu.enqueue_dma source(%arg14 : memref<48x128xf32, #tpu.memory_space<vmem>>) target(%dma_start3A_135 : memref<48x128xf32, #tpu.memory_space<vmem_shared>>) target_semaphore(%run_scoped3A_131 : memref<!tpu.dma_semaphore, #tpu.memory_space<semaphore_mem>>)
      %dma_wait3A = arith.constant 0 : i32
      %dma_wait3A_136 = tpu.memref_slice %arg9[%add3A_32, %dma_wait3A] : memref<10112x128xf32, #tpu.memory_space<vmem_shared>> -> memref<48x128xf32, #tpu.memory_space<vmem_shared>>
      %dma_wait3A_137 = arith.constant 0 : i32
      %dma_wait3A_138 = tpu.memref_slice %arg9[%add3A_32, %dma_wait3A_137] : memref<10112x128xf32, #tpu.memory_space<vmem_shared>> -> memref<48x128xf32, #tpu.memory_space<vmem_shared>>
      tpu.wait_dma2 semaphore(%run_scoped3A_131 : memref<!tpu.dma_semaphore, #tpu.memory_space<semaphore_mem>>) src(%arg14 : memref<48x128xf32, #tpu.memory_space<vmem>>) dst(%dma_wait3A_138 : memref<48x128xf32, #tpu.memory_space<vmem_shared>>)
      tpu.yield
    }) : () -> ()
    %add3A_33 = arith.constant 384 : i32
    %add3A_34 = arith.addi %mul3A_16, %add3A_33 : i32
    "tpu.region"() ({
      %run_scoped3A_131 = tpu.sem_alloc : memref<!tpu.dma_semaphore, #tpu.memory_space<semaphore_mem>>
      %dma_start3A_132 = arith.constant 0 : i32
      %dma_start3A_133 = tpu.memref_slice %arg9[%add3A_34, %dma_start3A_132] : memref<10112x128xf32, #tpu.memory_space<vmem_shared>> -> memref<48x128xf32, #tpu.memory_space<vmem_shared>>
      %dma_start3A_134 = arith.constant 0 : i32
      %dma_start3A_135 = tpu.memref_slice %arg9[%add3A_34, %dma_start3A_134] : memref<10112x128xf32, #tpu.memory_space<vmem_shared>> -> memref<48x128xf32, #tpu.memory_space<vmem_shared>>
      tpu.enqueue_dma source(%arg14 : memref<48x128xf32, #tpu.memory_space<vmem>>) target(%dma_start3A_135 : memref<48x128xf32, #tpu.memory_space<vmem_shared>>) target_semaphore(%run_scoped3A_131 : memref<!tpu.dma_semaphore, #tpu.memory_space<semaphore_mem>>)
      %dma_wait3A = arith.constant 0 : i32
      %dma_wait3A_136 = tpu.memref_slice %arg9[%add3A_34, %dma_wait3A] : memref<10112x128xf32, #tpu.memory_space<vmem_shared>> -> memref<48x128xf32, #tpu.memory_space<vmem_shared>>
      %dma_wait3A_137 = arith.constant 0 : i32
      %dma_wait3A_138 = tpu.memref_slice %arg9[%add3A_34, %dma_wait3A_137] : memref<10112x128xf32, #tpu.memory_space<vmem_shared>> -> memref<48x128xf32, #tpu.memory_space<vmem_shared>>
      tpu.wait_dma2 semaphore(%run_scoped3A_131 : memref<!tpu.dma_semaphore, #tpu.memory_space<semaphore_mem>>) src(%arg14 : memref<48x128xf32, #tpu.memory_space<vmem>>) dst(%dma_wait3A_138 : memref<48x128xf32, #tpu.memory_space<vmem_shared>>)
      tpu.yield
    }) : () -> ()
    %add3A_35 = arith.constant 432 : i32
    %add3A_36 = arith.addi %mul3A_16, %add3A_35 : i32
    "tpu.region"() ({
      %run_scoped3A_131 = tpu.sem_alloc : memref<!tpu.dma_semaphore, #tpu.memory_space<semaphore_mem>>
      %dma_start3A_132 = arith.constant 0 : i32
      %dma_start3A_133 = tpu.memref_slice %arg9[%add3A_36, %dma_start3A_132] : memref<10112x128xf32, #tpu.memory_space<vmem_shared>> -> memref<48x128xf32, #tpu.memory_space<vmem_shared>>
      %dma_start3A_134 = arith.constant 0 : i32
      %dma_start3A_135 = tpu.memref_slice %arg9[%add3A_36, %dma_start3A_134] : memref<10112x128xf32, #tpu.memory_space<vmem_shared>> -> memref<48x128xf32, #tpu.memory_space<vmem_shared>>
      tpu.enqueue_dma source(%arg14 : memref<48x128xf32, #tpu.memory_space<vmem>>) target(%dma_start3A_135 : memref<48x128xf32, #tpu.memory_space<vmem_shared>>) target_semaphore(%run_scoped3A_131 : memref<!tpu.dma_semaphore, #tpu.memory_space<semaphore_mem>>)
      %dma_wait3A = arith.constant 0 : i32
      %dma_wait3A_136 = tpu.memref_slice %arg9[%add3A_36, %dma_wait3A] : memref<10112x128xf32, #tpu.memory_space<vmem_shared>> -> memref<48x128xf32, #tpu.memory_space<vmem_shared>>
      %dma_wait3A_137 = arith.constant 0 : i32
      %dma_wait3A_138 = tpu.memref_slice %arg9[%add3A_36, %dma_wait3A_137] : memref<10112x128xf32, #tpu.memory_space<vmem_shared>> -> memref<48x128xf32, #tpu.memory_space<vmem_shared>>
      tpu.wait_dma2 semaphore(%run_scoped3A_131 : memref<!tpu.dma_semaphore, #tpu.memory_space<semaphore_mem>>) src(%arg14 : memref<48x128xf32, #tpu.memory_space<vmem>>) dst(%dma_wait3A_138 : memref<48x128xf32, #tpu.memory_space<vmem_shared>>)
      tpu.yield
    }) : () -> ()
    %add3A_37 = arith.constant 480 : i32
    %add3A_38 = arith.addi %mul3A_16, %add3A_37 : i32
    "tpu.region"() ({
      %run_scoped3A_131 = tpu.sem_alloc : memref<!tpu.dma_semaphore, #tpu.memory_space<semaphore_mem>>
      %dma_start3A_132 = arith.constant 0 : i32
      %dma_start3A_133 = tpu.memref_slice %arg9[%add3A_38, %dma_start3A_132] : memref<10112x128xf32, #tpu.memory_space<vmem_shared>> -> memref<48x128xf32, #tpu.memory_space<vmem_shared>>
      %dma_start3A_134 = arith.constant 0 : i32
      %dma_start3A_135 = tpu.memref_slice %arg9[%add3A_38, %dma_start3A_134] : memref<10112x128xf32, #tpu.memory_space<vmem_shared>> -> memref<48x128xf32, #tpu.memory_space<vmem_shared>>
      tpu.enqueue_dma source(%arg14 : memref<48x128xf32, #tpu.memory_space<vmem>>) target(%dma_start3A_135 : memref<48x128xf32, #tpu.memory_space<vmem_shared>>) target_semaphore(%run_scoped3A_131 : memref<!tpu.dma_semaphore, #tpu.memory_space<semaphore_mem>>)
      %dma_wait3A = arith.constant 0 : i32
      %dma_wait3A_136 = tpu.memref_slice %arg9[%add3A_38, %dma_wait3A] : memref<10112x128xf32, #tpu.memory_space<vmem_shared>> -> memref<48x128xf32, #tpu.memory_space<vmem_shared>>
      %dma_wait3A_137 = arith.constant 0 : i32
      %dma_wait3A_138 = tpu.memref_slice %arg9[%add3A_38, %dma_wait3A_137] : memref<10112x128xf32, #tpu.memory_space<vmem_shared>> -> memref<48x128xf32, #tpu.memory_space<vmem_shared>>
      tpu.wait_dma2 semaphore(%run_scoped3A_131 : memref<!tpu.dma_semaphore, #tpu.memory_space<semaphore_mem>>) src(%arg14 : memref<48x128xf32, #tpu.memory_space<vmem>>) dst(%dma_wait3A_138 : memref<48x128xf32, #tpu.memory_space<vmem_shared>>)
      tpu.yield
    }) : () -> ()
    %add3A_39 = arith.constant 528 : i32
    %add3A_40 = arith.addi %mul3A_16, %add3A_39 : i32
    "tpu.region"() ({
      %run_scoped3A_131 = tpu.sem_alloc : memref<!tpu.dma_semaphore, #tpu.memory_space<semaphore_mem>>
      %dma_start3A_132 = arith.constant 0 : i32
      %dma_start3A_133 = tpu.memref_slice %arg9[%add3A_40, %dma_start3A_132] : memref<10112x128xf32, #tpu.memory_space<vmem_shared>> -> memref<48x128xf32, #tpu.memory_space<vmem_shared>>
      %dma_start3A_134 = arith.constant 0 : i32
      %dma_start3A_135 = tpu.memref_slice %arg9[%add3A_40, %dma_start3A_134] : memref<10112x128xf32, #tpu.memory_space<vmem_shared>> -> memref<48x128xf32, #tpu.memory_space<vmem_shared>>
      tpu.enqueue_dma source(%arg14 : memref<48x128xf32, #tpu.memory_space<vmem>>) target(%dma_start3A_135 : memref<48x128xf32, #tpu.memory_space<vmem_shared>>) target_semaphore(%run_scoped3A_131 : memref<!tpu.dma_semaphore, #tpu.memory_space<semaphore_mem>>)
      %dma_wait3A = arith.constant 0 : i32
      %dma_wait3A_136 = tpu.memref_slice %arg9[%add3A_40, %dma_wait3A] : memref<10112x128xf32, #tpu.memory_space<vmem_shared>> -> memref<48x128xf32, #tpu.memory_space<vmem_shared>>
      %dma_wait3A_137 = arith.constant 0 : i32
      %dma_wait3A_138 = tpu.memref_slice %arg9[%add3A_40, %dma_wait3A_137] : memref<10112x128xf32, #tpu.memory_space<vmem_shared>> -> memref<48x128xf32, #tpu.memory_space<vmem_shared>>
      tpu.wait_dma2 semaphore(%run_scoped3A_131 : memref<!tpu.dma_semaphore, #tpu.memory_space<semaphore_mem>>) src(%arg14 : memref<48x128xf32, #tpu.memory_space<vmem>>) dst(%dma_wait3A_138 : memref<48x128xf32, #tpu.memory_space<vmem_shared>>)
      tpu.yield
    }) : () -> ()
    %add3A_41 = arith.constant 576 : i32
    %add3A_42 = arith.addi %mul3A_16, %add3A_41 : i32
    "tpu.region"() ({
      %run_scoped3A_131 = tpu.sem_alloc : memref<!tpu.dma_semaphore, #tpu.memory_space<semaphore_mem>>
      %dma_start3A_132 = arith.constant 0 : i32
      %dma_start3A_133 = tpu.memref_slice %arg9[%add3A_42, %dma_start3A_132] : memref<10112x128xf32, #tpu.memory_space<vmem_shared>> -> memref<48x128xf32, #tpu.memory_space<vmem_shared>>
      %dma_start3A_134 = arith.constant 0 : i32
      %dma_start3A_135 = tpu.memref_slice %arg9[%add3A_42, %dma_start3A_134] : memref<10112x128xf32, #tpu.memory_space<vmem_shared>> -> memref<48x128xf32, #tpu.memory_space<vmem_shared>>
      tpu.enqueue_dma source(%arg14 : memref<48x128xf32, #tpu.memory_space<vmem>>) target(%dma_start3A_135 : memref<48x128xf32, #tpu.memory_space<vmem_shared>>) target_semaphore(%run_scoped3A_131 : memref<!tpu.dma_semaphore, #tpu.memory_space<semaphore_mem>>)
      %dma_wait3A = arith.constant 0 : i32
      %dma_wait3A_136 = tpu.memref_slice %arg9[%add3A_42, %dma_wait3A] : memref<10112x128xf32, #tpu.memory_space<vmem_shared>> -> memref<48x128xf32, #tpu.memory_space<vmem_shared>>
      %dma_wait3A_137 = arith.constant 0 : i32
      %dma_wait3A_138 = tpu.memref_slice %arg9[%add3A_42, %dma_wait3A_137] : memref<10112x128xf32, #tpu.memory_space<vmem_shared>> -> memref<48x128xf32, #tpu.memory_space<vmem_shared>>
      tpu.wait_dma2 semaphore(%run_scoped3A_131 : memref<!tpu.dma_semaphore, #tpu.memory_space<semaphore_mem>>) src(%arg14 : memref<48x128xf32, #tpu.memory_space<vmem>>) dst(%dma_wait3A_138 : memref<48x128xf32, #tpu.memory_space<vmem_shared>>)
      tpu.yield
    }) : () -> ()
    %add3A_43 = arith.constant 624 : i32
    %add3A_44 = arith.addi %mul3A_16, %add3A_43 : i32
    "tpu.region"() ({
      %run_scoped3A_131 = tpu.sem_alloc : memref<!tpu.dma_semaphore, #tpu.memory_space<semaphore_mem>>
      %dma_start3A_132 = arith.constant 0 : i32
      %dma_start3A_133 = arith.constant 0 : i32
      %dma_start3A_134 = tpu.memref_slice %arg14[%dma_start3A_132, %dma_start3A_133] : memref<48x128xf32, #tpu.memory_space<vmem>> -> memref<8x128xf32, #tpu.memory_space<vmem>>
      %dma_start3A_135 = arith.constant 0 : i32
      %dma_start3A_136 = tpu.memref_slice %arg9[%add3A_44, %dma_start3A_135] : memref<10112x128xf32, #tpu.memory_space<vmem_shared>> -> memref<8x128xf32, #tpu.memory_space<vmem_shared>>
      %dma_start3A_137 = arith.constant 0 : i32
      %dma_start3A_138 = tpu.memref_slice %arg9[%add3A_44, %dma_start3A_137] : memref<10112x128xf32, #tpu.memory_space<vmem_shared>> -> memref<8x128xf32, #tpu.memory_space<vmem_shared>>
      %dma_start3A_139 = arith.constant 0 : i32
      %dma_start3A_140 = arith.constant 0 : i32
      %dma_start3A_141 = tpu.memref_slice %arg14[%dma_start3A_139, %dma_start3A_140] : memref<48x128xf32, #tpu.memory_space<vmem>> -> memref<8x128xf32, #tpu.memory_space<vmem>>
      tpu.enqueue_dma source(%dma_start3A_141 : memref<8x128xf32, #tpu.memory_space<vmem>>) target(%dma_start3A_138 : memref<8x128xf32, #tpu.memory_space<vmem_shared>>) target_semaphore(%run_scoped3A_131 : memref<!tpu.dma_semaphore, #tpu.memory_space<semaphore_mem>>)
      %dma_wait3A = arith.constant 0 : i32
      %dma_wait3A_142 = arith.constant 0 : i32
      %dma_wait3A_143 = tpu.memref_slice %arg14[%dma_wait3A, %dma_wait3A_142] : memref<48x128xf32, #tpu.memory_space<vmem>> -> memref<8x128xf32, #tpu.memory_space<vmem>>
      %dma_wait3A_144 = arith.constant 0 : i32
      %dma_wait3A_145 = tpu.memref_slice %arg9[%add3A_44, %dma_wait3A_144] : memref<10112x128xf32, #tpu.memory_space<vmem_shared>> -> memref<8x128xf32, #tpu.memory_space<vmem_shared>>
      %dma_wait3A_146 = arith.constant 0 : i32
      %dma_wait3A_147 = tpu.memref_slice %arg9[%add3A_44, %dma_wait3A_146] : memref<10112x128xf32, #tpu.memory_space<vmem_shared>> -> memref<8x128xf32, #tpu.memory_space<vmem_shared>>
      %dma_wait3A_148 = arith.constant 0 : i32
      %dma_wait3A_149 = arith.constant 0 : i32
      %dma_wait3A_150 = tpu.memref_slice %arg14[%dma_wait3A_148, %dma_wait3A_149] : memref<48x128xf32, #tpu.memory_space<vmem>> -> memref<8x128xf32, #tpu.memory_space<vmem>>
      tpu.wait_dma2 semaphore(%run_scoped3A_131 : memref<!tpu.dma_semaphore, #tpu.memory_space<semaphore_mem>>) src(%dma_wait3A_150 : memref<8x128xf32, #tpu.memory_space<vmem>>) dst(%dma_wait3A_147 : memref<8x128xf32, #tpu.memory_space<vmem_shared>>)
      tpu.yield
    }) : () -> ()
    %barrier3A = arith.constant 0 : index
    tpu.barrier barrier_id(%barrier3A)
    %run_scoped3A = arith.constant 0 : i32
    "tpu.region"() ({
      %run_scoped3A_131 = tpu.sem_alloc : memref<!tpu.dma_semaphore, #tpu.memory_space<semaphore_mem>>
      %dma_start3A_132 = arith.constant 0 : i32
      %dma_start3A_133 = arith.constant 0 : i32
      %dma_start3A_134 = tpu.memref_slice %arg12[%run_scoped3A, %dma_start3A_132, %dma_start3A_133] : memref<2x8x48xi32, #tpu.memory_space<vmem>> -> memref<1x8x48xi32, #tpu.memory_space<vmem>>
      %dma_start3A_135 = tpu.memref_squeeze %dma_start3A_134 : memref<1x8x48xi32, #tpu.memory_space<vmem>> -> memref<8x48xi32, #tpu.memory_space<vmem>>
      %dma_start3A_136 = arith.constant 0 : i32
      %dma_start3A_137 = arith.constant 0 : i32
      %dma_start3A_138 = tpu.memref_slice %arg5[%add3A, %dma_start3A_136, %dma_start3A_137] : memref<32x216x48xi32, #tpu.memory_space<hbm>> -> memref<1x8x48xi32, #tpu.memory_space<hbm>>
      %dma_start3A_139 = tpu.memref_squeeze %dma_start3A_138 : memref<1x8x48xi32, #tpu.memory_space<hbm>> -> memref<8x48xi32, #tpu.memory_space<hbm>>
      %dma_start3A_140 = arith.constant 0 : i32
      %dma_start3A_141 = arith.constant 0 : i32
      %dma_start3A_142 = tpu.memref_slice %arg12[%run_scoped3A, %dma_start3A_140, %dma_start3A_141] : memref<2x8x48xi32, #tpu.memory_space<vmem>> -> memref<1x8x48xi32, #tpu.memory_space<vmem>>
      %dma_start3A_143 = tpu.memref_squeeze %dma_start3A_142 : memref<1x8x48xi32, #tpu.memory_space<vmem>> -> memref<8x48xi32, #tpu.memory_space<vmem>>
      %dma_start3A_144 = arith.constant 0 : i32
      %dma_start3A_145 = arith.constant 0 : i32
      %dma_start3A_146 = tpu.memref_slice %arg5[%add3A, %dma_start3A_144, %dma_start3A_145] : memref<32x216x48xi32, #tpu.memory_space<hbm>> -> memref<1x8x48xi32, #tpu.memory_space<hbm>>
      %dma_start3A_147 = tpu.memref_squeeze %dma_start3A_146 : memref<1x8x48xi32, #tpu.memory_space<hbm>> -> memref<8x48xi32, #tpu.memory_space<hbm>>
      tpu.enqueue_dma source(%dma_start3A_147 : memref<8x48xi32, #tpu.memory_space<hbm>>) target(%dma_start3A_143 : memref<8x48xi32, #tpu.memory_space<vmem>>) target_semaphore(%run_scoped3A_131 : memref<!tpu.dma_semaphore, #tpu.memory_space<semaphore_mem>>)
      %dma_wait3A = arith.constant 0 : i32
      %dma_wait3A_148 = arith.constant 0 : i32
      %dma_wait3A_149 = tpu.memref_slice %arg12[%run_scoped3A, %dma_wait3A, %dma_wait3A_148] : memref<2x8x48xi32, #tpu.memory_space<vmem>> -> memref<1x8x48xi32, #tpu.memory_space<vmem>>
      %dma_wait3A_150 = tpu.memref_squeeze %dma_wait3A_149 : memref<1x8x48xi32, #tpu.memory_space<vmem>> -> memref<8x48xi32, #tpu.memory_space<vmem>>
      %dma_wait3A_151 = arith.constant 0 : i32
      %dma_wait3A_152 = arith.constant 0 : i32
      %dma_wait3A_153 = tpu.memref_slice %arg5[%add3A, %dma_wait3A_151, %dma_wait3A_152] : memref<32x216x48xi32, #tpu.memory_space<hbm>> -> memref<1x8x48xi32, #tpu.memory_space<hbm>>
      %dma_wait3A_154 = tpu.memref_squeeze %dma_wait3A_153 : memref<1x8x48xi32, #tpu.memory_space<hbm>> -> memref<8x48xi32, #tpu.memory_space<hbm>>
      %dma_wait3A_155 = arith.constant 0 : i32
      %dma_wait3A_156 = arith.constant 0 : i32
      %dma_wait3A_157 = tpu.memref_slice %arg12[%run_scoped3A, %dma_wait3A_155, %dma_wait3A_156] : memref<2x8x48xi32, #tpu.memory_space<vmem>> -> memref<1x8x48xi32, #tpu.memory_space<vmem>>
      %dma_wait3A_158 = tpu.memref_squeeze %dma_wait3A_157 : memref<1x8x48xi32, #tpu.memory_space<vmem>> -> memref<8x48xi32, #tpu.memory_space<vmem>>
      %dma_wait3A_159 = arith.constant 0 : i32
      %dma_wait3A_160 = arith.constant 0 : i32
      %dma_wait3A_161 = tpu.memref_slice %arg5[%add3A, %dma_wait3A_159, %dma_wait3A_160] : memref<32x216x48xi32, #tpu.memory_space<hbm>> -> memref<1x8x48xi32, #tpu.memory_space<hbm>>
      %dma_wait3A_162 = tpu.memref_squeeze %dma_wait3A_161 : memref<1x8x48xi32, #tpu.memory_space<hbm>> -> memref<8x48xi32, #tpu.memory_space<hbm>>
      tpu.wait_dma2 semaphore(%run_scoped3A_131 : memref<!tpu.dma_semaphore, #tpu.memory_space<semaphore_mem>>) src(%dma_wait3A_162 : memref<8x48xi32, #tpu.memory_space<hbm>>) dst(%dma_wait3A_158 : memref<8x48xi32, #tpu.memory_space<vmem>>)
      tpu.yield
    }) : () -> ()
    %run_scoped3A_45 = arith.constant 0 : i32
    "tpu.region"() ({
      %run_scoped3A_131 = tpu.sem_alloc : memref<!tpu.dma_semaphore, #tpu.memory_space<semaphore_mem>>
      %dma_start3A_132 = arith.constant 0 : i32
      %dma_start3A_133 = arith.constant 0 : i32
      %dma_start3A_134 = tpu.memref_slice %arg13[%run_scoped3A_45, %dma_start3A_132, %dma_start3A_133] : memref<2x8x48xi32, #tpu.memory_space<vmem>> -> memref<1x8x48xi32, #tpu.memory_space<vmem>>
      %dma_start3A_135 = tpu.memref_squeeze %dma_start3A_134 : memref<1x8x48xi32, #tpu.memory_space<vmem>> -> memref<8x48xi32, #tpu.memory_space<vmem>>
      %dma_start3A_136 = arith.constant 0 : i32
      %dma_start3A_137 = arith.constant 0 : i32
      %dma_start3A_138 = tpu.memref_slice %arg6[%add3A, %dma_start3A_136, %dma_start3A_137] : memref<32x216x48xi32, #tpu.memory_space<hbm>> -> memref<1x8x48xi32, #tpu.memory_space<hbm>>
      %dma_start3A_139 = tpu.memref_squeeze %dma_start3A_138 : memref<1x8x48xi32, #tpu.memory_space<hbm>> -> memref<8x48xi32, #tpu.memory_space<hbm>>
      %dma_start3A_140 = arith.constant 0 : i32
      %dma_start3A_141 = arith.constant 0 : i32
      %dma_start3A_142 = tpu.memref_slice %arg13[%run_scoped3A_45, %dma_start3A_140, %dma_start3A_141] : memref<2x8x48xi32, #tpu.memory_space<vmem>> -> memref<1x8x48xi32, #tpu.memory_space<vmem>>
      %dma_start3A_143 = tpu.memref_squeeze %dma_start3A_142 : memref<1x8x48xi32, #tpu.memory_space<vmem>> -> memref<8x48xi32, #tpu.memory_space<vmem>>
      %dma_start3A_144 = arith.constant 0 : i32
      %dma_start3A_145 = arith.constant 0 : i32
      %dma_start3A_146 = tpu.memref_slice %arg6[%add3A, %dma_start3A_144, %dma_start3A_145] : memref<32x216x48xi32, #tpu.memory_space<hbm>> -> memref<1x8x48xi32, #tpu.memory_space<hbm>>
      %dma_start3A_147 = tpu.memref_squeeze %dma_start3A_146 : memref<1x8x48xi32, #tpu.memory_space<hbm>> -> memref<8x48xi32, #tpu.memory_space<hbm>>
      tpu.enqueue_dma source(%dma_start3A_147 : memref<8x48xi32, #tpu.memory_space<hbm>>) target(%dma_start3A_143 : memref<8x48xi32, #tpu.memory_space<vmem>>) target_semaphore(%run_scoped3A_131 : memref<!tpu.dma_semaphore, #tpu.memory_space<semaphore_mem>>)
      %dma_wait3A = arith.constant 0 : i32
      %dma_wait3A_148 = arith.constant 0 : i32
      %dma_wait3A_149 = tpu.memref_slice %arg13[%run_scoped3A_45, %dma_wait3A, %dma_wait3A_148] : memref<2x8x48xi32, #tpu.memory_space<vmem>> -> memref<1x8x48xi32, #tpu.memory_space<vmem>>
      %dma_wait3A_150 = tpu.memref_squeeze %dma_wait3A_149 : memref<1x8x48xi32, #tpu.memory_space<vmem>> -> memref<8x48xi32, #tpu.memory_space<vmem>>
      %dma_wait3A_151 = arith.constant 0 : i32
      %dma_wait3A_152 = arith.constant 0 : i32
      %dma_wait3A_153 = tpu.memref_slice %arg6[%add3A, %dma_wait3A_151, %dma_wait3A_152] : memref<32x216x48xi32, #tpu.memory_space<hbm>> -> memref<1x8x48xi32, #tpu.memory_space<hbm>>
      %dma_wait3A_154 = tpu.memref_squeeze %dma_wait3A_153 : memref<1x8x48xi32, #tpu.memory_space<hbm>> -> memref<8x48xi32, #tpu.memory_space<hbm>>
      %dma_wait3A_155 = arith.constant 0 : i32
      %dma_wait3A_156 = arith.constant 0 : i32
      %dma_wait3A_157 = tpu.memref_slice %arg13[%run_scoped3A_45, %dma_wait3A_155, %dma_wait3A_156] : memref<2x8x48xi32, #tpu.memory_space<vmem>> -> memref<1x8x48xi32, #tpu.memory_space<vmem>>
      %dma_wait3A_158 = tpu.memref_squeeze %dma_wait3A_157 : memref<1x8x48xi32, #tpu.memory_space<vmem>> -> memref<8x48xi32, #tpu.memory_space<vmem>>
      %dma_wait3A_159 = arith.constant 0 : i32
      %dma_wait3A_160 = arith.constant 0 : i32
      %dma_wait3A_161 = tpu.memref_slice %arg6[%add3A, %dma_wait3A_159, %dma_wait3A_160] : memref<32x216x48xi32, #tpu.memory_space<hbm>> -> memref<1x8x48xi32, #tpu.memory_space<hbm>>
      %dma_wait3A_162 = tpu.memref_squeeze %dma_wait3A_161 : memref<1x8x48xi32, #tpu.memory_space<hbm>> -> memref<8x48xi32, #tpu.memory_space<hbm>>
      tpu.wait_dma2 semaphore(%run_scoped3A_131 : memref<!tpu.dma_semaphore, #tpu.memory_space<semaphore_mem>>) src(%dma_wait3A_162 : memref<8x48xi32, #tpu.memory_space<hbm>>) dst(%dma_wait3A_158 : memref<8x48xi32, #tpu.memory_space<vmem>>)
      tpu.yield
    }) : () -> ()
    %dma_start3A = arith.constant 0 : i32
    %dma_start3A_46 = arith.constant 0 : i32
    %dma_start3A_47 = arith.constant 0 : i32
    %dma_start3A_48 = tpu.memref_slice %arg12[%dma_start3A, %dma_start3A_46, %dma_start3A_47] : memref<2x8x48xi32, #tpu.memory_space<vmem>> -> memref<1x1x48xi32, #tpu.memory_space<vmem>>
    %dma_start3A_49 = tpu.memref_squeeze %dma_start3A_48 : memref<1x1x48xi32, #tpu.memory_space<vmem>> -> memref<48xi32, #tpu.memory_space<vmem>>
    %dma_start3A_50 = arith.constant 0 : i32
    %dma_start3A_51 = arith.constant 0 : i32
    %dma_start3A_52 = tpu.memref_slice %arg2[%dma_start3A_50, %dma_start3A_51] : memref<10112x128xf32, #tpu.memory_space<hbm>> -> memref<10112x128xf32, #tpu.memory_space<hbm>>
    tpu.enqueue_indirect_dma source(%dma_start3A_52 : memref<10112x128xf32, #tpu.memory_space<hbm>>) target(%arg14 : memref<48x128xf32, #tpu.memory_space<vmem>>) offsets(%dma_start3A_49 : memref<48xi32, #tpu.memory_space<vmem>>) semaphore(%arg18 : memref<!tpu.dma_semaphore, #tpu.memory_space<semaphore_mem>>)
    %dma_start3A_53 = arith.constant 0 : i32
    %dma_start3A_54 = arith.constant 1 : i32
    %dma_start3A_55 = arith.constant 0 : i32
    %dma_start3A_56 = tpu.memref_slice %arg12[%dma_start3A_53, %dma_start3A_54, %dma_start3A_55] : memref<2x8x48xi32, #tpu.memory_space<vmem>> -> memref<1x1x48xi32, #tpu.memory_space<vmem>>
    %dma_start3A_57 = tpu.memref_squeeze %dma_start3A_56 : memref<1x1x48xi32, #tpu.memory_space<vmem>> -> memref<48xi32, #tpu.memory_space<vmem>>
    %dma_start3A_58 = arith.constant 0 : i32
    %dma_start3A_59 = arith.constant 0 : i32
    %dma_start3A_60 = tpu.memref_slice %arg2[%dma_start3A_58, %dma_start3A_59] : memref<10112x128xf32, #tpu.memory_space<hbm>> -> memref<10112x128xf32, #tpu.memory_space<hbm>>
    tpu.enqueue_indirect_dma source(%dma_start3A_60 : memref<10112x128xf32, #tpu.memory_space<hbm>>) target(%arg15 : memref<48x128xf32, #tpu.memory_space<vmem>>) offsets(%dma_start3A_57 : memref<48xi32, #tpu.memory_space<vmem>>) semaphore(%arg19 : memref<!tpu.dma_semaphore, #tpu.memory_space<semaphore_mem>>)
    %dma_start3A_61 = arith.constant 1 : i32
    %dma_start3A_62 = arith.constant 0 : i32
    %dma_start3A_63 = arith.constant 0 : i32
    %dma_start3A_64 = tpu.memref_slice %arg12[%dma_start3A_61, %dma_start3A_62, %dma_start3A_63] : memref<2x8x48xi32, #tpu.memory_space<vmem>> -> memref<1x8x48xi32, #tpu.memory_space<vmem>>
    %dma_start3A_65 = tpu.memref_squeeze %dma_start3A_64 : memref<1x8x48xi32, #tpu.memory_space<vmem>> -> memref<8x48xi32, #tpu.memory_space<vmem>>
    %dma_start3A_66 = arith.constant 8 : i32
    %dma_start3A_67 = arith.constant 0 : i32
    %dma_start3A_68 = tpu.memref_slice %arg5[%add3A, %dma_start3A_66, %dma_start3A_67] : memref<32x216x48xi32, #tpu.memory_space<hbm>> -> memref<1x8x48xi32, #tpu.memory_space<hbm>>
    %dma_start3A_69 = tpu.memref_squeeze %dma_start3A_68 : memref<1x8x48xi32, #tpu.memory_space<hbm>> -> memref<8x48xi32, #tpu.memory_space<hbm>>
    %dma_start3A_70 = arith.constant 0 : i32
    %dma_start3A_71 = arith.constant 0 : i32
    %dma_start3A_72 = tpu.memref_slice %arg12[%dma_start3A_61, %dma_start3A_70, %dma_start3A_71] : memref<2x8x48xi32, #tpu.memory_space<vmem>> -> memref<1x8x48xi32, #tpu.memory_space<vmem>>
    %dma_start3A_73 = tpu.memref_squeeze %dma_start3A_72 : memref<1x8x48xi32, #tpu.memory_space<vmem>> -> memref<8x48xi32, #tpu.memory_space<vmem>>
    %dma_start3A_74 = arith.constant 8 : i32
    %dma_start3A_75 = arith.constant 0 : i32
    %dma_start3A_76 = tpu.memref_slice %arg5[%add3A, %dma_start3A_74, %dma_start3A_75] : memref<32x216x48xi32, #tpu.memory_space<hbm>> -> memref<1x8x48xi32, #tpu.memory_space<hbm>>
    %dma_start3A_77 = tpu.memref_squeeze %dma_start3A_76 : memref<1x8x48xi32, #tpu.memory_space<hbm>> -> memref<8x48xi32, #tpu.memory_space<hbm>>
    tpu.enqueue_dma source(%dma_start3A_77 : memref<8x48xi32, #tpu.memory_space<hbm>>) target(%dma_start3A_73 : memref<8x48xi32, #tpu.memory_space<vmem>>) target_semaphore(%arg22 : memref<!tpu.dma_semaphore, #tpu.memory_space<semaphore_mem>>)
    %dma_start3A_78 = arith.constant 1 : i32
    %dma_start3A_79 = arith.constant 0 : i32
    %dma_start3A_80 = arith.constant 0 : i32
    %dma_start3A_81 = tpu.memref_slice %arg13[%dma_start3A_78, %dma_start3A_79, %dma_start3A_80] : memref<2x8x48xi32, #tpu.memory_space<vmem>> -> memref<1x8x48xi32, #tpu.memory_space<vmem>>
    %dma_start3A_82 = tpu.memref_squeeze %dma_start3A_81 : memref<1x8x48xi32, #tpu.memory_space<vmem>> -> memref<8x48xi32, #tpu.memory_space<vmem>>
    %dma_start3A_83 = arith.constant 8 : i32
    %dma_start3A_84 = arith.constant 0 : i32
    %dma_start3A_85 = tpu.memref_slice %arg6[%add3A, %dma_start3A_83, %dma_start3A_84] : memref<32x216x48xi32, #tpu.memory_space<hbm>> -> memref<1x8x48xi32, #tpu.memory_space<hbm>>
    %dma_start3A_86 = tpu.memref_squeeze %dma_start3A_85 : memref<1x8x48xi32, #tpu.memory_space<hbm>> -> memref<8x48xi32, #tpu.memory_space<hbm>>
    %dma_start3A_87 = arith.constant 0 : i32
    %dma_start3A_88 = arith.constant 0 : i32
    %dma_start3A_89 = tpu.memref_slice %arg13[%dma_start3A_78, %dma_start3A_87, %dma_start3A_88] : memref<2x8x48xi32, #tpu.memory_space<vmem>> -> memref<1x8x48xi32, #tpu.memory_space<vmem>>
    %dma_start3A_90 = tpu.memref_squeeze %dma_start3A_89 : memref<1x8x48xi32, #tpu.memory_space<vmem>> -> memref<8x48xi32, #tpu.memory_space<vmem>>
    %dma_start3A_91 = arith.constant 8 : i32
    %dma_start3A_92 = arith.constant 0 : i32
    %dma_start3A_93 = tpu.memref_slice %arg6[%add3A, %dma_start3A_91, %dma_start3A_92] : memref<32x216x48xi32, #tpu.memory_space<hbm>> -> memref<1x8x48xi32, #tpu.memory_space<hbm>>
    %dma_start3A_94 = tpu.memref_squeeze %dma_start3A_93 : memref<1x8x48xi32, #tpu.memory_space<hbm>> -> memref<8x48xi32, #tpu.memory_space<hbm>>
    tpu.enqueue_dma source(%dma_start3A_94 : memref<8x48xi32, #tpu.memory_space<hbm>>) target(%dma_start3A_90 : memref<8x48xi32, #tpu.memory_space<vmem>>) target_semaphore(%arg22 : memref<!tpu.dma_semaphore, #tpu.memory_space<semaphore_mem>>)
    %scan3A_95 = arith.constant 0 : i32
    %scan3A_96 = arith.constant 0 : i32
    %scan3A_97 = arith.constant 108 : i32
    %scan3A_98 = arith.addi %scan3A_96, %scan3A_97 : i32
    %scan3A_99 = arith.constant 1 : i32
    %scan3A_100 = scf.for %scan3A_131 = %scan3A_96 to %scan3A_98 step %scan3A_99 iter_args(%scan3A_132 = %scan3A_95) -> (i32)  : i32 {
      %jit3A = arith.constant 4 : i32
      %div3A = arith.divsi %scan3A_131, %jit3A : i32
      %sign3A = arith.constant 0 : i32
      %sign3A_133 = arith.cmpi sgt, %scan3A_131, %sign3A : i32
      %sign3A_134 = arith.extui %sign3A_133 : i1 to i32
      %sign3A_135 = arith.constant 0 : i32
      %sign3A_136 = arith.cmpi slt, %scan3A_131, %sign3A_135 : i32
      %sign3A_137 = arith.extui %sign3A_136 : i1 to i32
      %sign3A_138 = arith.subi %sign3A_134, %sign3A_137 : i32
      %sign3A_139 = arith.constant 0 : i32
      %sign3A_140 = arith.cmpi sgt, %jit3A, %sign3A_139 : i32
      %sign3A_141 = arith.extui %sign3A_140 : i1 to i32
      %sign3A_142 = arith.constant 0 : i32
      %sign3A_143 = arith.cmpi slt, %jit3A, %sign3A_142 : i32
      %sign3A_144 = arith.extui %sign3A_143 : i1 to i32
      %sign3A_145 = arith.subi %sign3A_141, %sign3A_144 : i32
      %ne3A = arith.cmpi ne, %sign3A_138, %sign3A_145 : i32
      %rem3A = arith.remsi %scan3A_131, %jit3A : i32
      %ne3A_146 = arith.constant 0 : i32
      %ne3A_147 = arith.cmpi ne, %rem3A, %ne3A_146 : i32
      %and3A = arith.andi %ne3A, %ne3A_147 : i1
      %sub3A = arith.constant 1 : i32
      %sub3A_148 = arith.subi %div3A, %sub3A : i32
      %select_n3A = arith.select %and3A, %sub3A_148, %div3A : i32
      %jit3A_149 = arith.constant 4 : i32
      %eq3A = arith.constant 0 : i32
      %eq3A_150 = arith.cmpi eq, %jit3A_149, %eq3A : i32
      %jit3A_151 = arith.constant 1 : i32
      %select_n3A_152 = arith.select %eq3A_150, %jit3A_151, %jit3A_149 : i32
      %rem3A_153 = arith.remsi %scan3A_131, %select_n3A_152 : i32
      %ne3A_154 = arith.constant 0 : i32
      %ne3A_155 = arith.cmpi ne, %rem3A_153, %ne3A_154 : i32
      %lt3A = arith.constant 0 : i32
      %lt3A_156 = arith.cmpi slt, %rem3A_153, %lt3A : i32
      %lt3A_157 = arith.constant 0 : i32
      %lt3A_158 = arith.cmpi slt, %select_n3A_152, %lt3A_157 : i32
      %ne3A_159 = arith.xori %lt3A_156, %lt3A_158 : i1
      %and3A_160 = arith.andi %ne3A_159, %ne3A_155 : i1
      %add3A_161 = arith.addi %rem3A_153, %select_n3A_152 : i32
      %select_n3A_162 = arith.select %and3A_160, %add3A_161, %rem3A_153 : i32
      %and3A_163 = arith.constant 1 : i32
      %and3A_164 = arith.andi %select_n3A, %and3A_163 : i32
      %mul3A_165 = arith.constant 2 : i32
      %mul3A_166 = arith.muli %mul3A_165, %scan3A_131 : i32
      %jit3A_167 = arith.constant 8 : i32
      %eq3A_168 = arith.constant 0 : i32
      %eq3A_169 = arith.cmpi eq, %jit3A_167, %eq3A_168 : i32
      %jit3A_170 = arith.constant 1 : i32
      %select_n3A_171 = arith.select %eq3A_169, %jit3A_170, %jit3A_167 : i32
      %rem3A_172 = arith.remsi %mul3A_166, %select_n3A_171 : i32
      %ne3A_173 = arith.constant 0 : i32
      %ne3A_174 = arith.cmpi ne, %rem3A_172, %ne3A_173 : i32
      %lt3A_175 = arith.constant 0 : i32
      %lt3A_176 = arith.cmpi slt, %rem3A_172, %lt3A_175 : i32
      %lt3A_177 = arith.constant 0 : i32
      %lt3A_178 = arith.cmpi slt, %select_n3A_171, %lt3A_177 : i32
      %ne3A_179 = arith.xori %lt3A_176, %lt3A_178 : i1
      %and3A_180 = arith.andi %ne3A_179, %ne3A_174 : i1
      %add3A_181 = arith.addi %rem3A_172, %select_n3A_171 : i32
      %select_n3A_182 = arith.select %and3A_180, %add3A_181, %rem3A_172 : i32
      %add3A_183 = arith.constant 1 : i32
      %add3A_184 = arith.addi %select_n3A_182, %add3A_183 : i32
      %eq3A_185 = arith.constant 0 : i32
      %eq3A_186 = arith.cmpi eq, %select_n3A_162, %eq3A_185 : i32
      %gt3A = arith.constant 0 : i32
      %gt3A_187 = arith.cmpi sgt, %scan3A_131, %gt3A : i32
      %and3A_188 = arith.andi %eq3A_186, %gt3A_187 : i1
      %add3A_189 = arith.constant 1 : i32
      %add3A_190 = arith.addi %select_n3A, %add3A_189 : i32
      %lt3A_191 = arith.constant 27 : i32
      %lt3A_192 = arith.cmpi slt, %add3A_190, %lt3A_191 : i32
      %and3A_193 = arith.andi %and3A_188, %lt3A_192 : i1
      %convert_element_type3A = arith.extui %and3A_193 : i1 to i32
      %cond3A = arith.constant 0 : i32
      %cond3A_194 = arith.cmpi ne, %convert_element_type3A, %cond3A : i32
      scf.if %cond3A_194 {
        %add3A_372 = arith.constant 1 : i32
        %add3A_373 = arith.addi %select_n3A, %add3A_372 : i32
        %sub3A_374 = arith.constant 1 : i32
        %sub3A_375 = arith.subi %sub3A_374, %and3A_164 : i32
        %mul3A_376 = arith.constant 8 : i32
        %mul3A_377 = arith.muli %add3A_373, %mul3A_376 : i32
        %dma_start3A_378 = arith.constant 0 : i32
        %dma_start3A_379 = arith.constant 0 : i32
        %dma_start3A_380 = tpu.memref_slice %arg12[%sub3A_375, %dma_start3A_378, %dma_start3A_379] : memref<2x8x48xi32, #tpu.memory_space<vmem>> -> memref<1x8x48xi32, #tpu.memory_space<vmem>>
        %dma_start3A_381 = tpu.memref_squeeze %dma_start3A_380 : memref<1x8x48xi32, #tpu.memory_space<vmem>> -> memref<8x48xi32, #tpu.memory_space<vmem>>
        %dma_start3A_382 = arith.constant 0 : i32
        %dma_start3A_383 = tpu.memref_slice %arg5[%add3A, %mul3A_377, %dma_start3A_382] : memref<32x216x48xi32, #tpu.memory_space<hbm>> -> memref<1x8x48xi32, #tpu.memory_space<hbm>>
        %dma_start3A_384 = tpu.memref_squeeze %dma_start3A_383 : memref<1x8x48xi32, #tpu.memory_space<hbm>> -> memref<8x48xi32, #tpu.memory_space<hbm>>
        %dma_start3A_385 = arith.constant 0 : i32
        %dma_start3A_386 = arith.constant 0 : i32
        %dma_start3A_387 = tpu.memref_slice %arg12[%sub3A_375, %dma_start3A_385, %dma_start3A_386] : memref<2x8x48xi32, #tpu.memory_space<vmem>> -> memref<1x8x48xi32, #tpu.memory_space<vmem>>
        %dma_start3A_388 = tpu.memref_squeeze %dma_start3A_387 : memref<1x8x48xi32, #tpu.memory_space<vmem>> -> memref<8x48xi32, #tpu.memory_space<vmem>>
        %dma_start3A_389 = arith.constant 0 : i32
        %dma_start3A_390 = tpu.memref_slice %arg5[%add3A, %mul3A_377, %dma_start3A_389] : memref<32x216x48xi32, #tpu.memory_space<hbm>> -> memref<1x8x48xi32, #tpu.memory_space<hbm>>
        %dma_start3A_391 = tpu.memref_squeeze %dma_start3A_390 : memref<1x8x48xi32, #tpu.memory_space<hbm>> -> memref<8x48xi32, #tpu.memory_space<hbm>>
        tpu.enqueue_dma source(%dma_start3A_391 : memref<8x48xi32, #tpu.memory_space<hbm>>) target(%dma_start3A_388 : memref<8x48xi32, #tpu.memory_space<vmem>>) target_semaphore(%arg22 : memref<!tpu.dma_semaphore, #tpu.memory_space<semaphore_mem>>)
        %mul3A_392 = arith.constant 8 : i32
        %mul3A_393 = arith.muli %add3A_373, %mul3A_392 : i32
        %dma_start3A_394 = arith.constant 0 : i32
        %dma_start3A_395 = arith.constant 0 : i32
        %dma_start3A_396 = tpu.memref_slice %arg13[%sub3A_375, %dma_start3A_394, %dma_start3A_395] : memref<2x8x48xi32, #tpu.memory_space<vmem>> -> memref<1x8x48xi32, #tpu.memory_space<vmem>>
        %dma_start3A_397 = tpu.memref_squeeze %dma_start3A_396 : memref<1x8x48xi32, #tpu.memory_space<vmem>> -> memref<8x48xi32, #tpu.memory_space<vmem>>
        %dma_start3A_398 = arith.constant 0 : i32
        %dma_start3A_399 = tpu.memref_slice %arg6[%add3A, %mul3A_393, %dma_start3A_398] : memref<32x216x48xi32, #tpu.memory_space<hbm>> -> memref<1x8x48xi32, #tpu.memory_space<hbm>>
        %dma_start3A_400 = tpu.memref_squeeze %dma_start3A_399 : memref<1x8x48xi32, #tpu.memory_space<hbm>> -> memref<8x48xi32, #tpu.memory_space<hbm>>
        %dma_start3A_401 = arith.constant 0 : i32
        %dma_start3A_402 = arith.constant 0 : i32
        %dma_start3A_403 = tpu.memref_slice %arg13[%sub3A_375, %dma_start3A_401, %dma_start3A_402] : memref<2x8x48xi32, #tpu.memory_space<vmem>> -> memref<1x8x48xi32, #tpu.memory_space<vmem>>
        %dma_start3A_404 = tpu.memref_squeeze %dma_start3A_403 : memref<1x8x48xi32, #tpu.memory_space<vmem>> -> memref<8x48xi32, #tpu.memory_space<vmem>>
        %dma_start3A_405 = arith.constant 0 : i32
        %dma_start3A_406 = tpu.memref_slice %arg6[%add3A, %mul3A_393, %dma_start3A_405] : memref<32x216x48xi32, #tpu.memory_space<hbm>> -> memref<1x8x48xi32, #tpu.memory_space<hbm>>
        %dma_start3A_407 = tpu.memref_squeeze %dma_start3A_406 : memref<1x8x48xi32, #tpu.memory_space<hbm>> -> memref<8x48xi32, #tpu.memory_space<hbm>>
        tpu.enqueue_dma source(%dma_start3A_407 : memref<8x48xi32, #tpu.memory_space<hbm>>) target(%dma_start3A_404 : memref<8x48xi32, #tpu.memory_space<vmem>>) target_semaphore(%arg22 : memref<!tpu.dma_semaphore, #tpu.memory_space<semaphore_mem>>)
      } else {
      }
      %get3A = arith.index_cast %and3A_164 : i32 to index
      %get3A_195 = arith.index_cast %select_n3A_182 : i32 to index
      %get3A_196 = arith.constant 0 : index
      %get3A_197 = tpu.vector_load %arg12[%get3A, %get3A_195, %get3A_196] {strides = array<i32>} : memref<2x8x48xi32, #tpu.memory_space<vmem>>, vector<16xi32>,
      %get3A_198 = arith.index_cast %and3A_164 : i32 to index
      %get3A_199 = arith.index_cast %select_n3A_182 : i32 to index
      %get3A_200 = arith.constant 0 : index
      %get3A_201 = tpu.vector_load %arg13[%get3A_198, %get3A_199, %get3A_200] {strides = array<i32>} : memref<2x8x48xi32, #tpu.memory_space<vmem>>, vector<16xi32>,
      %gather3A = tpu.vector_load_idx %arg10[%get3A_197] : memref<10112xf32, #tpu.memory_space<vmem>>[vector<16xi32>], vector<16xf32>,
      %gather3A_202 = tpu.vector_load_idx %arg11[%get3A_201] : memref<10112xf32, #tpu.memory_space<vmem>>[vector<16xi32>], vector<16xf32>,
      %add3A_203 = arith.addf %gather3A, %gather3A_202 : vector<16xf32>
      %mul3A_204 = arith.constant 2.000000e-01 : f32
      %mul3A_205 = vector.broadcast %mul3A_204 : f32 to vector<16xf32>
      %mul3A_206 = arith.mulf %mul3A_205, %add3A_203 : vector<16xf32>
      %max3A = arith.maximumf %add3A_203, %mul3A_206 : vector<16xf32>
      %exp3A = math.exp %max3A : vector<16xf32>
      %swap3A = arith.constant 0 : index
      %swap3A_207 = tpu.vector_load %arg16[%swap3A] {strides = array<i32>} : memref<48xf32, #tpu.memory_space<vmem>>, vector<16xf32>,
      tpu.vector_store %arg16[%swap3A], %exp3A {strides = array<i32>} : memref<48xf32, #tpu.memory_space<vmem>>, vector<16xf32>,
      tpu.vector_store_idx %arg17[%get3A_201], %exp3A {add = true} : memref<10112xf32, #tpu.memory_space<vmem>>[vector<16xi32>], vector<16xf32>,
      %get3A_208 = arith.index_cast %and3A_164 : i32 to index
      %get3A_209 = arith.index_cast %select_n3A_182 : i32 to index
      %get3A_210 = arith.constant 16 : index
      %get3A_211 = tpu.vector_load %arg12[%get3A_208, %get3A_209, %get3A_210] {strides = array<i32>} : memref<2x8x48xi32, #tpu.memory_space<vmem>>, vector<16xi32>,
      %get3A_212 = arith.index_cast %and3A_164 : i32 to index
      %get3A_213 = arith.index_cast %select_n3A_182 : i32 to index
      %get3A_214 = arith.constant 16 : index
      %get3A_215 = tpu.vector_load %arg13[%get3A_212, %get3A_213, %get3A_214] {strides = array<i32>} : memref<2x8x48xi32, #tpu.memory_space<vmem>>, vector<16xi32>,
      %gather3A_216 = tpu.vector_load_idx %arg10[%get3A_211] : memref<10112xf32, #tpu.memory_space<vmem>>[vector<16xi32>], vector<16xf32>,
      %gather3A_217 = tpu.vector_load_idx %arg11[%get3A_215] : memref<10112xf32, #tpu.memory_space<vmem>>[vector<16xi32>], vector<16xf32>,
      %add3A_218 = arith.addf %gather3A_216, %gather3A_217 : vector<16xf32>
      %mul3A_219 = arith.constant 2.000000e-01 : f32
      %mul3A_220 = vector.broadcast %mul3A_219 : f32 to vector<16xf32>
      %mul3A_221 = arith.mulf %mul3A_220, %add3A_218 : vector<16xf32>
      %max3A_222 = arith.maximumf %add3A_218, %mul3A_221 : vector<16xf32>
      %exp3A_223 = math.exp %max3A_222 : vector<16xf32>
      %swap3A_224 = arith.constant 16 : index
      %swap3A_225 = tpu.vector_load %arg16[%swap3A_224] {strides = array<i32>} : memref<48xf32, #tpu.memory_space<vmem>>, vector<16xf32>,
      tpu.vector_store %arg16[%swap3A_224], %exp3A_223 {strides = array<i32>} : memref<48xf32, #tpu.memory_space<vmem>>, vector<16xf32>,
      tpu.vector_store_idx %arg17[%get3A_215], %exp3A_223 {add = true} : memref<10112xf32, #tpu.memory_space<vmem>>[vector<16xi32>], vector<16xf32>,
      %get3A_226 = arith.index_cast %and3A_164 : i32 to index
      %get3A_227 = arith.index_cast %select_n3A_182 : i32 to index
      %get3A_228 = arith.constant 32 : index
      %get3A_229 = tpu.vector_load %arg12[%get3A_226, %get3A_227, %get3A_228] {strides = array<i32>} : memref<2x8x48xi32, #tpu.memory_space<vmem>>, vector<16xi32>,
      %get3A_230 = arith.index_cast %and3A_164 : i32 to index
      %get3A_231 = arith.index_cast %select_n3A_182 : i32 to index
      %get3A_232 = arith.constant 32 : index
      %get3A_233 = tpu.vector_load %arg13[%get3A_230, %get3A_231, %get3A_232] {strides = array<i32>} : memref<2x8x48xi32, #tpu.memory_space<vmem>>, vector<16xi32>,
      %gather3A_234 = tpu.vector_load_idx %arg10[%get3A_229] : memref<10112xf32, #tpu.memory_space<vmem>>[vector<16xi32>], vector<16xf32>,
      %gather3A_235 = tpu.vector_load_idx %arg11[%get3A_233] : memref<10112xf32, #tpu.memory_space<vmem>>[vector<16xi32>], vector<16xf32>,
      %add3A_236 = arith.addf %gather3A_234, %gather3A_235 : vector<16xf32>
      %mul3A_237 = arith.constant 2.000000e-01 : f32
      %mul3A_238 = vector.broadcast %mul3A_237 : f32 to vector<16xf32>
      %mul3A_239 = arith.mulf %mul3A_238, %add3A_236 : vector<16xf32>
      %max3A_240 = arith.maximumf %add3A_236, %mul3A_239 : vector<16xf32>
      %exp3A_241 = math.exp %max3A_240 : vector<16xf32>
      %swap3A_242 = arith.constant 32 : index
      %swap3A_243 = tpu.vector_load %arg16[%swap3A_242] {strides = array<i32>} : memref<48xf32, #tpu.memory_space<vmem>>, vector<16xf32>,
      tpu.vector_store %arg16[%swap3A_242], %exp3A_241 {strides = array<i32>} : memref<48xf32, #tpu.memory_space<vmem>>, vector<16xf32>,
      tpu.vector_store_idx %arg17[%get3A_233], %exp3A_241 {add = true} : memref<10112xf32, #tpu.memory_space<vmem>>[vector<16xi32>], vector<16xf32>,
      %dma_wait3A = arith.constant 0 : i32
      %dma_wait3A_244 = tpu.memref_slice %arg12[%and3A_164, %select_n3A_182, %dma_wait3A] : memref<2x8x48xi32, #tpu.memory_space<vmem>> -> memref<1x1x48xi32, #tpu.memory_space<vmem>>
      %dma_wait3A_245 = tpu.memref_squeeze %dma_wait3A_244 : memref<1x1x48xi32, #tpu.memory_space<vmem>> -> memref<48xi32, #tpu.memory_space<vmem>>
      %dma_wait3A_246 = arith.constant 0 : i32
      %dma_wait3A_247 = arith.constant 0 : i32
      %dma_wait3A_248 = tpu.memref_slice %arg2[%dma_wait3A_246, %dma_wait3A_247] : memref<10112x128xf32, #tpu.memory_space<hbm>> -> memref<10112x128xf32, #tpu.memory_space<hbm>>
      tpu.wait_indirect_dma semaphore(%arg18 : memref<!tpu.dma_semaphore, #tpu.memory_space<semaphore_mem>>) src(%dma_wait3A_248 : memref<10112x128xf32, #tpu.memory_space<hbm>>) dst(%arg14 : memref<48x128xf32, #tpu.memory_space<vmem>>)
      %scan3A_249 = arith.constant 0 : i32
      %scan3A_250 = arith.constant 0 : i32
      %scan3A_251 = arith.constant 48 : i32
      %scan3A_252 = arith.addi %scan3A_250, %scan3A_251 : i32
      %scan3A_253 = arith.constant 8 : i32
      %scan3A_254 = scf.for %scan3A_372 = %scan3A_250 to %scan3A_252 step %scan3A_253 iter_args(%scan3A_373 = %scan3A_249) -> (i32)  : i32 {
        %mul3A_374 = arith.constant 0 : i32
        %mul3A_375 = vector.broadcast %mul3A_374 : i32 to vector<16xi32>
        %mul3A_376 = arith.muli %iota3A, %mul3A_375 : vector<16xi32>
        %add3A_377 = vector.broadcast %scan3A_372 : i32 to vector<16xi32>
        %add3A_378 = arith.addi %mul3A_376, %add3A_377 : vector<16xi32>
        %gather3A_379 = tpu.vector_load_idx %arg16[%add3A_378] : memref<48xf32, #tpu.memory_space<vmem>>[vector<16xi32>], vector<16xf32>,
        %get3A_380 = arith.index_cast %scan3A_372 : i32 to index
        %get3A_381 = arith.constant 0 : index
        %get3A_382 = tpu.vector_load %arg14[%get3A_380, %get3A_381] {strides = array<i32>} : memref<48x128xf32, #tpu.memory_space<vmem>>, vector<16xf32>,
        %mul3A_383 = arith.mulf %get3A_382, %gather3A_379 : vector<16xf32>
        %swap3A_384 = arith.index_cast %scan3A_372 : i32 to index
        %swap3A_385 = arith.constant 0 : index
        %swap3A_386 = tpu.vector_load %arg14[%swap3A_384, %swap3A_385] {strides = array<i32>} : memref<48x128xf32, #tpu.memory_space<vmem>>, vector<16xf32>,
        tpu.vector_store %arg14[%swap3A_384, %swap3A_385], %mul3A_383 {strides = array<i32>} : memref<48x128xf32, #tpu.memory_space<vmem>>, vector<16xf32>,
        %get3A_387 = arith.index_cast %scan3A_372 : i32 to index
        %get3A_388 = arith.constant 16 : index
        %get3A_389 = tpu.vector_load %arg14[%get3A_387, %get3A_388] {strides = array<i32>} : memref<48x128xf32, #tpu.memory_space<vmem>>, vector<16xf32>,
        %mul3A_390 = arith.mulf %get3A_389, %gather3A_379 : vector<16xf32>
        %swap3A_391 = arith.index_cast %scan3A_372 : i32 to index
        %swap3A_392 = arith.constant 16 : index
        %swap3A_393 = tpu.vector_load %arg14[%swap3A_391, %swap3A_392] {strides = array<i32>} : memref<48x128xf32, #tpu.memory_space<vmem>>, vector<16xf32>,
        tpu.vector_store %arg14[%swap3A_391, %swap3A_392], %mul3A_390 {strides = array<i32>} : memref<48x128xf32, #tpu.memory_space<vmem>>, vector<16xf32>,
        %get3A_394 = arith.index_cast %scan3A_372 : i32 to index
        %get3A_395 = arith.constant 32 : index
        %get3A_396 = tpu.vector_load %arg14[%get3A_394, %get3A_395] {strides = array<i32>} : memref<48x128xf32, #tpu.memory_space<vmem>>, vector<16xf32>,
        %mul3A_397 = arith.mulf %get3A_396, %gather3A_379 : vector<16xf32>
        %swap3A_398 = arith.index_cast %scan3A_372 : i32 to index
        %swap3A_399 = arith.constant 32 : index
        %swap3A_400 = tpu.vector_load %arg14[%swap3A_398, %swap3A_399] {strides = array<i32>} : memref<48x128xf32, #tpu.memory_space<vmem>>, vector<16xf32>,
        tpu.vector_store %arg14[%swap3A_398, %swap3A_399], %mul3A_397 {strides = array<i32>} : memref<48x128xf32, #tpu.memory_space<vmem>>, vector<16xf32>,
        %get3A_401 = arith.index_cast %scan3A_372 : i32 to index
        %get3A_402 = arith.constant 48 : index
        %get3A_403 = tpu.vector_load %arg14[%get3A_401, %get3A_402] {strides = array<i32>} : memref<48x128xf32, #tpu.memory_space<vmem>>, vector<16xf32>,
        %mul3A_404 = arith.mulf %get3A_403, %gather3A_379 : vector<16xf32>
        %swap3A_405 = arith.index_cast %scan3A_372 : i32 to index
        %swap3A_406 = arith.constant 48 : index
        %swap3A_407 = tpu.vector_load %arg14[%swap3A_405, %swap3A_406] {strides = array<i32>} : memref<48x128xf32, #tpu.memory_space<vmem>>, vector<16xf32>,
        tpu.vector_store %arg14[%swap3A_405, %swap3A_406], %mul3A_404 {strides = array<i32>} : memref<48x128xf32, #tpu.memory_space<vmem>>, vector<16xf32>,
        %get3A_408 = arith.index_cast %scan3A_372 : i32 to index
        %get3A_409 = arith.constant 64 : index
        %get3A_410 = tpu.vector_load %arg14[%get3A_408, %get3A_409] {strides = array<i32>} : memref<48x128xf32, #tpu.memory_space<vmem>>, vector<16xf32>,
        %mul3A_411 = arith.mulf %get3A_410, %gather3A_379 : vector<16xf32>
        %swap3A_412 = arith.index_cast %scan3A_372 : i32 to index
        %swap3A_413 = arith.constant 64 : index
        %swap3A_414 = tpu.vector_load %arg14[%swap3A_412, %swap3A_413] {strides = array<i32>} : memref<48x128xf32, #tpu.memory_space<vmem>>, vector<16xf32>,
        tpu.vector_store %arg14[%swap3A_412, %swap3A_413], %mul3A_411 {strides = array<i32>} : memref<48x128xf32, #tpu.memory_space<vmem>>, vector<16xf32>,
        %get3A_415 = arith.index_cast %scan3A_372 : i32 to index
        %get3A_416 = arith.constant 80 : index
        %get3A_417 = tpu.vector_load %arg14[%get3A_415, %get3A_416] {strides = array<i32>} : memref<48x128xf32, #tpu.memory_space<vmem>>, vector<16xf32>,
        %mul3A_418 = arith.mulf %get3A_417, %gather3A_379 : vector<16xf32>
        %swap3A_419 = arith.index_cast %scan3A_372 : i32 to index
        %swap3A_420 = arith.constant 80 : index
        %swap3A_421 = tpu.vector_load %arg14[%swap3A_419, %swap3A_420] {strides = array<i32>} : memref<48x128xf32, #tpu.memory_space<vmem>>, vector<16xf32>,
        tpu.vector_store %arg14[%swap3A_419, %swap3A_420], %mul3A_418 {strides = array<i32>} : memref<48x128xf32, #tpu.memory_space<vmem>>, vector<16xf32>,
        %get3A_422 = arith.index_cast %scan3A_372 : i32 to index
        %get3A_423 = arith.constant 96 : index
        %get3A_424 = tpu.vector_load %arg14[%get3A_422, %get3A_423] {strides = array<i32>} : memref<48x128xf32, #tpu.memory_space<vmem>>, vector<16xf32>,
        %mul3A_425 = arith.mulf %get3A_424, %gather3A_379 : vector<16xf32>
        %swap3A_426 = arith.index_cast %scan3A_372 : i32 to index
        %swap3A_427 = arith.constant 96 : index
        %swap3A_428 = tpu.vector_load %arg14[%swap3A_426, %swap3A_427] {strides = array<i32>} : memref<48x128xf32, #tpu.memory_space<vmem>>, vector<16xf32>,
        tpu.vector_store %arg14[%swap3A_426, %swap3A_427], %mul3A_425 {strides = array<i32>} : memref<48x128xf32, #tpu.memory_space<vmem>>, vector<16xf32>,
        %get3A_429 = arith.index_cast %scan3A_372 : i32 to index
        %get3A_430 = arith.constant 112 : index
        %get3A_431 = tpu.vector_load %arg14[%get3A_429, %get3A_430] {strides = array<i32>} : memref<48x128xf32, #tpu.memory_space<vmem>>, vector<16xf32>,
        %mul3A_432 = arith.mulf %get3A_431, %gather3A_379 : vector<16xf32>
        %swap3A_433 = arith.index_cast %scan3A_372 : i32 to index
        %swap3A_434 = arith.constant 112 : index
        %swap3A_435 = tpu.vector_load %arg14[%swap3A_433, %swap3A_434] {strides = array<i32>} : memref<48x128xf32, #tpu.memory_space<vmem>>, vector<16xf32>,
        tpu.vector_store %arg14[%swap3A_433, %swap3A_434], %mul3A_432 {strides = array<i32>} : memref<48x128xf32, #tpu.memory_space<vmem>>, vector<16xf32>,
        %scan3A_436 = arith.constant 0 : i32
        %scan3A_437 = arith.constant 1 : i32
        %scan3A_438 = arith.addi %scan3A_372, %scan3A_437 : i32
        %mul3A_439 = arith.constant 0 : i32
        %mul3A_440 = vector.broadcast %mul3A_439 : i32 to vector<16xi32>
        %mul3A_441 = arith.muli %iota3A, %mul3A_440 : vector<16xi32>
        %add3A_442 = vector.broadcast %scan3A_438 : i32 to vector<16xi32>
        %add3A_443 = arith.addi %mul3A_441, %add3A_442 : vector<16xi32>
        %gather3A_444 = tpu.vector_load_idx %arg16[%add3A_443] : memref<48xf32, #tpu.memory_space<vmem>>[vector<16xi32>], vector<16xf32>,
        %get3A_445 = arith.index_cast %scan3A_438 : i32 to index
        %get3A_446 = arith.constant 0 : index
        %get3A_447 = tpu.vector_load %arg14[%get3A_445, %get3A_446] {strides = array<i32>} : memref<48x128xf32, #tpu.memory_space<vmem>>, vector<16xf32>,
        %mul3A_448 = arith.mulf %get3A_447, %gather3A_444 : vector<16xf32>
        %swap3A_449 = arith.index_cast %scan3A_438 : i32 to index
        %swap3A_450 = arith.constant 0 : index
        %swap3A_451 = tpu.vector_load %arg14[%swap3A_449, %swap3A_450] {strides = array<i32>} : memref<48x128xf32, #tpu.memory_space<vmem>>, vector<16xf32>,
        tpu.vector_store %arg14[%swap3A_449, %swap3A_450], %mul3A_448 {strides = array<i32>} : memref<48x128xf32, #tpu.memory_space<vmem>>, vector<16xf32>,
        %get3A_452 = arith.index_cast %scan3A_438 : i32 to index
        %get3A_453 = arith.constant 16 : index
        %get3A_454 = tpu.vector_load %arg14[%get3A_452, %get3A_453] {strides = array<i32>} : memref<48x128xf32, #tpu.memory_space<vmem>>, vector<16xf32>,
        %mul3A_455 = arith.mulf %get3A_454, %gather3A_444 : vector<16xf32>
        %swap3A_456 = arith.index_cast %scan3A_438 : i32 to index
        %swap3A_457 = arith.constant 16 : index
        %swap3A_458 = tpu.vector_load %arg14[%swap3A_456, %swap3A_457] {strides = array<i32>} : memref<48x128xf32, #tpu.memory_space<vmem>>, vector<16xf32>,
        tpu.vector_store %arg14[%swap3A_456, %swap3A_457], %mul3A_455 {strides = array<i32>} : memref<48x128xf32, #tpu.memory_space<vmem>>, vector<16xf32>,
        %get3A_459 = arith.index_cast %scan3A_438 : i32 to index
        %get3A_460 = arith.constant 32 : index
        %get3A_461 = tpu.vector_load %arg14[%get3A_459, %get3A_460] {strides = array<i32>} : memref<48x128xf32, #tpu.memory_space<vmem>>, vector<16xf32>,
        %mul3A_462 = arith.mulf %get3A_461, %gather3A_444 : vector<16xf32>
        %swap3A_463 = arith.index_cast %scan3A_438 : i32 to index
        %swap3A_464 = arith.constant 32 : index
        %swap3A_465 = tpu.vector_load %arg14[%swap3A_463, %swap3A_464] {strides = array<i32>} : memref<48x128xf32, #tpu.memory_space<vmem>>, vector<16xf32>,
        tpu.vector_store %arg14[%swap3A_463, %swap3A_464], %mul3A_462 {strides = array<i32>} : memref<48x128xf32, #tpu.memory_space<vmem>>, vector<16xf32>,
        %get3A_466 = arith.index_cast %scan3A_438 : i32 to index
        %get3A_467 = arith.constant 48 : index
        %get3A_468 = tpu.vector_load %arg14[%get3A_466, %get3A_467] {strides = array<i32>} : memref<48x128xf32, #tpu.memory_space<vmem>>, vector<16xf32>,
        %mul3A_469 = arith.mulf %get3A_468, %gather3A_444 : vector<16xf32>
        %swap3A_470 = arith.index_cast %scan3A_438 : i32 to index
        %swap3A_471 = arith.constant 48 : index
        %swap3A_472 = tpu.vector_load %arg14[%swap3A_470, %swap3A_471] {strides = array<i32>} : memref<48x128xf32, #tpu.memory_space<vmem>>, vector<16xf32>,
        tpu.vector_store %arg14[%swap3A_470, %swap3A_471], %mul3A_469 {strides = array<i32>} : memref<48x128xf32, #tpu.memory_space<vmem>>, vector<16xf32>,
        %get3A_473 = arith.index_cast %scan3A_438 : i32 to index
        %get3A_474 = arith.constant 64 : index
        %get3A_475 = tpu.vector_load %arg14[%get3A_473, %get3A_474] {strides = array<i32>} : memref<48x128xf32, #tpu.memory_space<vmem>>, vector<16xf32>,
        %mul3A_476 = arith.mulf %get3A_475, %gather3A_444 : vector<16xf32>
        %swap3A_477 = arith.index_cast %scan3A_438 : i32 to index
        %swap3A_478 = arith.constant 64 : index
        %swap3A_479 = tpu.vector_load %arg14[%swap3A_477, %swap3A_478] {strides = array<i32>} : memref<48x128xf32, #tpu.memory_space<vmem>>, vector<16xf32>,
        tpu.vector_store %arg14[%swap3A_477, %swap3A_478], %mul3A_476 {strides = array<i32>} : memref<48x128xf32, #tpu.memory_space<vmem>>, vector<16xf32>,
        %get3A_480 = arith.index_cast %scan3A_438 : i32 to index
        %get3A_481 = arith.constant 80 : index
        %get3A_482 = tpu.vector_load %arg14[%get3A_480, %get3A_481] {strides = array<i32>} : memref<48x128xf32, #tpu.memory_space<vmem>>, vector<16xf32>,
        %mul3A_483 = arith.mulf %get3A_482, %gather3A_444 : vector<16xf32>
        %swap3A_484 = arith.index_cast %scan3A_438 : i32 to index
        %swap3A_485 = arith.constant 80 : index
        %swap3A_486 = tpu.vector_load %arg14[%swap3A_484, %swap3A_485] {strides = array<i32>} : memref<48x128xf32, #tpu.memory_space<vmem>>, vector<16xf32>,
        tpu.vector_store %arg14[%swap3A_484, %swap3A_485], %mul3A_483 {strides = array<i32>} : memref<48x128xf32, #tpu.memory_space<vmem>>, vector<16xf32>,
        %get3A_487 = arith.index_cast %scan3A_438 : i32 to index
        %get3A_488 = arith.constant 96 : index
        %get3A_489 = tpu.vector_load %arg14[%get3A_487, %get3A_488] {strides = array<i32>} : memref<48x128xf32, #tpu.memory_space<vmem>>, vector<16xf32>,
        %mul3A_490 = arith.mulf %get3A_489, %gather3A_444 : vector<16xf32>
        %swap3A_491 = arith.index_cast %scan3A_438 : i32 to index
        %swap3A_492 = arith.constant 96 : index
        %swap3A_493 = tpu.vector_load %arg14[%swap3A_491, %swap3A_492] {strides = array<i32>} : memref<48x128xf32, #tpu.memory_space<vmem>>, vector<16xf32>,
        tpu.vector_store %arg14[%swap3A_491, %swap3A_492], %mul3A_490 {strides = array<i32>} : memref<48x128xf32, #tpu.memory_space<vmem>>, vector<16xf32>,
        %get3A_494 = arith.index_cast %scan3A_438 : i32 to index
        %get3A_495 = arith.constant 112 : index
        %get3A_496 = tpu.vector_load %arg14[%get3A_494, %get3A_495] {strides = array<i32>} : memref<48x128xf32, #tpu.memory_space<vmem>>, vector<16xf32>,
        %mul3A_497 = arith.mulf %get3A_496, %gather3A_444 : vector<16xf32>
        %swap3A_498 = arith.index_cast %scan3A_438 : i32 to index
        %swap3A_499 = arith.constant 112 : index
        %swap3A_500 = tpu.vector_load %arg14[%swap3A_498, %swap3A_499] {strides = array<i32>} : memref<48x128xf32, #tpu.memory_space<vmem>>, vector<16xf32>,
        tpu.vector_store %arg14[%swap3A_498, %swap3A_499], %mul3A_497 {strides = array<i32>} : memref<48x128xf32, #tpu.memory_space<vmem>>, vector<16xf32>,
        %scan3A_501 = arith.constant 0 : i32
        %scan3A_502 = arith.constant 2 : i32
        %scan3A_503 = arith.addi %scan3A_372, %scan3A_502 : i32
        %mul3A_504 = arith.constant 0 : i32
        %mul3A_505 = vector.broadcast %mul3A_504 : i32 to vector<16xi32>
        %mul3A_506 = arith.muli %iota3A, %mul3A_505 : vector<16xi32>
        %add3A_507 = vector.broadcast %scan3A_503 : i32 to vector<16xi32>
        %add3A_508 = arith.addi %mul3A_506, %add3A_507 : vector<16xi32>
        %gather3A_509 = tpu.vector_load_idx %arg16[%add3A_508] : memref<48xf32, #tpu.memory_space<vmem>>[vector<16xi32>], vector<16xf32>,
        %get3A_510 = arith.index_cast %scan3A_503 : i32 to index
        %get3A_511 = arith.constant 0 : index
        %get3A_512 = tpu.vector_load %arg14[%get3A_510, %get3A_511] {strides = array<i32>} : memref<48x128xf32, #tpu.memory_space<vmem>>, vector<16xf32>,
        %mul3A_513 = arith.mulf %get3A_512, %gather3A_509 : vector<16xf32>
        %swap3A_514 = arith.index_cast %scan3A_503 : i32 to index
        %swap3A_515 = arith.constant 0 : index
        %swap3A_516 = tpu.vector_load %arg14[%swap3A_514, %swap3A_515] {strides = array<i32>} : memref<48x128xf32, #tpu.memory_space<vmem>>, vector<16xf32>,
        tpu.vector_store %arg14[%swap3A_514, %swap3A_515], %mul3A_513 {strides = array<i32>} : memref<48x128xf32, #tpu.memory_space<vmem>>, vector<16xf32>,
        %get3A_517 = arith.index_cast %scan3A_503 : i32 to index
        %get3A_518 = arith.constant 16 : index
        %get3A_519 = tpu.vector_load %arg14[%get3A_517, %get3A_518] {strides = array<i32>} : memref<48x128xf32, #tpu.memory_space<vmem>>, vector<16xf32>,
        %mul3A_520 = arith.mulf %get3A_519, %gather3A_509 : vector<16xf32>
        %swap3A_521 = arith.index_cast %scan3A_503 : i32 to index
        %swap3A_522 = arith.constant 16 : index
        %swap3A_523 = tpu.vector_load %arg14[%swap3A_521, %swap3A_522] {strides = array<i32>} : memref<48x128xf32, #tpu.memory_space<vmem>>, vector<16xf32>,
        tpu.vector_store %arg14[%swap3A_521, %swap3A_522], %mul3A_520 {strides = array<i32>} : memref<48x128xf32, #tpu.memory_space<vmem>>, vector<16xf32>,
        %get3A_524 = arith.index_cast %scan3A_503 : i32 to index
        %get3A_525 = arith.constant 32 : index
        %get3A_526 = tpu.vector_load %arg14[%get3A_524, %get3A_525] {strides = array<i32>} : memref<48x128xf32, #tpu.memory_space<vmem>>, vector<16xf32>,
        %mul3A_527 = arith.mulf %get3A_526, %gather3A_509 : vector<16xf32>
        %swap3A_528 = arith.index_cast %scan3A_503 : i32 to index
        %swap3A_529 = arith.constant 32 : index
        %swap3A_530 = tpu.vector_load %arg14[%swap3A_528, %swap3A_529] {strides = array<i32>} : memref<48x128xf32, #tpu.memory_space<vmem>>, vector<16xf32>,
        tpu.vector_store %arg14[%swap3A_528, %swap3A_529], %mul3A_527 {strides = array<i32>} : memref<48x128xf32, #tpu.memory_space<vmem>>, vector<16xf32>,
        %get3A_531 = arith.index_cast %scan3A_503 : i32 to index
        %get3A_532 = arith.constant 48 : index
        %get3A_533 = tpu.vector_load %arg14[%get3A_531, %get3A_532] {strides = array<i32>} : memref<48x128xf32, #tpu.memory_space<vmem>>, vector<16xf32>,
        %mul3A_534 = arith.mulf %get3A_533, %gather3A_509 : vector<16xf32>
        %swap3A_535 = arith.index_cast %scan3A_503 : i32 to index
        %swap3A_536 = arith.constant 48 : index
        %swap3A_537 = tpu.vector_load %arg14[%swap3A_535, %swap3A_536] {strides = array<i32>} : memref<48x128xf32, #tpu.memory_space<vmem>>, vector<16xf32>,
        tpu.vector_store %arg14[%swap3A_535, %swap3A_536], %mul3A_534 {strides = array<i32>} : memref<48x128xf32, #tpu.memory_space<vmem>>, vector<16xf32>,
        %get3A_538 = arith.index_cast %scan3A_503 : i32 to index
        %get3A_539 = arith.constant 64 : index
        %get3A_540 = tpu.vector_load %arg14[%get3A_538, %get3A_539] {strides = array<i32>} : memref<48x128xf32, #tpu.memory_space<vmem>>, vector<16xf32>,
        %mul3A_541 = arith.mulf %get3A_540, %gather3A_509 : vector<16xf32>
        %swap3A_542 = arith.index_cast %scan3A_503 : i32 to index
        %swap3A_543 = arith.constant 64 : index
        %swap3A_544 = tpu.vector_load %arg14[%swap3A_542, %swap3A_543] {strides = array<i32>} : memref<48x128xf32, #tpu.memory_space<vmem>>, vector<16xf32>,
        tpu.vector_store %arg14[%swap3A_542, %swap3A_543], %mul3A_541 {strides = array<i32>} : memref<48x128xf32, #tpu.memory_space<vmem>>, vector<16xf32>,
        %get3A_545 = arith.index_cast %scan3A_503 : i32 to index
        %get3A_546 = arith.constant 80 : index
        %get3A_547 = tpu.vector_load %arg14[%get3A_545, %get3A_546] {strides = array<i32>} : memref<48x128xf32, #tpu.memory_space<vmem>>, vector<16xf32>,
        %mul3A_548 = arith.mulf %get3A_547, %gather3A_509 : vector<16xf32>
        %swap3A_549 = arith.index_cast %scan3A_503 : i32 to index
        %swap3A_550 = arith.constant 80 : index
        %swap3A_551 = tpu.vector_load %arg14[%swap3A_549, %swap3A_550] {strides = array<i32>} : memref<48x128xf32, #tpu.memory_space<vmem>>, vector<16xf32>,
        tpu.vector_store %arg14[%swap3A_549, %swap3A_550], %mul3A_548 {strides = array<i32>} : memref<48x128xf32, #tpu.memory_space<vmem>>, vector<16xf32>,
        %get3A_552 = arith.index_cast %scan3A_503 : i32 to index
        %get3A_553 = arith.constant 96 : index
        %get3A_554 = tpu.vector_load %arg14[%get3A_552, %get3A_553] {strides = array<i32>} : memref<48x128xf32, #tpu.memory_space<vmem>>, vector<16xf32>,
        %mul3A_555 = arith.mulf %get3A_554, %gather3A_509 : vector<16xf32>
        %swap3A_556 = arith.index_cast %scan3A_503 : i32 to index
        %swap3A_557 = arith.constant 96 : index
        %swap3A_558 = tpu.vector_load %arg14[%swap3A_556, %swap3A_557] {strides = array<i32>} : memref<48x128xf32, #tpu.memory_space<vmem>>, vector<16xf32>,
        tpu.vector_store %arg14[%swap3A_556, %swap3A_557], %mul3A_555 {strides = array<i32>} : memref<48x128xf32, #tpu.memory_space<vmem>>, vector<16xf32>,
        %get3A_559 = arith.index_cast %scan3A_503 : i32 to index
        %get3A_560 = arith.constant 112 : index
        %get3A_561 = tpu.vector_load %arg14[%get3A_559, %get3A_560] {strides = array<i32>} : memref<48x128xf32, #tpu.memory_space<vmem>>, vector<16xf32>,
        %mul3A_562 = arith.mulf %get3A_561, %gather3A_509 : vector<16xf32>
        %swap3A_563 = arith.index_cast %scan3A_503 : i32 to index
        %swap3A_564 = arith.constant 112 : index
        %swap3A_565 = tpu.vector_load %arg14[%swap3A_563, %swap3A_564] {strides = array<i32>} : memref<48x128xf32, #tpu.memory_space<vmem>>, vector<16xf32>,
        tpu.vector_store %arg14[%swap3A_563, %swap3A_564], %mul3A_562 {strides = array<i32>} : memref<48x128xf32, #tpu.memory_space<vmem>>, vector<16xf32>,
        %scan3A_566 = arith.constant 0 : i32
        %scan3A_567 = arith.constant 3 : i32
        %scan3A_568 = arith.addi %scan3A_372, %scan3A_567 : i32
        %mul3A_569 = arith.constant 0 : i32
        %mul3A_570 = vector.broadcast %mul3A_569 : i32 to vector<16xi32>
        %mul3A_571 = arith.muli %iota3A, %mul3A_570 : vector<16xi32>
        %add3A_572 = vector.broadcast %scan3A_568 : i32 to vector<16xi32>
        %add3A_573 = arith.addi %mul3A_571, %add3A_572 : vector<16xi32>
        %gather3A_574 = tpu.vector_load_idx %arg16[%add3A_573] : memref<48xf32, #tpu.memory_space<vmem>>[vector<16xi32>], vector<16xf32>,
        %get3A_575 = arith.index_cast %scan3A_568 : i32 to index
        %get3A_576 = arith.constant 0 : index
        %get3A_577 = tpu.vector_load %arg14[%get3A_575, %get3A_576] {strides = array<i32>} : memref<48x128xf32, #tpu.memory_space<vmem>>, vector<16xf32>,
        %mul3A_578 = arith.mulf %get3A_577, %gather3A_574 : vector<16xf32>
        %swap3A_579 = arith.index_cast %scan3A_568 : i32 to index
        %swap3A_580 = arith.constant 0 : index
        %swap3A_581 = tpu.vector_load %arg14[%swap3A_579, %swap3A_580] {strides = array<i32>} : memref<48x128xf32, #tpu.memory_space<vmem>>, vector<16xf32>,
        tpu.vector_store %arg14[%swap3A_579, %swap3A_580], %mul3A_578 {strides = array<i32>} : memref<48x128xf32, #tpu.memory_space<vmem>>, vector<16xf32>,
        %get3A_582 = arith.index_cast %scan3A_568 : i32 to index
        %get3A_583 = arith.constant 16 : index
        %get3A_584 = tpu.vector_load %arg14[%get3A_582, %get3A_583] {strides = array<i32>} : memref<48x128xf32, #tpu.memory_space<vmem>>, vector<16xf32>,
        %mul3A_585 = arith.mulf %get3A_584, %gather3A_574 : vector<16xf32>
        %swap3A_586 = arith.index_cast %scan3A_568 : i32 to index
        %swap3A_587 = arith.constant 16 : index
        %swap3A_588 = tpu.vector_load %arg14[%swap3A_586, %swap3A_587] {strides = array<i32>} : memref<48x128xf32, #tpu.memory_space<vmem>>, vector<16xf32>,
        tpu.vector_store %arg14[%swap3A_586, %swap3A_587], %mul3A_585 {strides = array<i32>} : memref<48x128xf32, #tpu.memory_space<vmem>>, vector<16xf32>,
        %get3A_589 = arith.index_cast %scan3A_568 : i32 to index
        %get3A_590 = arith.constant 32 : index
        %get3A_591 = tpu.vector_load %arg14[%get3A_589, %get3A_590] {strides = array<i32>} : memref<48x128xf32, #tpu.memory_space<vmem>>, vector<16xf32>,
        %mul3A_592 = arith.mulf %get3A_591, %gather3A_574 : vector<16xf32>
        %swap3A_593 = arith.index_cast %scan3A_568 : i32 to index
        %swap3A_594 = arith.constant 32 : index
        %swap3A_595 = tpu.vector_load %arg14[%swap3A_593, %swap3A_594] {strides = array<i32>} : memref<48x128xf32, #tpu.memory_space<vmem>>, vector<16xf32>,
        tpu.vector_store %arg14[%swap3A_593, %swap3A_594], %mul3A_592 {strides = array<i32>} : memref<48x128xf32, #tpu.memory_space<vmem>>, vector<16xf32>,
        %get3A_596 = arith.index_cast %scan3A_568 : i32 to index
        %get3A_597 = arith.constant 48 : index
        %get3A_598 = tpu.vector_load %arg14[%get3A_596, %get3A_597] {strides = array<i32>} : memref<48x128xf32, #tpu.memory_space<vmem>>, vector<16xf32>,
        %mul3A_599 = arith.mulf %get3A_598, %gather3A_574 : vector<16xf32>
        %swap3A_600 = arith.index_cast %scan3A_568 : i32 to index
        %swap3A_601 = arith.constant 48 : index
        %swap3A_602 = tpu.vector_load %arg14[%swap3A_600, %swap3A_601] {strides = array<i32>} : memref<48x128xf32, #tpu.memory_space<vmem>>, vector<16xf32>,
        tpu.vector_store %arg14[%swap3A_600, %swap3A_601], %mul3A_599 {strides = array<i32>} : memref<48x128xf32, #tpu.memory_space<vmem>>, vector<16xf32>,
        %get3A_603 = arith.index_cast %scan3A_568 : i32 to index
        %get3A_604 = arith.constant 64 : index
        %get3A_605 = tpu.vector_load %arg14[%get3A_603, %get3A_604] {strides = array<i32>} : memref<48x128xf32, #tpu.memory_space<vmem>>, vector<16xf32>,
        %mul3A_606 = arith.mulf %get3A_605, %gather3A_574 : vector<16xf32>
        %swap3A_607 = arith.index_cast %scan3A_568 : i32 to index
        %swap3A_608 = arith.constant 64 : index
        %swap3A_609 = tpu.vector_load %arg14[%swap3A_607, %swap3A_608] {strides = array<i32>} : memref<48x128xf32, #tpu.memory_space<vmem>>, vector<16xf32>,
        tpu.vector_store %arg14[%swap3A_607, %swap3A_608], %mul3A_606 {strides = array<i32>} : memref<48x128xf32, #tpu.memory_space<vmem>>, vector<16xf32>,
        %get3A_610 = arith.index_cast %scan3A_568 : i32 to index
        %get3A_611 = arith.constant 80 : index
        %get3A_612 = tpu.vector_load %arg14[%get3A_610, %get3A_611] {strides = array<i32>} : memref<48x128xf32, #tpu.memory_space<vmem>>, vector<16xf32>,
        %mul3A_613 = arith.mulf %get3A_612, %gather3A_574 : vector<16xf32>
        %swap3A_614 = arith.index_cast %scan3A_568 : i32 to index
        %swap3A_615 = arith.constant 80 : index
        %swap3A_616 = tpu.vector_load %arg14[%swap3A_614, %swap3A_615] {strides = array<i32>} : memref<48x128xf32, #tpu.memory_space<vmem>>, vector<16xf32>,
        tpu.vector_store %arg14[%swap3A_614, %swap3A_615], %mul3A_613 {strides = array<i32>} : memref<48x128xf32, #tpu.memory_space<vmem>>, vector<16xf32>,
        %get3A_617 = arith.index_cast %scan3A_568 : i32 to index
        %get3A_618 = arith.constant 96 : index
        %get3A_619 = tpu.vector_load %arg14[%get3A_617, %get3A_618] {strides = array<i32>} : memref<48x128xf32, #tpu.memory_space<vmem>>, vector<16xf32>,
        %mul3A_620 = arith.mulf %get3A_619, %gather3A_574 : vector<16xf32>
        %swap3A_621 = arith.index_cast %scan3A_568 : i32 to index
        %swap3A_622 = arith.constant 96 : index
        %swap3A_623 = tpu.vector_load %arg14[%swap3A_621, %swap3A_622] {strides = array<i32>} : memref<48x128xf32, #tpu.memory_space<vmem>>, vector<16xf32>,
        tpu.vector_store %arg14[%swap3A_621, %swap3A_622], %mul3A_620 {strides = array<i32>} : memref<48x128xf32, #tpu.memory_space<vmem>>, vector<16xf32>,
        %get3A_624 = arith.index_cast %scan3A_568 : i32 to index
        %get3A_625 = arith.constant 112 : index
        %get3A_626 = tpu.vector_load %arg14[%get3A_624, %get3A_625] {strides = array<i32>} : memref<48x128xf32, #tpu.memory_space<vmem>>, vector<16xf32>,
        %mul3A_627 = arith.mulf %get3A_626, %gather3A_574 : vector<16xf32>
        %swap3A_628 = arith.index_cast %scan3A_568 : i32 to index
        %swap3A_629 = arith.constant 112 : index
        %swap3A_630 = tpu.vector_load %arg14[%swap3A_628, %swap3A_629] {strides = array<i32>} : memref<48x128xf32, #tpu.memory_space<vmem>>, vector<16xf32>,
        tpu.vector_store %arg14[%swap3A_628, %swap3A_629], %mul3A_627 {strides = array<i32>} : memref<48x128xf32, #tpu.memory_space<vmem>>, vector<16xf32>,
        %scan3A_631 = arith.constant 0 : i32
        %scan3A_632 = arith.constant 4 : i32
        %scan3A_633 = arith.addi %scan3A_372, %scan3A_632 : i32
        %mul3A_634 = arith.constant 0 : i32
        %mul3A_635 = vector.broadcast %mul3A_634 : i32 to vector<16xi32>
        %mul3A_636 = arith.muli %iota3A, %mul3A_635 : vector<16xi32>
        %add3A_637 = vector.broadcast %scan3A_633 : i32 to vector<16xi32>
        %add3A_638 = arith.addi %mul3A_636, %add3A_637 : vector<16xi32>
        %gather3A_639 = tpu.vector_load_idx %arg16[%add3A_638] : memref<48xf32, #tpu.memory_space<vmem>>[vector<16xi32>], vector<16xf32>,
        %get3A_640 = arith.index_cast %scan3A_633 : i32 to index
        %get3A_641 = arith.constant 0 : index
        %get3A_642 = tpu.vector_load %arg14[%get3A_640, %get3A_641] {strides = array<i32>} : memref<48x128xf32, #tpu.memory_space<vmem>>, vector<16xf32>,
        %mul3A_643 = arith.mulf %get3A_642, %gather3A_639 : vector<16xf32>
        %swap3A_644 = arith.index_cast %scan3A_633 : i32 to index
        %swap3A_645 = arith.constant 0 : index
        %swap3A_646 = tpu.vector_load %arg14[%swap3A_644, %swap3A_645] {strides = array<i32>} : memref<48x128xf32, #tpu.memory_space<vmem>>, vector<16xf32>,
        tpu.vector_store %arg14[%swap3A_644, %swap3A_645], %mul3A_643 {strides = array<i32>} : memref<48x128xf32, #tpu.memory_space<vmem>>, vector<16xf32>,
        %get3A_647 = arith.index_cast %scan3A_633 : i32 to index
        %get3A_648 = arith.constant 16 : index
        %get3A_649 = tpu.vector_load %arg14[%get3A_647, %get3A_648] {strides = array<i32>} : memref<48x128xf32, #tpu.memory_space<vmem>>, vector<16xf32>,
        %mul3A_650 = arith.mulf %get3A_649, %gather3A_639 : vector<16xf32>
        %swap3A_651 = arith.index_cast %scan3A_633 : i32 to index
        %swap3A_652 = arith.constant 16 : index
        %swap3A_653 = tpu.vector_load %arg14[%swap3A_651, %swap3A_652] {strides = array<i32>} : memref<48x128xf32, #tpu.memory_space<vmem>>, vector<16xf32>,
        tpu.vector_store %arg14[%swap3A_651, %swap3A_652], %mul3A_650 {strides = array<i32>} : memref<48x128xf32, #tpu.memory_space<vmem>>, vector<16xf32>,
        %get3A_654 = arith.index_cast %scan3A_633 : i32 to index
        %get3A_655 = arith.constant 32 : index
        %get3A_656 = tpu.vector_load %arg14[%get3A_654, %get3A_655] {strides = array<i32>} : memref<48x128xf32, #tpu.memory_space<vmem>>, vector<16xf32>,
        %mul3A_657 = arith.mulf %get3A_656, %gather3A_639 : vector<16xf32>
        %swap3A_658 = arith.index_cast %scan3A_633 : i32 to index
        %swap3A_659 = arith.constant 32 : index
        %swap3A_660 = tpu.vector_load %arg14[%swap3A_658, %swap3A_659] {strides = array<i32>} : memref<48x128xf32, #tpu.memory_space<vmem>>, vector<16xf32>,
        tpu.vector_store %arg14[%swap3A_658, %swap3A_659], %mul3A_657 {strides = array<i32>} : memref<48x128xf32, #tpu.memory_space<vmem>>, vector<16xf32>,
        %get3A_661 = arith.index_cast %scan3A_633 : i32 to index
        %get3A_662 = arith.constant 48 : index
        %get3A_663 = tpu.vector_load %arg14[%get3A_661, %get3A_662] {strides = array<i32>} : memref<48x128xf32, #tpu.memory_space<vmem>>, vector<16xf32>,
        %mul3A_664 = arith.mulf %get3A_663, %gather3A_639 : vector<16xf32>
        %swap3A_665 = arith.index_cast %scan3A_633 : i32 to index
        %swap3A_666 = arith.constant 48 : index
        %swap3A_667 = tpu.vector_load %arg14[%swap3A_665, %swap3A_666] {strides = array<i32>} : memref<48x128xf32, #tpu.memory_space<vmem>>, vector<16xf32>,
        tpu.vector_store %arg14[%swap3A_665, %swap3A_666], %mul3A_664 {strides = array<i32>} : memref<48x128xf32, #tpu.memory_space<vmem>>, vector<16xf32>,
        %get3A_668 = arith.index_cast %scan3A_633 : i32 to index
        %get3A_669 = arith.constant 64 : index
        %get3A_670 = tpu.vector_load %arg14[%get3A_668, %get3A_669] {strides = array<i32>} : memref<48x128xf32, #tpu.memory_space<vmem>>, vector<16xf32>,
        %mul3A_671 = arith.mulf %get3A_670, %gather3A_639 : vector<16xf32>
        %swap3A_672 = arith.index_cast %scan3A_633 : i32 to index
        %swap3A_673 = arith.constant 64 : index
        %swap3A_674 = tpu.vector_load %arg14[%swap3A_672, %swap3A_673] {strides = array<i32>} : memref<48x128xf32, #tpu.memory_space<vmem>>, vector<16xf32>,
        tpu.vector_store %arg14[%swap3A_672, %swap3A_673], %mul3A_671 {strides = array<i32>} : memref<48x128xf32, #tpu.memory_space<vmem>>, vector<16xf32>,
        %get3A_675 = arith.index_cast %scan3A_633 : i32 to index
        %get3A_676 = arith.constant 80 : index
        %get3A_677 = tpu.vector_load %arg14[%get3A_675, %get3A_676] {strides = array<i32>} : memref<48x128xf32, #tpu.memory_space<vmem>>, vector<16xf32>,
        %mul3A_678 = arith.mulf %get3A_677, %gather3A_639 : vector<16xf32>
        %swap3A_679 = arith.index_cast %scan3A_633 : i32 to index
        %swap3A_680 = arith.constant 80 : index
        %swap3A_681 = tpu.vector_load %arg14[%swap3A_679, %swap3A_680] {strides = array<i32>} : memref<48x128xf32, #tpu.memory_space<vmem>>, vector<16xf32>,
        tpu.vector_store %arg14[%swap3A_679, %swap3A_680], %mul3A_678 {strides = array<i32>} : memref<48x128xf32, #tpu.memory_space<vmem>>, vector<16xf32>,
        %get3A_682 = arith.index_cast %scan3A_633 : i32 to index
        %get3A_683 = arith.constant 96 : index
        %get3A_684 = tpu.vector_load %arg14[%get3A_682, %get3A_683] {strides = array<i32>} : memref<48x128xf32, #tpu.memory_space<vmem>>, vector<16xf32>,
        %mul3A_685 = arith.mulf %get3A_684, %gather3A_639 : vector<16xf32>
        %swap3A_686 = arith.index_cast %scan3A_633 : i32 to index
        %swap3A_687 = arith.constant 96 : index
        %swap3A_688 = tpu.vector_load %arg14[%swap3A_686, %swap3A_687] {strides = array<i32>} : memref<48x128xf32, #tpu.memory_space<vmem>>, vector<16xf32>,
        tpu.vector_store %arg14[%swap3A_686, %swap3A_687], %mul3A_685 {strides = array<i32>} : memref<48x128xf32, #tpu.memory_space<vmem>>, vector<16xf32>,
        %get3A_689 = arith.index_cast %scan3A_633 : i32 to index
        %get3A_690 = arith.constant 112 : index
        %get3A_691 = tpu.vector_load %arg14[%get3A_689, %get3A_690] {strides = array<i32>} : memref<48x128xf32, #tpu.memory_space<vmem>>, vector<16xf32>,
        %mul3A_692 = arith.mulf %get3A_691, %gather3A_639 : vector<16xf32>
        %swap3A_693 = arith.index_cast %scan3A_633 : i32 to index
        %swap3A_694 = arith.constant 112 : index
        %swap3A_695 = tpu.vector_load %arg14[%swap3A_693, %swap3A_694] {strides = array<i32>} : memref<48x128xf32, #tpu.memory_space<vmem>>, vector<16xf32>,
        tpu.vector_store %arg14[%swap3A_693, %swap3A_694], %mul3A_692 {strides = array<i32>} : memref<48x128xf32, #tpu.memory_space<vmem>>, vector<16xf32>,
        %scan3A_696 = arith.constant 0 : i32
        %scan3A_697 = arith.constant 5 : i32
        %scan3A_698 = arith.addi %scan3A_372, %scan3A_697 : i32
        %mul3A_699 = arith.constant 0 : i32
        %mul3A_700 = vector.broadcast %mul3A_699 : i32 to vector<16xi32>
        %mul3A_701 = arith.muli %iota3A, %mul3A_700 : vector<16xi32>
        %add3A_702 = vector.broadcast %scan3A_698 : i32 to vector<16xi32>
        %add3A_703 = arith.addi %mul3A_701, %add3A_702 : vector<16xi32>
        %gather3A_704 = tpu.vector_load_idx %arg16[%add3A_703] : memref<48xf32, #tpu.memory_space<vmem>>[vector<16xi32>], vector<16xf32>,
        %get3A_705 = arith.index_cast %scan3A_698 : i32 to index
        %get3A_706 = arith.constant 0 : index
        %get3A_707 = tpu.vector_load %arg14[%get3A_705, %get3A_706] {strides = array<i32>} : memref<48x128xf32, #tpu.memory_space<vmem>>, vector<16xf32>,
        %mul3A_708 = arith.mulf %get3A_707, %gather3A_704 : vector<16xf32>
        %swap3A_709 = arith.index_cast %scan3A_698 : i32 to index
        %swap3A_710 = arith.constant 0 : index
        %swap3A_711 = tpu.vector_load %arg14[%swap3A_709, %swap3A_710] {strides = array<i32>} : memref<48x128xf32, #tpu.memory_space<vmem>>, vector<16xf32>,
        tpu.vector_store %arg14[%swap3A_709, %swap3A_710], %mul3A_708 {strides = array<i32>} : memref<48x128xf32, #tpu.memory_space<vmem>>, vector<16xf32>,
        %get3A_712 = arith.index_cast %scan3A_698 : i32 to index
        %get3A_713 = arith.constant 16 : index
        %get3A_714 = tpu.vector_load %arg14[%get3A_712, %get3A_713] {strides = array<i32>} : memref<48x128xf32, #tpu.memory_space<vmem>>, vector<16xf32>,
        %mul3A_715 = arith.mulf %get3A_714, %gather3A_704 : vector<16xf32>
        %swap3A_716 = arith.index_cast %scan3A_698 : i32 to index
        %swap3A_717 = arith.constant 16 : index
        %swap3A_718 = tpu.vector_load %arg14[%swap3A_716, %swap3A_717] {strides = array<i32>} : memref<48x128xf32, #tpu.memory_space<vmem>>, vector<16xf32>,
        tpu.vector_store %arg14[%swap3A_716, %swap3A_717], %mul3A_715 {strides = array<i32>} : memref<48x128xf32, #tpu.memory_space<vmem>>, vector<16xf32>,
        %get3A_719 = arith.index_cast %scan3A_698 : i32 to index
        %get3A_720 = arith.constant 32 : index
        %get3A_721 = tpu.vector_load %arg14[%get3A_719, %get3A_720] {strides = array<i32>} : memref<48x128xf32, #tpu.memory_space<vmem>>, vector<16xf32>,
        %mul3A_722 = arith.mulf %get3A_721, %gather3A_704 : vector<16xf32>
        %swap3A_723 = arith.index_cast %scan3A_698 : i32 to index
        %swap3A_724 = arith.constant 32 : index
        %swap3A_725 = tpu.vector_load %arg14[%swap3A_723, %swap3A_724] {strides = array<i32>} : memref<48x128xf32, #tpu.memory_space<vmem>>, vector<16xf32>,
        tpu.vector_store %arg14[%swap3A_723, %swap3A_724], %mul3A_722 {strides = array<i32>} : memref<48x128xf32, #tpu.memory_space<vmem>>, vector<16xf32>,
        %get3A_726 = arith.index_cast %scan3A_698 : i32 to index
        %get3A_727 = arith.constant 48 : index
        %get3A_728 = tpu.vector_load %arg14[%get3A_726, %get3A_727] {strides = array<i32>} : memref<48x128xf32, #tpu.memory_space<vmem>>, vector<16xf32>,
        %mul3A_729 = arith.mulf %get3A_728, %gather3A_704 : vector<16xf32>
        %swap3A_730 = arith.index_cast %scan3A_698 : i32 to index
        %swap3A_731 = arith.constant 48 : index
        %swap3A_732 = tpu.vector_load %arg14[%swap3A_730, %swap3A_731] {strides = array<i32>} : memref<48x128xf32, #tpu.memory_space<vmem>>, vector<16xf32>,
        tpu.vector_store %arg14[%swap3A_730, %swap3A_731], %mul3A_729 {strides = array<i32>} : memref<48x128xf32, #tpu.memory_space<vmem>>, vector<16xf32>,
        %get3A_733 = arith.index_cast %scan3A_698 : i32 to index
        %get3A_734 = arith.constant 64 : index
        %get3A_735 = tpu.vector_load %arg14[%get3A_733, %get3A_734] {strides = array<i32>} : memref<48x128xf32, #tpu.memory_space<vmem>>, vector<16xf32>,
        %mul3A_736 = arith.mulf %get3A_735, %gather3A_704 : vector<16xf32>
        %swap3A_737 = arith.index_cast %scan3A_698 : i32 to index
        %swap3A_738 = arith.constant 64 : index
        %swap3A_739 = tpu.vector_load %arg14[%swap3A_737, %swap3A_738] {strides = array<i32>} : memref<48x128xf32, #tpu.memory_space<vmem>>, vector<16xf32>,
        tpu.vector_store %arg14[%swap3A_737, %swap3A_738], %mul3A_736 {strides = array<i32>} : memref<48x128xf32, #tpu.memory_space<vmem>>, vector<16xf32>,
        %get3A_740 = arith.index_cast %scan3A_698 : i32 to index
        %get3A_741 = arith.constant 80 : index
        %get3A_742 = tpu.vector_load %arg14[%get3A_740, %get3A_741] {strides = array<i32>} : memref<48x128xf32, #tpu.memory_space<vmem>>, vector<16xf32>,
        %mul3A_743 = arith.mulf %get3A_742, %gather3A_704 : vector<16xf32>
        %swap3A_744 = arith.index_cast %scan3A_698 : i32 to index
        %swap3A_745 = arith.constant 80 : index
        %swap3A_746 = tpu.vector_load %arg14[%swap3A_744, %swap3A_745] {strides = array<i32>} : memref<48x128xf32, #tpu.memory_space<vmem>>, vector<16xf32>,
        tpu.vector_store %arg14[%swap3A_744, %swap3A_745], %mul3A_743 {strides = array<i32>} : memref<48x128xf32, #tpu.memory_space<vmem>>, vector<16xf32>,
        %get3A_747 = arith.index_cast %scan3A_698 : i32 to index
        %get3A_748 = arith.constant 96 : index
        %get3A_749 = tpu.vector_load %arg14[%get3A_747, %get3A_748] {strides = array<i32>} : memref<48x128xf32, #tpu.memory_space<vmem>>, vector<16xf32>,
        %mul3A_750 = arith.mulf %get3A_749, %gather3A_704 : vector<16xf32>
        %swap3A_751 = arith.index_cast %scan3A_698 : i32 to index
        %swap3A_752 = arith.constant 96 : index
        %swap3A_753 = tpu.vector_load %arg14[%swap3A_751, %swap3A_752] {strides = array<i32>} : memref<48x128xf32, #tpu.memory_space<vmem>>, vector<16xf32>,
        tpu.vector_store %arg14[%swap3A_751, %swap3A_752], %mul3A_750 {strides = array<i32>} : memref<48x128xf32, #tpu.memory_space<vmem>>, vector<16xf32>,
        %get3A_754 = arith.index_cast %scan3A_698 : i32 to index
        %get3A_755 = arith.constant 112 : index
        %get3A_756 = tpu.vector_load %arg14[%get3A_754, %get3A_755] {strides = array<i32>} : memref<48x128xf32, #tpu.memory_space<vmem>>, vector<16xf32>,
        %mul3A_757 = arith.mulf %get3A_756, %gather3A_704 : vector<16xf32>
        %swap3A_758 = arith.index_cast %scan3A_698 : i32 to index
        %swap3A_759 = arith.constant 112 : index
        %swap3A_760 = tpu.vector_load %arg14[%swap3A_758, %swap3A_759] {strides = array<i32>} : memref<48x128xf32, #tpu.memory_space<vmem>>, vector<16xf32>,
        tpu.vector_store %arg14[%swap3A_758, %swap3A_759], %mul3A_757 {strides = array<i32>} : memref<48x128xf32, #tpu.memory_space<vmem>>, vector<16xf32>,
        %scan3A_761 = arith.constant 0 : i32
        %scan3A_762 = arith.constant 6 : i32
        %scan3A_763 = arith.addi %scan3A_372, %scan3A_762 : i32
        %mul3A_764 = arith.constant 0 : i32
        %mul3A_765 = vector.broadcast %mul3A_764 : i32 to vector<16xi32>
        %mul3A_766 = arith.muli %iota3A, %mul3A_765 : vector<16xi32>
        %add3A_767 = vector.broadcast %scan3A_763 : i32 to vector<16xi32>
        %add3A_768 = arith.addi %mul3A_766, %add3A_767 : vector<16xi32>
        %gather3A_769 = tpu.vector_load_idx %arg16[%add3A_768] : memref<48xf32, #tpu.memory_space<vmem>>[vector<16xi32>], vector<16xf32>,
        %get3A_770 = arith.index_cast %scan3A_763 : i32 to index
        %get3A_771 = arith.constant 0 : index
        %get3A_772 = tpu.vector_load %arg14[%get3A_770, %get3A_771] {strides = array<i32>} : memref<48x128xf32, #tpu.memory_space<vmem>>, vector<16xf32>,
        %mul3A_773 = arith.mulf %get3A_772, %gather3A_769 : vector<16xf32>
        %swap3A_774 = arith.index_cast %scan3A_763 : i32 to index
        %swap3A_775 = arith.constant 0 : index
        %swap3A_776 = tpu.vector_load %arg14[%swap3A_774, %swap3A_775] {strides = array<i32>} : memref<48x128xf32, #tpu.memory_space<vmem>>, vector<16xf32>,
        tpu.vector_store %arg14[%swap3A_774, %swap3A_775], %mul3A_773 {strides = array<i32>} : memref<48x128xf32, #tpu.memory_space<vmem>>, vector<16xf32>,
        %get3A_777 = arith.index_cast %scan3A_763 : i32 to index
        %get3A_778 = arith.constant 16 : index
        %get3A_779 = tpu.vector_load %arg14[%get3A_777, %get3A_778] {strides = array<i32>} : memref<48x128xf32, #tpu.memory_space<vmem>>, vector<16xf32>,
        %mul3A_780 = arith.mulf %get3A_779, %gather3A_769 : vector<16xf32>
        %swap3A_781 = arith.index_cast %scan3A_763 : i32 to index
        %swap3A_782 = arith.constant 16 : index
        %swap3A_783 = tpu.vector_load %arg14[%swap3A_781, %swap3A_782] {strides = array<i32>} : memref<48x128xf32, #tpu.memory_space<vmem>>, vector<16xf32>,
        tpu.vector_store %arg14[%swap3A_781, %swap3A_782], %mul3A_780 {strides = array<i32>} : memref<48x128xf32, #tpu.memory_space<vmem>>, vector<16xf32>,
        %get3A_784 = arith.index_cast %scan3A_763 : i32 to index
        %get3A_785 = arith.constant 32 : index
        %get3A_786 = tpu.vector_load %arg14[%get3A_784, %get3A_785] {strides = array<i32>} : memref<48x128xf32, #tpu.memory_space<vmem>>, vector<16xf32>,
        %mul3A_787 = arith.mulf %get3A_786, %gather3A_769 : vector<16xf32>
        %swap3A_788 = arith.index_cast %scan3A_763 : i32 to index
        %swap3A_789 = arith.constant 32 : index
        %swap3A_790 = tpu.vector_load %arg14[%swap3A_788, %swap3A_789] {strides = array<i32>} : memref<48x128xf32, #tpu.memory_space<vmem>>, vector<16xf32>,
        tpu.vector_store %arg14[%swap3A_788, %swap3A_789], %mul3A_787 {strides = array<i32>} : memref<48x128xf32, #tpu.memory_space<vmem>>, vector<16xf32>,
        %get3A_791 = arith.index_cast %scan3A_763 : i32 to index
        %get3A_792 = arith.constant 48 : index
        %get3A_793 = tpu.vector_load %arg14[%get3A_791, %get3A_792] {strides = array<i32>} : memref<48x128xf32, #tpu.memory_space<vmem>>, vector<16xf32>,
        %mul3A_794 = arith.mulf %get3A_793, %gather3A_769 : vector<16xf32>
        %swap3A_795 = arith.index_cast %scan3A_763 : i32 to index
        %swap3A_796 = arith.constant 48 : index
        %swap3A_797 = tpu.vector_load %arg14[%swap3A_795, %swap3A_796] {strides = array<i32>} : memref<48x128xf32, #tpu.memory_space<vmem>>, vector<16xf32>,
        tpu.vector_store %arg14[%swap3A_795, %swap3A_796], %mul3A_794 {strides = array<i32>} : memref<48x128xf32, #tpu.memory_space<vmem>>, vector<16xf32>,
        %get3A_798 = arith.index_cast %scan3A_763 : i32 to index
        %get3A_799 = arith.constant 64 : index
        %get3A_800 = tpu.vector_load %arg14[%get3A_798, %get3A_799] {strides = array<i32>} : memref<48x128xf32, #tpu.memory_space<vmem>>, vector<16xf32>,
        %mul3A_801 = arith.mulf %get3A_800, %gather3A_769 : vector<16xf32>
        %swap3A_802 = arith.index_cast %scan3A_763 : i32 to index
        %swap3A_803 = arith.constant 64 : index
        %swap3A_804 = tpu.vector_load %arg14[%swap3A_802, %swap3A_803] {strides = array<i32>} : memref<48x128xf32, #tpu.memory_space<vmem>>, vector<16xf32>,
        tpu.vector_store %arg14[%swap3A_802, %swap3A_803], %mul3A_801 {strides = array<i32>} : memref<48x128xf32, #tpu.memory_space<vmem>>, vector<16xf32>,
        %get3A_805 = arith.index_cast %scan3A_763 : i32 to index
        %get3A_806 = arith.constant 80 : index
        %get3A_807 = tpu.vector_load %arg14[%get3A_805, %get3A_806] {strides = array<i32>} : memref<48x128xf32, #tpu.memory_space<vmem>>, vector<16xf32>,
        %mul3A_808 = arith.mulf %get3A_807, %gather3A_769 : vector<16xf32>
        %swap3A_809 = arith.index_cast %scan3A_763 : i32 to index
        %swap3A_810 = arith.constant 80 : index
        %swap3A_811 = tpu.vector_load %arg14[%swap3A_809, %swap3A_810] {strides = array<i32>} : memref<48x128xf32, #tpu.memory_space<vmem>>, vector<16xf32>,
        tpu.vector_store %arg14[%swap3A_809, %swap3A_810], %mul3A_808 {strides = array<i32>} : memref<48x128xf32, #tpu.memory_space<vmem>>, vector<16xf32>,
        %get3A_812 = arith.index_cast %scan3A_763 : i32 to index
        %get3A_813 = arith.constant 96 : index
        %get3A_814 = tpu.vector_load %arg14[%get3A_812, %get3A_813] {strides = array<i32>} : memref<48x128xf32, #tpu.memory_space<vmem>>, vector<16xf32>,
        %mul3A_815 = arith.mulf %get3A_814, %gather3A_769 : vector<16xf32>
        %swap3A_816 = arith.index_cast %scan3A_763 : i32 to index
        %swap3A_817 = arith.constant 96 : index
        %swap3A_818 = tpu.vector_load %arg14[%swap3A_816, %swap3A_817] {strides = array<i32>} : memref<48x128xf32, #tpu.memory_space<vmem>>, vector<16xf32>,
        tpu.vector_store %arg14[%swap3A_816, %swap3A_817], %mul3A_815 {strides = array<i32>} : memref<48x128xf32, #tpu.memory_space<vmem>>, vector<16xf32>,
        %get3A_819 = arith.index_cast %scan3A_763 : i32 to index
        %get3A_820 = arith.constant 112 : index
        %get3A_821 = tpu.vector_load %arg14[%get3A_819, %get3A_820] {strides = array<i32>} : memref<48x128xf32, #tpu.memory_space<vmem>>, vector<16xf32>,
        %mul3A_822 = arith.mulf %get3A_821, %gather3A_769 : vector<16xf32>
        %swap3A_823 = arith.index_cast %scan3A_763 : i32 to index
        %swap3A_824 = arith.constant 112 : index
        %swap3A_825 = tpu.vector_load %arg14[%swap3A_823, %swap3A_824] {strides = array<i32>} : memref<48x128xf32, #tpu.memory_space<vmem>>, vector<16xf32>,
        tpu.vector_store %arg14[%swap3A_823, %swap3A_824], %mul3A_822 {strides = array<i32>} : memref<48x128xf32, #tpu.memory_space<vmem>>, vector<16xf32>,
        %scan3A_826 = arith.constant 0 : i32
        %scan3A_827 = arith.constant 7 : i32
        %scan3A_828 = arith.addi %scan3A_372, %scan3A_827 : i32
        %mul3A_829 = arith.constant 0 : i32
        %mul3A_830 = vector.broadcast %mul3A_829 : i32 to vector<16xi32>
        %mul3A_831 = arith.muli %iota3A, %mul3A_830 : vector<16xi32>
        %add3A_832 = vector.broadcast %scan3A_828 : i32 to vector<16xi32>
        %add3A_833 = arith.addi %mul3A_831, %add3A_832 : vector<16xi32>
        %gather3A_834 = tpu.vector_load_idx %arg16[%add3A_833] : memref<48xf32, #tpu.memory_space<vmem>>[vector<16xi32>], vector<16xf32>,
        %get3A_835 = arith.index_cast %scan3A_828 : i32 to index
        %get3A_836 = arith.constant 0 : index
        %get3A_837 = tpu.vector_load %arg14[%get3A_835, %get3A_836] {strides = array<i32>} : memref<48x128xf32, #tpu.memory_space<vmem>>, vector<16xf32>,
        %mul3A_838 = arith.mulf %get3A_837, %gather3A_834 : vector<16xf32>
        %swap3A_839 = arith.index_cast %scan3A_828 : i32 to index
        %swap3A_840 = arith.constant 0 : index
        %swap3A_841 = tpu.vector_load %arg14[%swap3A_839, %swap3A_840] {strides = array<i32>} : memref<48x128xf32, #tpu.memory_space<vmem>>, vector<16xf32>,
        tpu.vector_store %arg14[%swap3A_839, %swap3A_840], %mul3A_838 {strides = array<i32>} : memref<48x128xf32, #tpu.memory_space<vmem>>, vector<16xf32>,
        %get3A_842 = arith.index_cast %scan3A_828 : i32 to index
        %get3A_843 = arith.constant 16 : index
        %get3A_844 = tpu.vector_load %arg14[%get3A_842, %get3A_843] {strides = array<i32>} : memref<48x128xf32, #tpu.memory_space<vmem>>, vector<16xf32>,
        %mul3A_845 = arith.mulf %get3A_844, %gather3A_834 : vector<16xf32>
        %swap3A_846 = arith.index_cast %scan3A_828 : i32 to index
        %swap3A_847 = arith.constant 16 : index
        %swap3A_848 = tpu.vector_load %arg14[%swap3A_846, %swap3A_847] {strides = array<i32>} : memref<48x128xf32, #tpu.memory_space<vmem>>, vector<16xf32>,
        tpu.vector_store %arg14[%swap3A_846, %swap3A_847], %mul3A_845 {strides = array<i32>} : memref<48x128xf32, #tpu.memory_space<vmem>>, vector<16xf32>,
        %get3A_849 = arith.index_cast %scan3A_828 : i32 to index
        %get3A_850 = arith.constant 32 : index
        %get3A_851 = tpu.vector_load %arg14[%get3A_849, %get3A_850] {strides = array<i32>} : memref<48x128xf32, #tpu.memory_space<vmem>>, vector<16xf32>,
        %mul3A_852 = arith.mulf %get3A_851, %gather3A_834 : vector<16xf32>
        %swap3A_853 = arith.index_cast %scan3A_828 : i32 to index
        %swap3A_854 = arith.constant 32 : index
        %swap3A_855 = tpu.vector_load %arg14[%swap3A_853, %swap3A_854] {strides = array<i32>} : memref<48x128xf32, #tpu.memory_space<vmem>>, vector<16xf32>,
        tpu.vector_store %arg14[%swap3A_853, %swap3A_854], %mul3A_852 {strides = array<i32>} : memref<48x128xf32, #tpu.memory_space<vmem>>, vector<16xf32>,
        %get3A_856 = arith.index_cast %scan3A_828 : i32 to index
        %get3A_857 = arith.constant 48 : index
        %get3A_858 = tpu.vector_load %arg14[%get3A_856, %get3A_857] {strides = array<i32>} : memref<48x128xf32, #tpu.memory_space<vmem>>, vector<16xf32>,
        %mul3A_859 = arith.mulf %get3A_858, %gather3A_834 : vector<16xf32>
        %swap3A_860 = arith.index_cast %scan3A_828 : i32 to index
        %swap3A_861 = arith.constant 48 : index
        %swap3A_862 = tpu.vector_load %arg14[%swap3A_860, %swap3A_861] {strides = array<i32>} : memref<48x128xf32, #tpu.memory_space<vmem>>, vector<16xf32>,
        tpu.vector_store %arg14[%swap3A_860, %swap3A_861], %mul3A_859 {strides = array<i32>} : memref<48x128xf32, #tpu.memory_space<vmem>>, vector<16xf32>,
        %get3A_863 = arith.index_cast %scan3A_828 : i32 to index
        %get3A_864 = arith.constant 64 : index
        %get3A_865 = tpu.vector_load %arg14[%get3A_863, %get3A_864] {strides = array<i32>} : memref<48x128xf32, #tpu.memory_space<vmem>>, vector<16xf32>,
        %mul3A_866 = arith.mulf %get3A_865, %gather3A_834 : vector<16xf32>
        %swap3A_867 = arith.index_cast %scan3A_828 : i32 to index
        %swap3A_868 = arith.constant 64 : index
        %swap3A_869 = tpu.vector_load %arg14[%swap3A_867, %swap3A_868] {strides = array<i32>} : memref<48x128xf32, #tpu.memory_space<vmem>>, vector<16xf32>,
        tpu.vector_store %arg14[%swap3A_867, %swap3A_868], %mul3A_866 {strides = array<i32>} : memref<48x128xf32, #tpu.memory_space<vmem>>, vector<16xf32>,
        %get3A_870 = arith.index_cast %scan3A_828 : i32 to index
        %get3A_871 = arith.constant 80 : index
        %get3A_872 = tpu.vector_load %arg14[%get3A_870, %get3A_871] {strides = array<i32>} : memref<48x128xf32, #tpu.memory_space<vmem>>, vector<16xf32>,
        %mul3A_873 = arith.mulf %get3A_872, %gather3A_834 : vector<16xf32>
        %swap3A_874 = arith.index_cast %scan3A_828 : i32 to index
        %swap3A_875 = arith.constant 80 : index
        %swap3A_876 = tpu.vector_load %arg14[%swap3A_874, %swap3A_875] {strides = array<i32>} : memref<48x128xf32, #tpu.memory_space<vmem>>, vector<16xf32>,
        tpu.vector_store %arg14[%swap3A_874, %swap3A_875], %mul3A_873 {strides = array<i32>} : memref<48x128xf32, #tpu.memory_space<vmem>>, vector<16xf32>,
        %get3A_877 = arith.index_cast %scan3A_828 : i32 to index
        %get3A_878 = arith.constant 96 : index
        %get3A_879 = tpu.vector_load %arg14[%get3A_877, %get3A_878] {strides = array<i32>} : memref<48x128xf32, #tpu.memory_space<vmem>>, vector<16xf32>,
        %mul3A_880 = arith.mulf %get3A_879, %gather3A_834 : vector<16xf32>
        %swap3A_881 = arith.index_cast %scan3A_828 : i32 to index
        %swap3A_882 = arith.constant 96 : index
        %swap3A_883 = tpu.vector_load %arg14[%swap3A_881, %swap3A_882] {strides = array<i32>} : memref<48x128xf32, #tpu.memory_space<vmem>>, vector<16xf32>,
        tpu.vector_store %arg14[%swap3A_881, %swap3A_882], %mul3A_880 {strides = array<i32>} : memref<48x128xf32, #tpu.memory_space<vmem>>, vector<16xf32>,
        %get3A_884 = arith.index_cast %scan3A_828 : i32 to index
        %get3A_885 = arith.constant 112 : index
        %get3A_886 = tpu.vector_load %arg14[%get3A_884, %get3A_885] {strides = array<i32>} : memref<48x128xf32, #tpu.memory_space<vmem>>, vector<16xf32>,
        %mul3A_887 = arith.mulf %get3A_886, %gather3A_834 : vector<16xf32>
        %swap3A_888 = arith.index_cast %scan3A_828 : i32 to index
        %swap3A_889 = arith.constant 112 : index
        %swap3A_890 = tpu.vector_load %arg14[%swap3A_888, %swap3A_889] {strides = array<i32>} : memref<48x128xf32, #tpu.memory_space<vmem>>, vector<16xf32>,
        tpu.vector_store %arg14[%swap3A_888, %swap3A_889], %mul3A_887 {strides = array<i32>} : memref<48x128xf32, #tpu.memory_space<vmem>>, vector<16xf32>,
        %scan3A_891 = arith.constant 0 : i32
        scf.yield %scan3A_891 : i32
      }
      %scan3A_255 = arith.constant 48 : i32
      %dma_start3A_256 = arith.constant 0 : i32
      %dma_start3A_257 = tpu.memref_slice %arg13[%and3A_164, %select_n3A_182, %dma_start3A_256] : memref<2x8x48xi32, #tpu.memory_space<vmem>> -> memref<1x1x48xi32, #tpu.memory_space<vmem>>
      %dma_start3A_258 = tpu.memref_squeeze %dma_start3A_257 : memref<1x1x48xi32, #tpu.memory_space<vmem>> -> memref<48xi32, #tpu.memory_space<vmem>>
      %dma_start3A_259 = arith.constant 0 : i32
      %dma_start3A_260 = arith.constant 0 : i32
      %dma_start3A_261 = tpu.memref_slice %arg9[%dma_start3A_259, %dma_start3A_260] : memref<10112x128xf32, #tpu.memory_space<vmem_shared>> -> memref<10112x128xf32, #tpu.memory_space<vmem_shared>>
      tpu.enqueue_indirect_dma source(%arg14 : memref<48x128xf32, #tpu.memory_space<vmem>>) target(%dma_start3A_261 : memref<10112x128xf32, #tpu.memory_space<vmem_shared>>) offsets(%dma_start3A_258 : memref<48xi32, #tpu.memory_space<vmem>>) semaphore(%arg20 : memref<!tpu.dma_semaphore, #tpu.memory_space<semaphore_mem>>) {add = true}
      %get3A_262 = arith.index_cast %and3A_164 : i32 to index
      %get3A_263 = arith.index_cast %add3A_184 : i32 to index
      %get3A_264 = arith.constant 0 : index
      %get3A_265 = tpu.vector_load %arg12[%get3A_262, %get3A_263, %get3A_264] {strides = array<i32>} : memref<2x8x48xi32, #tpu.memory_space<vmem>>, vector<16xi32>,
      %get3A_266 = arith.index_cast %and3A_164 : i32 to index
      %get3A_267 = arith.index_cast %add3A_184 : i32 to index
      %get3A_268 = arith.constant 0 : index
      %get3A_269 = tpu.vector_load %arg13[%get3A_266, %get3A_267, %get3A_268] {strides = array<i32>} : memref<2x8x48xi32, #tpu.memory_space<vmem>>, vector<16xi32>,
      %gather3A_270 = tpu.vector_load_idx %arg10[%get3A_265] : memref<10112xf32, #tpu.memory_space<vmem>>[vector<16xi32>], vector<16xf32>,
      %gather3A_271 = tpu.vector_load_idx %arg11[%get3A_269] : memref<10112xf32, #tpu.memory_space<vmem>>[vector<16xi32>], vector<16xf32>,
      %add3A_272 = arith.addf %gather3A_270, %gather3A_271 : vector<16xf32>
      %mul3A_273 = arith.constant 2.000000e-01 : f32
      %mul3A_274 = vector.broadcast %mul3A_273 : f32 to vector<16xf32>
      %mul3A_275 = arith.mulf %mul3A_274, %add3A_272 : vector<16xf32>
      %max3A_276 = arith.maximumf %add3A_272, %mul3A_275 : vector<16xf32>
      %exp3A_277 = math.exp %max3A_276 : vector<16xf32>
      %swap3A_278 = arith.constant 0 : index
      %swap3A_279 = tpu.vector_load %arg16[%swap3A_278] {strides = array<i32>} : memref<48xf32, #tpu.memory_space<vmem>>, vector<16xf32>,
      tpu.vector_store %arg16[%swap3A_278], %exp3A_277 {strides = array<i32>} : memref<48xf32, #tpu.memory_space<vmem>>, vector<16xf32>,
      tpu.vector_store_idx %arg17[%get3A_269], %exp3A_277 {add = true} : memref<10112xf32, #tpu.memory_space<vmem>>[vector<16xi32>], vector<16xf32>,
      %get3A_280 = arith.index_cast %and3A_164 : i32 to index
      %get3A_281 = arith.index_cast %add3A_184 : i32 to index
      %get3A_282 = arith.constant 16 : index
      %get3A_283 = tpu.vector_load %arg12[%get3A_280, %get3A_281, %get3A_282] {strides = array<i32>} : memref<2x8x48xi32, #tpu.memory_space<vmem>>, vector<16xi32>,
      %get3A_284 = arith.index_cast %and3A_164 : i32 to index
      %get3A_285 = arith.index_cast %add3A_184 : i32 to index
      %get3A_286 = arith.constant 16 : index
      %get3A_287 = tpu.vector_load %arg13[%get3A_284, %get3A_285, %get3A_286] {strides = array<i32>} : memref<2x8x48xi32, #tpu.memory_space<vmem>>, vector<16xi32>,
      %gather3A_288 = tpu.vector_load_idx %arg10[%get3A_283] : memref<10112xf32, #tpu.memory_space<vmem>>[vector<16xi32>], vector<16xf32>,
      %gather3A_289 = tpu.vector_load_idx %arg11[%get3A_287] : memref<10112xf32, #tpu.memory_space<vmem>>[vector<16xi32>], vector<16xf32>,
      %add3A_290 = arith.addf %gather3A_288, %gather3A_289 : vector<16xf32>
      %mul3A_291 = arith.constant 2.000000e-01 : f32
      %mul3A_292 = vector.broadcast %mul3A_291 : f32 to vector<16xf32>
      %mul3A_293 = arith.mulf %mul3A_292, %add3A_290 : vector<16xf32>
      %max3A_294 = arith.maximumf %add3A_290, %mul3A_293 : vector<16xf32>
      %exp3A_295 = math.exp %max3A_294 : vector<16xf32>
      %swap3A_296 = arith.constant 16 : index
      %swap3A_297 = tpu.vector_load %arg16[%swap3A_296] {strides = array<i32>} : memref<48xf32, #tpu.memory_space<vmem>>, vector<16xf32>,
      tpu.vector_store %arg16[%swap3A_296], %exp3A_295 {strides = array<i32>} : memref<48xf32, #tpu.memory_space<vmem>>, vector<16xf32>,
      tpu.vector_store_idx %arg17[%get3A_287], %exp3A_295 {add = true} : memref<10112xf32, #tpu.memory_space<vmem>>[vector<16xi32>], vector<16xf32>,
      %get3A_298 = arith.index_cast %and3A_164 : i32 to index
      %get3A_299 = arith.index_cast %add3A_184 : i32 to index
      %get3A_300 = arith.constant 32 : index
      %get3A_301 = tpu.vector_load %arg12[%get3A_298, %get3A_299, %get3A_300] {strides = array<i32>} : memref<2x8x48xi32, #tpu.memory_space<vmem>>, vector<16xi32>,
      %get3A_302 = arith.index_cast %and3A_164 : i32 to index
      %get3A_303 = arith.index_cast %add3A_184 : i32 to index
      %get3A_304 = arith.constant 32 : index
      %get3A_305 = tpu.vector_load %arg13[%get3A_302, %get3A_303, %get3A_304] {strides = array<i32>} : memref<2x8x48xi32, #tpu.memory_space<vmem>>, vector<16xi32>,
      %gather3A_306 = tpu.vector_load_idx %arg10[%get3A_301] : memref<10112xf32, #tpu.memory_space<vmem>>[vector<16xi32>], vector<16xf32>,
      %gather3A_307 = tpu.vector_load_idx %arg11[%get3A_305] : memref<10112xf32, #tpu.memory_space<vmem>>[vector<16xi32>], vector<16xf32>,
      %add3A_308 = arith.addf %gather3A_306, %gather3A_307 : vector<16xf32>
      %mul3A_309 = arith.constant 2.000000e-01 : f32
      %mul3A_310 = vector.broadcast %mul3A_309 : f32 to vector<16xf32>
      %mul3A_311 = arith.mulf %mul3A_310, %add3A_308 : vector<16xf32>
      %max3A_312 = arith.maximumf %add3A_308, %mul3A_311 : vector<16xf32>
      %exp3A_313 = math.exp %max3A_312 : vector<16xf32>
      %swap3A_314 = arith.constant 32 : index
      %swap3A_315 = tpu.vector_load %arg16[%swap3A_314] {strides = array<i32>} : memref<48xf32, #tpu.memory_space<vmem>>, vector<16xf32>,
      tpu.vector_store %arg16[%swap3A_314], %exp3A_313 {strides = array<i32>} : memref<48xf32, #tpu.memory_space<vmem>>, vector<16xf32>,
      tpu.vector_store_idx %arg17[%get3A_305], %exp3A_313 {add = true} : memref<10112xf32, #tpu.memory_space<vmem>>[vector<16xi32>], vector<16xf32>,
      %dma_wait3A_316 = arith.constant 0 : i32
      %dma_wait3A_317 = tpu.memref_slice %arg12[%and3A_164, %add3A_184, %dma_wait3A_316] : memref<2x8x48xi32, #tpu.memory_space<vmem>> -> memref<1x1x48xi32, #tpu.memory_space<vmem>>
      %dma_wait3A_318 = tpu.memref_squeeze %dma_wait3A_317 : memref<1x1x48xi32, #tpu.memory_space<vmem>> -> memref<48xi32, #tpu.memory_space<vmem>>
      %dma_wait3A_319 = arith.constant 0 : i32
      %dma_wait3A_320 = arith.constant 0 : i32
      %dma_wait3A_321 = tpu.memref_slice %arg2[%dma_wait3A_319, %dma_wait3A_320] : memref<10112x128xf32, #tpu.memory_space<hbm>> -> memref<10112x128xf32, #tpu.memory_space<hbm>>
      tpu.wait_indirect_dma semaphore(%arg19 : memref<!tpu.dma_semaphore, #tpu.memory_space<semaphore_mem>>) src(%dma_wait3A_321 : memref<10112x128xf32, #tpu.memory_space<hbm>>) dst(%arg15 : memref<48x128xf32, #tpu.memory_space<vmem>>)
      %scan3A_322 = arith.constant 0 : i32
      %scan3A_323 = arith.constant 0 : i32
      %scan3A_324 = arith.constant 48 : i32
      %scan3A_325 = arith.addi %scan3A_323, %scan3A_324 : i32
      %scan3A_326 = arith.constant 8 : i32
      %scan3A_327 = scf.for %scan3A_372 = %scan3A_323 to %scan3A_325 step %scan3A_326 iter_args(%scan3A_373 = %scan3A_322) -> (i32)  : i32 {
        %mul3A_374 = arith.constant 0 : i32
        %mul3A_375 = vector.broadcast %mul3A_374 : i32 to vector<16xi32>
        %mul3A_376 = arith.muli %iota3A, %mul3A_375 : vector<16xi32>
        %add3A_377 = vector.broadcast %scan3A_372 : i32 to vector<16xi32>
        %add3A_378 = arith.addi %mul3A_376, %add3A_377 : vector<16xi32>
        %gather3A_379 = tpu.vector_load_idx %arg16[%add3A_378] : memref<48xf32, #tpu.memory_space<vmem>>[vector<16xi32>], vector<16xf32>,
        %get3A_380 = arith.index_cast %scan3A_372 : i32 to index
        %get3A_381 = arith.constant 0 : index
        %get3A_382 = tpu.vector_load %arg15[%get3A_380, %get3A_381] {strides = array<i32>} : memref<48x128xf32, #tpu.memory_space<vmem>>, vector<16xf32>,
        %mul3A_383 = arith.mulf %get3A_382, %gather3A_379 : vector<16xf32>
        %swap3A_384 = arith.index_cast %scan3A_372 : i32 to index
        %swap3A_385 = arith.constant 0 : index
        %swap3A_386 = tpu.vector_load %arg15[%swap3A_384, %swap3A_385] {strides = array<i32>} : memref<48x128xf32, #tpu.memory_space<vmem>>, vector<16xf32>,
        tpu.vector_store %arg15[%swap3A_384, %swap3A_385], %mul3A_383 {strides = array<i32>} : memref<48x128xf32, #tpu.memory_space<vmem>>, vector<16xf32>,
        %get3A_387 = arith.index_cast %scan3A_372 : i32 to index
        %get3A_388 = arith.constant 16 : index
        %get3A_389 = tpu.vector_load %arg15[%get3A_387, %get3A_388] {strides = array<i32>} : memref<48x128xf32, #tpu.memory_space<vmem>>, vector<16xf32>,
        %mul3A_390 = arith.mulf %get3A_389, %gather3A_379 : vector<16xf32>
        %swap3A_391 = arith.index_cast %scan3A_372 : i32 to index
        %swap3A_392 = arith.constant 16 : index
        %swap3A_393 = tpu.vector_load %arg15[%swap3A_391, %swap3A_392] {strides = array<i32>} : memref<48x128xf32, #tpu.memory_space<vmem>>, vector<16xf32>,
        tpu.vector_store %arg15[%swap3A_391, %swap3A_392], %mul3A_390 {strides = array<i32>} : memref<48x128xf32, #tpu.memory_space<vmem>>, vector<16xf32>,
        %get3A_394 = arith.index_cast %scan3A_372 : i32 to index
        %get3A_395 = arith.constant 32 : index
        %get3A_396 = tpu.vector_load %arg15[%get3A_394, %get3A_395] {strides = array<i32>} : memref<48x128xf32, #tpu.memory_space<vmem>>, vector<16xf32>,
        %mul3A_397 = arith.mulf %get3A_396, %gather3A_379 : vector<16xf32>
        %swap3A_398 = arith.index_cast %scan3A_372 : i32 to index
        %swap3A_399 = arith.constant 32 : index
        %swap3A_400 = tpu.vector_load %arg15[%swap3A_398, %swap3A_399] {strides = array<i32>} : memref<48x128xf32, #tpu.memory_space<vmem>>, vector<16xf32>,
        tpu.vector_store %arg15[%swap3A_398, %swap3A_399], %mul3A_397 {strides = array<i32>} : memref<48x128xf32, #tpu.memory_space<vmem>>, vector<16xf32>,
        %get3A_401 = arith.index_cast %scan3A_372 : i32 to index
        %get3A_402 = arith.constant 48 : index
        %get3A_403 = tpu.vector_load %arg15[%get3A_401, %get3A_402] {strides = array<i32>} : memref<48x128xf32, #tpu.memory_space<vmem>>, vector<16xf32>,
        %mul3A_404 = arith.mulf %get3A_403, %gather3A_379 : vector<16xf32>
        %swap3A_405 = arith.index_cast %scan3A_372 : i32 to index
        %swap3A_406 = arith.constant 48 : index
        %swap3A_407 = tpu.vector_load %arg15[%swap3A_405, %swap3A_406] {strides = array<i32>} : memref<48x128xf32, #tpu.memory_space<vmem>>, vector<16xf32>,
        tpu.vector_store %arg15[%swap3A_405, %swap3A_406], %mul3A_404 {strides = array<i32>} : memref<48x128xf32, #tpu.memory_space<vmem>>, vector<16xf32>,
        %get3A_408 = arith.index_cast %scan3A_372 : i32 to index
        %get3A_409 = arith.constant 64 : index
        %get3A_410 = tpu.vector_load %arg15[%get3A_408, %get3A_409] {strides = array<i32>} : memref<48x128xf32, #tpu.memory_space<vmem>>, vector<16xf32>,
        %mul3A_411 = arith.mulf %get3A_410, %gather3A_379 : vector<16xf32>
        %swap3A_412 = arith.index_cast %scan3A_372 : i32 to index
        %swap3A_413 = arith.constant 64 : index
        %swap3A_414 = tpu.vector_load %arg15[%swap3A_412, %swap3A_413] {strides = array<i32>} : memref<48x128xf32, #tpu.memory_space<vmem>>, vector<16xf32>,
        tpu.vector_store %arg15[%swap3A_412, %swap3A_413], %mul3A_411 {strides = array<i32>} : memref<48x128xf32, #tpu.memory_space<vmem>>, vector<16xf32>,
        %get3A_415 = arith.index_cast %scan3A_372 : i32 to index
        %get3A_416 = arith.constant 80 : index
        %get3A_417 = tpu.vector_load %arg15[%get3A_415, %get3A_416] {strides = array<i32>} : memref<48x128xf32, #tpu.memory_space<vmem>>, vector<16xf32>,
        %mul3A_418 = arith.mulf %get3A_417, %gather3A_379 : vector<16xf32>
        %swap3A_419 = arith.index_cast %scan3A_372 : i32 to index
        %swap3A_420 = arith.constant 80 : index
        %swap3A_421 = tpu.vector_load %arg15[%swap3A_419, %swap3A_420] {strides = array<i32>} : memref<48x128xf32, #tpu.memory_space<vmem>>, vector<16xf32>,
        tpu.vector_store %arg15[%swap3A_419, %swap3A_420], %mul3A_418 {strides = array<i32>} : memref<48x128xf32, #tpu.memory_space<vmem>>, vector<16xf32>,
        %get3A_422 = arith.index_cast %scan3A_372 : i32 to index
        %get3A_423 = arith.constant 96 : index
        %get3A_424 = tpu.vector_load %arg15[%get3A_422, %get3A_423] {strides = array<i32>} : memref<48x128xf32, #tpu.memory_space<vmem>>, vector<16xf32>,
        %mul3A_425 = arith.mulf %get3A_424, %gather3A_379 : vector<16xf32>
        %swap3A_426 = arith.index_cast %scan3A_372 : i32 to index
        %swap3A_427 = arith.constant 96 : index
        %swap3A_428 = tpu.vector_load %arg15[%swap3A_426, %swap3A_427] {strides = array<i32>} : memref<48x128xf32, #tpu.memory_space<vmem>>, vector<16xf32>,
        tpu.vector_store %arg15[%swap3A_426, %swap3A_427], %mul3A_425 {strides = array<i32>} : memref<48x128xf32, #tpu.memory_space<vmem>>, vector<16xf32>,
        %get3A_429 = arith.index_cast %scan3A_372 : i32 to index
        %get3A_430 = arith.constant 112 : index
        %get3A_431 = tpu.vector_load %arg15[%get3A_429, %get3A_430] {strides = array<i32>} : memref<48x128xf32, #tpu.memory_space<vmem>>, vector<16xf32>,
        %mul3A_432 = arith.mulf %get3A_431, %gather3A_379 : vector<16xf32>
        %swap3A_433 = arith.index_cast %scan3A_372 : i32 to index
        %swap3A_434 = arith.constant 112 : index
        %swap3A_435 = tpu.vector_load %arg15[%swap3A_433, %swap3A_434] {strides = array<i32>} : memref<48x128xf32, #tpu.memory_space<vmem>>, vector<16xf32>,
        tpu.vector_store %arg15[%swap3A_433, %swap3A_434], %mul3A_432 {strides = array<i32>} : memref<48x128xf32, #tpu.memory_space<vmem>>, vector<16xf32>,
        %scan3A_436 = arith.constant 0 : i32
        %scan3A_437 = arith.constant 1 : i32
        %scan3A_438 = arith.addi %scan3A_372, %scan3A_437 : i32
        %mul3A_439 = arith.constant 0 : i32
        %mul3A_440 = vector.broadcast %mul3A_439 : i32 to vector<16xi32>
        %mul3A_441 = arith.muli %iota3A, %mul3A_440 : vector<16xi32>
        %add3A_442 = vector.broadcast %scan3A_438 : i32 to vector<16xi32>
        %add3A_443 = arith.addi %mul3A_441, %add3A_442 : vector<16xi32>
        %gather3A_444 = tpu.vector_load_idx %arg16[%add3A_443] : memref<48xf32, #tpu.memory_space<vmem>>[vector<16xi32>], vector<16xf32>,
        %get3A_445 = arith.index_cast %scan3A_438 : i32 to index
        %get3A_446 = arith.constant 0 : index
        %get3A_447 = tpu.vector_load %arg15[%get3A_445, %get3A_446] {strides = array<i32>} : memref<48x128xf32, #tpu.memory_space<vmem>>, vector<16xf32>,
        %mul3A_448 = arith.mulf %get3A_447, %gather3A_444 : vector<16xf32>
        %swap3A_449 = arith.index_cast %scan3A_438 : i32 to index
        %swap3A_450 = arith.constant 0 : index
        %swap3A_451 = tpu.vector_load %arg15[%swap3A_449, %swap3A_450] {strides = array<i32>} : memref<48x128xf32, #tpu.memory_space<vmem>>, vector<16xf32>,
        tpu.vector_store %arg15[%swap3A_449, %swap3A_450], %mul3A_448 {strides = array<i32>} : memref<48x128xf32, #tpu.memory_space<vmem>>, vector<16xf32>,
        %get3A_452 = arith.index_cast %scan3A_438 : i32 to index
        %get3A_453 = arith.constant 16 : index
        %get3A_454 = tpu.vector_load %arg15[%get3A_452, %get3A_453] {strides = array<i32>} : memref<48x128xf32, #tpu.memory_space<vmem>>, vector<16xf32>,
        %mul3A_455 = arith.mulf %get3A_454, %gather3A_444 : vector<16xf32>
        %swap3A_456 = arith.index_cast %scan3A_438 : i32 to index
        %swap3A_457 = arith.constant 16 : index
        %swap3A_458 = tpu.vector_load %arg15[%swap3A_456, %swap3A_457] {strides = array<i32>} : memref<48x128xf32, #tpu.memory_space<vmem>>, vector<16xf32>,
        tpu.vector_store %arg15[%swap3A_456, %swap3A_457], %mul3A_455 {strides = array<i32>} : memref<48x128xf32, #tpu.memory_space<vmem>>, vector<16xf32>,
        %get3A_459 = arith.index_cast %scan3A_438 : i32 to index
        %get3A_460 = arith.constant 32 : index
        %get3A_461 = tpu.vector_load %arg15[%get3A_459, %get3A_460] {strides = array<i32>} : memref<48x128xf32, #tpu.memory_space<vmem>>, vector<16xf32>,
        %mul3A_462 = arith.mulf %get3A_461, %gather3A_444 : vector<16xf32>
        %swap3A_463 = arith.index_cast %scan3A_438 : i32 to index
        %swap3A_464 = arith.constant 32 : index
        %swap3A_465 = tpu.vector_load %arg15[%swap3A_463, %swap3A_464] {strides = array<i32>} : memref<48x128xf32, #tpu.memory_space<vmem>>, vector<16xf32>,
        tpu.vector_store %arg15[%swap3A_463, %swap3A_464], %mul3A_462 {strides = array<i32>} : memref<48x128xf32, #tpu.memory_space<vmem>>, vector<16xf32>,
        %get3A_466 = arith.index_cast %scan3A_438 : i32 to index
        %get3A_467 = arith.constant 48 : index
        %get3A_468 = tpu.vector_load %arg15[%get3A_466, %get3A_467] {strides = array<i32>} : memref<48x128xf32, #tpu.memory_space<vmem>>, vector<16xf32>,
        %mul3A_469 = arith.mulf %get3A_468, %gather3A_444 : vector<16xf32>
        %swap3A_470 = arith.index_cast %scan3A_438 : i32 to index
        %swap3A_471 = arith.constant 48 : index
        %swap3A_472 = tpu.vector_load %arg15[%swap3A_470, %swap3A_471] {strides = array<i32>} : memref<48x128xf32, #tpu.memory_space<vmem>>, vector<16xf32>,
        tpu.vector_store %arg15[%swap3A_470, %swap3A_471], %mul3A_469 {strides = array<i32>} : memref<48x128xf32, #tpu.memory_space<vmem>>, vector<16xf32>,
        %get3A_473 = arith.index_cast %scan3A_438 : i32 to index
        %get3A_474 = arith.constant 64 : index
        %get3A_475 = tpu.vector_load %arg15[%get3A_473, %get3A_474] {strides = array<i32>} : memref<48x128xf32, #tpu.memory_space<vmem>>, vector<16xf32>,
        %mul3A_476 = arith.mulf %get3A_475, %gather3A_444 : vector<16xf32>
        %swap3A_477 = arith.index_cast %scan3A_438 : i32 to index
        %swap3A_478 = arith.constant 64 : index
        %swap3A_479 = tpu.vector_load %arg15[%swap3A_477, %swap3A_478] {strides = array<i32>} : memref<48x128xf32, #tpu.memory_space<vmem>>, vector<16xf32>,
        tpu.vector_store %arg15[%swap3A_477, %swap3A_478], %mul3A_476 {strides = array<i32>} : memref<48x128xf32, #tpu.memory_space<vmem>>, vector<16xf32>,
        %get3A_480 = arith.index_cast %scan3A_438 : i32 to index
        %get3A_481 = arith.constant 80 : index
        %get3A_482 = tpu.vector_load %arg15[%get3A_480, %get3A_481] {strides = array<i32>} : memref<48x128xf32, #tpu.memory_space<vmem>>, vector<16xf32>,
        %mul3A_483 = arith.mulf %get3A_482, %gather3A_444 : vector<16xf32>
        %swap3A_484 = arith.index_cast %scan3A_438 : i32 to index
        %swap3A_485 = arith.constant 80 : index
        %swap3A_486 = tpu.vector_load %arg15[%swap3A_484, %swap3A_485] {strides = array<i32>} : memref<48x128xf32, #tpu.memory_space<vmem>>, vector<16xf32>,
        tpu.vector_store %arg15[%swap3A_484, %swap3A_485], %mul3A_483 {strides = array<i32>} : memref<48x128xf32, #tpu.memory_space<vmem>>, vector<16xf32>,
        %get3A_487 = arith.index_cast %scan3A_438 : i32 to index
        %get3A_488 = arith.constant 96 : index
        %get3A_489 = tpu.vector_load %arg15[%get3A_487, %get3A_488] {strides = array<i32>} : memref<48x128xf32, #tpu.memory_space<vmem>>, vector<16xf32>,
        %mul3A_490 = arith.mulf %get3A_489, %gather3A_444 : vector<16xf32>
        %swap3A_491 = arith.index_cast %scan3A_438 : i32 to index
        %swap3A_492 = arith.constant 96 : index
        %swap3A_493 = tpu.vector_load %arg15[%swap3A_491, %swap3A_492] {strides = array<i32>} : memref<48x128xf32, #tpu.memory_space<vmem>>, vector<16xf32>,
        tpu.vector_store %arg15[%swap3A_491, %swap3A_492], %mul3A_490 {strides = array<i32>} : memref<48x128xf32, #tpu.memory_space<vmem>>, vector<16xf32>,
        %get3A_494 = arith.index_cast %scan3A_438 : i32 to index
        %get3A_495 = arith.constant 112 : index
        %get3A_496 = tpu.vector_load %arg15[%get3A_494, %get3A_495] {strides = array<i32>} : memref<48x128xf32, #tpu.memory_space<vmem>>, vector<16xf32>,
        %mul3A_497 = arith.mulf %get3A_496, %gather3A_444 : vector<16xf32>
        %swap3A_498 = arith.index_cast %scan3A_438 : i32 to index
        %swap3A_499 = arith.constant 112 : index
        %swap3A_500 = tpu.vector_load %arg15[%swap3A_498, %swap3A_499] {strides = array<i32>} : memref<48x128xf32, #tpu.memory_space<vmem>>, vector<16xf32>,
        tpu.vector_store %arg15[%swap3A_498, %swap3A_499], %mul3A_497 {strides = array<i32>} : memref<48x128xf32, #tpu.memory_space<vmem>>, vector<16xf32>,
        %scan3A_501 = arith.constant 0 : i32
        %scan3A_502 = arith.constant 2 : i32
        %scan3A_503 = arith.addi %scan3A_372, %scan3A_502 : i32
        %mul3A_504 = arith.constant 0 : i32
        %mul3A_505 = vector.broadcast %mul3A_504 : i32 to vector<16xi32>
        %mul3A_506 = arith.muli %iota3A, %mul3A_505 : vector<16xi32>
        %add3A_507 = vector.broadcast %scan3A_503 : i32 to vector<16xi32>
        %add3A_508 = arith.addi %mul3A_506, %add3A_507 : vector<16xi32>
        %gather3A_509 = tpu.vector_load_idx %arg16[%add3A_508] : memref<48xf32, #tpu.memory_space<vmem>>[vector<16xi32>], vector<16xf32>,
        %get3A_510 = arith.index_cast %scan3A_503 : i32 to index
        %get3A_511 = arith.constant 0 : index
        %get3A_512 = tpu.vector_load %arg15[%get3A_510, %get3A_511] {strides = array<i32>} : memref<48x128xf32, #tpu.memory_space<vmem>>, vector<16xf32>,
        %mul3A_513 = arith.mulf %get3A_512, %gather3A_509 : vector<16xf32>
        %swap3A_514 = arith.index_cast %scan3A_503 : i32 to index
        %swap3A_515 = arith.constant 0 : index
        %swap3A_516 = tpu.vector_load %arg15[%swap3A_514, %swap3A_515] {strides = array<i32>} : memref<48x128xf32, #tpu.memory_space<vmem>>, vector<16xf32>,
        tpu.vector_store %arg15[%swap3A_514, %swap3A_515], %mul3A_513 {strides = array<i32>} : memref<48x128xf32, #tpu.memory_space<vmem>>, vector<16xf32>,
        %get3A_517 = arith.index_cast %scan3A_503 : i32 to index
        %get3A_518 = arith.constant 16 : index
        %get3A_519 = tpu.vector_load %arg15[%get3A_517, %get3A_518] {strides = array<i32>} : memref<48x128xf32, #tpu.memory_space<vmem>>, vector<16xf32>,
        %mul3A_520 = arith.mulf %get3A_519, %gather3A_509 : vector<16xf32>
        %swap3A_521 = arith.index_cast %scan3A_503 : i32 to index
        %swap3A_522 = arith.constant 16 : index
        %swap3A_523 = tpu.vector_load %arg15[%swap3A_521, %swap3A_522] {strides = array<i32>} : memref<48x128xf32, #tpu.memory_space<vmem>>, vector<16xf32>,
        tpu.vector_store %arg15[%swap3A_521, %swap3A_522], %mul3A_520 {strides = array<i32>} : memref<48x128xf32, #tpu.memory_space<vmem>>, vector<16xf32>,
        %get3A_524 = arith.index_cast %scan3A_503 : i32 to index
        %get3A_525 = arith.constant 32 : index
        %get3A_526 = tpu.vector_load %arg15[%get3A_524, %get3A_525] {strides = array<i32>} : memref<48x128xf32, #tpu.memory_space<vmem>>, vector<16xf32>,
        %mul3A_527 = arith.mulf %get3A_526, %gather3A_509 : vector<16xf32>
        %swap3A_528 = arith.index_cast %scan3A_503 : i32 to index
        %swap3A_529 = arith.constant 32 : index
        %swap3A_530 = tpu.vector_load %arg15[%swap3A_528, %swap3A_529] {strides = array<i32>} : memref<48x128xf32, #tpu.memory_space<vmem>>, vector<16xf32>,
        tpu.vector_store %arg15[%swap3A_528, %swap3A_529], %mul3A_527 {strides = array<i32>} : memref<48x128xf32, #tpu.memory_space<vmem>>, vector<16xf32>,
        %get3A_531 = arith.index_cast %scan3A_503 : i32 to index
        %get3A_532 = arith.constant 48 : index
        %get3A_533 = tpu.vector_load %arg15[%get3A_531, %get3A_532] {strides = array<i32>} : memref<48x128xf32, #tpu.memory_space<vmem>>, vector<16xf32>,
        %mul3A_534 = arith.mulf %get3A_533, %gather3A_509 : vector<16xf32>
        %swap3A_535 = arith.index_cast %scan3A_503 : i32 to index
        %swap3A_536 = arith.constant 48 : index
        %swap3A_537 = tpu.vector_load %arg15[%swap3A_535, %swap3A_536] {strides = array<i32>} : memref<48x128xf32, #tpu.memory_space<vmem>>, vector<16xf32>,
        tpu.vector_store %arg15[%swap3A_535, %swap3A_536], %mul3A_534 {strides = array<i32>} : memref<48x128xf32, #tpu.memory_space<vmem>>, vector<16xf32>,
        %get3A_538 = arith.index_cast %scan3A_503 : i32 to index
        %get3A_539 = arith.constant 64 : index
        %get3A_540 = tpu.vector_load %arg15[%get3A_538, %get3A_539] {strides = array<i32>} : memref<48x128xf32, #tpu.memory_space<vmem>>, vector<16xf32>,
        %mul3A_541 = arith.mulf %get3A_540, %gather3A_509 : vector<16xf32>
        %swap3A_542 = arith.index_cast %scan3A_503 : i32 to index
        %swap3A_543 = arith.constant 64 : index
        %swap3A_544 = tpu.vector_load %arg15[%swap3A_542, %swap3A_543] {strides = array<i32>} : memref<48x128xf32, #tpu.memory_space<vmem>>, vector<16xf32>,
        tpu.vector_store %arg15[%swap3A_542, %swap3A_543], %mul3A_541 {strides = array<i32>} : memref<48x128xf32, #tpu.memory_space<vmem>>, vector<16xf32>,
        %get3A_545 = arith.index_cast %scan3A_503 : i32 to index
        %get3A_546 = arith.constant 80 : index
        %get3A_547 = tpu.vector_load %arg15[%get3A_545, %get3A_546] {strides = array<i32>} : memref<48x128xf32, #tpu.memory_space<vmem>>, vector<16xf32>,
        %mul3A_548 = arith.mulf %get3A_547, %gather3A_509 : vector<16xf32>
        %swap3A_549 = arith.index_cast %scan3A_503 : i32 to index
        %swap3A_550 = arith.constant 80 : index
        %swap3A_551 = tpu.vector_load %arg15[%swap3A_549, %swap3A_550] {strides = array<i32>} : memref<48x128xf32, #tpu.memory_space<vmem>>, vector<16xf32>,
        tpu.vector_store %arg15[%swap3A_549, %swap3A_550], %mul3A_548 {strides = array<i32>} : memref<48x128xf32, #tpu.memory_space<vmem>>, vector<16xf32>,
        %get3A_552 = arith.index_cast %scan3A_503 : i32 to index
        %get3A_553 = arith.constant 96 : index
        %get3A_554 = tpu.vector_load %arg15[%get3A_552, %get3A_553] {strides = array<i32>} : memref<48x128xf32, #tpu.memory_space<vmem>>, vector<16xf32>,
        %mul3A_555 = arith.mulf %get3A_554, %gather3A_509 : vector<16xf32>
        %swap3A_556 = arith.index_cast %scan3A_503 : i32 to index
        %swap3A_557 = arith.constant 96 : index
        %swap3A_558 = tpu.vector_load %arg15[%swap3A_556, %swap3A_557] {strides = array<i32>} : memref<48x128xf32, #tpu.memory_space<vmem>>, vector<16xf32>,
        tpu.vector_store %arg15[%swap3A_556, %swap3A_557], %mul3A_555 {strides = array<i32>} : memref<48x128xf32, #tpu.memory_space<vmem>>, vector<16xf32>,
        %get3A_559 = arith.index_cast %scan3A_503 : i32 to index
        %get3A_560 = arith.constant 112 : index
        %get3A_561 = tpu.vector_load %arg15[%get3A_559, %get3A_560] {strides = array<i32>} : memref<48x128xf32, #tpu.memory_space<vmem>>, vector<16xf32>,
        %mul3A_562 = arith.mulf %get3A_561, %gather3A_509 : vector<16xf32>
        %swap3A_563 = arith.index_cast %scan3A_503 : i32 to index
        %swap3A_564 = arith.constant 112 : index
        %swap3A_565 = tpu.vector_load %arg15[%swap3A_563, %swap3A_564] {strides = array<i32>} : memref<48x128xf32, #tpu.memory_space<vmem>>, vector<16xf32>,
        tpu.vector_store %arg15[%swap3A_563, %swap3A_564], %mul3A_562 {strides = array<i32>} : memref<48x128xf32, #tpu.memory_space<vmem>>, vector<16xf32>,
        %scan3A_566 = arith.constant 0 : i32
        %scan3A_567 = arith.constant 3 : i32
        %scan3A_568 = arith.addi %scan3A_372, %scan3A_567 : i32
        %mul3A_569 = arith.constant 0 : i32
        %mul3A_570 = vector.broadcast %mul3A_569 : i32 to vector<16xi32>
        %mul3A_571 = arith.muli %iota3A, %mul3A_570 : vector<16xi32>
        %add3A_572 = vector.broadcast %scan3A_568 : i32 to vector<16xi32>
        %add3A_573 = arith.addi %mul3A_571, %add3A_572 : vector<16xi32>
        %gather3A_574 = tpu.vector_load_idx %arg16[%add3A_573] : memref<48xf32, #tpu.memory_space<vmem>>[vector<16xi32>], vector<16xf32>,
        %get3A_575 = arith.index_cast %scan3A_568 : i32 to index
        %get3A_576 = arith.constant 0 : index
        %get3A_577 = tpu.vector_load %arg15[%get3A_575, %get3A_576] {strides = array<i32>} : memref<48x128xf32, #tpu.memory_space<vmem>>, vector<16xf32>,
        %mul3A_578 = arith.mulf %get3A_577, %gather3A_574 : vector<16xf32>
        %swap3A_579 = arith.index_cast %scan3A_568 : i32 to index
        %swap3A_580 = arith.constant 0 : index
        %swap3A_581 = tpu.vector_load %arg15[%swap3A_579, %swap3A_580] {strides = array<i32>} : memref<48x128xf32, #tpu.memory_space<vmem>>, vector<16xf32>,
        tpu.vector_store %arg15[%swap3A_579, %swap3A_580], %mul3A_578 {strides = array<i32>} : memref<48x128xf32, #tpu.memory_space<vmem>>, vector<16xf32>,
        %get3A_582 = arith.index_cast %scan3A_568 : i32 to index
        %get3A_583 = arith.constant 16 : index
        %get3A_584 = tpu.vector_load %arg15[%get3A_582, %get3A_583] {strides = array<i32>} : memref<48x128xf32, #tpu.memory_space<vmem>>, vector<16xf32>,
        %mul3A_585 = arith.mulf %get3A_584, %gather3A_574 : vector<16xf32>
        %swap3A_586 = arith.index_cast %scan3A_568 : i32 to index
        %swap3A_587 = arith.constant 16 : index
        %swap3A_588 = tpu.vector_load %arg15[%swap3A_586, %swap3A_587] {strides = array<i32>} : memref<48x128xf32, #tpu.memory_space<vmem>>, vector<16xf32>,
        tpu.vector_store %arg15[%swap3A_586, %swap3A_587], %mul3A_585 {strides = array<i32>} : memref<48x128xf32, #tpu.memory_space<vmem>>, vector<16xf32>,
        %get3A_589 = arith.index_cast %scan3A_568 : i32 to index
        %get3A_590 = arith.constant 32 : index
        %get3A_591 = tpu.vector_load %arg15[%get3A_589, %get3A_590] {strides = array<i32>} : memref<48x128xf32, #tpu.memory_space<vmem>>, vector<16xf32>,
        %mul3A_592 = arith.mulf %get3A_591, %gather3A_574 : vector<16xf32>
        %swap3A_593 = arith.index_cast %scan3A_568 : i32 to index
        %swap3A_594 = arith.constant 32 : index
        %swap3A_595 = tpu.vector_load %arg15[%swap3A_593, %swap3A_594] {strides = array<i32>} : memref<48x128xf32, #tpu.memory_space<vmem>>, vector<16xf32>,
        tpu.vector_store %arg15[%swap3A_593, %swap3A_594], %mul3A_592 {strides = array<i32>} : memref<48x128xf32, #tpu.memory_space<vmem>>, vector<16xf32>,
        %get3A_596 = arith.index_cast %scan3A_568 : i32 to index
        %get3A_597 = arith.constant 48 : index
        %get3A_598 = tpu.vector_load %arg15[%get3A_596, %get3A_597] {strides = array<i32>} : memref<48x128xf32, #tpu.memory_space<vmem>>, vector<16xf32>,
        %mul3A_599 = arith.mulf %get3A_598, %gather3A_574 : vector<16xf32>
        %swap3A_600 = arith.index_cast %scan3A_568 : i32 to index
        %swap3A_601 = arith.constant 48 : index
        %swap3A_602 = tpu.vector_load %arg15[%swap3A_600, %swap3A_601] {strides = array<i32>} : memref<48x128xf32, #tpu.memory_space<vmem>>, vector<16xf32>,
        tpu.vector_store %arg15[%swap3A_600, %swap3A_601], %mul3A_599 {strides = array<i32>} : memref<48x128xf32, #tpu.memory_space<vmem>>, vector<16xf32>,
        %get3A_603 = arith.index_cast %scan3A_568 : i32 to index
        %get3A_604 = arith.constant 64 : index
        %get3A_605 = tpu.vector_load %arg15[%get3A_603, %get3A_604] {strides = array<i32>} : memref<48x128xf32, #tpu.memory_space<vmem>>, vector<16xf32>,
        %mul3A_606 = arith.mulf %get3A_605, %gather3A_574 : vector<16xf32>
        %swap3A_607 = arith.index_cast %scan3A_568 : i32 to index
        %swap3A_608 = arith.constant 64 : index
        %swap3A_609 = tpu.vector_load %arg15[%swap3A_607, %swap3A_608] {strides = array<i32>} : memref<48x128xf32, #tpu.memory_space<vmem>>, vector<16xf32>,
        tpu.vector_store %arg15[%swap3A_607, %swap3A_608], %mul3A_606 {strides = array<i32>} : memref<48x128xf32, #tpu.memory_space<vmem>>, vector<16xf32>,
        %get3A_610 = arith.index_cast %scan3A_568 : i32 to index
        %get3A_611 = arith.constant 80 : index
        %get3A_612 = tpu.vector_load %arg15[%get3A_610, %get3A_611] {strides = array<i32>} : memref<48x128xf32, #tpu.memory_space<vmem>>, vector<16xf32>,
        %mul3A_613 = arith.mulf %get3A_612, %gather3A_574 : vector<16xf32>
        %swap3A_614 = arith.index_cast %scan3A_568 : i32 to index
        %swap3A_615 = arith.constant 80 : index
        %swap3A_616 = tpu.vector_load %arg15[%swap3A_614, %swap3A_615] {strides = array<i32>} : memref<48x128xf32, #tpu.memory_space<vmem>>, vector<16xf32>,
        tpu.vector_store %arg15[%swap3A_614, %swap3A_615], %mul3A_613 {strides = array<i32>} : memref<48x128xf32, #tpu.memory_space<vmem>>, vector<16xf32>,
        %get3A_617 = arith.index_cast %scan3A_568 : i32 to index
        %get3A_618 = arith.constant 96 : index
        %get3A_619 = tpu.vector_load %arg15[%get3A_617, %get3A_618] {strides = array<i32>} : memref<48x128xf32, #tpu.memory_space<vmem>>, vector<16xf32>,
        %mul3A_620 = arith.mulf %get3A_619, %gather3A_574 : vector<16xf32>
        %swap3A_621 = arith.index_cast %scan3A_568 : i32 to index
        %swap3A_622 = arith.constant 96 : index
        %swap3A_623 = tpu.vector_load %arg15[%swap3A_621, %swap3A_622] {strides = array<i32>} : memref<48x128xf32, #tpu.memory_space<vmem>>, vector<16xf32>,
        tpu.vector_store %arg15[%swap3A_621, %swap3A_622], %mul3A_620 {strides = array<i32>} : memref<48x128xf32, #tpu.memory_space<vmem>>, vector<16xf32>,
        %get3A_624 = arith.index_cast %scan3A_568 : i32 to index
        %get3A_625 = arith.constant 112 : index
        %get3A_626 = tpu.vector_load %arg15[%get3A_624, %get3A_625] {strides = array<i32>} : memref<48x128xf32, #tpu.memory_space<vmem>>, vector<16xf32>,
        %mul3A_627 = arith.mulf %get3A_626, %gather3A_574 : vector<16xf32>
        %swap3A_628 = arith.index_cast %scan3A_568 : i32 to index
        %swap3A_629 = arith.constant 112 : index
        %swap3A_630 = tpu.vector_load %arg15[%swap3A_628, %swap3A_629] {strides = array<i32>} : memref<48x128xf32, #tpu.memory_space<vmem>>, vector<16xf32>,
        tpu.vector_store %arg15[%swap3A_628, %swap3A_629], %mul3A_627 {strides = array<i32>} : memref<48x128xf32, #tpu.memory_space<vmem>>, vector<16xf32>,
        %scan3A_631 = arith.constant 0 : i32
        %scan3A_632 = arith.constant 4 : i32
        %scan3A_633 = arith.addi %scan3A_372, %scan3A_632 : i32
        %mul3A_634 = arith.constant 0 : i32
        %mul3A_635 = vector.broadcast %mul3A_634 : i32 to vector<16xi32>
        %mul3A_636 = arith.muli %iota3A, %mul3A_635 : vector<16xi32>
        %add3A_637 = vector.broadcast %scan3A_633 : i32 to vector<16xi32>
        %add3A_638 = arith.addi %mul3A_636, %add3A_637 : vector<16xi32>
        %gather3A_639 = tpu.vector_load_idx %arg16[%add3A_638] : memref<48xf32, #tpu.memory_space<vmem>>[vector<16xi32>], vector<16xf32>,
        %get3A_640 = arith.index_cast %scan3A_633 : i32 to index
        %get3A_641 = arith.constant 0 : index
        %get3A_642 = tpu.vector_load %arg15[%get3A_640, %get3A_641] {strides = array<i32>} : memref<48x128xf32, #tpu.memory_space<vmem>>, vector<16xf32>,
        %mul3A_643 = arith.mulf %get3A_642, %gather3A_639 : vector<16xf32>
        %swap3A_644 = arith.index_cast %scan3A_633 : i32 to index
        %swap3A_645 = arith.constant 0 : index
        %swap3A_646 = tpu.vector_load %arg15[%swap3A_644, %swap3A_645] {strides = array<i32>} : memref<48x128xf32, #tpu.memory_space<vmem>>, vector<16xf32>,
        tpu.vector_store %arg15[%swap3A_644, %swap3A_645], %mul3A_643 {strides = array<i32>} : memref<48x128xf32, #tpu.memory_space<vmem>>, vector<16xf32>,
        %get3A_647 = arith.index_cast %scan3A_633 : i32 to index
        %get3A_648 = arith.constant 16 : index
        %get3A_649 = tpu.vector_load %arg15[%get3A_647, %get3A_648] {strides = array<i32>} : memref<48x128xf32, #tpu.memory_space<vmem>>, vector<16xf32>,
        %mul3A_650 = arith.mulf %get3A_649, %gather3A_639 : vector<16xf32>
        %swap3A_651 = arith.index_cast %scan3A_633 : i32 to index
        %swap3A_652 = arith.constant 16 : index
        %swap3A_653 = tpu.vector_load %arg15[%swap3A_651, %swap3A_652] {strides = array<i32>} : memref<48x128xf32, #tpu.memory_space<vmem>>, vector<16xf32>,
        tpu.vector_store %arg15[%swap3A_651, %swap3A_652], %mul3A_650 {strides = array<i32>} : memref<48x128xf32, #tpu.memory_space<vmem>>, vector<16xf32>,
        %get3A_654 = arith.index_cast %scan3A_633 : i32 to index
        %get3A_655 = arith.constant 32 : index
        %get3A_656 = tpu.vector_load %arg15[%get3A_654, %get3A_655] {strides = array<i32>} : memref<48x128xf32, #tpu.memory_space<vmem>>, vector<16xf32>,
        %mul3A_657 = arith.mulf %get3A_656, %gather3A_639 : vector<16xf32>
        %swap3A_658 = arith.index_cast %scan3A_633 : i32 to index
        %swap3A_659 = arith.constant 32 : index
        %swap3A_660 = tpu.vector_load %arg15[%swap3A_658, %swap3A_659] {strides = array<i32>} : memref<48x128xf32, #tpu.memory_space<vmem>>, vector<16xf32>,
        tpu.vector_store %arg15[%swap3A_658, %swap3A_659], %mul3A_657 {strides = array<i32>} : memref<48x128xf32, #tpu.memory_space<vmem>>, vector<16xf32>,
        %get3A_661 = arith.index_cast %scan3A_633 : i32 to index
        %get3A_662 = arith.constant 48 : index
        %get3A_663 = tpu.vector_load %arg15[%get3A_661, %get3A_662] {strides = array<i32>} : memref<48x128xf32, #tpu.memory_space<vmem>>, vector<16xf32>,
        %mul3A_664 = arith.mulf %get3A_663, %gather3A_639 : vector<16xf32>
        %swap3A_665 = arith.index_cast %scan3A_633 : i32 to index
        %swap3A_666 = arith.constant 48 : index
        %swap3A_667 = tpu.vector_load %arg15[%swap3A_665, %swap3A_666] {strides = array<i32>} : memref<48x128xf32, #tpu.memory_space<vmem>>, vector<16xf32>,
        tpu.vector_store %arg15[%swap3A_665, %swap3A_666], %mul3A_664 {strides = array<i32>} : memref<48x128xf32, #tpu.memory_space<vmem>>, vector<16xf32>,
        %get3A_668 = arith.index_cast %scan3A_633 : i32 to index
        %get3A_669 = arith.constant 64 : index
        %get3A_670 = tpu.vector_load %arg15[%get3A_668, %get3A_669] {strides = array<i32>} : memref<48x128xf32, #tpu.memory_space<vmem>>, vector<16xf32>,
        %mul3A_671 = arith.mulf %get3A_670, %gather3A_639 : vector<16xf32>
        %swap3A_672 = arith.index_cast %scan3A_633 : i32 to index
        %swap3A_673 = arith.constant 64 : index
        %swap3A_674 = tpu.vector_load %arg15[%swap3A_672, %swap3A_673] {strides = array<i32>} : memref<48x128xf32, #tpu.memory_space<vmem>>, vector<16xf32>,
        tpu.vector_store %arg15[%swap3A_672, %swap3A_673], %mul3A_671 {strides = array<i32>} : memref<48x128xf32, #tpu.memory_space<vmem>>, vector<16xf32>,
        %get3A_675 = arith.index_cast %scan3A_633 : i32 to index
        %get3A_676 = arith.constant 80 : index
        %get3A_677 = tpu.vector_load %arg15[%get3A_675, %get3A_676] {strides = array<i32>} : memref<48x128xf32, #tpu.memory_space<vmem>>, vector<16xf32>,
        %mul3A_678 = arith.mulf %get3A_677, %gather3A_639 : vector<16xf32>
        %swap3A_679 = arith.index_cast %scan3A_633 : i32 to index
        %swap3A_680 = arith.constant 80 : index
        %swap3A_681 = tpu.vector_load %arg15[%swap3A_679, %swap3A_680] {strides = array<i32>} : memref<48x128xf32, #tpu.memory_space<vmem>>, vector<16xf32>,
        tpu.vector_store %arg15[%swap3A_679, %swap3A_680], %mul3A_678 {strides = array<i32>} : memref<48x128xf32, #tpu.memory_space<vmem>>, vector<16xf32>,
        %get3A_682 = arith.index_cast %scan3A_633 : i32 to index
        %get3A_683 = arith.constant 96 : index
        %get3A_684 = tpu.vector_load %arg15[%get3A_682, %get3A_683] {strides = array<i32>} : memref<48x128xf32, #tpu.memory_space<vmem>>, vector<16xf32>,
        %mul3A_685 = arith.mulf %get3A_684, %gather3A_639 : vector<16xf32>
        %swap3A_686 = arith.index_cast %scan3A_633 : i32 to index
        %swap3A_687 = arith.constant 96 : index
        %swap3A_688 = tpu.vector_load %arg15[%swap3A_686, %swap3A_687] {strides = array<i32>} : memref<48x128xf32, #tpu.memory_space<vmem>>, vector<16xf32>,
        tpu.vector_store %arg15[%swap3A_686, %swap3A_687], %mul3A_685 {strides = array<i32>} : memref<48x128xf32, #tpu.memory_space<vmem>>, vector<16xf32>,
        %get3A_689 = arith.index_cast %scan3A_633 : i32 to index
        %get3A_690 = arith.constant 112 : index
        %get3A_691 = tpu.vector_load %arg15[%get3A_689, %get3A_690] {strides = array<i32>} : memref<48x128xf32, #tpu.memory_space<vmem>>, vector<16xf32>,
        %mul3A_692 = arith.mulf %get3A_691, %gather3A_639 : vector<16xf32>
        %swap3A_693 = arith.index_cast %scan3A_633 : i32 to index
        %swap3A_694 = arith.constant 112 : index
        %swap3A_695 = tpu.vector_load %arg15[%swap3A_693, %swap3A_694] {strides = array<i32>} : memref<48x128xf32, #tpu.memory_space<vmem>>, vector<16xf32>,
        tpu.vector_store %arg15[%swap3A_693, %swap3A_694], %mul3A_692 {strides = array<i32>} : memref<48x128xf32, #tpu.memory_space<vmem>>, vector<16xf32>,
        %scan3A_696 = arith.constant 0 : i32
        %scan3A_697 = arith.constant 5 : i32
        %scan3A_698 = arith.addi %scan3A_372, %scan3A_697 : i32
        %mul3A_699 = arith.constant 0 : i32
        %mul3A_700 = vector.broadcast %mul3A_699 : i32 to vector<16xi32>
        %mul3A_701 = arith.muli %iota3A, %mul3A_700 : vector<16xi32>
        %add3A_702 = vector.broadcast %scan3A_698 : i32 to vector<16xi32>
        %add3A_703 = arith.addi %mul3A_701, %add3A_702 : vector<16xi32>
        %gather3A_704 = tpu.vector_load_idx %arg16[%add3A_703] : memref<48xf32, #tpu.memory_space<vmem>>[vector<16xi32>], vector<16xf32>,
        %get3A_705 = arith.index_cast %scan3A_698 : i32 to index
        %get3A_706 = arith.constant 0 : index
        %get3A_707 = tpu.vector_load %arg15[%get3A_705, %get3A_706] {strides = array<i32>} : memref<48x128xf32, #tpu.memory_space<vmem>>, vector<16xf32>,
        %mul3A_708 = arith.mulf %get3A_707, %gather3A_704 : vector<16xf32>
        %swap3A_709 = arith.index_cast %scan3A_698 : i32 to index
        %swap3A_710 = arith.constant 0 : index
        %swap3A_711 = tpu.vector_load %arg15[%swap3A_709, %swap3A_710] {strides = array<i32>} : memref<48x128xf32, #tpu.memory_space<vmem>>, vector<16xf32>,
        tpu.vector_store %arg15[%swap3A_709, %swap3A_710], %mul3A_708 {strides = array<i32>} : memref<48x128xf32, #tpu.memory_space<vmem>>, vector<16xf32>,
        %get3A_712 = arith.index_cast %scan3A_698 : i32 to index
        %get3A_713 = arith.constant 16 : index
        %get3A_714 = tpu.vector_load %arg15[%get3A_712, %get3A_713] {strides = array<i32>} : memref<48x128xf32, #tpu.memory_space<vmem>>, vector<16xf32>,
        %mul3A_715 = arith.mulf %get3A_714, %gather3A_704 : vector<16xf32>
        %swap3A_716 = arith.index_cast %scan3A_698 : i32 to index
        %swap3A_717 = arith.constant 16 : index
        %swap3A_718 = tpu.vector_load %arg15[%swap3A_716, %swap3A_717] {strides = array<i32>} : memref<48x128xf32, #tpu.memory_space<vmem>>, vector<16xf32>,
        tpu.vector_store %arg15[%swap3A_716, %swap3A_717], %mul3A_715 {strides = array<i32>} : memref<48x128xf32, #tpu.memory_space<vmem>>, vector<16xf32>,
        %get3A_719 = arith.index_cast %scan3A_698 : i32 to index
        %get3A_720 = arith.constant 32 : index
        %get3A_721 = tpu.vector_load %arg15[%get3A_719, %get3A_720] {strides = array<i32>} : memref<48x128xf32, #tpu.memory_space<vmem>>, vector<16xf32>,
        %mul3A_722 = arith.mulf %get3A_721, %gather3A_704 : vector<16xf32>
        %swap3A_723 = arith.index_cast %scan3A_698 : i32 to index
        %swap3A_724 = arith.constant 32 : index
        %swap3A_725 = tpu.vector_load %arg15[%swap3A_723, %swap3A_724] {strides = array<i32>} : memref<48x128xf32, #tpu.memory_space<vmem>>, vector<16xf32>,
        tpu.vector_store %arg15[%swap3A_723, %swap3A_724], %mul3A_722 {strides = array<i32>} : memref<48x128xf32, #tpu.memory_space<vmem>>, vector<16xf32>,
        %get3A_726 = arith.index_cast %scan3A_698 : i32 to index
        %get3A_727 = arith.constant 48 : index
        %get3A_728 = tpu.vector_load %arg15[%get3A_726, %get3A_727] {strides = array<i32>} : memref<48x128xf32, #tpu.memory_space<vmem>>, vector<16xf32>,
        %mul3A_729 = arith.mulf %get3A_728, %gather3A_704 : vector<16xf32>
        %swap3A_730 = arith.index_cast %scan3A_698 : i32 to index
        %swap3A_731 = arith.constant 48 : index
        %swap3A_732 = tpu.vector_load %arg15[%swap3A_730, %swap3A_731] {strides = array<i32>} : memref<48x128xf32, #tpu.memory_space<vmem>>, vector<16xf32>,
        tpu.vector_store %arg15[%swap3A_730, %swap3A_731], %mul3A_729 {strides = array<i32>} : memref<48x128xf32, #tpu.memory_space<vmem>>, vector<16xf32>,
        %get3A_733 = arith.index_cast %scan3A_698 : i32 to index
        %get3A_734 = arith.constant 64 : index
        %get3A_735 = tpu.vector_load %arg15[%get3A_733, %get3A_734] {strides = array<i32>} : memref<48x128xf32, #tpu.memory_space<vmem>>, vector<16xf32>,
        %mul3A_736 = arith.mulf %get3A_735, %gather3A_704 : vector<16xf32>
        %swap3A_737 = arith.index_cast %scan3A_698 : i32 to index
        %swap3A_738 = arith.constant 64 : index
        %swap3A_739 = tpu.vector_load %arg15[%swap3A_737, %swap3A_738] {strides = array<i32>} : memref<48x128xf32, #tpu.memory_space<vmem>>, vector<16xf32>,
        tpu.vector_store %arg15[%swap3A_737, %swap3A_738], %mul3A_736 {strides = array<i32>} : memref<48x128xf32, #tpu.memory_space<vmem>>, vector<16xf32>,
        %get3A_740 = arith.index_cast %scan3A_698 : i32 to index
        %get3A_741 = arith.constant 80 : index
        %get3A_742 = tpu.vector_load %arg15[%get3A_740, %get3A_741] {strides = array<i32>} : memref<48x128xf32, #tpu.memory_space<vmem>>, vector<16xf32>,
        %mul3A_743 = arith.mulf %get3A_742, %gather3A_704 : vector<16xf32>
        %swap3A_744 = arith.index_cast %scan3A_698 : i32 to index
        %swap3A_745 = arith.constant 80 : index
        %swap3A_746 = tpu.vector_load %arg15[%swap3A_744, %swap3A_745] {strides = array<i32>} : memref<48x128xf32, #tpu.memory_space<vmem>>, vector<16xf32>,
        tpu.vector_store %arg15[%swap3A_744, %swap3A_745], %mul3A_743 {strides = array<i32>} : memref<48x128xf32, #tpu.memory_space<vmem>>, vector<16xf32>,
        %get3A_747 = arith.index_cast %scan3A_698 : i32 to index
        %get3A_748 = arith.constant 96 : index
        %get3A_749 = tpu.vector_load %arg15[%get3A_747, %get3A_748] {strides = array<i32>} : memref<48x128xf32, #tpu.memory_space<vmem>>, vector<16xf32>,
        %mul3A_750 = arith.mulf %get3A_749, %gather3A_704 : vector<16xf32>
        %swap3A_751 = arith.index_cast %scan3A_698 : i32 to index
        %swap3A_752 = arith.constant 96 : index
        %swap3A_753 = tpu.vector_load %arg15[%swap3A_751, %swap3A_752] {strides = array<i32>} : memref<48x128xf32, #tpu.memory_space<vmem>>, vector<16xf32>,
        tpu.vector_store %arg15[%swap3A_751, %swap3A_752], %mul3A_750 {strides = array<i32>} : memref<48x128xf32, #tpu.memory_space<vmem>>, vector<16xf32>,
        %get3A_754 = arith.index_cast %scan3A_698 : i32 to index
        %get3A_755 = arith.constant 112 : index
        %get3A_756 = tpu.vector_load %arg15[%get3A_754, %get3A_755] {strides = array<i32>} : memref<48x128xf32, #tpu.memory_space<vmem>>, vector<16xf32>,
        %mul3A_757 = arith.mulf %get3A_756, %gather3A_704 : vector<16xf32>
        %swap3A_758 = arith.index_cast %scan3A_698 : i32 to index
        %swap3A_759 = arith.constant 112 : index
        %swap3A_760 = tpu.vector_load %arg15[%swap3A_758, %swap3A_759] {strides = array<i32>} : memref<48x128xf32, #tpu.memory_space<vmem>>, vector<16xf32>,
        tpu.vector_store %arg15[%swap3A_758, %swap3A_759], %mul3A_757 {strides = array<i32>} : memref<48x128xf32, #tpu.memory_space<vmem>>, vector<16xf32>,
        %scan3A_761 = arith.constant 0 : i32
        %scan3A_762 = arith.constant 6 : i32
        %scan3A_763 = arith.addi %scan3A_372, %scan3A_762 : i32
        %mul3A_764 = arith.constant 0 : i32
        %mul3A_765 = vector.broadcast %mul3A_764 : i32 to vector<16xi32>
        %mul3A_766 = arith.muli %iota3A, %mul3A_765 : vector<16xi32>
        %add3A_767 = vector.broadcast %scan3A_763 : i32 to vector<16xi32>
        %add3A_768 = arith.addi %mul3A_766, %add3A_767 : vector<16xi32>
        %gather3A_769 = tpu.vector_load_idx %arg16[%add3A_768] : memref<48xf32, #tpu.memory_space<vmem>>[vector<16xi32>], vector<16xf32>,
        %get3A_770 = arith.index_cast %scan3A_763 : i32 to index
        %get3A_771 = arith.constant 0 : index
        %get3A_772 = tpu.vector_load %arg15[%get3A_770, %get3A_771] {strides = array<i32>} : memref<48x128xf32, #tpu.memory_space<vmem>>, vector<16xf32>,
        %mul3A_773 = arith.mulf %get3A_772, %gather3A_769 : vector<16xf32>
        %swap3A_774 = arith.index_cast %scan3A_763 : i32 to index
        %swap3A_775 = arith.constant 0 : index
        %swap3A_776 = tpu.vector_load %arg15[%swap3A_774, %swap3A_775] {strides = array<i32>} : memref<48x128xf32, #tpu.memory_space<vmem>>, vector<16xf32>,
        tpu.vector_store %arg15[%swap3A_774, %swap3A_775], %mul3A_773 {strides = array<i32>} : memref<48x128xf32, #tpu.memory_space<vmem>>, vector<16xf32>,
        %get3A_777 = arith.index_cast %scan3A_763 : i32 to index
        %get3A_778 = arith.constant 16 : index
        %get3A_779 = tpu.vector_load %arg15[%get3A_777, %get3A_778] {strides = array<i32>} : memref<48x128xf32, #tpu.memory_space<vmem>>, vector<16xf32>,
        %mul3A_780 = arith.mulf %get3A_779, %gather3A_769 : vector<16xf32>
        %swap3A_781 = arith.index_cast %scan3A_763 : i32 to index
        %swap3A_782 = arith.constant 16 : index
        %swap3A_783 = tpu.vector_load %arg15[%swap3A_781, %swap3A_782] {strides = array<i32>} : memref<48x128xf32, #tpu.memory_space<vmem>>, vector<16xf32>,
        tpu.vector_store %arg15[%swap3A_781, %swap3A_782], %mul3A_780 {strides = array<i32>} : memref<48x128xf32, #tpu.memory_space<vmem>>, vector<16xf32>,
        %get3A_784 = arith.index_cast %scan3A_763 : i32 to index
        %get3A_785 = arith.constant 32 : index
        %get3A_786 = tpu.vector_load %arg15[%get3A_784, %get3A_785] {strides = array<i32>} : memref<48x128xf32, #tpu.memory_space<vmem>>, vector<16xf32>,
        %mul3A_787 = arith.mulf %get3A_786, %gather3A_769 : vector<16xf32>
        %swap3A_788 = arith.index_cast %scan3A_763 : i32 to index
        %swap3A_789 = arith.constant 32 : index
        %swap3A_790 = tpu.vector_load %arg15[%swap3A_788, %swap3A_789] {strides = array<i32>} : memref<48x128xf32, #tpu.memory_space<vmem>>, vector<16xf32>,
        tpu.vector_store %arg15[%swap3A_788, %swap3A_789], %mul3A_787 {strides = array<i32>} : memref<48x128xf32, #tpu.memory_space<vmem>>, vector<16xf32>,
        %get3A_791 = arith.index_cast %scan3A_763 : i32 to index
        %get3A_792 = arith.constant 48 : index
        %get3A_793 = tpu.vector_load %arg15[%get3A_791, %get3A_792] {strides = array<i32>} : memref<48x128xf32, #tpu.memory_space<vmem>>, vector<16xf32>,
        %mul3A_794 = arith.mulf %get3A_793, %gather3A_769 : vector<16xf32>
        %swap3A_795 = arith.index_cast %scan3A_763 : i32 to index
        %swap3A_796 = arith.constant 48 : index
        %swap3A_797 = tpu.vector_load %arg15[%swap3A_795, %swap3A_796] {strides = array<i32>} : memref<48x128xf32, #tpu.memory_space<vmem>>, vector<16xf32>,
        tpu.vector_store %arg15[%swap3A_795, %swap3A_796], %mul3A_794 {strides = array<i32>} : memref<48x128xf32, #tpu.memory_space<vmem>>, vector<16xf32>,
        %get3A_798 = arith.index_cast %scan3A_763 : i32 to index
        %get3A_799 = arith.constant 64 : index
        %get3A_800 = tpu.vector_load %arg15[%get3A_798, %get3A_799] {strides = array<i32>} : memref<48x128xf32, #tpu.memory_space<vmem>>, vector<16xf32>,
        %mul3A_801 = arith.mulf %get3A_800, %gather3A_769 : vector<16xf32>
        %swap3A_802 = arith.index_cast %scan3A_763 : i32 to index
        %swap3A_803 = arith.constant 64 : index
        %swap3A_804 = tpu.vector_load %arg15[%swap3A_802, %swap3A_803] {strides = array<i32>} : memref<48x128xf32, #tpu.memory_space<vmem>>, vector<16xf32>,
        tpu.vector_store %arg15[%swap3A_802, %swap3A_803], %mul3A_801 {strides = array<i32>} : memref<48x128xf32, #tpu.memory_space<vmem>>, vector<16xf32>,
        %get3A_805 = arith.index_cast %scan3A_763 : i32 to index
        %get3A_806 = arith.constant 80 : index
        %get3A_807 = tpu.vector_load %arg15[%get3A_805, %get3A_806] {strides = array<i32>} : memref<48x128xf32, #tpu.memory_space<vmem>>, vector<16xf32>,
        %mul3A_808 = arith.mulf %get3A_807, %gather3A_769 : vector<16xf32>
        %swap3A_809 = arith.index_cast %scan3A_763 : i32 to index
        %swap3A_810 = arith.constant 80 : index
        %swap3A_811 = tpu.vector_load %arg15[%swap3A_809, %swap3A_810] {strides = array<i32>} : memref<48x128xf32, #tpu.memory_space<vmem>>, vector<16xf32>,
        tpu.vector_store %arg15[%swap3A_809, %swap3A_810], %mul3A_808 {strides = array<i32>} : memref<48x128xf32, #tpu.memory_space<vmem>>, vector<16xf32>,
        %get3A_812 = arith.index_cast %scan3A_763 : i32 to index
        %get3A_813 = arith.constant 96 : index
        %get3A_814 = tpu.vector_load %arg15[%get3A_812, %get3A_813] {strides = array<i32>} : memref<48x128xf32, #tpu.memory_space<vmem>>, vector<16xf32>,
        %mul3A_815 = arith.mulf %get3A_814, %gather3A_769 : vector<16xf32>
        %swap3A_816 = arith.index_cast %scan3A_763 : i32 to index
        %swap3A_817 = arith.constant 96 : index
        %swap3A_818 = tpu.vector_load %arg15[%swap3A_816, %swap3A_817] {strides = array<i32>} : memref<48x128xf32, #tpu.memory_space<vmem>>, vector<16xf32>,
        tpu.vector_store %arg15[%swap3A_816, %swap3A_817], %mul3A_815 {strides = array<i32>} : memref<48x128xf32, #tpu.memory_space<vmem>>, vector<16xf32>,
        %get3A_819 = arith.index_cast %scan3A_763 : i32 to index
        %get3A_820 = arith.constant 112 : index
        %get3A_821 = tpu.vector_load %arg15[%get3A_819, %get3A_820] {strides = array<i32>} : memref<48x128xf32, #tpu.memory_space<vmem>>, vector<16xf32>,
        %mul3A_822 = arith.mulf %get3A_821, %gather3A_769 : vector<16xf32>
        %swap3A_823 = arith.index_cast %scan3A_763 : i32 to index
        %swap3A_824 = arith.constant 112 : index
        %swap3A_825 = tpu.vector_load %arg15[%swap3A_823, %swap3A_824] {strides = array<i32>} : memref<48x128xf32, #tpu.memory_space<vmem>>, vector<16xf32>,
        tpu.vector_store %arg15[%swap3A_823, %swap3A_824], %mul3A_822 {strides = array<i32>} : memref<48x128xf32, #tpu.memory_space<vmem>>, vector<16xf32>,
        %scan3A_826 = arith.constant 0 : i32
        %scan3A_827 = arith.constant 7 : i32
        %scan3A_828 = arith.addi %scan3A_372, %scan3A_827 : i32
        %mul3A_829 = arith.constant 0 : i32
        %mul3A_830 = vector.broadcast %mul3A_829 : i32 to vector<16xi32>
        %mul3A_831 = arith.muli %iota3A, %mul3A_830 : vector<16xi32>
        %add3A_832 = vector.broadcast %scan3A_828 : i32 to vector<16xi32>
        %add3A_833 = arith.addi %mul3A_831, %add3A_832 : vector<16xi32>
        %gather3A_834 = tpu.vector_load_idx %arg16[%add3A_833] : memref<48xf32, #tpu.memory_space<vmem>>[vector<16xi32>], vector<16xf32>,
        %get3A_835 = arith.index_cast %scan3A_828 : i32 to index
        %get3A_836 = arith.constant 0 : index
        %get3A_837 = tpu.vector_load %arg15[%get3A_835, %get3A_836] {strides = array<i32>} : memref<48x128xf32, #tpu.memory_space<vmem>>, vector<16xf32>,
        %mul3A_838 = arith.mulf %get3A_837, %gather3A_834 : vector<16xf32>
        %swap3A_839 = arith.index_cast %scan3A_828 : i32 to index
        %swap3A_840 = arith.constant 0 : index
        %swap3A_841 = tpu.vector_load %arg15[%swap3A_839, %swap3A_840] {strides = array<i32>} : memref<48x128xf32, #tpu.memory_space<vmem>>, vector<16xf32>,
        tpu.vector_store %arg15[%swap3A_839, %swap3A_840], %mul3A_838 {strides = array<i32>} : memref<48x128xf32, #tpu.memory_space<vmem>>, vector<16xf32>,
        %get3A_842 = arith.index_cast %scan3A_828 : i32 to index
        %get3A_843 = arith.constant 16 : index
        %get3A_844 = tpu.vector_load %arg15[%get3A_842, %get3A_843] {strides = array<i32>} : memref<48x128xf32, #tpu.memory_space<vmem>>, vector<16xf32>,
        %mul3A_845 = arith.mulf %get3A_844, %gather3A_834 : vector<16xf32>
        %swap3A_846 = arith.index_cast %scan3A_828 : i32 to index
        %swap3A_847 = arith.constant 16 : index
        %swap3A_848 = tpu.vector_load %arg15[%swap3A_846, %swap3A_847] {strides = array<i32>} : memref<48x128xf32, #tpu.memory_space<vmem>>, vector<16xf32>,
        tpu.vector_store %arg15[%swap3A_846, %swap3A_847], %mul3A_845 {strides = array<i32>} : memref<48x128xf32, #tpu.memory_space<vmem>>, vector<16xf32>,
        %get3A_849 = arith.index_cast %scan3A_828 : i32 to index
        %get3A_850 = arith.constant 32 : index
        %get3A_851 = tpu.vector_load %arg15[%get3A_849, %get3A_850] {strides = array<i32>} : memref<48x128xf32, #tpu.memory_space<vmem>>, vector<16xf32>,
        %mul3A_852 = arith.mulf %get3A_851, %gather3A_834 : vector<16xf32>
        %swap3A_853 = arith.index_cast %scan3A_828 : i32 to index
        %swap3A_854 = arith.constant 32 : index
        %swap3A_855 = tpu.vector_load %arg15[%swap3A_853, %swap3A_854] {strides = array<i32>} : memref<48x128xf32, #tpu.memory_space<vmem>>, vector<16xf32>,
        tpu.vector_store %arg15[%swap3A_853, %swap3A_854], %mul3A_852 {strides = array<i32>} : memref<48x128xf32, #tpu.memory_space<vmem>>, vector<16xf32>,
        %get3A_856 = arith.index_cast %scan3A_828 : i32 to index
        %get3A_857 = arith.constant 48 : index
        %get3A_858 = tpu.vector_load %arg15[%get3A_856, %get3A_857] {strides = array<i32>} : memref<48x128xf32, #tpu.memory_space<vmem>>, vector<16xf32>,
        %mul3A_859 = arith.mulf %get3A_858, %gather3A_834 : vector<16xf32>
        %swap3A_860 = arith.index_cast %scan3A_828 : i32 to index
        %swap3A_861 = arith.constant 48 : index
        %swap3A_862 = tpu.vector_load %arg15[%swap3A_860, %swap3A_861] {strides = array<i32>} : memref<48x128xf32, #tpu.memory_space<vmem>>, vector<16xf32>,
        tpu.vector_store %arg15[%swap3A_860, %swap3A_861], %mul3A_859 {strides = array<i32>} : memref<48x128xf32, #tpu.memory_space<vmem>>, vector<16xf32>,
        %get3A_863 = arith.index_cast %scan3A_828 : i32 to index
        %get3A_864 = arith.constant 64 : index
        %get3A_865 = tpu.vector_load %arg15[%get3A_863, %get3A_864] {strides = array<i32>} : memref<48x128xf32, #tpu.memory_space<vmem>>, vector<16xf32>,
        %mul3A_866 = arith.mulf %get3A_865, %gather3A_834 : vector<16xf32>
        %swap3A_867 = arith.index_cast %scan3A_828 : i32 to index
        %swap3A_868 = arith.constant 64 : index
        %swap3A_869 = tpu.vector_load %arg15[%swap3A_867, %swap3A_868] {strides = array<i32>} : memref<48x128xf32, #tpu.memory_space<vmem>>, vector<16xf32>,
        tpu.vector_store %arg15[%swap3A_867, %swap3A_868], %mul3A_866 {strides = array<i32>} : memref<48x128xf32, #tpu.memory_space<vmem>>, vector<16xf32>,
        %get3A_870 = arith.index_cast %scan3A_828 : i32 to index
        %get3A_871 = arith.constant 80 : index
        %get3A_872 = tpu.vector_load %arg15[%get3A_870, %get3A_871] {strides = array<i32>} : memref<48x128xf32, #tpu.memory_space<vmem>>, vector<16xf32>,
        %mul3A_873 = arith.mulf %get3A_872, %gather3A_834 : vector<16xf32>
        %swap3A_874 = arith.index_cast %scan3A_828 : i32 to index
        %swap3A_875 = arith.constant 80 : index
        %swap3A_876 = tpu.vector_load %arg15[%swap3A_874, %swap3A_875] {strides = array<i32>} : memref<48x128xf32, #tpu.memory_space<vmem>>, vector<16xf32>,
        tpu.vector_store %arg15[%swap3A_874, %swap3A_875], %mul3A_873 {strides = array<i32>} : memref<48x128xf32, #tpu.memory_space<vmem>>, vector<16xf32>,
        %get3A_877 = arith.index_cast %scan3A_828 : i32 to index
        %get3A_878 = arith.constant 96 : index
        %get3A_879 = tpu.vector_load %arg15[%get3A_877, %get3A_878] {strides = array<i32>} : memref<48x128xf32, #tpu.memory_space<vmem>>, vector<16xf32>,
        %mul3A_880 = arith.mulf %get3A_879, %gather3A_834 : vector<16xf32>
        %swap3A_881 = arith.index_cast %scan3A_828 : i32 to index
        %swap3A_882 = arith.constant 96 : index
        %swap3A_883 = tpu.vector_load %arg15[%swap3A_881, %swap3A_882] {strides = array<i32>} : memref<48x128xf32, #tpu.memory_space<vmem>>, vector<16xf32>,
        tpu.vector_store %arg15[%swap3A_881, %swap3A_882], %mul3A_880 {strides = array<i32>} : memref<48x128xf32, #tpu.memory_space<vmem>>, vector<16xf32>,
        %get3A_884 = arith.index_cast %scan3A_828 : i32 to index
        %get3A_885 = arith.constant 112 : index
        %get3A_886 = tpu.vector_load %arg15[%get3A_884, %get3A_885] {strides = array<i32>} : memref<48x128xf32, #tpu.memory_space<vmem>>, vector<16xf32>,
        %mul3A_887 = arith.mulf %get3A_886, %gather3A_834 : vector<16xf32>
        %swap3A_888 = arith.index_cast %scan3A_828 : i32 to index
        %swap3A_889 = arith.constant 112 : index
        %swap3A_890 = tpu.vector_load %arg15[%swap3A_888, %swap3A_889] {strides = array<i32>} : memref<48x128xf32, #tpu.memory_space<vmem>>, vector<16xf32>,
        tpu.vector_store %arg15[%swap3A_888, %swap3A_889], %mul3A_887 {strides = array<i32>} : memref<48x128xf32, #tpu.memory_space<vmem>>, vector<16xf32>,
        %scan3A_891 = arith.constant 0 : i32
        scf.yield %scan3A_891 : i32
      }
      %scan3A_328 = arith.constant 48 : i32
      %dma_start3A_329 = arith.constant 0 : i32
      %dma_start3A_330 = tpu.memref_slice %arg13[%and3A_164, %add3A_184, %dma_start3A_329] : memref<2x8x48xi32, #tpu.memory_space<vmem>> -> memref<1x1x48xi32, #tpu.memory_space<vmem>>
      %dma_start3A_331 = tpu.memref_squeeze %dma_start3A_330 : memref<1x1x48xi32, #tpu.memory_space<vmem>> -> memref<48xi32, #tpu.memory_space<vmem>>
      %dma_start3A_332 = arith.constant 0 : i32
      %dma_start3A_333 = arith.constant 0 : i32
      %dma_start3A_334 = tpu.memref_slice %arg9[%dma_start3A_332, %dma_start3A_333] : memref<10112x128xf32, #tpu.memory_space<vmem_shared>> -> memref<10112x128xf32, #tpu.memory_space<vmem_shared>>
      tpu.enqueue_indirect_dma source(%arg15 : memref<48x128xf32, #tpu.memory_space<vmem>>) target(%dma_start3A_334 : memref<10112x128xf32, #tpu.memory_space<vmem_shared>>) offsets(%dma_start3A_331 : memref<48xi32, #tpu.memory_space<vmem>>) semaphore(%arg21 : memref<!tpu.dma_semaphore, #tpu.memory_space<semaphore_mem>>) {add = true}
      %dma_wait3A_335 = arith.constant 0 : i32
      %dma_wait3A_336 = tpu.memref_slice %arg13[%and3A_164, %select_n3A_182, %dma_wait3A_335] : memref<2x8x48xi32, #tpu.memory_space<vmem>> -> memref<1x1x48xi32, #tpu.memory_space<vmem>>
      %dma_wait3A_337 = tpu.memref_squeeze %dma_wait3A_336 : memref<1x1x48xi32, #tpu.memory_space<vmem>> -> memref<48xi32, #tpu.memory_space<vmem>>
      %dma_wait3A_338 = arith.constant 0 : i32
      %dma_wait3A_339 = arith.constant 0 : i32
      %dma_wait3A_340 = tpu.memref_slice %arg9[%dma_wait3A_338, %dma_wait3A_339] : memref<10112x128xf32, #tpu.memory_space<vmem_shared>> -> memref<10112x128xf32, #tpu.memory_space<vmem_shared>>
      tpu.wait_indirect_dma semaphore(%arg20 : memref<!tpu.dma_semaphore, #tpu.memory_space<semaphore_mem>>) src(%arg14 : memref<48x128xf32, #tpu.memory_space<vmem>>) dst(%dma_wait3A_340 : memref<10112x128xf32, #tpu.memory_space<vmem_shared>>)
      %eq3A_341 = arith.constant 3 : i32
      %eq3A_342 = arith.cmpi eq, %select_n3A_162, %eq3A_341 : i32
      %add3A_343 = arith.constant 1 : i32
      %add3A_344 = arith.addi %scan3A_131, %add3A_343 : i32
      %lt3A_345 = arith.constant 108 : i32
      %lt3A_346 = arith.cmpi slt, %add3A_344, %lt3A_345 : i32
      %and3A_347 = arith.andi %eq3A_342, %lt3A_346 : i1
      %convert_element_type3A_348 = arith.extui %and3A_347 : i1 to i32
      %cond3A_349 = arith.constant 0 : i32
      %cond3A_350 = arith.cmpi ne, %convert_element_type3A_348, %cond3A_349 : i32
      scf.if %cond3A_350 {
        %sub3A_372 = arith.constant 1 : i32
        %sub3A_373 = arith.subi %sub3A_372, %and3A_164 : i32
        %dma_wait3A_374 = arith.constant 0 : i32
        %dma_wait3A_375 = arith.constant 0 : i32
        %dma_wait3A_376 = tpu.memref_slice %arg12[%sub3A_373, %dma_wait3A_374, %dma_wait3A_375] : memref<2x8x48xi32, #tpu.memory_space<vmem>> -> memref<1x8x48xi32, #tpu.memory_space<vmem>>
        %dma_wait3A_377 = tpu.memref_squeeze %dma_wait3A_376 : memref<1x8x48xi32, #tpu.memory_space<vmem>> -> memref<8x48xi32, #tpu.memory_space<vmem>>
        %dma_wait3A_378 = arith.constant 0 : i32
        %dma_wait3A_379 = arith.constant 0 : i32
        %dma_wait3A_380 = tpu.memref_slice %arg5[%add3A, %dma_wait3A_378, %dma_wait3A_379] : memref<32x216x48xi32, #tpu.memory_space<hbm>> -> memref<1x8x48xi32, #tpu.memory_space<hbm>>
        %dma_wait3A_381 = tpu.memref_squeeze %dma_wait3A_380 : memref<1x8x48xi32, #tpu.memory_space<hbm>> -> memref<8x48xi32, #tpu.memory_space<hbm>>
        %dma_wait3A_382 = arith.constant 0 : i32
        %dma_wait3A_383 = arith.constant 0 : i32
        %dma_wait3A_384 = tpu.memref_slice %arg12[%sub3A_373, %dma_wait3A_382, %dma_wait3A_383] : memref<2x8x48xi32, #tpu.memory_space<vmem>> -> memref<1x8x48xi32, #tpu.memory_space<vmem>>
        %dma_wait3A_385 = tpu.memref_squeeze %dma_wait3A_384 : memref<1x8x48xi32, #tpu.memory_space<vmem>> -> memref<8x48xi32, #tpu.memory_space<vmem>>
        %dma_wait3A_386 = arith.constant 0 : i32
        %dma_wait3A_387 = arith.constant 0 : i32
        %dma_wait3A_388 = tpu.memref_slice %arg5[%add3A, %dma_wait3A_386, %dma_wait3A_387] : memref<32x216x48xi32, #tpu.memory_space<hbm>> -> memref<1x8x48xi32, #tpu.memory_space<hbm>>
        %dma_wait3A_389 = tpu.memref_squeeze %dma_wait3A_388 : memref<1x8x48xi32, #tpu.memory_space<hbm>> -> memref<8x48xi32, #tpu.memory_space<hbm>>
        tpu.wait_dma2 semaphore(%arg22 : memref<!tpu.dma_semaphore, #tpu.memory_space<semaphore_mem>>) src(%dma_wait3A_389 : memref<8x48xi32, #tpu.memory_space<hbm>>) dst(%dma_wait3A_385 : memref<8x48xi32, #tpu.memory_space<vmem>>)
        %dma_wait3A_390 = arith.constant 0 : i32
        %dma_wait3A_391 = arith.constant 0 : i32
        %dma_wait3A_392 = tpu.memref_slice %arg13[%sub3A_373, %dma_wait3A_390, %dma_wait3A_391] : memref<2x8x48xi32, #tpu.memory_space<vmem>> -> memref<1x8x48xi32, #tpu.memory_space<vmem>>
        %dma_wait3A_393 = tpu.memref_squeeze %dma_wait3A_392 : memref<1x8x48xi32, #tpu.memory_space<vmem>> -> memref<8x48xi32, #tpu.memory_space<vmem>>
        %dma_wait3A_394 = arith.constant 0 : i32
        %dma_wait3A_395 = arith.constant 0 : i32
        %dma_wait3A_396 = tpu.memref_slice %arg6[%add3A, %dma_wait3A_394, %dma_wait3A_395] : memref<32x216x48xi32, #tpu.memory_space<hbm>> -> memref<1x8x48xi32, #tpu.memory_space<hbm>>
        %dma_wait3A_397 = tpu.memref_squeeze %dma_wait3A_396 : memref<1x8x48xi32, #tpu.memory_space<hbm>> -> memref<8x48xi32, #tpu.memory_space<hbm>>
        %dma_wait3A_398 = arith.constant 0 : i32
        %dma_wait3A_399 = arith.constant 0 : i32
        %dma_wait3A_400 = tpu.memref_slice %arg13[%sub3A_373, %dma_wait3A_398, %dma_wait3A_399] : memref<2x8x48xi32, #tpu.memory_space<vmem>> -> memref<1x8x48xi32, #tpu.memory_space<vmem>>
        %dma_wait3A_401 = tpu.memref_squeeze %dma_wait3A_400 : memref<1x8x48xi32, #tpu.memory_space<vmem>> -> memref<8x48xi32, #tpu.memory_space<vmem>>
        %dma_wait3A_402 = arith.constant 0 : i32
        %dma_wait3A_403 = arith.constant 0 : i32
        %dma_wait3A_404 = tpu.memref_slice %arg6[%add3A, %dma_wait3A_402, %dma_wait3A_403] : memref<32x216x48xi32, #tpu.memory_space<hbm>> -> memref<1x8x48xi32, #tpu.memory_space<hbm>>
        %dma_wait3A_405 = tpu.memref_squeeze %dma_wait3A_404 : memref<1x8x48xi32, #tpu.memory_space<hbm>> -> memref<8x48xi32, #tpu.memory_space<hbm>>
        tpu.wait_dma2 semaphore(%arg22 : memref<!tpu.dma_semaphore, #tpu.memory_space<semaphore_mem>>) src(%dma_wait3A_405 : memref<8x48xi32, #tpu.memory_space<hbm>>) dst(%dma_wait3A_401 : memref<8x48xi32, #tpu.memory_space<vmem>>)
      } else {
      }
      %add3A_351 = arith.constant 1 : i32
      %add3A_352 = arith.addi %scan3A_131, %add3A_351 : i32
      %lt3A_353 = arith.constant 108 : i32
      %lt3A_354 = arith.cmpi slt, %add3A_352, %lt3A_353 : i32
      %convert_element_type3A_355 = arith.extui %lt3A_354 : i1 to i32
      %cond3A_356 = arith.constant 0 : i32
      %cond3A_357 = arith.cmpi ne, %convert_element_type3A_355, %cond3A_356 : i32
      scf.if %cond3A_357 {
        %add3A_372 = arith.constant 1 : i32
        %add3A_373 = arith.addi %scan3A_131, %add3A_372 : i32
        %jit3A_374 = arith.constant 4 : i32
        %div3A_375 = arith.divsi %add3A_373, %jit3A_374 : i32
        %sign3A_376 = arith.constant 0 : i32
        %sign3A_377 = arith.cmpi sgt, %add3A_373, %sign3A_376 : i32
        %sign3A_378 = arith.extui %sign3A_377 : i1 to i32
        %sign3A_379 = arith.constant 0 : i32
        %sign3A_380 = arith.cmpi slt, %add3A_373, %sign3A_379 : i32
        %sign3A_381 = arith.extui %sign3A_380 : i1 to i32
        %sign3A_382 = arith.subi %sign3A_378, %sign3A_381 : i32
        %sign3A_383 = arith.constant 0 : i32
        %sign3A_384 = arith.cmpi sgt, %jit3A_374, %sign3A_383 : i32
        %sign3A_385 = arith.extui %sign3A_384 : i1 to i32
        %sign3A_386 = arith.constant 0 : i32
        %sign3A_387 = arith.cmpi slt, %jit3A_374, %sign3A_386 : i32
        %sign3A_388 = arith.extui %sign3A_387 : i1 to i32
        %sign3A_389 = arith.subi %sign3A_385, %sign3A_388 : i32
        %ne3A_390 = arith.cmpi ne, %sign3A_382, %sign3A_389 : i32
        %rem3A_391 = arith.remsi %add3A_373, %jit3A_374 : i32
        %ne3A_392 = arith.constant 0 : i32
        %ne3A_393 = arith.cmpi ne, %rem3A_391, %ne3A_392 : i32
        %and3A_394 = arith.andi %ne3A_390, %ne3A_393 : i1
        %sub3A_395 = arith.constant 1 : i32
        %sub3A_396 = arith.subi %div3A_375, %sub3A_395 : i32
        %select_n3A_397 = arith.select %and3A_394, %sub3A_396, %div3A_375 : i32
        %and3A_398 = arith.constant 1 : i32
        %and3A_399 = arith.andi %select_n3A_397, %and3A_398 : i32
        %mul3A_400 = arith.constant 2 : i32
        %mul3A_401 = arith.muli %mul3A_400, %scan3A_131 : i32
        %add3A_402 = arith.constant 2 : i32
        %add3A_403 = arith.addi %mul3A_401, %add3A_402 : i32
        %jit3A_404 = arith.constant 8 : i32
        %eq3A_405 = arith.constant 0 : i32
        %eq3A_406 = arith.cmpi eq, %jit3A_404, %eq3A_405 : i32
        %jit3A_407 = arith.constant 1 : i32
        %select_n3A_408 = arith.select %eq3A_406, %jit3A_407, %jit3A_404 : i32
        %rem3A_409 = arith.remsi %add3A_403, %select_n3A_408 : i32
        %ne3A_410 = arith.constant 0 : i32
        %ne3A_411 = arith.cmpi ne, %rem3A_409, %ne3A_410 : i32
        %lt3A_412 = arith.constant 0 : i32
        %lt3A_413 = arith.cmpi slt, %rem3A_409, %lt3A_412 : i32
        %lt3A_414 = arith.constant 0 : i32
        %lt3A_415 = arith.cmpi slt, %select_n3A_408, %lt3A_414 : i32
        %ne3A_416 = arith.xori %lt3A_413, %lt3A_415 : i1
        %and3A_417 = arith.andi %ne3A_416, %ne3A_411 : i1
        %add3A_418 = arith.addi %rem3A_409, %select_n3A_408 : i32
        %select_n3A_419 = arith.select %and3A_417, %add3A_418, %rem3A_409 : i32
        %dma_start3A_420 = arith.constant 0 : i32
        %dma_start3A_421 = tpu.memref_slice %arg12[%and3A_399, %select_n3A_419, %dma_start3A_420] : memref<2x8x48xi32, #tpu.memory_space<vmem>> -> memref<1x1x48xi32, #tpu.memory_space<vmem>>
        %dma_start3A_422 = tpu.memref_squeeze %dma_start3A_421 : memref<1x1x48xi32, #tpu.memory_space<vmem>> -> memref<48xi32, #tpu.memory_space<vmem>>
        %dma_start3A_423 = arith.constant 0 : i32
        %dma_start3A_424 = arith.constant 0 : i32
        %dma_start3A_425 = tpu.memref_slice %arg2[%dma_start3A_423, %dma_start3A_424] : memref<10112x128xf32, #tpu.memory_space<hbm>> -> memref<10112x128xf32, #tpu.memory_space<hbm>>
        tpu.enqueue_indirect_dma source(%dma_start3A_425 : memref<10112x128xf32, #tpu.memory_space<hbm>>) target(%arg14 : memref<48x128xf32, #tpu.memory_space<vmem>>) offsets(%dma_start3A_422 : memref<48xi32, #tpu.memory_space<vmem>>) semaphore(%arg18 : memref<!tpu.dma_semaphore, #tpu.memory_space<semaphore_mem>>)
      } else {
      }
      %dma_wait3A_358 = arith.constant 0 : i32
      %dma_wait3A_359 = tpu.memref_slice %arg13[%and3A_164, %add3A_184, %dma_wait3A_358] : memref<2x8x48xi32, #tpu.memory_space<vmem>> -> memref<1x1x48xi32, #tpu.memory_space<vmem>>
      %dma_wait3A_360 = tpu.memref_squeeze %dma_wait3A_359 : memref<1x1x48xi32, #tpu.memory_space<vmem>> -> memref<48xi32, #tpu.memory_space<vmem>>
      %dma_wait3A_361 = arith.constant 0 : i32
      %dma_wait3A_362 = arith.constant 0 : i32
      %dma_wait3A_363 = tpu.memref_slice %arg9[%dma_wait3A_361, %dma_wait3A_362] : memref<10112x128xf32, #tpu.memory_space<vmem_shared>> -> memref<10112x128xf32, #tpu.memory_space<vmem_shared>>
      tpu.wait_indirect_dma semaphore(%arg21 : memref<!tpu.dma_semaphore, #tpu.memory_space<semaphore_mem>>) src(%arg15 : memref<48x128xf32, #tpu.memory_space<vmem>>) dst(%dma_wait3A_363 : memref<10112x128xf32, #tpu.memory_space<vmem_shared>>)
      %add3A_364 = arith.constant 1 : i32
      %add3A_365 = arith.addi %scan3A_131, %add3A_364 : i32
      %lt3A_366 = arith.constant 108 : i32
      %lt3A_367 = arith.cmpi slt, %add3A_365, %lt3A_366 : i32
      %convert_element_type3A_368 = arith.extui %lt3A_367 : i1 to i32
      %cond3A_369 = arith.constant 0 : i32
      %cond3A_370 = arith.cmpi ne, %convert_element_type3A_368, %cond3A_369 : i32
      scf.if %cond3A_370 {
        %add3A_372 = arith.constant 1 : i32
        %add3A_373 = arith.addi %scan3A_131, %add3A_372 : i32
        %jit3A_374 = arith.constant 4 : i32
        %div3A_375 = arith.divsi %add3A_373, %jit3A_374 : i32
        %sign3A_376 = arith.constant 0 : i32
        %sign3A_377 = arith.cmpi sgt, %add3A_373, %sign3A_376 : i32
        %sign3A_378 = arith.extui %sign3A_377 : i1 to i32
        %sign3A_379 = arith.constant 0 : i32
        %sign3A_380 = arith.cmpi slt, %add3A_373, %sign3A_379 : i32
        %sign3A_381 = arith.extui %sign3A_380 : i1 to i32
        %sign3A_382 = arith.subi %sign3A_378, %sign3A_381 : i32
        %sign3A_383 = arith.constant 0 : i32
        %sign3A_384 = arith.cmpi sgt, %jit3A_374, %sign3A_383 : i32
        %sign3A_385 = arith.extui %sign3A_384 : i1 to i32
        %sign3A_386 = arith.constant 0 : i32
        %sign3A_387 = arith.cmpi slt, %jit3A_374, %sign3A_386 : i32
        %sign3A_388 = arith.extui %sign3A_387 : i1 to i32
        %sign3A_389 = arith.subi %sign3A_385, %sign3A_388 : i32
        %ne3A_390 = arith.cmpi ne, %sign3A_382, %sign3A_389 : i32
        %rem3A_391 = arith.remsi %add3A_373, %jit3A_374 : i32
        %ne3A_392 = arith.constant 0 : i32
        %ne3A_393 = arith.cmpi ne, %rem3A_391, %ne3A_392 : i32
        %and3A_394 = arith.andi %ne3A_390, %ne3A_393 : i1
        %sub3A_395 = arith.constant 1 : i32
        %sub3A_396 = arith.subi %div3A_375, %sub3A_395 : i32
        %select_n3A_397 = arith.select %and3A_394, %sub3A_396, %div3A_375 : i32
        %and3A_398 = arith.constant 1 : i32
        %and3A_399 = arith.andi %select_n3A_397, %and3A_398 : i32
        %mul3A_400 = arith.constant 2 : i32
        %mul3A_401 = arith.muli %mul3A_400, %scan3A_131 : i32
        %add3A_402 = arith.constant 3 : i32
        %add3A_403 = arith.addi %mul3A_401, %add3A_402 : i32
        %jit3A_404 = arith.constant 8 : i32
        %eq3A_405 = arith.constant 0 : i32
        %eq3A_406 = arith.cmpi eq, %jit3A_404, %eq3A_405 : i32
        %jit3A_407 = arith.constant 1 : i32
        %select_n3A_408 = arith.select %eq3A_406, %jit3A_407, %jit3A_404 : i32
        %rem3A_409 = arith.remsi %add3A_403, %select_n3A_408 : i32
        %ne3A_410 = arith.constant 0 : i32
        %ne3A_411 = arith.cmpi ne, %rem3A_409, %ne3A_410 : i32
        %lt3A_412 = arith.constant 0 : i32
        %lt3A_413 = arith.cmpi slt, %rem3A_409, %lt3A_412 : i32
        %lt3A_414 = arith.constant 0 : i32
        %lt3A_415 = arith.cmpi slt, %select_n3A_408, %lt3A_414 : i32
        %ne3A_416 = arith.xori %lt3A_413, %lt3A_415 : i1
        %and3A_417 = arith.andi %ne3A_416, %ne3A_411 : i1
        %add3A_418 = arith.addi %rem3A_409, %select_n3A_408 : i32
        %select_n3A_419 = arith.select %and3A_417, %add3A_418, %rem3A_409 : i32
        %dma_start3A_420 = arith.constant 0 : i32
        %dma_start3A_421 = tpu.memref_slice %arg12[%and3A_399, %select_n3A_419, %dma_start3A_420] : memref<2x8x48xi32, #tpu.memory_space<vmem>> -> memref<1x1x48xi32, #tpu.memory_space<vmem>>
        %dma_start3A_422 = tpu.memref_squeeze %dma_start3A_421 : memref<1x1x48xi32, #tpu.memory_space<vmem>> -> memref<48xi32, #tpu.memory_space<vmem>>
        %dma_start3A_423 = arith.constant 0 : i32
        %dma_start3A_424 = arith.constant 0 : i32
        %dma_start3A_425 = tpu.memref_slice %arg2[%dma_start3A_423, %dma_start3A_424] : memref<10112x128xf32, #tpu.memory_space<hbm>> -> memref<10112x128xf32, #tpu.memory_space<hbm>>
        tpu.enqueue_indirect_dma source(%dma_start3A_425 : memref<10112x128xf32, #tpu.memory_space<hbm>>) target(%arg15 : memref<48x128xf32, #tpu.memory_space<vmem>>) offsets(%dma_start3A_422 : memref<48xi32, #tpu.memory_space<vmem>>) semaphore(%arg19 : memref<!tpu.dma_semaphore, #tpu.memory_space<semaphore_mem>>)
      } else {
      }
      %scan3A_371 = arith.constant 0 : i32
      scf.yield %scan3A_371 : i32
    }
    %scan3A_101 = arith.constant 108 : i32
    %barrier3A_102 = arith.constant 0 : index
    tpu.barrier barrier_id(%barrier3A_102)
    %add3A_103 = arith.constant 0 : i32
    %add3A_104 = arith.addi %mul3A_16, %add3A_103 : i32
    "tpu.region"() ({
      %run_scoped3A_131 = tpu.sem_alloc : memref<!tpu.dma_semaphore, #tpu.memory_space<semaphore_mem>>
      %dma_start3A_132 = arith.constant 0 : i32
      %dma_start3A_133 = tpu.memref_slice %arg7[%arg0, %add3A_104, %dma_start3A_132] : memref<2x10112x128xf32, #tpu.memory_space<hbm>> -> memref<1x48x128xf32, #tpu.memory_space<hbm>>
      %dma_start3A_134 = tpu.memref_squeeze %dma_start3A_133 : memref<1x48x128xf32, #tpu.memory_space<hbm>> -> memref<48x128xf32, #tpu.memory_space<hbm>>
      %dma_start3A_135 = arith.constant 0 : i32
      %dma_start3A_136 = tpu.memref_slice %arg9[%add3A_104, %dma_start3A_135] : memref<10112x128xf32, #tpu.memory_space<vmem_shared>> -> memref<48x128xf32, #tpu.memory_space<vmem_shared>>
      tpu.enqueue_dma source(%dma_start3A_136 : memref<48x128xf32, #tpu.memory_space<vmem_shared>>) target(%dma_start3A_134 : memref<48x128xf32, #tpu.memory_space<hbm>>) target_semaphore(%run_scoped3A_131 : memref<!tpu.dma_semaphore, #tpu.memory_space<semaphore_mem>>)
      %dma_wait3A = arith.constant 0 : i32
      %dma_wait3A_137 = tpu.memref_slice %arg7[%arg0, %add3A_104, %dma_wait3A] : memref<2x10112x128xf32, #tpu.memory_space<hbm>> -> memref<1x48x128xf32, #tpu.memory_space<hbm>>
      %dma_wait3A_138 = tpu.memref_squeeze %dma_wait3A_137 : memref<1x48x128xf32, #tpu.memory_space<hbm>> -> memref<48x128xf32, #tpu.memory_space<hbm>>
      %dma_wait3A_139 = arith.constant 0 : i32
      %dma_wait3A_140 = tpu.memref_slice %arg9[%add3A_104, %dma_wait3A_139] : memref<10112x128xf32, #tpu.memory_space<vmem_shared>> -> memref<48x128xf32, #tpu.memory_space<vmem_shared>>
      tpu.wait_dma2 semaphore(%run_scoped3A_131 : memref<!tpu.dma_semaphore, #tpu.memory_space<semaphore_mem>>) src(%dma_wait3A_140 : memref<48x128xf32, #tpu.memory_space<vmem_shared>>) dst(%dma_wait3A_138 : memref<48x128xf32, #tpu.memory_space<hbm>>)
      tpu.yield
    }) : () -> ()
    %add3A_105 = arith.constant 48 : i32
    %add3A_106 = arith.addi %mul3A_16, %add3A_105 : i32
    "tpu.region"() ({
      %run_scoped3A_131 = tpu.sem_alloc : memref<!tpu.dma_semaphore, #tpu.memory_space<semaphore_mem>>
      %dma_start3A_132 = arith.constant 0 : i32
      %dma_start3A_133 = tpu.memref_slice %arg7[%arg0, %add3A_106, %dma_start3A_132] : memref<2x10112x128xf32, #tpu.memory_space<hbm>> -> memref<1x48x128xf32, #tpu.memory_space<hbm>>
      %dma_start3A_134 = tpu.memref_squeeze %dma_start3A_133 : memref<1x48x128xf32, #tpu.memory_space<hbm>> -> memref<48x128xf32, #tpu.memory_space<hbm>>
      %dma_start3A_135 = arith.constant 0 : i32
      %dma_start3A_136 = tpu.memref_slice %arg9[%add3A_106, %dma_start3A_135] : memref<10112x128xf32, #tpu.memory_space<vmem_shared>> -> memref<48x128xf32, #tpu.memory_space<vmem_shared>>
      tpu.enqueue_dma source(%dma_start3A_136 : memref<48x128xf32, #tpu.memory_space<vmem_shared>>) target(%dma_start3A_134 : memref<48x128xf32, #tpu.memory_space<hbm>>) target_semaphore(%run_scoped3A_131 : memref<!tpu.dma_semaphore, #tpu.memory_space<semaphore_mem>>)
      %dma_wait3A = arith.constant 0 : i32
      %dma_wait3A_137 = tpu.memref_slice %arg7[%arg0, %add3A_106, %dma_wait3A] : memref<2x10112x128xf32, #tpu.memory_space<hbm>> -> memref<1x48x128xf32, #tpu.memory_space<hbm>>
      %dma_wait3A_138 = tpu.memref_squeeze %dma_wait3A_137 : memref<1x48x128xf32, #tpu.memory_space<hbm>> -> memref<48x128xf32, #tpu.memory_space<hbm>>
      %dma_wait3A_139 = arith.constant 0 : i32
      %dma_wait3A_140 = tpu.memref_slice %arg9[%add3A_106, %dma_wait3A_139] : memref<10112x128xf32, #tpu.memory_space<vmem_shared>> -> memref<48x128xf32, #tpu.memory_space<vmem_shared>>
      tpu.wait_dma2 semaphore(%run_scoped3A_131 : memref<!tpu.dma_semaphore, #tpu.memory_space<semaphore_mem>>) src(%dma_wait3A_140 : memref<48x128xf32, #tpu.memory_space<vmem_shared>>) dst(%dma_wait3A_138 : memref<48x128xf32, #tpu.memory_space<hbm>>)
      tpu.yield
    }) : () -> ()
    %add3A_107 = arith.constant 96 : i32
    %add3A_108 = arith.addi %mul3A_16, %add3A_107 : i32
    "tpu.region"() ({
      %run_scoped3A_131 = tpu.sem_alloc : memref<!tpu.dma_semaphore, #tpu.memory_space<semaphore_mem>>
      %dma_start3A_132 = arith.constant 0 : i32
      %dma_start3A_133 = tpu.memref_slice %arg7[%arg0, %add3A_108, %dma_start3A_132] : memref<2x10112x128xf32, #tpu.memory_space<hbm>> -> memref<1x48x128xf32, #tpu.memory_space<hbm>>
      %dma_start3A_134 = tpu.memref_squeeze %dma_start3A_133 : memref<1x48x128xf32, #tpu.memory_space<hbm>> -> memref<48x128xf32, #tpu.memory_space<hbm>>
      %dma_start3A_135 = arith.constant 0 : i32
      %dma_start3A_136 = tpu.memref_slice %arg9[%add3A_108, %dma_start3A_135] : memref<10112x128xf32, #tpu.memory_space<vmem_shared>> -> memref<48x128xf32, #tpu.memory_space<vmem_shared>>
      tpu.enqueue_dma source(%dma_start3A_136 : memref<48x128xf32, #tpu.memory_space<vmem_shared>>) target(%dma_start3A_134 : memref<48x128xf32, #tpu.memory_space<hbm>>) target_semaphore(%run_scoped3A_131 : memref<!tpu.dma_semaphore, #tpu.memory_space<semaphore_mem>>)
      %dma_wait3A = arith.constant 0 : i32
      %dma_wait3A_137 = tpu.memref_slice %arg7[%arg0, %add3A_108, %dma_wait3A] : memref<2x10112x128xf32, #tpu.memory_space<hbm>> -> memref<1x48x128xf32, #tpu.memory_space<hbm>>
      %dma_wait3A_138 = tpu.memref_squeeze %dma_wait3A_137 : memref<1x48x128xf32, #tpu.memory_space<hbm>> -> memref<48x128xf32, #tpu.memory_space<hbm>>
      %dma_wait3A_139 = arith.constant 0 : i32
      %dma_wait3A_140 = tpu.memref_slice %arg9[%add3A_108, %dma_wait3A_139] : memref<10112x128xf32, #tpu.memory_space<vmem_shared>> -> memref<48x128xf32, #tpu.memory_space<vmem_shared>>
      tpu.wait_dma2 semaphore(%run_scoped3A_131 : memref<!tpu.dma_semaphore, #tpu.memory_space<semaphore_mem>>) src(%dma_wait3A_140 : memref<48x128xf32, #tpu.memory_space<vmem_shared>>) dst(%dma_wait3A_138 : memref<48x128xf32, #tpu.memory_space<hbm>>)
      tpu.yield
    }) : () -> ()
    %add3A_109 = arith.constant 144 : i32
    %add3A_110 = arith.addi %mul3A_16, %add3A_109 : i32
    "tpu.region"() ({
      %run_scoped3A_131 = tpu.sem_alloc : memref<!tpu.dma_semaphore, #tpu.memory_space<semaphore_mem>>
      %dma_start3A_132 = arith.constant 0 : i32
      %dma_start3A_133 = tpu.memref_slice %arg7[%arg0, %add3A_110, %dma_start3A_132] : memref<2x10112x128xf32, #tpu.memory_space<hbm>> -> memref<1x48x128xf32, #tpu.memory_space<hbm>>
      %dma_start3A_134 = tpu.memref_squeeze %dma_start3A_133 : memref<1x48x128xf32, #tpu.memory_space<hbm>> -> memref<48x128xf32, #tpu.memory_space<hbm>>
      %dma_start3A_135 = arith.constant 0 : i32
      %dma_start3A_136 = tpu.memref_slice %arg9[%add3A_110, %dma_start3A_135] : memref<10112x128xf32, #tpu.memory_space<vmem_shared>> -> memref<48x128xf32, #tpu.memory_space<vmem_shared>>
      tpu.enqueue_dma source(%dma_start3A_136 : memref<48x128xf32, #tpu.memory_space<vmem_shared>>) target(%dma_start3A_134 : memref<48x128xf32, #tpu.memory_space<hbm>>) target_semaphore(%run_scoped3A_131 : memref<!tpu.dma_semaphore, #tpu.memory_space<semaphore_mem>>)
      %dma_wait3A = arith.constant 0 : i32
      %dma_wait3A_137 = tpu.memref_slice %arg7[%arg0, %add3A_110, %dma_wait3A] : memref<2x10112x128xf32, #tpu.memory_space<hbm>> -> memref<1x48x128xf32, #tpu.memory_space<hbm>>
      %dma_wait3A_138 = tpu.memref_squeeze %dma_wait3A_137 : memref<1x48x128xf32, #tpu.memory_space<hbm>> -> memref<48x128xf32, #tpu.memory_space<hbm>>
      %dma_wait3A_139 = arith.constant 0 : i32
      %dma_wait3A_140 = tpu.memref_slice %arg9[%add3A_110, %dma_wait3A_139] : memref<10112x128xf32, #tpu.memory_space<vmem_shared>> -> memref<48x128xf32, #tpu.memory_space<vmem_shared>>
      tpu.wait_dma2 semaphore(%run_scoped3A_131 : memref<!tpu.dma_semaphore, #tpu.memory_space<semaphore_mem>>) src(%dma_wait3A_140 : memref<48x128xf32, #tpu.memory_space<vmem_shared>>) dst(%dma_wait3A_138 : memref<48x128xf32, #tpu.memory_space<hbm>>)
      tpu.yield
    }) : () -> ()
    %add3A_111 = arith.constant 192 : i32
    %add3A_112 = arith.addi %mul3A_16, %add3A_111 : i32
    "tpu.region"() ({
      %run_scoped3A_131 = tpu.sem_alloc : memref<!tpu.dma_semaphore, #tpu.memory_space<semaphore_mem>>
      %dma_start3A_132 = arith.constant 0 : i32
      %dma_start3A_133 = tpu.memref_slice %arg7[%arg0, %add3A_112, %dma_start3A_132] : memref<2x10112x128xf32, #tpu.memory_space<hbm>> -> memref<1x48x128xf32, #tpu.memory_space<hbm>>
      %dma_start3A_134 = tpu.memref_squeeze %dma_start3A_133 : memref<1x48x128xf32, #tpu.memory_space<hbm>> -> memref<48x128xf32, #tpu.memory_space<hbm>>
      %dma_start3A_135 = arith.constant 0 : i32
      %dma_start3A_136 = tpu.memref_slice %arg9[%add3A_112, %dma_start3A_135] : memref<10112x128xf32, #tpu.memory_space<vmem_shared>> -> memref<48x128xf32, #tpu.memory_space<vmem_shared>>
      tpu.enqueue_dma source(%dma_start3A_136 : memref<48x128xf32, #tpu.memory_space<vmem_shared>>) target(%dma_start3A_134 : memref<48x128xf32, #tpu.memory_space<hbm>>) target_semaphore(%run_scoped3A_131 : memref<!tpu.dma_semaphore, #tpu.memory_space<semaphore_mem>>)
      %dma_wait3A = arith.constant 0 : i32
      %dma_wait3A_137 = tpu.memref_slice %arg7[%arg0, %add3A_112, %dma_wait3A] : memref<2x10112x128xf32, #tpu.memory_space<hbm>> -> memref<1x48x128xf32, #tpu.memory_space<hbm>>
      %dma_wait3A_138 = tpu.memref_squeeze %dma_wait3A_137 : memref<1x48x128xf32, #tpu.memory_space<hbm>> -> memref<48x128xf32, #tpu.memory_space<hbm>>
      %dma_wait3A_139 = arith.constant 0 : i32
      %dma_wait3A_140 = tpu.memref_slice %arg9[%add3A_112, %dma_wait3A_139] : memref<10112x128xf32, #tpu.memory_space<vmem_shared>> -> memref<48x128xf32, #tpu.memory_space<vmem_shared>>
      tpu.wait_dma2 semaphore(%run_scoped3A_131 : memref<!tpu.dma_semaphore, #tpu.memory_space<semaphore_mem>>) src(%dma_wait3A_140 : memref<48x128xf32, #tpu.memory_space<vmem_shared>>) dst(%dma_wait3A_138 : memref<48x128xf32, #tpu.memory_space<hbm>>)
      tpu.yield
    }) : () -> ()
    %add3A_113 = arith.constant 240 : i32
    %add3A_114 = arith.addi %mul3A_16, %add3A_113 : i32
    "tpu.region"() ({
      %run_scoped3A_131 = tpu.sem_alloc : memref<!tpu.dma_semaphore, #tpu.memory_space<semaphore_mem>>
      %dma_start3A_132 = arith.constant 0 : i32
      %dma_start3A_133 = tpu.memref_slice %arg7[%arg0, %add3A_114, %dma_start3A_132] : memref<2x10112x128xf32, #tpu.memory_space<hbm>> -> memref<1x48x128xf32, #tpu.memory_space<hbm>>
      %dma_start3A_134 = tpu.memref_squeeze %dma_start3A_133 : memref<1x48x128xf32, #tpu.memory_space<hbm>> -> memref<48x128xf32, #tpu.memory_space<hbm>>
      %dma_start3A_135 = arith.constant 0 : i32
      %dma_start3A_136 = tpu.memref_slice %arg9[%add3A_114, %dma_start3A_135] : memref<10112x128xf32, #tpu.memory_space<vmem_shared>> -> memref<48x128xf32, #tpu.memory_space<vmem_shared>>
      tpu.enqueue_dma source(%dma_start3A_136 : memref<48x128xf32, #tpu.memory_space<vmem_shared>>) target(%dma_start3A_134 : memref<48x128xf32, #tpu.memory_space<hbm>>) target_semaphore(%run_scoped3A_131 : memref<!tpu.dma_semaphore, #tpu.memory_space<semaphore_mem>>)
      %dma_wait3A = arith.constant 0 : i32
      %dma_wait3A_137 = tpu.memref_slice %arg7[%arg0, %add3A_114, %dma_wait3A] : memref<2x10112x128xf32, #tpu.memory_space<hbm>> -> memref<1x48x128xf32, #tpu.memory_space<hbm>>
      %dma_wait3A_138 = tpu.memref_squeeze %dma_wait3A_137 : memref<1x48x128xf32, #tpu.memory_space<hbm>> -> memref<48x128xf32, #tpu.memory_space<hbm>>
      %dma_wait3A_139 = arith.constant 0 : i32
      %dma_wait3A_140 = tpu.memref_slice %arg9[%add3A_114, %dma_wait3A_139] : memref<10112x128xf32, #tpu.memory_space<vmem_shared>> -> memref<48x128xf32, #tpu.memory_space<vmem_shared>>
      tpu.wait_dma2 semaphore(%run_scoped3A_131 : memref<!tpu.dma_semaphore, #tpu.memory_space<semaphore_mem>>) src(%dma_wait3A_140 : memref<48x128xf32, #tpu.memory_space<vmem_shared>>) dst(%dma_wait3A_138 : memref<48x128xf32, #tpu.memory_space<hbm>>)
      tpu.yield
    }) : () -> ()
    %add3A_115 = arith.constant 288 : i32
    %add3A_116 = arith.addi %mul3A_16, %add3A_115 : i32
    "tpu.region"() ({
      %run_scoped3A_131 = tpu.sem_alloc : memref<!tpu.dma_semaphore, #tpu.memory_space<semaphore_mem>>
      %dma_start3A_132 = arith.constant 0 : i32
      %dma_start3A_133 = tpu.memref_slice %arg7[%arg0, %add3A_116, %dma_start3A_132] : memref<2x10112x128xf32, #tpu.memory_space<hbm>> -> memref<1x48x128xf32, #tpu.memory_space<hbm>>
      %dma_start3A_134 = tpu.memref_squeeze %dma_start3A_133 : memref<1x48x128xf32, #tpu.memory_space<hbm>> -> memref<48x128xf32, #tpu.memory_space<hbm>>
      %dma_start3A_135 = arith.constant 0 : i32
      %dma_start3A_136 = tpu.memref_slice %arg9[%add3A_116, %dma_start3A_135] : memref<10112x128xf32, #tpu.memory_space<vmem_shared>> -> memref<48x128xf32, #tpu.memory_space<vmem_shared>>
      tpu.enqueue_dma source(%dma_start3A_136 : memref<48x128xf32, #tpu.memory_space<vmem_shared>>) target(%dma_start3A_134 : memref<48x128xf32, #tpu.memory_space<hbm>>) target_semaphore(%run_scoped3A_131 : memref<!tpu.dma_semaphore, #tpu.memory_space<semaphore_mem>>)
      %dma_wait3A = arith.constant 0 : i32
      %dma_wait3A_137 = tpu.memref_slice %arg7[%arg0, %add3A_116, %dma_wait3A] : memref<2x10112x128xf32, #tpu.memory_space<hbm>> -> memref<1x48x128xf32, #tpu.memory_space<hbm>>
      %dma_wait3A_138 = tpu.memref_squeeze %dma_wait3A_137 : memref<1x48x128xf32, #tpu.memory_space<hbm>> -> memref<48x128xf32, #tpu.memory_space<hbm>>
      %dma_wait3A_139 = arith.constant 0 : i32
      %dma_wait3A_140 = tpu.memref_slice %arg9[%add3A_116, %dma_wait3A_139] : memref<10112x128xf32, #tpu.memory_space<vmem_shared>> -> memref<48x128xf32, #tpu.memory_space<vmem_shared>>
      tpu.wait_dma2 semaphore(%run_scoped3A_131 : memref<!tpu.dma_semaphore, #tpu.memory_space<semaphore_mem>>) src(%dma_wait3A_140 : memref<48x128xf32, #tpu.memory_space<vmem_shared>>) dst(%dma_wait3A_138 : memref<48x128xf32, #tpu.memory_space<hbm>>)
      tpu.yield
    }) : () -> ()
    %add3A_117 = arith.constant 336 : i32
    %add3A_118 = arith.addi %mul3A_16, %add3A_117 : i32
    "tpu.region"() ({
      %run_scoped3A_131 = tpu.sem_alloc : memref<!tpu.dma_semaphore, #tpu.memory_space<semaphore_mem>>
      %dma_start3A_132 = arith.constant 0 : i32
      %dma_start3A_133 = tpu.memref_slice %arg7[%arg0, %add3A_118, %dma_start3A_132] : memref<2x10112x128xf32, #tpu.memory_space<hbm>> -> memref<1x48x128xf32, #tpu.memory_space<hbm>>
      %dma_start3A_134 = tpu.memref_squeeze %dma_start3A_133 : memref<1x48x128xf32, #tpu.memory_space<hbm>> -> memref<48x128xf32, #tpu.memory_space<hbm>>
      %dma_start3A_135 = arith.constant 0 : i32
      %dma_start3A_136 = tpu.memref_slice %arg9[%add3A_118, %dma_start3A_135] : memref<10112x128xf32, #tpu.memory_space<vmem_shared>> -> memref<48x128xf32, #tpu.memory_space<vmem_shared>>
      tpu.enqueue_dma source(%dma_start3A_136 : memref<48x128xf32, #tpu.memory_space<vmem_shared>>) target(%dma_start3A_134 : memref<48x128xf32, #tpu.memory_space<hbm>>) target_semaphore(%run_scoped3A_131 : memref<!tpu.dma_semaphore, #tpu.memory_space<semaphore_mem>>)
      %dma_wait3A = arith.constant 0 : i32
      %dma_wait3A_137 = tpu.memref_slice %arg7[%arg0, %add3A_118, %dma_wait3A] : memref<2x10112x128xf32, #tpu.memory_space<hbm>> -> memref<1x48x128xf32, #tpu.memory_space<hbm>>
      %dma_wait3A_138 = tpu.memref_squeeze %dma_wait3A_137 : memref<1x48x128xf32, #tpu.memory_space<hbm>> -> memref<48x128xf32, #tpu.memory_space<hbm>>
      %dma_wait3A_139 = arith.constant 0 : i32
      %dma_wait3A_140 = tpu.memref_slice %arg9[%add3A_118, %dma_wait3A_139] : memref<10112x128xf32, #tpu.memory_space<vmem_shared>> -> memref<48x128xf32, #tpu.memory_space<vmem_shared>>
      tpu.wait_dma2 semaphore(%run_scoped3A_131 : memref<!tpu.dma_semaphore, #tpu.memory_space<semaphore_mem>>) src(%dma_wait3A_140 : memref<48x128xf32, #tpu.memory_space<vmem_shared>>) dst(%dma_wait3A_138 : memref<48x128xf32, #tpu.memory_space<hbm>>)
      tpu.yield
    }) : () -> ()
    %add3A_119 = arith.constant 384 : i32
    %add3A_120 = arith.addi %mul3A_16, %add3A_119 : i32
    "tpu.region"() ({
      %run_scoped3A_131 = tpu.sem_alloc : memref<!tpu.dma_semaphore, #tpu.memory_space<semaphore_mem>>
      %dma_start3A_132 = arith.constant 0 : i32
      %dma_start3A_133 = tpu.memref_slice %arg7[%arg0, %add3A_120, %dma_start3A_132] : memref<2x10112x128xf32, #tpu.memory_space<hbm>> -> memref<1x48x128xf32, #tpu.memory_space<hbm>>
      %dma_start3A_134 = tpu.memref_squeeze %dma_start3A_133 : memref<1x48x128xf32, #tpu.memory_space<hbm>> -> memref<48x128xf32, #tpu.memory_space<hbm>>
      %dma_start3A_135 = arith.constant 0 : i32
      %dma_start3A_136 = tpu.memref_slice %arg9[%add3A_120, %dma_start3A_135] : memref<10112x128xf32, #tpu.memory_space<vmem_shared>> -> memref<48x128xf32, #tpu.memory_space<vmem_shared>>
      tpu.enqueue_dma source(%dma_start3A_136 : memref<48x128xf32, #tpu.memory_space<vmem_shared>>) target(%dma_start3A_134 : memref<48x128xf32, #tpu.memory_space<hbm>>) target_semaphore(%run_scoped3A_131 : memref<!tpu.dma_semaphore, #tpu.memory_space<semaphore_mem>>)
      %dma_wait3A = arith.constant 0 : i32
      %dma_wait3A_137 = tpu.memref_slice %arg7[%arg0, %add3A_120, %dma_wait3A] : memref<2x10112x128xf32, #tpu.memory_space<hbm>> -> memref<1x48x128xf32, #tpu.memory_space<hbm>>
      %dma_wait3A_138 = tpu.memref_squeeze %dma_wait3A_137 : memref<1x48x128xf32, #tpu.memory_space<hbm>> -> memref<48x128xf32, #tpu.memory_space<hbm>>
      %dma_wait3A_139 = arith.constant 0 : i32
      %dma_wait3A_140 = tpu.memref_slice %arg9[%add3A_120, %dma_wait3A_139] : memref<10112x128xf32, #tpu.memory_space<vmem_shared>> -> memref<48x128xf32, #tpu.memory_space<vmem_shared>>
      tpu.wait_dma2 semaphore(%run_scoped3A_131 : memref<!tpu.dma_semaphore, #tpu.memory_space<semaphore_mem>>) src(%dma_wait3A_140 : memref<48x128xf32, #tpu.memory_space<vmem_shared>>) dst(%dma_wait3A_138 : memref<48x128xf32, #tpu.memory_space<hbm>>)
      tpu.yield
    }) : () -> ()
    %add3A_121 = arith.constant 432 : i32
    %add3A_122 = arith.addi %mul3A_16, %add3A_121 : i32
    "tpu.region"() ({
      %run_scoped3A_131 = tpu.sem_alloc : memref<!tpu.dma_semaphore, #tpu.memory_space<semaphore_mem>>
      %dma_start3A_132 = arith.constant 0 : i32
      %dma_start3A_133 = tpu.memref_slice %arg7[%arg0, %add3A_122, %dma_start3A_132] : memref<2x10112x128xf32, #tpu.memory_space<hbm>> -> memref<1x48x128xf32, #tpu.memory_space<hbm>>
      %dma_start3A_134 = tpu.memref_squeeze %dma_start3A_133 : memref<1x48x128xf32, #tpu.memory_space<hbm>> -> memref<48x128xf32, #tpu.memory_space<hbm>>
      %dma_start3A_135 = arith.constant 0 : i32
      %dma_start3A_136 = tpu.memref_slice %arg9[%add3A_122, %dma_start3A_135] : memref<10112x128xf32, #tpu.memory_space<vmem_shared>> -> memref<48x128xf32, #tpu.memory_space<vmem_shared>>
      tpu.enqueue_dma source(%dma_start3A_136 : memref<48x128xf32, #tpu.memory_space<vmem_shared>>) target(%dma_start3A_134 : memref<48x128xf32, #tpu.memory_space<hbm>>) target_semaphore(%run_scoped3A_131 : memref<!tpu.dma_semaphore, #tpu.memory_space<semaphore_mem>>)
      %dma_wait3A = arith.constant 0 : i32
      %dma_wait3A_137 = tpu.memref_slice %arg7[%arg0, %add3A_122, %dma_wait3A] : memref<2x10112x128xf32, #tpu.memory_space<hbm>> -> memref<1x48x128xf32, #tpu.memory_space<hbm>>
      %dma_wait3A_138 = tpu.memref_squeeze %dma_wait3A_137 : memref<1x48x128xf32, #tpu.memory_space<hbm>> -> memref<48x128xf32, #tpu.memory_space<hbm>>
      %dma_wait3A_139 = arith.constant 0 : i32
      %dma_wait3A_140 = tpu.memref_slice %arg9[%add3A_122, %dma_wait3A_139] : memref<10112x128xf32, #tpu.memory_space<vmem_shared>> -> memref<48x128xf32, #tpu.memory_space<vmem_shared>>
      tpu.wait_dma2 semaphore(%run_scoped3A_131 : memref<!tpu.dma_semaphore, #tpu.memory_space<semaphore_mem>>) src(%dma_wait3A_140 : memref<48x128xf32, #tpu.memory_space<vmem_shared>>) dst(%dma_wait3A_138 : memref<48x128xf32, #tpu.memory_space<hbm>>)
      tpu.yield
    }) : () -> ()
    %add3A_123 = arith.constant 480 : i32
    %add3A_124 = arith.addi %mul3A_16, %add3A_123 : i32
    "tpu.region"() ({
      %run_scoped3A_131 = tpu.sem_alloc : memref<!tpu.dma_semaphore, #tpu.memory_space<semaphore_mem>>
      %dma_start3A_132 = arith.constant 0 : i32
      %dma_start3A_133 = tpu.memref_slice %arg7[%arg0, %add3A_124, %dma_start3A_132] : memref<2x10112x128xf32, #tpu.memory_space<hbm>> -> memref<1x48x128xf32, #tpu.memory_space<hbm>>
      %dma_start3A_134 = tpu.memref_squeeze %dma_start3A_133 : memref<1x48x128xf32, #tpu.memory_space<hbm>> -> memref<48x128xf32, #tpu.memory_space<hbm>>
      %dma_start3A_135 = arith.constant 0 : i32
      %dma_start3A_136 = tpu.memref_slice %arg9[%add3A_124, %dma_start3A_135] : memref<10112x128xf32, #tpu.memory_space<vmem_shared>> -> memref<48x128xf32, #tpu.memory_space<vmem_shared>>
      tpu.enqueue_dma source(%dma_start3A_136 : memref<48x128xf32, #tpu.memory_space<vmem_shared>>) target(%dma_start3A_134 : memref<48x128xf32, #tpu.memory_space<hbm>>) target_semaphore(%run_scoped3A_131 : memref<!tpu.dma_semaphore, #tpu.memory_space<semaphore_mem>>)
      %dma_wait3A = arith.constant 0 : i32
      %dma_wait3A_137 = tpu.memref_slice %arg7[%arg0, %add3A_124, %dma_wait3A] : memref<2x10112x128xf32, #tpu.memory_space<hbm>> -> memref<1x48x128xf32, #tpu.memory_space<hbm>>
      %dma_wait3A_138 = tpu.memref_squeeze %dma_wait3A_137 : memref<1x48x128xf32, #tpu.memory_space<hbm>> -> memref<48x128xf32, #tpu.memory_space<hbm>>
      %dma_wait3A_139 = arith.constant 0 : i32
      %dma_wait3A_140 = tpu.memref_slice %arg9[%add3A_124, %dma_wait3A_139] : memref<10112x128xf32, #tpu.memory_space<vmem_shared>> -> memref<48x128xf32, #tpu.memory_space<vmem_shared>>
      tpu.wait_dma2 semaphore(%run_scoped3A_131 : memref<!tpu.dma_semaphore, #tpu.memory_space<semaphore_mem>>) src(%dma_wait3A_140 : memref<48x128xf32, #tpu.memory_space<vmem_shared>>) dst(%dma_wait3A_138 : memref<48x128xf32, #tpu.memory_space<hbm>>)
      tpu.yield
    }) : () -> ()
    %add3A_125 = arith.constant 528 : i32
    %add3A_126 = arith.addi %mul3A_16, %add3A_125 : i32
    "tpu.region"() ({
      %run_scoped3A_131 = tpu.sem_alloc : memref<!tpu.dma_semaphore, #tpu.memory_space<semaphore_mem>>
      %dma_start3A_132 = arith.constant 0 : i32
      %dma_start3A_133 = tpu.memref_slice %arg7[%arg0, %add3A_126, %dma_start3A_132] : memref<2x10112x128xf32, #tpu.memory_space<hbm>> -> memref<1x48x128xf32, #tpu.memory_space<hbm>>
      %dma_start3A_134 = tpu.memref_squeeze %dma_start3A_133 : memref<1x48x128xf32, #tpu.memory_space<hbm>> -> memref<48x128xf32, #tpu.memory_space<hbm>>
      %dma_start3A_135 = arith.constant 0 : i32
      %dma_start3A_136 = tpu.memref_slice %arg9[%add3A_126, %dma_start3A_135] : memref<10112x128xf32, #tpu.memory_space<vmem_shared>> -> memref<48x128xf32, #tpu.memory_space<vmem_shared>>
      tpu.enqueue_dma source(%dma_start3A_136 : memref<48x128xf32, #tpu.memory_space<vmem_shared>>) target(%dma_start3A_134 : memref<48x128xf32, #tpu.memory_space<hbm>>) target_semaphore(%run_scoped3A_131 : memref<!tpu.dma_semaphore, #tpu.memory_space<semaphore_mem>>)
      %dma_wait3A = arith.constant 0 : i32
      %dma_wait3A_137 = tpu.memref_slice %arg7[%arg0, %add3A_126, %dma_wait3A] : memref<2x10112x128xf32, #tpu.memory_space<hbm>> -> memref<1x48x128xf32, #tpu.memory_space<hbm>>
      %dma_wait3A_138 = tpu.memref_squeeze %dma_wait3A_137 : memref<1x48x128xf32, #tpu.memory_space<hbm>> -> memref<48x128xf32, #tpu.memory_space<hbm>>
      %dma_wait3A_139 = arith.constant 0 : i32
      %dma_wait3A_140 = tpu.memref_slice %arg9[%add3A_126, %dma_wait3A_139] : memref<10112x128xf32, #tpu.memory_space<vmem_shared>> -> memref<48x128xf32, #tpu.memory_space<vmem_shared>>
      tpu.wait_dma2 semaphore(%run_scoped3A_131 : memref<!tpu.dma_semaphore, #tpu.memory_space<semaphore_mem>>) src(%dma_wait3A_140 : memref<48x128xf32, #tpu.memory_space<vmem_shared>>) dst(%dma_wait3A_138 : memref<48x128xf32, #tpu.memory_space<hbm>>)
      tpu.yield
    }) : () -> ()
    %add3A_127 = arith.constant 576 : i32
    %add3A_128 = arith.addi %mul3A_16, %add3A_127 : i32
    "tpu.region"() ({
      %run_scoped3A_131 = tpu.sem_alloc : memref<!tpu.dma_semaphore, #tpu.memory_space<semaphore_mem>>
      %dma_start3A_132 = arith.constant 0 : i32
      %dma_start3A_133 = tpu.memref_slice %arg7[%arg0, %add3A_128, %dma_start3A_132] : memref<2x10112x128xf32, #tpu.memory_space<hbm>> -> memref<1x48x128xf32, #tpu.memory_space<hbm>>
      %dma_start3A_134 = tpu.memref_squeeze %dma_start3A_133 : memref<1x48x128xf32, #tpu.memory_space<hbm>> -> memref<48x128xf32, #tpu.memory_space<hbm>>
      %dma_start3A_135 = arith.constant 0 : i32
      %dma_start3A_136 = tpu.memref_slice %arg9[%add3A_128, %dma_start3A_135] : memref<10112x128xf32, #tpu.memory_space<vmem_shared>> -> memref<48x128xf32, #tpu.memory_space<vmem_shared>>
      tpu.enqueue_dma source(%dma_start3A_136 : memref<48x128xf32, #tpu.memory_space<vmem_shared>>) target(%dma_start3A_134 : memref<48x128xf32, #tpu.memory_space<hbm>>) target_semaphore(%run_scoped3A_131 : memref<!tpu.dma_semaphore, #tpu.memory_space<semaphore_mem>>)
      %dma_wait3A = arith.constant 0 : i32
      %dma_wait3A_137 = tpu.memref_slice %arg7[%arg0, %add3A_128, %dma_wait3A] : memref<2x10112x128xf32, #tpu.memory_space<hbm>> -> memref<1x48x128xf32, #tpu.memory_space<hbm>>
      %dma_wait3A_138 = tpu.memref_squeeze %dma_wait3A_137 : memref<1x48x128xf32, #tpu.memory_space<hbm>> -> memref<48x128xf32, #tpu.memory_space<hbm>>
      %dma_wait3A_139 = arith.constant 0 : i32
      %dma_wait3A_140 = tpu.memref_slice %arg9[%add3A_128, %dma_wait3A_139] : memref<10112x128xf32, #tpu.memory_space<vmem_shared>> -> memref<48x128xf32, #tpu.memory_space<vmem_shared>>
      tpu.wait_dma2 semaphore(%run_scoped3A_131 : memref<!tpu.dma_semaphore, #tpu.memory_space<semaphore_mem>>) src(%dma_wait3A_140 : memref<48x128xf32, #tpu.memory_space<vmem_shared>>) dst(%dma_wait3A_138 : memref<48x128xf32, #tpu.memory_space<hbm>>)
      tpu.yield
    }) : () -> ()
    %add3A_129 = arith.constant 624 : i32
    %add3A_130 = arith.addi %mul3A_16, %add3A_129 : i32
    "tpu.region"() ({
      %run_scoped3A_131 = tpu.sem_alloc : memref<!tpu.dma_semaphore, #tpu.memory_space<semaphore_mem>>
      %dma_start3A_132 = arith.constant 0 : i32
      %dma_start3A_133 = tpu.memref_slice %arg7[%arg0, %add3A_130, %dma_start3A_132] : memref<2x10112x128xf32, #tpu.memory_space<hbm>> -> memref<1x8x128xf32, #tpu.memory_space<hbm>>
      %dma_start3A_134 = tpu.memref_squeeze %dma_start3A_133 : memref<1x8x128xf32, #tpu.memory_space<hbm>> -> memref<8x128xf32, #tpu.memory_space<hbm>>
      %dma_start3A_135 = arith.constant 0 : i32
      %dma_start3A_136 = tpu.memref_slice %arg9[%add3A_130, %dma_start3A_135] : memref<10112x128xf32, #tpu.memory_space<vmem_shared>> -> memref<8x128xf32, #tpu.memory_space<vmem_shared>>
      tpu.enqueue_dma source(%dma_start3A_136 : memref<8x128xf32, #tpu.memory_space<vmem_shared>>) target(%dma_start3A_134 : memref<8x128xf32, #tpu.memory_space<hbm>>) target_semaphore(%run_scoped3A_131 : memref<!tpu.dma_semaphore, #tpu.memory_space<semaphore_mem>>)
      %dma_wait3A = arith.constant 0 : i32
      %dma_wait3A_137 = tpu.memref_slice %arg7[%arg0, %add3A_130, %dma_wait3A] : memref<2x10112x128xf32, #tpu.memory_space<hbm>> -> memref<1x8x128xf32, #tpu.memory_space<hbm>>
      %dma_wait3A_138 = tpu.memref_squeeze %dma_wait3A_137 : memref<1x8x128xf32, #tpu.memory_space<hbm>> -> memref<8x128xf32, #tpu.memory_space<hbm>>
      %dma_wait3A_139 = arith.constant 0 : i32
      %dma_wait3A_140 = tpu.memref_slice %arg9[%add3A_130, %dma_wait3A_139] : memref<10112x128xf32, #tpu.memory_space<vmem_shared>> -> memref<8x128xf32, #tpu.memory_space<vmem_shared>>
      tpu.wait_dma2 semaphore(%run_scoped3A_131 : memref<!tpu.dma_semaphore, #tpu.memory_space<semaphore_mem>>) src(%dma_wait3A_140 : memref<8x128xf32, #tpu.memory_space<vmem_shared>>) dst(%dma_wait3A_138 : memref<8x128xf32, #tpu.memory_space<hbm>>)
      tpu.yield
    }) : () -> ()
    "tpu.region"() ({
      %run_scoped3A_131 = tpu.sem_alloc : memref<!tpu.dma_semaphore, #tpu.memory_space<semaphore_mem>>
      %dma_start3A_132 = arith.constant 0 : i32
      %dma_start3A_133 = tpu.memref_slice %arg8[%arg0, %arg1, %dma_start3A_132] : memref<2x16x10112xf32, #tpu.memory_space<hbm>> -> memref<1x1x10112xf32, #tpu.memory_space<hbm>>
      %dma_start3A_134 = tpu.memref_squeeze %dma_start3A_133 : memref<1x1x10112xf32, #tpu.memory_space<hbm>> -> memref<10112xf32, #tpu.memory_space<hbm>>
      %dma_start3A_135 = arith.constant 0 : i32
      %dma_start3A_136 = tpu.memref_slice %arg8[%arg0, %arg1, %dma_start3A_135] : memref<2x16x10112xf32, #tpu.memory_space<hbm>> -> memref<1x1x10112xf32, #tpu.memory_space<hbm>>
      %dma_start3A_137 = tpu.memref_squeeze %dma_start3A_136 : memref<1x1x10112xf32, #tpu.memory_space<hbm>> -> memref<10112xf32, #tpu.memory_space<hbm>>
      tpu.enqueue_dma source(%arg17 : memref<10112xf32, #tpu.memory_space<vmem>>) target(%dma_start3A_137 : memref<10112xf32, #tpu.memory_space<hbm>>) target_semaphore(%run_scoped3A_131 : memref<!tpu.dma_semaphore, #tpu.memory_space<semaphore_mem>>)
      %dma_wait3A = arith.constant 0 : i32
      %dma_wait3A_138 = tpu.memref_slice %arg8[%arg0, %arg1, %dma_wait3A] : memref<2x16x10112xf32, #tpu.memory_space<hbm>> -> memref<1x1x10112xf32, #tpu.memory_space<hbm>>
      %dma_wait3A_139 = tpu.memref_squeeze %dma_wait3A_138 : memref<1x1x10112xf32, #tpu.memory_space<hbm>> -> memref<10112xf32, #tpu.memory_space<hbm>>
      %dma_wait3A_140 = arith.constant 0 : i32
      %dma_wait3A_141 = tpu.memref_slice %arg8[%arg0, %arg1, %dma_wait3A_140] : memref<2x16x10112xf32, #tpu.memory_space<hbm>> -> memref<1x1x10112xf32, #tpu.memory_space<hbm>>
      %dma_wait3A_142 = tpu.memref_squeeze %dma_wait3A_141 : memref<1x1x10112xf32, #tpu.memory_space<hbm>> -> memref<10112xf32, #tpu.memory_space<hbm>>
      tpu.wait_dma2 semaphore(%run_scoped3A_131 : memref<!tpu.dma_semaphore, #tpu.memory_space<semaphore_mem>>) src(%arg17 : memref<10112xf32, #tpu.memory_space<vmem>>) dst(%dma_wait3A_142 : memref<10112xf32, #tpu.memory_space<hbm>>)
      tpu.yield
    }) : () -> ()
    return
  }
}

module attributes {stable_mosaic.version = 14 : i64} {
  func.func @_proj_body(%arg0: memref<10000x128xf32, #tpu.memory_space<vmem>>, %arg1: memref<128x128xf32, #tpu.memory_space<vmem>>, %arg2: memref<1x128xf32, #tpu.memory_space<vmem>>, %arg3: memref<128x2xf32, #tpu.memory_space<vmem>>, %arg4: memref<10112x128xf32, #tpu.memory_space<vmem>>, %arg5: memref<10112x2xf32, #tpu.memory_space<vmem>>) attributes {dimension_semantics = [], scalar_prefetch = 0 : i64, scratch_operands = 0 : i64, tpu.core_type = #tpu.core_type<tc>} {
    %get3A = arith.constant 0 : index
    %get3A_0 = arith.constant 0 : index
    %get3A_1 = vector.load %arg0[%get3A, %get3A_0] : memref<10000x128xf32, #tpu.memory_space<vmem>>, vector<10000x128xf32>
    %get3A_2 = arith.constant 0 : index
    %get3A_3 = arith.constant 0 : index
    %get3A_4 = vector.load %arg1[%get3A_2, %get3A_3] : memref<128x128xf32, #tpu.memory_space<vmem>>, vector<128x128xf32>
    %dot_general3A = arith.constant dense<0.000000e+00> : vector<10000x128xf32>
    %dot_general3A_5 = tpu.matmul %get3A_1, %get3A_4, %dot_general3A {dimension_numbers = #tpu.dot_dimension_numbers<[1], [0], [0], [1], [0, 0, 1, 1], [], []>, transpose_lhs_hint = false} : vector<10000x128xf32>, vector<128x128xf32>, vector<10000x128xf32> -> vector<10000x128xf32>
    %get3A_6 = arith.constant 0 : index
    %get3A_7 = arith.constant 0 : index
    %get3A_8 = vector.load %arg2[%get3A_6, %get3A_7] : memref<1x128xf32, #tpu.memory_space<vmem>>, vector<1x128xf32>
    %add3A = vector.broadcast %get3A_8 : vector<1x128xf32> to vector<10000x128xf32>
    %add3A_9 = arith.addf %dot_general3A_5, %add3A : vector<10000x128xf32>
    %swap3A = arith.constant 0 : index
    %swap3A_10 = arith.constant 0 : index
    %swap3A_11 = vector.load %arg4[%swap3A, %swap3A_10] : memref<10112x128xf32, #tpu.memory_space<vmem>>, vector<10000x128xf32>
    tpu.vector_store %arg4[%swap3A, %swap3A_10], %add3A_9 {strides = array<i32>} : memref<10112x128xf32, #tpu.memory_space<vmem>>, vector<10000x128xf32>,
    %get3A_12 = arith.constant 0 : index
    %get3A_13 = arith.constant 0 : index
    %get3A_14 = vector.load %arg2[%get3A_12, %get3A_13] : memref<1x128xf32, #tpu.memory_space<vmem>>, vector<1x128xf32>
    %broadcast_in_dim3A = vector.shape_cast %get3A_14 : vector<1x128xf32> to vector<1x128xf32>
    %broadcast_in_dim3A_15 = vector.broadcast %broadcast_in_dim3A : vector<1x128xf32> to vector<112x128xf32>
    %swap3A_16 = arith.constant 10000 : index
    %swap3A_17 = arith.constant 0 : index
    %swap3A_18 = vector.load %arg4[%swap3A_16, %swap3A_17] : memref<10112x128xf32, #tpu.memory_space<vmem>>, vector<112x128xf32>
    tpu.vector_store %arg4[%swap3A_16, %swap3A_17], %broadcast_in_dim3A_15 {strides = array<i32>} : memref<10112x128xf32, #tpu.memory_space<vmem>>, vector<112x128xf32>,
    %get3A_19 = arith.constant 0 : index
    %get3A_20 = arith.constant 0 : index
    %get3A_21 = vector.load %arg3[%get3A_19, %get3A_20] : memref<128x2xf32, #tpu.memory_space<vmem>>, vector<128x2xf32>
    %dot_general3A_22 = arith.constant dense<0.000000e+00> : vector<10000x2xf32>
    %dot_general3A_23 = tpu.matmul %add3A_9, %get3A_21, %dot_general3A_22 {dimension_numbers = #tpu.dot_dimension_numbers<[1], [0], [0], [1], [0, 0, 1, 1], [], []>, transpose_lhs_hint = false} : vector<10000x128xf32>, vector<128x2xf32>, vector<10000x2xf32> -> vector<10000x2xf32>
    %swap3A_24 = arith.constant 0 : index
    %swap3A_25 = arith.constant 0 : index
    %swap3A_26 = vector.load %arg5[%swap3A_24, %swap3A_25] : memref<10112x2xf32, #tpu.memory_space<vmem>>, vector<10000x2xf32>
    tpu.vector_store %arg5[%swap3A_24, %swap3A_25], %dot_general3A_23 {strides = array<i32>} : memref<10112x2xf32, #tpu.memory_space<vmem>>, vector<10000x2xf32>,
    %broadcast_in_dim3A_27 = arith.constant 0.000000e+00 : f32
    %broadcast_in_dim3A_28 = vector.broadcast %broadcast_in_dim3A_27 : f32 to vector<112x2xf32>
    %swap3A_29 = arith.constant 10000 : index
    %swap3A_30 = arith.constant 0 : index
    %swap3A_31 = vector.load %arg5[%swap3A_29, %swap3A_30] : memref<10112x2xf32, #tpu.memory_space<vmem>>, vector<112x2xf32>
    tpu.vector_store %arg5[%swap3A_29, %swap3A_30], %broadcast_in_dim3A_28 {strides = array<i32>} : memref<10112x2xf32, #tpu.memory_space<vmem>>, vector<112x2xf32>,
    return
  }
}

module attributes {stable_mosaic.version = 14 : i64} {
  func.func @_final_body(%arg0: i32, %arg1: memref<2x1000x128xf32, #tpu.memory_space<vmem>>, %arg2: memref<1000x32xf32, #tpu.memory_space<vmem>>, %arg3: memref<1000x128xf32, #tpu.memory_space<vmem>>, %arg4: memref<1000x2xf32, #tpu.memory_space<vmem>>, %arg5: memref<1000x128xf32, #tpu.memory_space<vmem>>) attributes {dimension_semantics = [#tpu.dimension_semantics<arbitrary>], iteration_bounds = array<i64: 10>, scalar_prefetch = 0 : i64, scratch_operands = 0 : i64, tpu.core_type = #tpu.core_type<tc>, window_params = [{transform_indices = @transform_0, window_bounds = array<i64: 2, 1000, 128>}, {transform_indices = @transform_1, window_bounds = array<i64: 1000, 32>}, {transform_indices = @transform_2, window_bounds = array<i64: 1000, 128>}, {transform_indices = @transform_3, window_bounds = array<i64: 1000, 2>}, {transform_indices = @transform_4, window_bounds = array<i64: 1000, 128>}]} {
    %get3A = arith.constant 0 : index
    %get3A_0 = arith.constant 0 : index
    %get3A_1 = vector.load %arg4[%get3A, %get3A_0] : memref<1000x2xf32, #tpu.memory_space<vmem>>, vector<1000x2xf32>
    %slice3A = vector.extract_strided_slice %get3A_1 {offsets = [0, 0], sizes = [1000, 1], strides = [1, 1]} : vector<1000x2xf32> to vector<1000x1xf32>
    %squeeze3A = vector.shape_cast %slice3A : vector<1000x1xf32> to vector<1000xf32>
    %slice3A_2 = vector.extract_strided_slice %get3A_1 {offsets = [0, 1], sizes = [1000, 1], strides = [1, 1]} : vector<1000x2xf32> to vector<1000x1xf32>
    %squeeze3A_3 = vector.shape_cast %slice3A_2 : vector<1000x1xf32> to vector<1000xf32>
    %add3A = arith.addf %squeeze3A, %squeeze3A_3 : vector<1000xf32>
    %mul3A = arith.constant 2.000000e-01 : f32
    %mul3A_4 = vector.broadcast %mul3A : f32 to vector<1000xf32>
    %mul3A_5 = arith.mulf %mul3A_4, %add3A : vector<1000xf32>
    %max3A = arith.maximumf %add3A, %mul3A_5 : vector<1000xf32>
    %exp3A = math.exp %max3A : vector<1000xf32>
    %get3A_6 = arith.constant 0 : index
    %get3A_7 = arith.constant 0 : index
    %get3A_8 = vector.load %arg3[%get3A_6, %get3A_7] : memref<1000x128xf32, #tpu.memory_space<vmem>>, vector<1000x128xf32>
    %get3A_9 = arith.constant 0 : index
    %get3A_10 = arith.constant 0 : index
    %get3A_11 = arith.constant 0 : index
    %get3A_12 = vector.load %arg1[%get3A_9, %get3A_10, %get3A_11] : memref<2x1000x128xf32, #tpu.memory_space<vmem>>, vector<1x1000x128xf32>
    %get3A_13 = vector.shape_cast %get3A_12 : vector<1x1000x128xf32> to vector<1000x128xf32>
    %get3A_14 = arith.constant 1 : index
    %get3A_15 = arith.constant 0 : index
    %get3A_16 = arith.constant 0 : index
    %get3A_17 = vector.load %arg1[%get3A_14, %get3A_15, %get3A_16] : memref<2x1000x128xf32, #tpu.memory_space<vmem>>, vector<1x1000x128xf32>
    %get3A_18 = vector.shape_cast %get3A_17 : vector<1x1000x128xf32> to vector<1000x128xf32>
    %add3A_19 = arith.addf %get3A_13, %get3A_18 : vector<1000x128xf32>
    %broadcast_in_dim3A = vector.shape_cast %exp3A : vector<1000xf32> to vector<1000x1xf32>
    %mul3A_20 = vector.broadcast %broadcast_in_dim3A : vector<1000x1xf32> to vector<1000x128xf32>
    %mul3A_21 = arith.mulf %mul3A_20, %get3A_8 : vector<1000x128xf32>
    %add3A_22 = arith.addf %add3A_19, %mul3A_21 : vector<1000x128xf32>
    %get3A_23 = arith.constant 0 : index
    %get3A_24 = arith.constant 0 : index
    %get3A_25 = vector.load %arg2[%get3A_23, %get3A_24] : memref<1000x32xf32, #tpu.memory_space<vmem>>, vector<1000x32xf32>
    %reduce_sum3A = arith.constant dense<0.000000e+00> : vector<1000xf32>
    %reduce_sum3A_26 = vector.multi_reduction <add>, %get3A_25, %reduce_sum3A [1] : vector<1000x32xf32> to vector<1000xf32>
    %add3A_27 = arith.addf %reduce_sum3A_26, %exp3A : vector<1000xf32>
    %broadcast_in_dim3A_28 = vector.shape_cast %add3A_27 : vector<1000xf32> to vector<1000x1xf32>
    %div3A = vector.broadcast %broadcast_in_dim3A_28 : vector<1000x1xf32> to vector<1000x128xf32>
    %div3A_29 = arith.divf %add3A_22, %div3A : vector<1000x128xf32>
    %swap3A = arith.constant 0 : index
    %swap3A_30 = arith.constant 0 : index
    %swap3A_31 = vector.load %arg5[%swap3A, %swap3A_30] : memref<1000x128xf32, #tpu.memory_space<vmem>>, vector<1000x128xf32>
    tpu.vector_store %arg5[%swap3A, %swap3A_30], %div3A_29 {strides = array<i32>} : memref<1000x128xf32, #tpu.memory_space<vmem>>, vector<1000x128xf32>,
    return
  }
  func.func @transform_0(%arg0: i32) -> (i32, i32, i32) {
    %c0_i32 = arith.constant 0 : i32
    %c0_i32_0 = arith.constant 0 : i32
    %c0_i32_1 = arith.constant 0 : i32
    return %c0_i32, %arg0, %c0_i32_0 : i32, i32, i32
  }
  func.func @transform_1(%arg0: i32) -> (i32, i32) {
    %c0_i32 = arith.constant 0 : i32
    %c0_i32_0 = arith.constant 0 : i32
    return %arg0, %c0_i32 : i32, i32
  }
  func.func @transform_2(%arg0: i32) -> (i32, i32) {
    %c0_i32 = arith.constant 0 : i32
    %c0_i32_0 = arith.constant 0 : i32
    return %arg0, %c0_i32 : i32, i32
  }
  func.func @transform_3(%arg0: i32) -> (i32, i32) {
    %c0_i32 = arith.constant 0 : i32
    %c0_i32_0 = arith.constant 0 : i32
    return %arg0, %c0_i32 : i32, i32
  }
  func.func @transform_4(%arg0: i32) -> (i32, i32) {
    %c0_i32 = arith.constant 0 : i32
    %c0_i32_0 = arith.constant 0 : i32
    return %arg0, %c0_i32 : i32, i32
  }
}

</mosaic_0001>

<sc_bundles>
// kernel: kernel.5.cloned.1.call-start
scs
__scs_entry_jumppad:
0x0: {  	(pc) =	sbr.rel $0x88, $3  }
0x1: {  	(tag) =	ssettag $0x0;
	lr =	simm.s32 $0x1  }
0x2: {  	[smem:$0x3F9C] =	sst lr;
	_ =	strace $0xD0000000  }
0x3: {  	_ = 	snop  }
0x4: {  	_ = 	snop  }
0x5: {  	_ = 	snop  }
0x6: {  	_ = 	snop  }
0x7: {  	_ = 	snop  }
__scs_overlays_trampoline_lowered:
0x8: {  	[smem:$0x3FAB] =	sst s0  }
0x9: {  	[smem:$0x3FAC] =	sst s1  }
0xa: {  	[smem:$0x3FAD] =	sst s2  }
0xb: {  	[smem:$0x3FAE] =	sst s3  }
0xc: {  	[smem:$0x3FAF] =	sst s4  }
0xd: {  	[smem:$0x3FB0] =	sst s5  }
0xe: {  	[smem:$0x3FB1] =	sst s6  }
0xf: {  	[smem:$0x3FB2] =	sst s7  }
0x10: {  	[smem:$0x3FB3] =	sst s8  }
0x11: {  	[smem:$0x3FB4] =	sst s9;
	s0 =	simm.s32 @!p0 $0x0  }
0x12: {  	s1 =	sld [smem:$0x3F9A];
	s0 =	simm.s32 @p0 $0x1  }
0x13: {  	[smem:$0x3FB5] =	sst s0;
	s0 =	simm.s32 @!p1 $0x0  }
0x14: {  	s2 =	sld [smem:$0x3F99];
	s0 =	simm.s32 @p1 $0x1  }
0x15: {  	[smem:$0x3FB6] =	sst s0;
	s0 =	simm.s32 @!p2 $0x0  }
0x16: {  	s3 =	sld [smem:$0x3FDB];
	s0 =	simm.s32 @p2 $0x1  }
0x17: {  	s4 =	simm.s32 $0x1BF5;
	[smem:$0x3FB8] =	sst s0  }
0x18: {  	s0 =	sld [smem:$0x3F9B];
	_ =	swait.ge [sflag:s4], $0x0  }
0x19: {  	s7 =	sld [smem:$0x3F9C]  }
0x1a: {  	s8 =	sadd.s32 $0xFFFFE003, lr  }
0x1b: {  	s9 =	sadd.s32 $0xFFFFFEF7, lr;
	s5 =	simm.s32 $0xFFFFFFFF;
	p2 =	slt.u32 s8, $0xFFFFF086  }
0x1c: {  	p1 =	slt.u32 s9, $0xF7A;
	s5 =	simm.s32 @!p2 $0x0  }
0x1d: {  	s5 =	simm.s32 @p1 $0x1;
	p0 =	seq.s32 s7, s2  }
0x1e: {  	s7 =	smul.u32 @!p0 $0xF7A, s2;
	p2 =	seq.s32 @!p0 s5, $0x0  }
0x1f: {  	s9 =	smul.u32 $0xF7A, s1;
	s8 =	simm.s32 @!p0 $0x1BF5;
	p2 =	por !p2, p0  }
0x20: {  	[sflag:s8] =	ssyncset.s32 @!p0 $0xFFFFF086;
	s6 =	sadd.s32 @!p0 s3, s7;
	s7 =	simm.s32 @!p0 $0x108  }
0x21: {  	s3 =	sadd.s32 s3, s9;
	s6 =	sadd.s32 @!p0 $0x88, s6;
	s7 =	simm.s32 @p2 $0x1082  }
0x22: {  	[simem:s7], [sflag:s8] =	dma.local @!p0 [hbm:s6], $0xF7A  }
0x23: {  	s9 =	sor.u32 $0xD0000000, s2;
	s6 =	simm.s32 $0x108;
	_ =	swait.ge @!p0 [sflag:s8], $0x0  }
0x24: {  	s3 =	sadd.s32 $0x88, s3;
	s6 =	simm.s32 @!p1 $0x1082;
	[sflag:s4] =	ssyncset.s32 $0xFFFFF086  }
0x25: {  	[simem:s6], [sflag:s4] =	dma.local [hbm:s3], $0xF7A  }
0x26: {  	[smem:$0x3F9C] =	sst s1;
	(tag) =	ssettag s2;
	_ =	strace s9  }
0x27: {  	s1 =	sld [smem:$0x3FAC]  }
0x28: {  	s2 =	sld [smem:$0x3FAD]  }
0x29: {  	s4 =	sld [smem:$0x3FAF]  }
0x2a: {  	p0 =	seq.s32 s5, $0x0;
	s5 =	sld [smem:$0x3FB0]  }
0x2b: {  	s6 =	sld [smem:$0x3FB1]  }
0x2c: {  	s7 =	sld [smem:$0x3FB2]  }
0x2d: {  	s3 =	simm.s32 $0x108;
	s8 =	sld [smem:$0x3FB3]  }
0x2e: {  	s3 =	simm.s32 @!p0 $0x1082;
	s9 =	sld [smem:$0x3FB4]  }
0x2f: {  	lr =	sadd.s32 s0, s3;
	s0 =	sld [smem:$0x3FAB]  }
0x30: {  	s3 =	sld [smem:$0x3FAE]  }
0x31: {  	[smem:$0x3FB7] =	sst s10  }
0x32: {  	s10 =	sld [smem:$0x3FB5];
	_ =	sdelay $0x3  }
0x33: {  	p0 =	seq.s32 s10, $0x1;
	s10 =	sld [smem:$0x3FB7];
	_ =	sdelay $0x3  }
0x34: {  	[smem:$0x3FB7] =	sst s10  }
0x35: {  	s10 =	sld [smem:$0x3FB6];
	_ =	sdelay $0x3  }
0x36: {  	p1 =	seq.s32 s10, $0x1;
	s10 =	sld [smem:$0x3FB7];
	_ =	sdelay $0x3  }
0x37: {  	[smem:$0x3FB7] =	sst s10  }
0x38: {  	s10 =	sld [smem:$0x3FB8]  }
0x39: {  	_ = 	snop;
	(pc) =	sbr.ind lr, $3  }
0x3a: {  	_ = 	snop  }
0x3b: {  	_ = 	snop  }
0x3c: {  	p2 =	seq.s32 s10, $0x1;
	s10 =	sld [smem:$0x3FB7]  }
0x3d: {  	_ =	shalt  }
0x3e: {  	_ =	shalt  }
0x3f: {  	_ =	shalt  }
0x40: {  	_ =	shalt  }
0x41: {  	_ =	shalt  }
0x42: {  	_ =	shalt  }
0x43: {  	_ =	shalt  }
0x44: {  	_ =	shalt  }
0x45: {  	_ =	shalt  }
0x46: {  	_ =	shalt  }
0x47: {  	_ =	shalt  }
0x48: {  	_ =	shalt  }
0x49: {  	_ =	shalt  }
0x4a: {  	_ =	shalt  }
0x4b: {  	_ =	shalt  }
0x4c: {  	_ =	shalt  }
0x4d: {  	_ =	shalt  }
0x4e: {  	_ =	shalt  }
0x4f: {  	_ =	shalt  }
0x50: {  	_ =	shalt  }
0x51: {  	_ =	shalt  }
0x52: {  	_ =	shalt  }
0x53: {  	_ =	shalt  }
0x54: {  	_ =	shalt  }
0x55: {  	_ =	shalt  }
0x56: {  	_ =	shalt  }
0x57: {  	_ =	shalt  }
0x58: {  	_ =	shalt  }
0x59: {  	_ =	shalt  }
0x5a: {  	_ =	shalt  }
0x5b: {  	_ =	shalt  }
0x5c: {  	_ =	shalt  }
0x5d: {  	_ =	shalt  }
0x5e: {  	_ =	shalt  }
0x5f: {  	_ =	shalt  }
0x60: {  	_ =	shalt  }
0x61: {  	_ =	shalt  }
0x62: {  	_ =	shalt  }
0x63: {  	_ =	shalt  }
0x64: {  	_ =	shalt  }
0x65: {  	_ =	shalt  }
0x66: {  	_ =	shalt  }
0x67: {  	_ =	shalt  }
0x68: {  	_ =	shalt  }
0x69: {  	_ =	shalt  }
0x6a: {  	_ =	shalt  }
0x6b: {  	_ =	shalt  }
0x6c: {  	_ =	shalt  }
0x6d: {  	_ =	shalt  }
0x6e: {  	_ =	shalt  }
0x6f: {  	_ =	shalt  }
0x70: {  	_ =	shalt  }
0x71: {  	_ =	shalt  }
0x72: {  	_ =	shalt  }
0x73: {  	_ =	shalt  }
0x74: {  	_ =	shalt  }
0x75: {  	_ =	shalt  }
0x76: {  	_ =	shalt  }
0x77: {  	_ =	shalt  }
0x78: {  	_ =	shalt  }
0x79: {  	_ =	shalt  }
0x7a: {  	_ =	shalt  }
0x7b: {  	_ =	shalt  }
0x7c: {  	_ =	shalt  }
0x7d: {  	_ =	shalt  }
0x7e: {  	_ =	shalt  }
0x7f: {  	_ =	shalt  }
0x80: {  	_ =	shalt  }
0x81: {  	_ =	shalt  }
0x82: {  	_ =	shalt  }
0x83: {  	_ =	shalt  }
0x84: {  	_ =	shalt  }
0x85: {  	_ =	shalt  }
0x86: {  	_ =	shalt  }
0x87: {  	_ =	shalt  }
.Lfunc_end0:
.L_simem_size_0:
called_computation_lowered:
.L_overlay_start_0:
0x88: {  	s2 =	sld [smem:$0x3FD9]  }
0x89: {  	s3 =	sld [smem:$0x3FFE];
	_ =	sdelay $0x1  }
0x8a: {  	s1 =	srdreg.scid  }
0x8b: {  	s0 =	sand.u32 $0x1, s1  }
0x8c: {  	s17 =	sshll.u32 s0, $0xA;
	s2 =	sadd.s32 s3, s2  }
0x8d: {  	s2 =	sadd.s32 s2, s17  }
0x8e: {  	[smem:$0x3FC3] =	sst s2  }
0x8f: {  	_ = 	snop  }
0x90: {  	s2 =	sld [smem:$0x3FD0];
	(tm) =	ssettm $0x1  }
0x91: {  	s18 =	sld [smem:$0x3FFB];
	_ =	sdelay $0x3  }
0x92: {  	_ =	strace s18  }
0x93: {  	s3 =	sld [smem:$0x3FFC];
	_ =	sdelay $0x3  }
0x94: {  	_ =	strace s3  }
0x95: {  	s3 =	sld [smem:$0x3FFD];
	_ =	sdelay $0x3  }
0x96: {  	_ =	strace s3  }
0x97: {  	_ =	strace $0x8FFFFFFF  }
0x98: {  	s19 =	sld [smem:$0x3FDB];
	_ =	sdelay $0x1  }
0x99: {  	s4 =	simm.s32 $_scs_section_size  }
0x9a: {  	s5 =	simm.s32 $_size__tile_overlayer_lowered;
	s6 =	simm.s32 $_tile_overlayer_lowered  }
0x9b: {  	s22 =	simm.s32 $0x1BFF;
	s21 =	sshll.u32 s6, $0x1;
	s3 =	sadd.s32 s4, s19  }
0x9c: {  	s7 =	simm.s32 $0x0;
	s20 =	sshll.u32 s5, $0x1;
	s5 =	sadd.s32 s21, s3  }
0x9d: {  	[timem:s7], [sflag:s22] =	dma.local [hbm:s5], s20  }
0x9e: {  	_ =	swait.ge [sflag:s22], s20  }
0x9f: {  	s4 =	ssub.s32 $0x0, s20;
	[sflag:s22] =	ssyncset.done $0x0  }
0xa0: {  	[sflag:s22] =	ssyncadd.s32 s4;
	_ =	sdelay $0x1  }
0xa1: {  	s23 =	simm.s32 $0x1B8B  }
0xa2: {  	_ =	swait.ge [sflag:s23], $0x1  }
0xa3: {  	[sflag:s23] =	ssyncset.done $0x0  }
0xa4: {  	s25 =	simm.s32 $0x1B8E;
	s24 =	sld [smem:$0x3FFE];
	[sflag:s23] =	ssyncadd.s32 $0xFFFFFFFF  }
0xa5: {  	s26 =	simm.s32 $execute0_lowered;
	[smem:$0x3FD2] =	sst s25  }
0xa6: {  	s5 =	sshll.u32 s26, $0x1;
	_ =	strace $0x80000046;
	[dreg:$0x1] =	wrdreg $0xFFFFFFFF  }
0xa7: {  	s28 =	simm.s32 $_size_execute0_lowered;
	s3 =	sadd.s32 s3, s5;
	[dreg:$0x0] =	wrdreg $0x0  }
0xa8: {  	s5 =	sshll.u32 s28, $0x1;
	[dreg:$0x2] =	wrdreg s3  }
0xa9: {  	[dreg:$0x3] =	wrdreg s5  }
0xaa: {  	[dreg:$0x4] =	wrdreg $0xC0  }
0xab: {  	_ =	task [dreg:s7], $0x5FFFF  }
0xac: {  	[dreg:$0x1] =	wrdreg $0xFFFFFFFF  }
0xad: {  	[dreg:$0x0] =	wrdreg $0x60  }
0xae: {  	[dreg:$0x2] =	wrdreg s24  }
0xaf: {  	[dreg:$0x3] =	wrdreg s2  }
0xb0: {  	[dreg:$0x4] =	wrdreg $0x0  }
0xb1: {  	[dreg:$0x5] =	wrdreg $0x9  }
0xb2: {  	_ =	task.clear_ibuf [dreg:s7], $0x6FFFF;
	_ =	strace $0x90000046  }
0xb3: {  	s29 =	simm.s32 $0x9;
	_ =	strace $0x80000048  }
0xb4: {  	_ =	swait.ge [sflag:s29], $0x1  }
0xb5: {  	[sflag:s29] =	ssyncadd.s32 $0xFFFFFFFF  }
0xb6: {  	_ =	strace $0x90000048  }
0xb7: {  	_ =	sfence  }
0xb8: {  	s30 =	sld [smem:$0x0];
	_ =	sdelay $0x2  }
0xb9: {  	s31 =	sshll.u32 s1, $0xD;
	s1 =	sshrl.u32 s1, $0x2  }
0xba: {  	s3 =	sand.u32 $0x4000, s31;
	s1 =	sadd.s32 s1, s30  }
0xbb: {  	s0 =	sor.u32 s3, s0;
	s1 =	sshll.u32 s1, $0x11  }
0xbc: {  	s0 =	sor.u32 s1, s0  }
0xbd: {  	s0 =	sadd.s32 $0x8F2B, s0  }
0xbe: {  	[sflag:s0] =	ssyncadd.remote.s32 $0x1  }
0xbf: {  	_ =	sfence.sel $0xFFFF  }
0xc0: {  	[dreg:$0x0] =	wrdreg $0xFFFFFFFF;
	(pc) =	sbr.abs _section_cstart, $3  }
0xc1: {  	[dreg:$0x1] =	wrdreg $0xFFFFFFFF  }
0xc2: {  	_ =	task.clear_ibuf [dreg:s7], $0x2FFFF;
	_ =	strace $0x9FFFFFFF  }
0xc3: {  	(tm) =	ssettm $0x7FFFFFFF  }
tec
execute0_lowered:
.L_overlay_start_1:
0x0: {  	(tag) =	ssettag $0x1  }
0x1: {  	s0 =	srdreg.scid  }
0x2: {  	s23 =	stileid.u32;
	s3 =	rddreg [dreg:$0x0]  }
0x3: {  	s1 =	simm.s32 $0x0;
	s2 =	sand.u32 $0x1, s0;
	s15 =	smul.u32 $0x13C00, s23  }
0x4: {  	s4 =	sshrl.u32 s23, $0x3;
	[smem:$0x7FF] =	sst s1;
	s0 =	smul.u32 $0x27800, s2  }
0x5: {  	s22 =	sshll.u32 s23, $0x7;
	s4 =	smul.u32 $0x13C00, s4;
	s5 =	ssub.s32 $0x2, s2  }
0x6: {  	s19 =	sadd.s32 $0x4DA00, s3;
	s17 =	smul.u32 $0x13C000, s2;
	s6 =	sshrl.u32 s5, $0x1  }
0x7: {  	s7 =	sadd.s32 $0x6000, s15;
	s8 =	sadd.s32 $0x7800, s15;
	s9 =	sadd.s32 $0x9000, s15  }
0x8: {  	s10 =	sadd.s32 $0xA800, s15;
	s11 =	sadd.s32 $0xC000, s15;
	s18 =	sadd.s32 $0xD800, s15  }
0x9: {  	s12 =	sadd.s32 $0xF000, s15;
	s13 =	sadd.s32 $0x10800, s15;
	s14 =	sadd.s32 $0x12000, s15  }
0xa: {  	s16 =	sadd.s32 $0x13800, s15;
	s0 =	sadd.s32 s0, s4;
	s4 =	sand.u32 $0x380, s22  }
0xb: {  	s20 =	sor.u32 s4, s0;
	s0 =	ssub.s32 s5, s6;
	s4 =	sadd.s32 $0x1800, s15  }
0xc: {  	s5 =	sadd.s32 $0x3000, s15;
	s6 =	sadd.s32 $0x4800, s15;
	s15 =	sadd.s32 s15, s17  }
0xd: {  	s30 =	sadd.s32 s17, s7;
	s31 =	sadd.s32 s17, s8;
	s15 =	sshrl.u32 s15, $0x3  }
0xe: {  	s21 =	sadd.s32 s17, s4;
	s22 =	sadd.s32 s17, s5;
	s29 =	sadd.s32 s17, s6  }
0xf: {  	s15 =	sadd.s32 s19, s15;
	s24 =	sshrl.u32 s21, $0x3;
	s25 =	sshrl.u32 s22, $0x3  }
0x10: {  	s21 =	sshrl.u32 s30, $0x3;
	[dreg:$0x4] =	wrdreg s15;
	s15 =	sadd.s32 s19, s24  }
0x11: {  	s22 =	sshrl.u32 s31, $0x3;
	s26 =	sadd.s32 s19, s25;
	[dreg:$0x5] =	wrdreg s15  }
0x12: {  	s24 =	sadd.s32 s19, s22;
	s25 =	sadd.s32 s17, s9;
	[dreg:$0x6] =	wrdreg s26  }
0x13: {  	s15 =	sshrl.u32 s29, $0x3;
	[dreg:$0x9] =	wrdreg s24;
	s26 =	sadd.s32 s17, s10  }
0x14: {  	s29 =	sadd.s32 s17, s11;
	s24 =	sadd.s32 s17, s18;
	s15 =	sadd.s32 s19, s15  }
0x15: {  	s30 =	sshrl.u32 s26, $0x3;
	s31 =	sshrl.u32 s29, $0x3;
	s26 =	sadd.s32 s17, s13  }
0x16: {  	[dreg:$0x7] =	wrdreg s15;
	s15 =	sadd.s32 s19, s21;
	s22 =	sadd.s32 s19, s31  }
0x17: {  	s21 =	sadd.s32 s17, s14;
	[dreg:$0x8] =	wrdreg s15;
	s15 =	sshrl.u32 s25, $0x3  }
0x18: {  	[dreg:$0xc] =	wrdreg s22;
	s22 =	sshrl.u32 s21, $0x3;
	s15 =	sadd.s32 s19, s15  }
0x19: {  	s25 =	sadd.s32 s17, s12;
	s21 =	sadd.s32 s19, s22;
	[dreg:$0xa] =	wrdreg s15  }
0x1a: {  	s17 =	sadd.s32 s17, s16;
	s15 =	sadd.s32 s19, s30;
	[dreg:$0x10] =	wrdreg s21  }
0x1b: {  	s30 =	sshrl.u32 s26, $0x3;
	[dreg:$0xb] =	wrdreg s15;
	s15 =	sshrl.u32 s24, $0x3  }
0x1c: {  	s31 =	sadd.s32 s19, s30;
	s24 =	sshrl.u32 s17, $0x3;
	s17 =	rddreg [dreg:$0x2]  }
0x1d: {  	s29 =	sshrl.u32 s25, $0x3;
	s15 =	sadd.s32 s19, s15;
	[dreg:$0xf] =	wrdreg s31  }
0x1e: {  	[dreg:$0xd] =	wrdreg s15;
	s15 =	sadd.s32 s19, s29  }
0x1f: {  	s2 =	sshll.u32 s2, $0x4;
	[dreg:$0xe] =	wrdreg s15  }
0x20: {  	s2 =	sor.u32 s23, s2;
	s19 =	sadd.s32 s19, s24;
	s15 =	rddreg [dreg:$0x1]  }
0x21: {  	s2 =	smul.u32 $0x6C00, s2;
	s29 =	sadd.s32 $0x43600, s3;
	[dreg:$0x11] =	wrdreg s19  }
0x22: {  	s30 =	sadd.s32 $0x43000, s3;
	_ =	strace $0x80000047;
	[dreg:$0x12] =	wrdreg s29  }
0x23: {  	s28 =	sadd.s32 s6, s17;
	s6 =	sadd.s32 s7, s17;
	[dreg:$0x13] =	wrdreg s30  }
0x24: {  	s0 =	smax.u32 s0, $0x1;
	s7 =	sadd.s32 s8, s17;
	[dreg:$0x17] =	wrdreg s6  }
0x25: {  	s25 =	sshrl.u32 s20, $0x3;
	s8 =	sadd.s32 s9, s17;
	[dreg:$0x18] =	wrdreg s7  }
0x26: {  	s22 =	sadd.s32 $0x800, s3;
	s9 =	sadd.s32 s10, s17;
	[dreg:$0x19] =	wrdreg s8  }
0x27: {  	s20 =	sadd.s32 s25, s3;
	s10 =	sadd.s32 s11, s17;
	[dreg:$0x1a] =	wrdreg s9  }
0x28: {  	s26 =	smul.u32 $0x4F000, s23;
	s11 =	sadd.s32 s18, s17;
	[dreg:$0x1b] =	wrdreg s10  }
0x29: {  	s21 =	sshrl.u32 s2, $0x3;
	s12 =	sadd.s32 s12, s17;
	[dreg:$0x1c] =	wrdreg s11  }
0x2a: {  	s31 =	sshrl.u32 s26, $0x2;
	s13 =	sadd.s32 s13, s17;
	[dreg:$0x1d] =	wrdreg s12  }
0x2b: {  	s4 =	sadd.s32 s4, s17;
	s14 =	sadd.s32 s14, s17;
	[dreg:$0x1e] =	wrdreg s13  }
0x2c: {  	s26 =	sadd.s32 s5, s17;
	s18 =	sadd.s32 s16, s17;
	[dreg:$0x1f] =	wrdreg s14  }
0x2d: {  	s16 =	simm.s32 $0x6;
	s24 =	sadd.s32 s22, s21;
	[smem:$0x7F7] =	sst s18  }
0x2e: {  	s25 =	sadd.s32 s31, s17;
	s31 =	sadd.s32 $0x43C00, s20;
	[smem:$0x7F9] =	sst s24  }
0x2f: {  	s20 =	simm.s32 $0x19B00;
	s19 =	sadd.s32 $0x1B800, s3;
	[smem:$0x7FC] =	sst s31  }
0x30: {  	s6 =	sadd.s32 $0x400, s2;
	s23 =	sadd.s32 s15, s21;
	[smem:$0x7FD] =	sst s0  }
0x31: {  	s13 =	simm.s32 $0x13C00;
	s18 =	simm.s32 $0x16380;
	s21 =	simm.s32 $0x30  }
0x32: {  	s7 =	simm.s32 $0x1B300;
	s8 =	simm.s32 $0x1CB80;
	[dreg:$0x14] =	wrdreg s4  }
.Ltmp0:
0x33: {  	s9 =	simm.s32 $0x1;
	[dreg:$0x15] =	wrdreg s26;
	(pc) =	sbr.rel .LBB2_1-.Ltmp0, $4  }
0x34: {  	s10 =	simm.s32 $0x1CB00;
	[dreg:$0x16] =	wrdreg s28;
	s29 =	sshrl.u32 s6, $0x3  }
0x35: {  	s11 =	simm.s32 $0x2;
	[smem:$0x7F8] =	sst s23;
	s30 =	sadd.s32 s15, s29  }
0x36: {  	s12 =	simm.s32 $0x3;
	s2 =	sadd.s32 s22, s29;
	[smem:$0x7FA] =	sst s30  }
0x37: {  	v0 =	vimm.f32 $0.0e+00;
	s24 =	simm.s32 $0x0;
	s23 =	simm.s32 $0x4;
	[smem:$0x7FB] =	sst s2  }
.LBB2_11:
0x38: {  	_ =	swait.ge [sflag:s23], $0x1800  }
0x39: {  	[sflag:s23] =	ssyncset.done $0x0  }
0x3a: {  	[sflag:s23] =	ssyncadd.s32 $0xFFFFE800  }
.LBB2_13:
0x3b: {  	s0 =	stileid.u32  }
0x3c: {  	[bflag:$0x0] =	sbarrier.arrive $0xFFFF;
	s0 =	sshll.u32 s0, $0x6  }
0x3d: {  	s2 =	sshrl.u32 s5, $0x3;
	s3 =	rddreg [dreg:$0x4];
	s0 =	sor.u32 $0x1C06, s0  }
0x3e: {  	[hbm:s3], [sflag:s0] =	dma.local [spmem:s2], $0x300  }
0x3f: {  	_ =	swait.ge [sflag:s16], $0x300  }
0x40: {  	s25 =	smov.u32 s5;
	[sflag:s16] =	ssyncset.done $0x0;
	s4 =	rddreg [dreg:$0x14]  }
0x41: {  	s5 =	rddreg [dreg:$0x5];
	[sflag:s16] =	ssyncadd.s32 $0xFFFFFD00;
	s3 =	sshrl.u32 s4, $0x3  }
0x42: {  	[hbm:s5], [sflag:s0] =	dma.local [spmem:s3], $0x300  }
0x43: {  	_ =	swait.ge [sflag:s16], $0x300  }
0x44: {  	[sflag:s16] =	ssyncset.done $0x0;
	s26 =	rddreg [dreg:$0x15]  }
0x45: {  	s29 =	rddreg [dreg:$0x6];
	[sflag:s16] =	ssyncadd.s32 $0xFFFFFD00;
	s14 =	sshrl.u32 s26, $0x3  }
0x46: {  	[hbm:s29], [sflag:s0] =	dma.local [spmem:s14], $0x300  }
0x47: {  	_ =	swait.ge [sflag:s16], $0x300  }
0x48: {  	[sflag:s16] =	ssyncset.done $0x0;
	s28 =	rddreg [dreg:$0x16]  }
0x49: {  	s31 =	rddreg [dreg:$0x7];
	[sflag:s16] =	ssyncadd.s32 $0xFFFFFD00;
	s30 =	sshrl.u32 s28, $0x3  }
0x4a: {  	[hbm:s31], [sflag:s0] =	dma.local [spmem:s30], $0x300  }
0x4b: {  	_ =	swait.ge [sflag:s16], $0x300  }
0x4c: {  	[sflag:s16] =	ssyncset.done $0x0;
	s3 =	rddreg [dreg:$0x17]  }
0x4d: {  	s5 =	rddreg [dreg:$0x8];
	[sflag:s16] =	ssyncadd.s32 $0xFFFFFD00;
	s2 =	sshrl.u32 s3, $0x3  }
0x4e: {  	[hbm:s5], [sflag:s0] =	dma.local [spmem:s2], $0x300  }
0x4f: {  	_ =	swait.ge [sflag:s16], $0x300  }
0x50: {  	[sflag:s16] =	ssyncset.done $0x0;
	s14 =	rddreg [dreg:$0x18]  }
0x51: {  	s29 =	rddreg [dreg:$0x9];
	[sflag:s16] =	ssyncadd.s32 $0xFFFFFD00;
	s2 =	sshrl.u32 s14, $0x3  }
0x52: {  	[hbm:s29], [sflag:s0] =	dma.local [spmem:s2], $0x300  }
0x53: {  	_ =	swait.ge [sflag:s16], $0x300  }
0x54: {  	[sflag:s16] =	ssyncset.done $0x0;
	s30 =	rddreg [dreg:$0x19]  }
0x55: {  	s31 =	rddreg [dreg:$0xa];
	[sflag:s16] =	ssyncadd.s32 $0xFFFFFD00;
	s2 =	sshrl.u32 s30, $0x3  }
0x56: {  	[hbm:s31], [sflag:s0] =	dma.local [spmem:s2], $0x300  }
0x57: {  	_ =	swait.ge [sflag:s16], $0x300  }
0x58: {  	[sflag:s16] =	ssyncset.done $0x0;
	s3 =	rddreg [dreg:$0x1a]  }
0x59: {  	s5 =	rddreg [dreg:$0xb];
	[sflag:s16] =	ssyncadd.s32 $0xFFFFFD00;
	s2 =	sshrl.u32 s3, $0x3  }
0x5a: {  	[hbm:s5], [sflag:s0] =	dma.local [spmem:s2], $0x300  }
0x5b: {  	_ =	swait.ge [sflag:s16], $0x300  }
0x5c: {  	[sflag:s16] =	ssyncset.done $0x0;
	s14 =	rddreg [dreg:$0x1b]  }
0x5d: {  	s29 =	rddreg [dreg:$0xc];
	[sflag:s16] =	ssyncadd.s32 $0xFFFFFD00;
	s2 =	sshrl.u32 s14, $0x3  }
0x5e: {  	[hbm:s29], [sflag:s0] =	dma.local [spmem:s2], $0x300  }
0x5f: {  	_ =	swait.ge [sflag:s16], $0x300  }
0x60: {  	[sflag:s16] =	ssyncset.done $0x0;
	s30 =	rddreg [dreg:$0x1c]  }
0x61: {  	s31 =	rddreg [dreg:$0xd];
	[sflag:s16] =	ssyncadd.s32 $0xFFFFFD00;
	s2 =	sshrl.u32 s30, $0x3  }
0x62: {  	[hbm:s31], [sflag:s0] =	dma.local [spmem:s2], $0x300  }
0x63: {  	_ =	swait.ge [sflag:s16], $0x300  }
0x64: {  	[sflag:s16] =	ssyncset.done $0x0;
	s3 =	rddreg [dreg:$0x1d]  }
0x65: {  	s5 =	rddreg [dreg:$0xe];
	[sflag:s16] =	ssyncadd.s32 $0xFFFFFD00;
	s2 =	sshrl.u32 s3, $0x3  }
0x66: {  	[hbm:s5], [sflag:s0] =	dma.local [spmem:s2], $0x300  }
0x67: {  	_ =	swait.ge [sflag:s16], $0x300  }
0x68: {  	[sflag:s16] =	ssyncset.done $0x0;
	s14 =	rddreg [dreg:$0x1e]  }
0x69: {  	s29 =	rddreg [dreg:$0xf];
	[sflag:s16] =	ssyncadd.s32 $0xFFFFFD00;
	s2 =	sshrl.u32 s14, $0x3  }
0x6a: {  	[hbm:s29], [sflag:s0] =	dma.local [spmem:s2], $0x300  }
0x6b: {  	_ =	swait.ge [sflag:s16], $0x300  }
0x6c: {  	[sflag:s16] =	ssyncset.done $0x0;
	s30 =	rddreg [dreg:$0x1f]  }
0x6d: {  	s31 =	rddreg [dreg:$0x10];
	[sflag:s16] =	ssyncadd.s32 $0xFFFFFD00;
	s2 =	sshrl.u32 s30, $0x3  }
0x6e: {  	[hbm:s31], [sflag:s0] =	dma.local [spmem:s2], $0x300  }
0x6f: {  	_ =	swait.ge [sflag:s16], $0x300  }
0x70: {  	s3 =	sld [smem:$0x7F7];
	_ =	sdelay $0x1  }
0x71: {  	[sflag:s16] =	ssyncset.done $0x0  }
0x72: {  	s5 =	rddreg [dreg:$0x11];
	[sflag:s16] =	ssyncadd.s32 $0xFFFFFD00;
	s2 =	sshrl.u32 s3, $0x3  }
0x73: {  	[hbm:s5], [sflag:s0] =	dma.local [spmem:s2], $0x80  }
0x74: {  	_ =	swait.ge [sflag:s16], $0x80  }
0x75: {  	s14 =	sld [smem:$0x7FC]  }
0x76: {  	[sflag:s16] =	ssyncset.done $0x0  }
0x77: {  	s29 =	simm.s32 $0x80;
	s30 =	simm.s32 $0x400;
	[sflag:s16] =	ssyncadd.s32 $0xFFFFFF80  }
0x78: {  	[hbm4b:s14+s29] =	stream.strided.scatter [tilespmem:s8], [sflag:$0x6], $0x2780, s30, s29, $0x38;
	[tilespmem:$0x1F300] =	vst v63  }
0x79: {  	_ =	swait.ge [sflag:s16], $0x2780  }
0x7a: {  	s31 =	sld [smem:$0x7FD];
	_ =	sdelay $0x1  }
0x7b: {  	s24 =	sadd.s32 $0x1, s24  }
0x7c: {  	p0 =	sne.s32 s24, s31  }
.Ltmp1:
0x7d: {  	_ = 	snop;
	(pc) =	sbr.rel @!p0 .LBB2_14-.Ltmp1, $3  }
0x7e: {  	_ =	sdelay $0x1  }
0x7f: {  	[sflag:s16] =	ssyncset.done $0x0  }
0x80: {  	[sflag:s16] =	ssyncadd.s32 $0xFFFFD880  }
.LBB2_1:
0x81: {  	s0 =	rddreg [dreg:$0x12]  }
0x82: {  	[tilespmem:s13], [sflag:$0x6] =	stream.linear.gather [hbm4b:s0+s1], $0x2780, $0x38;
	[tilespmem:$0x1F300] =	vst v63  }
0x83: {  	_ =	swait.ge [sflag:s16], $0x2780  }
0x84: {  	[sflag:s16] =	ssyncset.done $0x0  }
0x85: {  	s31 =	rddreg [dreg:$0x13];
	[sflag:s16] =	ssyncadd.s32 $0xFFFFD880  }
0x86: {  	[tilespmem:s18], [sflag:$0x6] =	stream.linear.gather [hbm4b:s31+s1], $0x2780, $0x38;
	[tilespmem:$0x1F300] =	vst v63  }
0x87: {  	_ =	swait.ge [sflag:s16], $0x2780  }
0x88: {  	[sflag:s16] =	ssyncset.done $0x0  }
0x89: {  	s0 =	simm.s32 $0x0;
	[sflag:s16] =	ssyncadd.s32 $0xFFFFD880  }
.LBB2_2:
0x8a: {  	p0 =	sne.s32 s0, $0x9DC0  }
.Ltmp2:
0x8b: {  	_ = 	snop;
	(pc) =	sbr.rel @p0 .LBB2_2-.Ltmp2, $3  }
0x8c: {  	_ =	sdelay $0x1  }
0x8d: {  	s2 =	sshra.s32 s0, $0x2  }
0x8e: {  	s0 =	sadd.s32 $0x40, s0;
	[tilespmem:s2+$0x1CB80] =	vst v0  }
0x8f: {  	s0 =	simm.s32 $0x0;
	s2 =	simm.s32 $0x200  }
.LBB2_4:
0x90: {  	p0 =	sne.s32 s2, $0x5E00;
	[tilespmem:s0+$0x19B70] =	vst v0  }
0x91: {  	[tilespmem:s0+$0x19B00] =	vst v0  }
0x92: {  	[tilespmem:s0+$0x19B10] =	vst v0  }
.Ltmp3:
0x93: {  	[tilespmem:s0+$0x19B20] =	vst v0;
	(pc) =	sbr.rel @p0 .LBB2_4-.Ltmp3, $4  }
0x94: {  	[tilespmem:s0+$0x19B30] =	vst v0  }
0x95: {  	[tilespmem:s0+$0x19B40] =	vst v0  }
0x96: {  	[tilespmem:s0+$0x19B50] =	vst v0  }
0x97: {  	[tilespmem:s0+$0x19B60] =	vst v0;
	s0 =	sshra.s32 s2, $0x2;
	s2 =	sadd.s32 $0x200, s2  }
0x98: {  	[tilespmem:s0+$0x19B70] =	vst v0  }
0x99: {  	[tilespmem:s0+$0x19B00] =	vst v0  }
0x9a: {  	[tilespmem:s0+$0x19B10] =	vst v0  }
0x9b: {  	[tilespmem:s0+$0x19B20] =	vst v0  }
0x9c: {  	[tilespmem:s0+$0x19B30] =	vst v0  }
0x9d: {  	[tilespmem:s0+$0x19B40] =	vst v0  }
0x9e: {  	[tilespmem:s0+$0x19B50] =	vst v0  }
0x9f: {  	[tilespmem:s0+$0x19B60] =	vst v0  }
0xa0: {  	[spmem:s25] =	stream.linear.scatter [tilespmem:s20], [sflag:$0x6], $0x1800, $0x38;
	[tilespmem:$0x1F300] =	vst v63  }
0xa1: {  	_ =	swait.ge [sflag:s16], $0x1800  }
0xa2: {  	[sflag:s16] =	ssyncset.done $0x0  }
0xa3: {  	[sflag:s16] =	ssyncadd.s32 $0xFFFFE800  }
0xa4: {  	[spmem:s4] =	stream.linear.scatter [tilespmem:s20], [sflag:$0x6], $0x1800, $0x38;
	[tilespmem:$0x1F300] =	vst v63  }
0xa5: {  	_ =	swait.ge [sflag:s16], $0x1800  }
0xa6: {  	[sflag:s16] =	ssyncset.done $0x0  }
0xa7: {  	[sflag:s16] =	ssyncadd.s32 $0xFFFFE800  }
0xa8: {  	[spmem:s26] =	stream.linear.scatter [tilespmem:s20], [sflag:$0x6], $0x1800, $0x38;
	[tilespmem:$0x1F300] =	vst v63  }
0xa9: {  	_ =	swait.ge [sflag:s16], $0x1800  }
0xaa: {  	[sflag:s16] =	ssyncset.done $0x0  }
0xab: {  	[sflag:s16] =	ssyncadd.s32 $0xFFFFE800  }
0xac: {  	[spmem:s28] =	stream.linear.scatter [tilespmem:s20], [sflag:$0x6], $0x1800, $0x38;
	[tilespmem:$0x1F300] =	vst v63  }
0xad: {  	_ =	swait.ge [sflag:s16], $0x1800  }
0xae: {  	[sflag:s16] =	ssyncset.done $0x0  }
0xaf: {  	s4 =	rddreg [dreg:$0x17];
	[sflag:s16] =	ssyncadd.s32 $0xFFFFE800  }
0xb0: {  	[spmem:s4] =	stream.linear.scatter [tilespmem:s20], [sflag:$0x6], $0x1800, $0x38;
	[tilespmem:$0x1F300] =	vst v63  }
0xb1: {  	_ =	swait.ge [sflag:s16], $0x1800  }
0xb2: {  	[sflag:s16] =	ssyncset.done $0x0  }
0xb3: {  	s14 =	rddreg [dreg:$0x18];
	[sflag:s16] =	ssyncadd.s32 $0xFFFFE800  }
0xb4: {  	[spmem:s14] =	stream.linear.scatter [tilespmem:s20], [sflag:$0x6], $0x1800, $0x38;
	[tilespmem:$0x1F300] =	vst v63  }
0xb5: {  	_ =	swait.ge [sflag:s16], $0x1800  }
0xb6: {  	[sflag:s16] =	ssyncset.done $0x0  }
0xb7: {  	s5 =	smov.u32 s25;
	s25 =	rddreg [dreg:$0x19];
	[sflag:s16] =	ssyncadd.s32 $0xFFFFE800  }
0xb8: {  	[spmem:s25] =	stream.linear.scatter [tilespmem:s20], [sflag:$0x6], $0x1800, $0x38;
	[tilespmem:$0x1F300] =	vst v63  }
0xb9: {  	_ =	swait.ge [sflag:s16], $0x1800  }
0xba: {  	[sflag:s16] =	ssyncset.done $0x0  }
0xbb: {  	s26 =	rddreg [dreg:$0x1a];
	[sflag:s16] =	ssyncadd.s32 $0xFFFFE800  }
0xbc: {  	[spmem:s26] =	stream.linear.scatter [tilespmem:s20], [sflag:$0x6], $0x1800, $0x38;
	[tilespmem:$0x1F300] =	vst v63  }
0xbd: {  	_ =	swait.ge [sflag:s16], $0x1800  }
0xbe: {  	[sflag:s16] =	ssyncset.done $0x0  }
0xbf: {  	s28 =	rddreg [dreg:$0x1b];
	[sflag:s16] =	ssyncadd.s32 $0xFFFFE800  }
0xc0: {  	[spmem:s28] =	stream.linear.scatter [tilespmem:s20], [sflag:$0x6], $0x1800, $0x38;
	[tilespmem:$0x1F300] =	vst v63  }
0xc1: {  	_ =	swait.ge [sflag:s16], $0x1800  }
0xc2: {  	[sflag:s16] =	ssyncset.done $0x0  }
0xc3: {  	s29 =	rddreg [dreg:$0x1c];
	[sflag:s16] =	ssyncadd.s32 $0xFFFFE800  }
0xc4: {  	[spmem:s29] =	stream.linear.scatter [tilespmem:s20], [sflag:$0x6], $0x1800, $0x38;
	[tilespmem:$0x1F300] =	vst v63  }
0xc5: {  	_ =	swait.ge [sflag:s16], $0x1800  }
0xc6: {  	[sflag:s16] =	ssyncset.done $0x0  }
0xc7: {  	s30 =	rddreg [dreg:$0x1d];
	[sflag:s16] =	ssyncadd.s32 $0xFFFFE800  }
0xc8: {  	[spmem:s30] =	stream.linear.scatter [tilespmem:s20], [sflag:$0x6], $0x1800, $0x38;
	[tilespmem:$0x1F300] =	vst v63  }
0xc9: {  	_ =	swait.ge [sflag:s16], $0x1800  }
0xca: {  	[sflag:s16] =	ssyncset.done $0x0  }
0xcb: {  	s31 =	rddreg [dreg:$0x1e];
	[sflag:s16] =	ssyncadd.s32 $0xFFFFE800  }
0xcc: {  	[spmem:s31] =	stream.linear.scatter [tilespmem:s20], [sflag:$0x6], $0x1800, $0x38;
	[tilespmem:$0x1F300] =	vst v63  }
0xcd: {  	_ =	swait.ge [sflag:s16], $0x1800  }
0xce: {  	[sflag:s16] =	ssyncset.done $0x0  }
0xcf: {  	s2 =	rddreg [dreg:$0x1f];
	[sflag:s16] =	ssyncadd.s32 $0xFFFFE800  }
0xd0: {  	[spmem:s2] =	stream.linear.scatter [tilespmem:s20], [sflag:$0x6], $0x1800, $0x38;
	[tilespmem:$0x1F300] =	vst v63  }
0xd1: {  	_ =	swait.ge [sflag:s16], $0x1800  }
0xd2: {  	s3 =	sld [smem:$0x7F7]  }
0xd3: {  	[sflag:s16] =	ssyncset.done $0x0  }
0xd4: {  	[sflag:s16] =	ssyncadd.s32 $0xFFFFE800  }
0xd5: {  	[spmem:s3] =	stream.linear.scatter [tilespmem:s20], [sflag:$0x6], $0x400, $0x38;
	[tilespmem:$0x1F300] =	vst v63  }
0xd6: {  	_ =	swait.ge [sflag:s16], $0x400  }
0xd7: {  	[sflag:s16] =	ssyncset.done $0x0  }
0xd8: {  	[sflag:s16] =	ssyncadd.s32 $0xFFFFFC00  }
0xd9: {  	[bflag:$0x0] =	sbarrier.arrive $0xFFFF  }
0xda: {  	s4 =	sld [smem:$0x7F8];
	_ =	sdelay $0x1  }
0xdb: {  	s25 =	simm.s32 $0x0;
	s2 =	simm.s32 $0x18B00  }
0xdc: {  	[tilespmem:s2], [sflag:$0x6] =	stream.linear.gather [hbm4b:s4+s25], $0x400, $0x38;
	[tilespmem:$0x1F300] =	vst v63  }
0xdd: {  	_ =	swait.ge [sflag:s16], $0x400  }
0xde: {  	s14 =	sld [smem:$0x7F9]  }
0xdf: {  	[sflag:s16] =	ssyncset.done $0x0  }
0xe0: {  	s3 =	simm.s32 $0x19300;
	[sflag:s16] =	ssyncadd.s32 $0xFFFFFC00  }
0xe1: {  	[tilespmem:s3], [sflag:$0x6] =	stream.linear.gather [hbm4b:s14+s25], $0x400, $0x38;
	[tilespmem:$0x1F300] =	vst v63  }
0xe2: {  	_ =	swait.ge [sflag:s16], $0x400  }
0xe3: {  	[sflag:s16] =	ssyncset.done $0x0  }
0xe4: {  	[sflag:s16] =	ssyncadd.s32 $0xFFFFFC00  }
0xe5: {  	[tilespmem:s20], [sflag:$0x1] =	stream.indirect.gather [hbm4b:s19+s21], $0x80, s2, s21, $0xb8;
	[tilespmem:$0x1F300] =	vst v63  }
0xe6: {  	s26 =	simm.s32 $0x18B80;
	s28 =	sld [smem:$0x7FA]  }
0xe7: {  	[tilespmem:s7], [sflag:$0x2] =	stream.indirect.gather [hbm4b:s19+s21], $0x80, s26, s21, $0xb8;
	[tilespmem:$0x1F300] =	vst v63  }
0xe8: {  	s29 =	simm.s32 $0x18F00;
	s30 =	sld [smem:$0x7FB]  }
0xe9: {  	[tilespmem:s29], [sflag:$0x5] =	stream.linear.gather [hbm4b:s28+s25], $0x400, $0x38;
	[tilespmem:$0x1F300] =	vst v63  }
0xea: {  	s31 =	simm.s32 $0x19700  }
0xeb: {  	[tilespmem:s31], [sflag:$0x5] =	stream.linear.gather [hbm4b:s30+s25], $0x400, $0x38;
	[tilespmem:$0x1F300] =	vst v63  }
.LBB2_6:
0xec: {  	s26 =	sand.u32 $0x3, s25  }
0xed: {  	s0 =	sadd.s32 $0xFFFFFFFF, s25;
	p0 =	sne.s32 s26, $0x0  }
0xee: {  	s2 =	sshrl.u32 s25, $0x2;
	p1 =	slt.u32 @!p0 s0, $0x67  }
0xef: {  	s0 =	sand.u32 $0x1, s2;
	p0 =	por p0, !p1  }
0xf0: {  	s0 =	sshll.u32 @p0 s0, $0xA;
	s2 =	sshll.u32 @!p0 s2, $0xA  }
0xf1: {  	s2 =	sadd.s32 @!p0 s2, s6;
	s0 =	sshll.u32 @!p0 s0, $0xA  }
0xf2: {  	s3 =	sxor.u32 @!p0 $0x400, s0;
	s2 =	sshrl.u32 @!p0 s2, $0x3  }
0xf3: {  	s14 =	sor.u32 @!p0 $0x18B00, s3;
	s28 =	sadd.s32 @!p0 s15, s2  }
0xf4: {  	[tilespmem:s14], [sflag:$0x5] =	stream.linear.gather @!p0 [hbm4b:s28+s1], $0x400, $0x38;
	[tilespmem:$0x1F300] =	vst v63  }
0xf5: {  	s28 =	sshll.u32 s25, $0x8  }
0xf6: {  	s3 =	sor.u32 @!p0 $0x19300, s3;
	s2 =	sadd.s32 @!p0 s22, s2;
	s14 =	sand.u32 $0x300, s28  }
0xf7: {  	[tilespmem:s3], [sflag:$0x5] =	stream.linear.gather @!p0 [hbm4b:s2+s1], $0x400, $0x38;
	[tilespmem:$0x1F300] =	vst v63  }
0xf8: {  	s29 =	sor.u32 s14, s0  }
0xf9: {  	v1 =	vld [tilespmem:s29+$0x18B00]  }
0xfa: {  	v2 =	vld [tilespmem:s29+$0x19300];
	_ =	sdelay $0x6  }
0xfb: {  	v1 =	vld.idx.msk [tilespmem:v1+s13+$0x0], $0xffff  }
0xfc: {  	v3 =	vld.idx.msk [tilespmem:v2+s18+$0x0], $0xffff;
	_ =	sdelay $0x4  }
0xfd: {  	v1 =	vadd.f32 v3, v1;
	_ =	sdelay $0x1  }
0xfe: {  	v3 =	vmul.f32 $2.000000030e-01, v1;
	_ =	sdelay $0x1  }
0xff: {  	v1 =	vmax.f32 v1, v3  }
0x100: {  	v1 =	vmul.f32 $1.442695020e+00, v1;
	_ =	sdelay $0x1  }
0x101: {  	(erf) = vpow2.f32 v1;
	_ =	sdelay $0x8  }
0x102: {  	v1 =	vpop (erf)  }
0x103: {  	[tilespmem:$0x1CB00] =	vst v1  }
0x104: {  	[tilespmem:v2+s8+$0x0] =	vst.idx.add.f32.msk $0xffff, v1  }
0x105: {  	v1 =	vld [tilespmem:s29+$0x18B10]  }
0x106: {  	v2 =	vld [tilespmem:s29+$0x19310];
	_ =	sdelay $0x6  }
0x107: {  	v1 =	vld.idx.msk [tilespmem:v1+s13+$0x0], $0xffff  }
0x108: {  	v3 =	vld.idx.msk [tilespmem:v2+s18+$0x0], $0xffff;
	_ =	sdelay $0x4  }
0x109: {  	v1 =	vadd.f32 v3, v1;
	_ =	sdelay $0x1  }
0x10a: {  	v3 =	vmul.f32 $2.000000030e-01, v1;
	_ =	sdelay $0x1  }
0x10b: {  	v1 =	vmax.f32 v1, v3  }
0x10c: {  	v1 =	vmul.f32 $1.442695020e+00, v1;
	_ =	sdelay $0x1  }
0x10d: {  	(erf) = vpow2.f32 v1;
	_ =	sdelay $0x8  }
0x10e: {  	v1 =	vpop (erf)  }
0x10f: {  	[tilespmem:$0x1CB10] =	vst v1  }
0x110: {  	[tilespmem:v2+s8+$0x0] =	vst.idx.add.f32.msk $0xffff, v1  }
0x111: {  	v1 =	vld [tilespmem:s29+$0x18B20]  }
0x112: {  	v2 =	vld [tilespmem:s29+$0x19320];
	_ =	sdelay $0x6  }
0x113: {  	v1 =	vld.idx.msk [tilespmem:v1+s13+$0x0], $0xffff  }
0x114: {  	v3 =	vld.idx.msk [tilespmem:v2+s18+$0x0], $0xffff;
	_ =	sdelay $0x4  }
0x115: {  	v1 =	vadd.f32 v3, v1;
	_ =	sdelay $0x1  }
0x116: {  	v3 =	vmul.f32 $2.000000030e-01, v1;
	_ =	sdelay $0x1  }
0x117: {  	v1 =	vmax.f32 v1, v3  }
0x118: {  	v1 =	vmul.f32 $1.442695020e+00, v1;
	_ =	sdelay $0x1  }
0x119: {  	(erf) = vpow2.f32 v1;
	_ =	sdelay $0x7  }
0x11a: {  	s30 =	simm.s32 $0x0  }
0x11b: {  	v3 =	vmov s30;
	v1 =	vpop (erf)  }
0x11c: {  	v3 =	vand.u32 $0xFFFFFFF8, v3;
	[tilespmem:$0x1CB20] =	vst v1  }
0x11d: {  	[tilespmem:v2+s8+$0x0] =	vst.idx.add.f32.msk $0xffff, v1;
	v1 =	vbroadcast v3, $0x0;
	_ =	sdelay $0x1  }
0x11e: {  	_ =	swait.ge [sflag:s9], $0x1800  }
0x11f: {  	[sflag:s9] =	ssyncset.done $0x0  }
0x120: {  	s31 =	simm.s32 $0x19D00;
	[sflag:s9] =	ssyncadd.s32 $0xFFFFE800  }
0x121: {  	v3 =	vld [tilespmem:s31+$0xFFFFFE70]  }
0x122: {  	v1 =	vld.idx.msk [tilespmem:v1+s10+$0x0], $0xffff  }
0x123: {  	v4 =	vld [tilespmem:s31+$0xFFFFFE00]  }
0x124: {  	v5 =	vld [tilespmem:s31+$0xFFFFFE20]  }
0x125: {  	v6 =	vld [tilespmem:s31+$0xFFFFFE30]  }
0x126: {  	v2 =	vld [tilespmem:s31+$0xFFFFFE50]  }
0x127: {  	v8 =	vld [tilespmem:s31+$0xFFFFFE10];
	v3 =	vmul.f32 v3, v1  }
0x128: {  	s2 =	simm.s32 $0x1;
	v7 =	vld [tilespmem:s31+$0xFFFFFE60];
	v4 =	vmul.f32 v4, v1  }
0x129: {  	v9 =	vld [tilespmem:s31+$0xFFFFFE40];
	v5 =	vmul.f32 v5, v1;
	[tilespmem:s31+$0xFFFFFE70] =	vst v3;
	v3 =	vmov s2  }
0x12a: {  	v6 =	vmul.f32 v6, v1;
	[tilespmem:s31+$0xFFFFFE00] =	vst v4;
	v3 =	vand.u32 $0xFFFFFFF9, v3  }
0x12b: {  	v2 =	vmul.f32 v2, v1;
	[tilespmem:s31+$0xFFFFFE20] =	vst v5;
	v3 =	vbroadcast v3, $0x0  }
0x12c: {  	v4 =	vmul.f32 v8, v1;
	[tilespmem:s31+$0xFFFFFE30] =	vst v6  }
0x12d: {  	v5 =	vmul.f32 v7, v1;
	[tilespmem:s31+$0xFFFFFE50] =	vst v2  }
0x12e: {  	v1 =	vmul.f32 v9, v1;
	[tilespmem:s31+$0xFFFFFE10] =	vst v4  }
0x12f: {  	[tilespmem:s31+$0xFFFFFE60] =	vst v5  }
0x130: {  	[tilespmem:s31+$0xFFFFFE40] =	vst v1  }
0x131: {  	v1 =	vld.idx.msk [tilespmem:v3+s10+$0x0], $0xffff  }
0x132: {  	v3 =	vld [tilespmem:s31+$0xFFFFFE90]  }
0x133: {  	v4 =	vld [tilespmem:s31+$0xFFFFFEC0]  }
0x134: {  	v5 =	vld [tilespmem:s31+$0xFFFFFE80]  }
0x135: {  	v6 =	vld [tilespmem:s31+$0xFFFFFED0]  }
0x136: {  	v2 =	vld [tilespmem:s31+$0xFFFFFEF0]  }
0x137: {  	v7 =	vld [tilespmem:s31+$0xFFFFFEE0];
	v3 =	vmul.f32 v3, v1  }
0x138: {  	s3 =	simm.s32 $0x2;
	v8 =	vld [tilespmem:s31+$0xFFFFFEB0];
	v4 =	vmul.f32 v4, v1  }
0x139: {  	v9 =	vld [tilespmem:s31+$0xFFFFFEA0];
	v5 =	vmul.f32 v5, v1;
	[tilespmem:s31+$0xFFFFFE90] =	vst v3;
	v3 =	vmov s3  }
0x13a: {  	v6 =	vmul.f32 v6, v1;
	[tilespmem:s31+$0xFFFFFEC0] =	vst v4;
	v3 =	vand.u32 $0xFFFFFFFA, v3  }
0x13b: {  	v2 =	vmul.f32 v2, v1;
	[tilespmem:s31+$0xFFFFFE80] =	vst v5;
	v3 =	vbroadcast v3, $0x0  }
0x13c: {  	v4 =	vmul.f32 v7, v1;
	[tilespmem:s31+$0xFFFFFED0] =	vst v6  }
0x13d: {  	v5 =	vmul.f32 v8, v1;
	[tilespmem:s31+$0xFFFFFEF0] =	vst v2  }
0x13e: {  	v1 =	vmul.f32 v9, v1;
	[tilespmem:s31+$0xFFFFFEE0] =	vst v4  }
0x13f: {  	[tilespmem:s31+$0xFFFFFEB0] =	vst v5  }
0x140: {  	v2 =	vld [tilespmem:s31+$0xFFFFFF00];
	[tilespmem:s31+$0xFFFFFEA0] =	vst v1  }
0x141: {  	v1 =	vld.idx.msk [tilespmem:v3+s10+$0x0], $0xffff  }
0x142: {  	v3 =	vld [tilespmem:s31+$0xFFFFFF60]  }
0x143: {  	v4 =	vld [tilespmem:s31+$0xFFFFFF10]  }
0x144: {  	v5 =	vld [tilespmem:s31+$0xFFFFFF50]  }
0x145: {  	v6 =	vld [tilespmem:s31+$0xFFFFFF70]  }
0x146: {  	v7 =	vld [tilespmem:s31+$0xFFFFFF20];
	v2 =	vmul.f32 v2, v1  }
0x147: {  	s4 =	simm.s32 $0x3;
	v8 =	vld [tilespmem:s31+$0xFFFFFF30];
	v3 =	vmul.f32 v3, v1  }
0x148: {  	v9 =	vld [tilespmem:s31+$0xFFFFFF40];
	v4 =	vmul.f32 v4, v1;
	[tilespmem:s31+$0xFFFFFF00] =	vst v2;
	v2 =	vmov s4  }
0x149: {  	v5 =	vmul.f32 v5, v1;
	[tilespmem:s31+$0xFFFFFF60] =	vst v3;
	v2 =	vand.u32 $0xFFFFFFFB, v2  }
0x14a: {  	v3 =	vmul.f32 v6, v1;
	[tilespmem:s31+$0xFFFFFF10] =	vst v4;
	v2 =	vbroadcast v2, $0x0  }
0x14b: {  	v4 =	vmul.f32 v7, v1;
	[tilespmem:s31+$0xFFFFFF50] =	vst v5  }
0x14c: {  	v5 =	vmul.f32 v8, v1;
	[tilespmem:s31+$0xFFFFFF70] =	vst v3  }
0x14d: {  	v1 =	vmul.f32 v9, v1;
	[tilespmem:s31+$0xFFFFFF20] =	vst v4  }
0x14e: {  	[tilespmem:s31+$0xFFFFFF30] =	vst v5  }
0x14f: {  	[tilespmem:s31+$0xFFFFFF40] =	vst v1  }
0x150: {  	v1 =	vld.idx.msk [tilespmem:v2+s10+$0x0], $0xffff  }
0x151: {  	v2 =	vld [tilespmem:s31+$0xFFFFFFB0]  }
0x152: {  	v4 =	vld [tilespmem:s31+$0xFFFFFFE0]  }
0x153: {  	v5 =	vld [tilespmem:s31+$0xFFFFFF80]  }
0x154: {  	v6 =	vld [tilespmem:s31+$0xFFFFFFD0]  }
0x155: {  	v3 =	vld [tilespmem:s31+$0xFFFFFFF0]  }
0x156: {  	v8 =	vld [tilespmem:s31+$0xFFFFFFA0];
	v2 =	vmul.f32 v2, v1  }
0x157: {  	s14 =	simm.s32 $0x4;
	v7 =	vld [tilespmem:s31+$0xFFFFFF90];
	v4 =	vmul.f32 v4, v1  }
0x158: {  	v9 =	vld [tilespmem:s31+$0xFFFFFFC0];
	v5 =	vmul.f32 v5, v1;
	[tilespmem:s31+$0xFFFFFFB0] =	vst v2;
	v2 =	vmov s14  }
0x159: {  	v6 =	vmul.f32 v6, v1;
	[tilespmem:s31+$0xFFFFFFE0] =	vst v4;
	v2 =	vand.u32 $0xFFFFFFFC, v2  }
0x15a: {  	v3 =	vmul.f32 v3, v1;
	[tilespmem:s31+$0xFFFFFF80] =	vst v5;
	v2 =	vbroadcast v2, $0x0  }
0x15b: {  	v10 =	vld [tilespmem:s31+$0x40];
	v4 =	vmul.f32 v8, v1;
	[tilespmem:s31+$0xFFFFFFD0] =	vst v6  }
0x15c: {  	v5 =	vmul.f32 v7, v1;
	[tilespmem:s31+$0xFFFFFFF0] =	vst v3;
	v8 =	vld [tilespmem:s31+$0x0]  }
0x15d: {  	v3 =	vmul.f32 v9, v1;
	v1 =	vld [tilespmem:s31+$0x70];
	[tilespmem:s31+$0xFFFFFFA0] =	vst v4  }
0x15e: {  	v7 =	vld [tilespmem:s31+$0x20];
	[tilespmem:s31+$0xFFFFFF90] =	vst v5  }
0x15f: {  	v6 =	vld [tilespmem:s31+$0x30];
	[tilespmem:s31+$0xFFFFFFC0] =	vst v3  }
0x160: {  	v2 =	vld.idx.msk [tilespmem:v2+s10+$0x0], $0xffff  }
0x161: {  	v3 =	vld [tilespmem:s31+$0x50]  }
0x162: {  	v4 =	vld [tilespmem:s31+$0x10]  }
0x163: {  	v5 =	vld [tilespmem:s31+$0x60];
	_ =	sdelay $0x1  }
0x164: {  	s0 =	simm.s32 $0x19D00;
	s2 =	simm.s32 $0x8;
	s14 =	sadd.s32 $0x19300, s29;
	v9 =	vmul.f32 v8, v2;
	v8 =	vmul.f32 v10, v2  }
.LBB2_7:
0x165: {  	p0 =	slt.u32 s2, $0x28;
	v7 =	vmul.f32 v7, v2;
	v6 =	vmul.f32 v6, v2;
	s3 =	sadd.s32 $0x5, s30;
	s31 =	sadd.s32 $0x400, s31  }
0x166: {  	v3 =	vmul.f32 v3, v2;
	[tilespmem:s0+$0x0] =	vst v9;
	v4 =	vmul.f32 v4, v2;
	v9 =	vmov s3;
	s3 =	smov.u32 s2;
	s2 =	sadd.s32 $0x8, s2  }
0x167: {  	v1 =	vmul.f32 v1, v2;
	[tilespmem:s0+$0x40] =	vst v8;
	v5 =	vmul.f32 v5, v2;
	v2 =	vand.u32 $0xFFFFFFFD, v9  }
0x168: {  	[tilespmem:s0+$0x20] =	vst v7;
	v2 =	vbroadcast v2, $0x0  }
0x169: {  	[tilespmem:s0+$0x50] =	vst v3  }
0x16a: {  	[tilespmem:s0+$0x70] =	vst v1;
	v1 =	vld [tilespmem:s0+$0xA0]  }
0x16b: {  	[tilespmem:s0+$0x30] =	vst v6;
	v3 =	vld [tilespmem:s0+$0x80]  }
0x16c: {  	[tilespmem:s0+$0x60] =	vst v5;
	v5 =	vld [tilespmem:s0+$0xD0]  }
0x16d: {  	[tilespmem:s0+$0x10] =	vst v4;
	v4 =	vld [tilespmem:s0+$0xF0]  }
0x16e: {  	v2 =	vld.idx.msk [tilespmem:v2+s10+$0x0], $0xffff  }
0x16f: {  	v6 =	vld [tilespmem:s0+$0xC0]  }
0x170: {  	v7 =	vld [tilespmem:s0+$0xB0]  }
0x171: {  	v8 =	vld [tilespmem:s0+$0x90]  }
0x172: {  	v9 =	vld [tilespmem:s0+$0xE0];
	_ =	sdelay $0x1  }
0x173: {  	v3 =	vmul.f32 v3, v2;
	v6 =	vmul.f32 v6, v2  }
0x174: {  	s4 =	sadd.s32 $0x6, s30;
	v1 =	vmul.f32 v1, v2;
	v7 =	vmul.f32 v7, v2  }
0x175: {  	v5 =	vmul.f32 v5, v2;
	[tilespmem:s0+$0x80] =	vst v3;
	v3 =	vmul.f32 v8, v2;
	v8 =	vmov s4  }
0x176: {  	[tilespmem:s0+$0xA0] =	vst v1;
	v1 =	vmul.f32 v9, v2;
	v2 =	vmul.f32 v4, v2;
	v4 =	vand.u32 $0xFFFFFFFE, v8  }
0x177: {  	[tilespmem:s0+$0xD0] =	vst v5;
	v4 =	vbroadcast v4, $0x0  }
0x178: {  	[tilespmem:s0+$0xC0] =	vst v6  }
0x179: {  	[tilespmem:s0+$0xF0] =	vst v2;
	v2 =	vld [tilespmem:s0+$0x120]  }
0x17a: {  	[tilespmem:s0+$0xB0] =	vst v7;
	v5 =	vld [tilespmem:s0+$0x100]  }
0x17b: {  	[tilespmem:s0+$0x90] =	vst v3;
	v3 =	vld [tilespmem:s0+$0x140]  }
0x17c: {  	[tilespmem:s0+$0xE0] =	vst v1;
	v1 =	vld [tilespmem:s0+$0x130]  }
0x17d: {  	v4 =	vld.idx.msk [tilespmem:v4+s10+$0x0], $0xffff  }
0x17e: {  	v6 =	vld [tilespmem:s0+$0x110]  }
0x17f: {  	v7 =	vld [tilespmem:s0+$0x160]  }
0x180: {  	v8 =	vld [tilespmem:s0+$0x150]  }
0x181: {  	v9 =	vld [tilespmem:s0+$0x170];
	_ =	sdelay $0x1  }
0x182: {  	v5 =	vmul.f32 v5, v4;
	v6 =	vmul.f32 v6, v4  }
0x183: {  	v2 =	vmul.f32 v2, v4;
	v1 =	vmul.f32 v1, v4  }
0x184: {  	v3 =	vmul.f32 v3, v4;
	[tilespmem:s0+$0x100] =	vst v5;
	v5 =	vmul.f32 v8, v4  }
0x185: {  	[tilespmem:s0+$0x120] =	vst v2;
	v2 =	vmul.f32 v7, v4;
	v4 =	vmul.f32 v9, v4  }
0x186: {  	s4 =	sadd.s32 $0x7, s30;
	s30 =	smov.u32 s3;
	[tilespmem:s0+$0x130] =	vst v1  }
0x187: {  	v1 =	vmov s4;
	[tilespmem:s0+$0x140] =	vst v3  }
0x188: {  	[tilespmem:s0+$0x160] =	vst v2;
	v2 =	vld [tilespmem:s0+$0x180]  }
0x189: {  	[tilespmem:s0+$0x110] =	vst v6;
	v3 =	vld [tilespmem:s0+$0x1D0]  }
0x18a: {  	[tilespmem:s0+$0x150] =	vst v5;
	v5 =	vld [tilespmem:s0+$0x190]  }
0x18b: {  	[tilespmem:s0+$0x170] =	vst v4;
	v4 =	vld [tilespmem:s0+$0x1F0]  }
0x18c: {  	v1 =	vld.idx.msk [tilespmem:v1+s10+$0x0], $0xffff  }
0x18d: {  	v6 =	vld [tilespmem:s0+$0x1B0]  }
0x18e: {  	v7 =	vld [tilespmem:s0+$0x1A0]  }
0x18f: {  	v8 =	vld [tilespmem:s0+$0x1C0]  }
0x190: {  	v9 =	vld [tilespmem:s0+$0x1E0];
	_ =	sdelay $0x1  }
0x191: {  	v2 =	vmul.f32 v2, v1;
	v5 =	vmul.f32 v5, v1  }
0x192: {  	v6 =	vmul.f32 v6, v1;
	v7 =	vmul.f32 v7, v1  }
0x193: {  	v10 =	vmov s30;
	v3 =	vmul.f32 v3, v1;
	[tilespmem:s0+$0x180] =	vst v2;
	v2 =	vmul.f32 v8, v1  }
0x194: {  	v8 =	vand.u32 $0xFFFFFFF8, v10;
	[tilespmem:s0+$0x190] =	vst v5;
	v5 =	vmul.f32 v9, v1;
	v1 =	vmul.f32 v4, v1  }
0x195: {  	v4 =	vbroadcast v8, $0x0;
	[tilespmem:s0+$0x1D0] =	vst v3  }
0x196: {  	[tilespmem:s0+$0x1A0] =	vst v7  }
0x197: {  	v3 =	vld [tilespmem:s31+$0xFFFFFE50];
	[tilespmem:s0+$0x1F0] =	vst v1  }
0x198: {  	v1 =	vld [tilespmem:s31+$0xFFFFFE30];
	[tilespmem:s0+$0x1B0] =	vst v6  }
0x199: {  	v6 =	vld [tilespmem:s31+$0xFFFFFE60];
	[tilespmem:s0+$0x1E0] =	vst v5  }
0x19a: {  	v5 =	vld [tilespmem:s31+$0xFFFFFE70];
	[tilespmem:s0+$0x1C0] =	vst v2;
	s0 =	smov.u32 s31  }
0x19b: {  	v2 =	vld.idx.msk [tilespmem:v4+s10+$0x0], $0xffff  }
0x19c: {  	v4 =	vld [tilespmem:s31+$0xFFFFFE00]  }
0x19d: {  	v7 =	vld [tilespmem:s31+$0xFFFFFE20]  }
0x19e: {  	v8 =	vld [tilespmem:s31+$0xFFFFFE10]  }
0x19f: {  	v9 =	vld [tilespmem:s31+$0xFFFFFE40];
	_ =	sdelay $0x1  }
0x1a0: {  	v5 =	vmul.f32 v5, v2;
	v4 =	vmul.f32 v4, v2  }
0x1a1: {  	s3 =	sadd.s32 $0x1, s30;
	v6 =	vmul.f32 v6, v2;
	v7 =	vmul.f32 v7, v2  }
0x1a2: {  	v1 =	vmul.f32 v1, v2;
	v8 =	vmul.f32 v8, v2;
	[tilespmem:s31+$0xFFFFFE70] =	vst v5;
	v5 =	vmov s3  }
0x1a3: {  	[tilespmem:s31+$0xFFFFFE00] =	vst v4;
	v4 =	vmul.f32 v9, v2;
	v2 =	vmul.f32 v3, v2;
	v3 =	vand.u32 $0xFFFFFFF9, v5  }
0x1a4: {  	[tilespmem:s31+$0xFFFFFE20] =	vst v7;
	v3 =	vbroadcast v3, $0x0  }
0x1a5: {  	[tilespmem:s31+$0xFFFFFE30] =	vst v1  }
0x1a6: {  	[tilespmem:s31+$0xFFFFFE50] =	vst v2;
	v1 =	vld [tilespmem:s31+$0xFFFFFEF0]  }
0x1a7: {  	[tilespmem:s31+$0xFFFFFE10] =	vst v8;
	v2 =	vld [tilespmem:s31+$0xFFFFFED0]  }
0x1a8: {  	[tilespmem:s31+$0xFFFFFE60] =	vst v6;
	v5 =	vld [tilespmem:s31+$0xFFFFFEB0]  }
0x1a9: {  	[tilespmem:s31+$0xFFFFFE40] =	vst v4;
	v4 =	vld [tilespmem:s31+$0xFFFFFEC0]  }
0x1aa: {  	v3 =	vld.idx.msk [tilespmem:v3+s10+$0x0], $0xffff  }
0x1ab: {  	v6 =	vld [tilespmem:s31+$0xFFFFFE90]  }
0x1ac: {  	v7 =	vld [tilespmem:s31+$0xFFFFFE80]  }
0x1ad: {  	v8 =	vld [tilespmem:s31+$0xFFFFFEA0]  }
0x1ae: {  	v9 =	vld [tilespmem:s31+$0xFFFFFEE0];
	_ =	sdelay $0x1  }
0x1af: {  	v4 =	vmul.f32 v4, v3;
	v6 =	vmul.f32 v6, v3  }
0x1b0: {  	s3 =	sadd.s32 $0x2, s30;
	v5 =	vmul.f32 v5, v3;
	v7 =	vmul.f32 v7, v3  }
0x1b1: {  	v2 =	vmul.f32 v2, v3;
	[tilespmem:s31+$0xFFFFFE90] =	vst v6;
	v6 =	vmul.f32 v8, v3;
	v8 =	vmov s3  }
0x1b2: {  	v1 =	vmul.f32 v1, v3;
	[tilespmem:s31+$0xFFFFFEC0] =	vst v4;
	v4 =	vmul.f32 v9, v3;
	v3 =	vand.u32 $0xFFFFFFFA, v8  }
0x1b3: {  	[tilespmem:s31+$0xFFFFFE80] =	vst v7;
	v3 =	vbroadcast v3, $0x0  }
0x1b4: {  	[tilespmem:s31+$0xFFFFFED0] =	vst v2  }
0x1b5: {  	[tilespmem:s31+$0xFFFFFEE0] =	vst v4;
	v2 =	vld [tilespmem:s31+$0xFFFFFF70]  }
0x1b6: {  	[tilespmem:s31+$0xFFFFFEB0] =	vst v5;
	v4 =	vld [tilespmem:s31+$0xFFFFFF50]  }
0x1b7: {  	[tilespmem:s31+$0xFFFFFEF0] =	vst v1;
	v1 =	vld [tilespmem:s31+$0xFFFFFF20]  }
0x1b8: {  	[tilespmem:s31+$0xFFFFFEA0] =	vst v6;
	v5 =	vld [tilespmem:s31+$0xFFFFFF60]  }
0x1b9: {  	v3 =	vld.idx.msk [tilespmem:v3+s10+$0x0], $0xffff  }
0x1ba: {  	v6 =	vld [tilespmem:s31+$0xFFFFFF00]  }
0x1bb: {  	v7 =	vld [tilespmem:s31+$0xFFFFFF10]  }
0x1bc: {  	v8 =	vld [tilespmem:s31+$0xFFFFFF40]  }
0x1bd: {  	v9 =	vld [tilespmem:s31+$0xFFFFFF30];
	_ =	sdelay $0x1  }
0x1be: {  	v5 =	vmul.f32 v5, v3;
	v6 =	vmul.f32 v6, v3  }
0x1bf: {  	s3 =	sadd.s32 $0x3, s30;
	v1 =	vmul.f32 v1, v3;
	v7 =	vmul.f32 v7, v3  }
0x1c0: {  	v4 =	vmul.f32 v4, v3;
	[tilespmem:s31+$0xFFFFFF00] =	vst v6;
	v6 =	vmul.f32 v8, v3;
	v8 =	vmov s3  }
0x1c1: {  	v2 =	vmul.f32 v2, v3;
	v9 =	vmul.f32 v9, v3;
	[tilespmem:s31+$0xFFFFFF60] =	vst v5;
	v3 =	vand.u32 $0xFFFFFFFB, v8  }
0x1c2: {  	[tilespmem:s31+$0xFFFFFF10] =	vst v7;
	v3 =	vbroadcast v3, $0x0  }
0x1c3: {  	[tilespmem:s31+$0xFFFFFF50] =	vst v4  }
0x1c4: {  	[tilespmem:s31+$0xFFFFFF70] =	vst v2;
	v2 =	vld [tilespmem:s31+$0xFFFFFFF0]  }
0x1c5: {  	[tilespmem:s31+$0xFFFFFF20] =	vst v1;
	v1 =	vld [tilespmem:s31+$0xFFFFFFD0]  }
0x1c6: {  	[tilespmem:s31+$0xFFFFFF30] =	vst v9;
	v4 =	vld [tilespmem:s31+$0xFFFFFF90]  }
0x1c7: {  	[tilespmem:s31+$0xFFFFFF40] =	vst v6;
	v5 =	vld [tilespmem:s31+$0xFFFFFFE0]  }
0x1c8: {  	v3 =	vld.idx.msk [tilespmem:v3+s10+$0x0], $0xffff  }
0x1c9: {  	v6 =	vld [tilespmem:s31+$0xFFFFFFB0]  }
0x1ca: {  	v7 =	vld [tilespmem:s31+$0xFFFFFF80]  }
0x1cb: {  	v8 =	vld [tilespmem:s31+$0xFFFFFFC0]  }
0x1cc: {  	v9 =	vld [tilespmem:s31+$0xFFFFFFA0];
	_ =	sdelay $0x1  }
0x1cd: {  	v5 =	vmul.f32 v5, v3;
	v6 =	vmul.f32 v6, v3  }
0x1ce: {  	s3 =	sadd.s32 $0x4, s30;
	v4 =	vmul.f32 v4, v3;
	v7 =	vmul.f32 v7, v3  }
0x1cf: {  	v1 =	vmul.f32 v1, v3;
	[tilespmem:s31+$0xFFFFFFB0] =	vst v6;
	v6 =	vmul.f32 v8, v3;
	v8 =	vmov s3  }
0x1d0: {  	v2 =	vmul.f32 v2, v3;
	v9 =	vmul.f32 v9, v3;
	[tilespmem:s31+$0xFFFFFFE0] =	vst v5;
	v3 =	vand.u32 $0xFFFFFFFC, v8  }
0x1d1: {  	[tilespmem:s31+$0xFFFFFF80] =	vst v7;
	v5 =	vbroadcast v3, $0x0  }
0x1d2: {  	[tilespmem:s31+$0xFFFFFFD0] =	vst v1  }
0x1d3: {  	[tilespmem:s31+$0xFFFFFFF0] =	vst v2;
	v8 =	vld [tilespmem:s31+$0x0]  }
0x1d4: {  	[tilespmem:s31+$0xFFFFFFA0] =	vst v9;
	v1 =	vld [tilespmem:s31+$0x70]  }
0x1d5: {  	[tilespmem:s31+$0xFFFFFF90] =	vst v4;
	v3 =	vld [tilespmem:s31+$0x50]  }
0x1d6: {  	[tilespmem:s31+$0xFFFFFFC0] =	vst v6;
	v7 =	vld [tilespmem:s31+$0x20]  }
0x1d7: {  	v2 =	vld.idx.msk [tilespmem:v5+s10+$0x0], $0xffff  }
0x1d8: {  	v10 =	vld [tilespmem:s31+$0x40]  }
.Ltmp4:
0x1d9: {  	v6 =	vld [tilespmem:s31+$0x30];
	(pc) =	sbr.rel @p0 .LBB2_7-.Ltmp4, $3  }
0x1da: {  	v4 =	vld [tilespmem:s31+$0x10]  }
0x1db: {  	v5 =	vld [tilespmem:s31+$0x60];
	_ =	sdelay $0x1  }
0x1dc: {  	v9 =	vmul.f32 v8, v2;
	v8 =	vmul.f32 v10, v2  }
0x1dd: {  	s2 =	sadd.s32 $0x5, s30  }
0x1de: {  	v7 =	vmul.f32 v7, v2;
	[tilespmem:s0+$0x0] =	vst v9;
	v9 =	vmov s2  }
0x1df: {  	v3 =	vmul.f32 v3, v2;
	[tilespmem:s0+$0x40] =	vst v8;
	v8 =	vand.u32 $0xFFFFFFFD, v9  }
0x1e0: {  	v1 =	vmul.f32 v1, v2;
	[tilespmem:s0+$0x20] =	vst v7;
	v7 =	vbroadcast v8, $0x0  }
0x1e1: {  	v6 =	vmul.f32 v6, v2;
	[tilespmem:s0+$0x50] =	vst v3  }
0x1e2: {  	v3 =	vmul.f32 v5, v2;
	[tilespmem:s0+$0x70] =	vst v1  }
0x1e3: {  	v1 =	vmul.f32 v4, v2;
	[tilespmem:s0+$0x30] =	vst v6  }
0x1e4: {  	[tilespmem:s0+$0x60] =	vst v3  }
0x1e5: {  	v2 =	vld [tilespmem:s0+$0x80];
	[tilespmem:s0+$0x10] =	vst v1  }
0x1e6: {  	v1 =	vld.idx.msk [tilespmem:v7+s10+$0x0], $0xffff  }
0x1e7: {  	v3 =	vld [tilespmem:s0+$0xA0]  }
0x1e8: {  	v5 =	vld [tilespmem:s0+$0xC0]  }
0x1e9: {  	v4 =	vld [tilespmem:s0+$0xD0];
	_ =	sdelay $0x1  }
0x1ea: {  	v8 =	vld [tilespmem:s0+$0x90];
	v2 =	vmul.f32 v2, v1  }
0x1eb: {  	v6 =	vld [tilespmem:s0+$0xF0];
	v3 =	vmul.f32 v3, v1  }
0x1ec: {  	s3 =	sadd.s32 $0x6, s30;
	v7 =	vld [tilespmem:s0+$0xB0];
	v5 =	vmul.f32 v5, v1;
	[tilespmem:s0+$0x80] =	vst v2  }
0x1ed: {  	v9 =	vld [tilespmem:s0+$0xE0];
	v2 =	vmul.f32 v4, v1;
	v4 =	vmov s3;
	[tilespmem:s0+$0xA0] =	vst v3  }
0x1ee: {  	[tilespmem:s0+$0xC0] =	vst v5;
	v3 =	vand.u32 $0xFFFFFFFE, v4  }
0x1ef: {  	v5 =	vmul.f32 v8, v1;
	[tilespmem:s0+$0xD0] =	vst v2;
	v2 =	vbroadcast v3, $0x0  }
0x1f0: {  	v4 =	vmul.f32 v6, v1  }
0x1f1: {  	v3 =	vmul.f32 v7, v1;
	[tilespmem:s0+$0x90] =	vst v5  }
0x1f2: {  	v1 =	vmul.f32 v9, v1;
	[tilespmem:s0+$0xF0] =	vst v4  }
0x1f3: {  	[tilespmem:s0+$0xB0] =	vst v3  }
0x1f4: {  	v3 =	vld [tilespmem:s0+$0x100];
	[tilespmem:s0+$0xE0] =	vst v1  }
0x1f5: {  	v1 =	vld.idx.msk [tilespmem:v2+s10+$0x0], $0xffff  }
0x1f6: {  	v2 =	vld [tilespmem:s0+$0x120]  }
0x1f7: {  	v4 =	vld [tilespmem:s0+$0x130]  }
0x1f8: {  	v5 =	vld [tilespmem:s0+$0x140]  }
0x1f9: {  	v6 =	vld [tilespmem:s0+$0x160]  }
0x1fa: {  	v7 =	vld [tilespmem:s0+$0x110];
	v3 =	vmul.f32 v3, v1  }
0x1fb: {  	v8 =	vld [tilespmem:s0+$0x150];
	v2 =	vmul.f32 v2, v1  }
0x1fc: {  	v9 =	vld [tilespmem:s0+$0x170];
	v4 =	vmul.f32 v4, v1;
	[tilespmem:s0+$0x100] =	vst v3  }
0x1fd: {  	v3 =	vmul.f32 v5, v1;
	[tilespmem:s0+$0x120] =	vst v2  }
0x1fe: {  	s4 =	sadd.s32 $0x7, s30;
	v2 =	vmul.f32 v6, v1;
	[tilespmem:s0+$0x130] =	vst v4  }
0x1ff: {  	v4 =	vmul.f32 v7, v1;
	[tilespmem:s0+$0x140] =	vst v3;
	v3 =	vmov s4  }
0x200: {  	v5 =	vmul.f32 v8, v1;
	[tilespmem:s0+$0x160] =	vst v2  }
0x201: {  	v1 =	vmul.f32 v9, v1;
	[tilespmem:s0+$0x110] =	vst v4  }
0x202: {  	[tilespmem:s0+$0x150] =	vst v5  }
0x203: {  	v2 =	vld [tilespmem:s0+$0x180];
	[tilespmem:s0+$0x170] =	vst v1  }
0x204: {  	v1 =	vld.idx.msk [tilespmem:v3+s10+$0x0], $0xffff  }
0x205: {  	v4 =	vld [tilespmem:s0+$0x190]  }
0x206: {  	v3 =	vld [tilespmem:s0+$0x1D0]  }
0x207: {  	v5 =	vld [tilespmem:s0+$0x1A0]  }
0x208: {  	v6 =	vld [tilespmem:s0+$0x1F0]  }
0x209: {  	v7 =	vld [tilespmem:s0+$0x1B0];
	v2 =	vmul.f32 v2, v1  }
0x20a: {  	v8 =	vld [tilespmem:s0+$0x1E0];
	v4 =	vmul.f32 v4, v1  }
0x20b: {  	v9 =	vld [tilespmem:s0+$0x1C0];
	[tilespmem:s0+$0x180] =	vst v2;
	v2 =	vmul.f32 v3, v1  }
0x20c: {  	v3 =	vmul.f32 v5, v1;
	[tilespmem:s0+$0x190] =	vst v4  }
0x20d: {  	v4 =	vmul.f32 v6, v1;
	[tilespmem:s0+$0x1D0] =	vst v2  }
0x20e: {  	v2 =	vmul.f32 v7, v1;
	[tilespmem:s0+$0x1A0] =	vst v3  }
0x20f: {  	v3 =	vmul.f32 v8, v1;
	[tilespmem:s0+$0x1F0] =	vst v4  }
0x210: {  	v1 =	vmul.f32 v9, v1;
	[tilespmem:s0+$0x1B0] =	vst v2  }
0x211: {  	[tilespmem:s0+$0x1E0] =	vst v3  }
0x212: {  	[tilespmem:s0+$0x1C0] =	vst v1  }
0x213: {  	[spmem:s17] =	stream.indirect.scatter.add.f32 [tilespmem:s20], [sflag:$0x3], $0x80, s14, s21, $0xb8;
	[tilespmem:$0x1F300] =	vst v63  }
0x214: {  	v1 =	vld [tilespmem:s29+$0x18B80]  }
0x215: {  	v2 =	vld [tilespmem:s29+$0x19380];
	_ =	sdelay $0x6  }
0x216: {  	v1 =	vld.idx.msk [tilespmem:v1+s13+$0x0], $0xffff  }
0x217: {  	v3 =	vld.idx.msk [tilespmem:v2+s18+$0x0], $0xffff;
	_ =	sdelay $0x4  }
0x218: {  	v1 =	vadd.f32 v3, v1;
	_ =	sdelay $0x1  }
0x219: {  	v3 =	vmul.f32 $2.000000030e-01, v1;
	_ =	sdelay $0x1  }
0x21a: {  	v1 =	vmax.f32 v1, v3  }
0x21b: {  	v1 =	vmul.f32 $1.442695020e+00, v1;
	_ =	sdelay $0x1  }
0x21c: {  	(erf) = vpow2.f32 v1;
	_ =	sdelay $0x8  }
0x21d: {  	v1 =	vpop (erf)  }
0x21e: {  	[tilespmem:$0x1CB00] =	vst v1  }
0x21f: {  	[tilespmem:v2+s8+$0x0] =	vst.idx.add.f32.msk $0xffff, v1  }
0x220: {  	v1 =	vld [tilespmem:s29+$0x18B90]  }
0x221: {  	v2 =	vld [tilespmem:s29+$0x19390];
	_ =	sdelay $0x6  }
0x222: {  	v1 =	vld.idx.msk [tilespmem:v1+s13+$0x0], $0xffff  }
0x223: {  	v3 =	vld.idx.msk [tilespmem:v2+s18+$0x0], $0xffff;
	_ =	sdelay $0x4  }
0x224: {  	v1 =	vadd.f32 v3, v1;
	_ =	sdelay $0x1  }
0x225: {  	v3 =	vmul.f32 $2.000000030e-01, v1;
	_ =	sdelay $0x1  }
0x226: {  	v1 =	vmax.f32 v1, v3  }
0x227: {  	v1 =	vmul.f32 $1.442695020e+00, v1;
	_ =	sdelay $0x1  }
0x228: {  	(erf) = vpow2.f32 v1;
	_ =	sdelay $0x8  }
0x229: {  	v1 =	vpop (erf)  }
0x22a: {  	[tilespmem:$0x1CB10] =	vst v1  }
0x22b: {  	[tilespmem:v2+s8+$0x0] =	vst.idx.add.f32.msk $0xffff, v1  }
0x22c: {  	v1 =	vld [tilespmem:s29+$0x18BA0]  }
0x22d: {  	v2 =	vld [tilespmem:s29+$0x193A0];
	_ =	sdelay $0x6  }
0x22e: {  	v1 =	vld.idx.msk [tilespmem:v1+s13+$0x0], $0xffff  }
0x22f: {  	v3 =	vld.idx.msk [tilespmem:v2+s18+$0x0], $0xffff;
	_ =	sdelay $0x4  }
0x230: {  	v1 =	vadd.f32 v3, v1;
	_ =	sdelay $0x1  }
0x231: {  	v3 =	vmul.f32 $2.000000030e-01, v1;
	_ =	sdelay $0x1  }
0x232: {  	v1 =	vmax.f32 v1, v3  }
0x233: {  	v1 =	vmul.f32 $1.442695020e+00, v1;
	_ =	sdelay $0x1  }
0x234: {  	(erf) = vpow2.f32 v1;
	_ =	sdelay $0x7  }
0x235: {  	s30 =	simm.s32 $0x0  }
0x236: {  	v3 =	vmov s30;
	v1 =	vpop (erf)  }
0x237: {  	v3 =	vand.u32 $0xFFFFFFF8, v3;
	[tilespmem:$0x1CB20] =	vst v1  }
0x238: {  	[tilespmem:v2+s8+$0x0] =	vst.idx.add.f32.msk $0xffff, v1;
	v1 =	vbroadcast v3, $0x0;
	_ =	sdelay $0x1  }
0x239: {  	_ =	swait.ge [sflag:s11], $0x1800  }
0x23a: {  	[sflag:s11] =	ssyncset.done $0x0  }
0x23b: {  	s31 =	simm.s32 $0x1B500;
	[sflag:s11] =	ssyncadd.s32 $0xFFFFE800  }
0x23c: {  	v3 =	vld [tilespmem:s31+$0xFFFFFE70]  }
0x23d: {  	v1 =	vld.idx.msk [tilespmem:v1+s10+$0x0], $0xffff  }
0x23e: {  	v4 =	vld [tilespmem:s31+$0xFFFFFE00]  }
0x23f: {  	v5 =	vld [tilespmem:s31+$0xFFFFFE20]  }
0x240: {  	v6 =	vld [tilespmem:s31+$0xFFFFFE30]  }
0x241: {  	v2 =	vld [tilespmem:s31+$0xFFFFFE50]  }
0x242: {  	v8 =	vld [tilespmem:s31+$0xFFFFFE10];
	v3 =	vmul.f32 v3, v1  }
0x243: {  	s2 =	simm.s32 $0x1;
	v7 =	vld [tilespmem:s31+$0xFFFFFE60];
	v4 =	vmul.f32 v4, v1  }
0x244: {  	v9 =	vld [tilespmem:s31+$0xFFFFFE40];
	v5 =	vmul.f32 v5, v1;
	[tilespmem:s31+$0xFFFFFE70] =	vst v3;
	v3 =	vmov s2  }
0x245: {  	v6 =	vmul.f32 v6, v1;
	[tilespmem:s31+$0xFFFFFE00] =	vst v4;
	v3 =	vand.u32 $0xFFFFFFF9, v3  }
0x246: {  	v2 =	vmul.f32 v2, v1;
	[tilespmem:s31+$0xFFFFFE20] =	vst v5;
	v3 =	vbroadcast v3, $0x0  }
0x247: {  	v4 =	vmul.f32 v8, v1;
	[tilespmem:s31+$0xFFFFFE30] =	vst v6  }
0x248: {  	v5 =	vmul.f32 v7, v1;
	[tilespmem:s31+$0xFFFFFE50] =	vst v2  }
0x249: {  	v1 =	vmul.f32 v9, v1;
	[tilespmem:s31+$0xFFFFFE10] =	vst v4  }
0x24a: {  	[tilespmem:s31+$0xFFFFFE60] =	vst v5  }
0x24b: {  	[tilespmem:s31+$0xFFFFFE40] =	vst v1  }
0x24c: {  	v1 =	vld.idx.msk [tilespmem:v3+s10+$0x0], $0xffff  }
0x24d: {  	v3 =	vld [tilespmem:s31+$0xFFFFFE90]  }
0x24e: {  	v4 =	vld [tilespmem:s31+$0xFFFFFEC0]  }
0x24f: {  	v5 =	vld [tilespmem:s31+$0xFFFFFE80]  }
0x250: {  	v6 =	vld [tilespmem:s31+$0xFFFFFED0]  }
0x251: {  	v2 =	vld [tilespmem:s31+$0xFFFFFEF0]  }
0x252: {  	v7 =	vld [tilespmem:s31+$0xFFFFFEE0];
	v3 =	vmul.f32 v3, v1  }
0x253: {  	s3 =	simm.s32 $0x2;
	v8 =	vld [tilespmem:s31+$0xFFFFFEB0];
	v4 =	vmul.f32 v4, v1  }
0x254: {  	v9 =	vld [tilespmem:s31+$0xFFFFFEA0];
	v5 =	vmul.f32 v5, v1;
	[tilespmem:s31+$0xFFFFFE90] =	vst v3;
	v3 =	vmov s3  }
0x255: {  	v6 =	vmul.f32 v6, v1;
	[tilespmem:s31+$0xFFFFFEC0] =	vst v4;
	v3 =	vand.u32 $0xFFFFFFFA, v3  }
0x256: {  	v2 =	vmul.f32 v2, v1;
	[tilespmem:s31+$0xFFFFFE80] =	vst v5;
	v3 =	vbroadcast v3, $0x0  }
0x257: {  	v4 =	vmul.f32 v7, v1;
	[tilespmem:s31+$0xFFFFFED0] =	vst v6  }
0x258: {  	v5 =	vmul.f32 v8, v1;
	[tilespmem:s31+$0xFFFFFEF0] =	vst v2  }
0x259: {  	v1 =	vmul.f32 v9, v1;
	[tilespmem:s31+$0xFFFFFEE0] =	vst v4  }
0x25a: {  	[tilespmem:s31+$0xFFFFFEB0] =	vst v5  }
0x25b: {  	v2 =	vld [tilespmem:s31+$0xFFFFFF00];
	[tilespmem:s31+$0xFFFFFEA0] =	vst v1  }
0x25c: {  	v1 =	vld.idx.msk [tilespmem:v3+s10+$0x0], $0xffff  }
0x25d: {  	v3 =	vld [tilespmem:s31+$0xFFFFFF60]  }
0x25e: {  	v4 =	vld [tilespmem:s31+$0xFFFFFF10]  }
0x25f: {  	v5 =	vld [tilespmem:s31+$0xFFFFFF50]  }
0x260: {  	v6 =	vld [tilespmem:s31+$0xFFFFFF70]  }
0x261: {  	v7 =	vld [tilespmem:s31+$0xFFFFFF20];
	v2 =	vmul.f32 v2, v1  }
0x262: {  	s4 =	simm.s32 $0x3;
	v8 =	vld [tilespmem:s31+$0xFFFFFF30];
	v3 =	vmul.f32 v3, v1  }
0x263: {  	v9 =	vld [tilespmem:s31+$0xFFFFFF40];
	v4 =	vmul.f32 v4, v1;
	[tilespmem:s31+$0xFFFFFF00] =	vst v2;
	v2 =	vmov s4  }
0x264: {  	v5 =	vmul.f32 v5, v1;
	[tilespmem:s31+$0xFFFFFF60] =	vst v3;
	v2 =	vand.u32 $0xFFFFFFFB, v2  }
0x265: {  	v3 =	vmul.f32 v6, v1;
	[tilespmem:s31+$0xFFFFFF10] =	vst v4;
	v2 =	vbroadcast v2, $0x0  }
0x266: {  	v4 =	vmul.f32 v7, v1;
	[tilespmem:s31+$0xFFFFFF50] =	vst v5  }
0x267: {  	v5 =	vmul.f32 v8, v1;
	[tilespmem:s31+$0xFFFFFF70] =	vst v3  }
0x268: {  	v1 =	vmul.f32 v9, v1;
	[tilespmem:s31+$0xFFFFFF20] =	vst v4  }
0x269: {  	[tilespmem:s31+$0xFFFFFF30] =	vst v5  }
0x26a: {  	[tilespmem:s31+$0xFFFFFF40] =	vst v1  }
0x26b: {  	v1 =	vld.idx.msk [tilespmem:v2+s10+$0x0], $0xffff  }
0x26c: {  	v2 =	vld [tilespmem:s31+$0xFFFFFFB0]  }
0x26d: {  	v4 =	vld [tilespmem:s31+$0xFFFFFFE0]  }
0x26e: {  	v5 =	vld [tilespmem:s31+$0xFFFFFF80]  }
0x26f: {  	v6 =	vld [tilespmem:s31+$0xFFFFFFD0]  }
0x270: {  	v3 =	vld [tilespmem:s31+$0xFFFFFFF0]  }
0x271: {  	v8 =	vld [tilespmem:s31+$0xFFFFFFA0];
	v2 =	vmul.f32 v2, v1  }
0x272: {  	s14 =	simm.s32 $0x4;
	v7 =	vld [tilespmem:s31+$0xFFFFFF90];
	v4 =	vmul.f32 v4, v1  }
0x273: {  	v9 =	vld [tilespmem:s31+$0xFFFFFFC0];
	v5 =	vmul.f32 v5, v1;
	[tilespmem:s31+$0xFFFFFFB0] =	vst v2;
	v2 =	vmov s14  }
0x274: {  	v6 =	vmul.f32 v6, v1;
	[tilespmem:s31+$0xFFFFFFE0] =	vst v4;
	v2 =	vand.u32 $0xFFFFFFFC, v2  }
0x275: {  	v3 =	vmul.f32 v3, v1;
	[tilespmem:s31+$0xFFFFFF80] =	vst v5;
	v2 =	vbroadcast v2, $0x0  }
0x276: {  	v10 =	vld [tilespmem:s31+$0x40];
	v4 =	vmul.f32 v8, v1;
	[tilespmem:s31+$0xFFFFFFD0] =	vst v6  }
0x277: {  	v5 =	vmul.f32 v7, v1;
	[tilespmem:s31+$0xFFFFFFF0] =	vst v3;
	v8 =	vld [tilespmem:s31+$0x0]  }
0x278: {  	v3 =	vmul.f32 v9, v1;
	v1 =	vld [tilespmem:s31+$0x70];
	[tilespmem:s31+$0xFFFFFFA0] =	vst v4  }
0x279: {  	v7 =	vld [tilespmem:s31+$0x20];
	[tilespmem:s31+$0xFFFFFF90] =	vst v5  }
0x27a: {  	v6 =	vld [tilespmem:s31+$0x30];
	[tilespmem:s31+$0xFFFFFFC0] =	vst v3  }
0x27b: {  	v2 =	vld.idx.msk [tilespmem:v2+s10+$0x0], $0xffff  }
0x27c: {  	v3 =	vld [tilespmem:s31+$0x50]  }
0x27d: {  	v4 =	vld [tilespmem:s31+$0x10]  }
0x27e: {  	v5 =	vld [tilespmem:s31+$0x60];
	_ =	sdelay $0x1  }
0x27f: {  	s0 =	simm.s32 $0x1B500;
	s2 =	simm.s32 $0x8;
	s14 =	sadd.s32 $0x19380, s29;
	v9 =	vmul.f32 v8, v2;
	v8 =	vmul.f32 v10, v2  }
.LBB2_9:
0x280: {  	p0 =	slt.u32 s2, $0x28;
	v7 =	vmul.f32 v7, v2;
	v6 =	vmul.f32 v6, v2;
	s3 =	sadd.s32 $0x5, s30;
	s31 =	sadd.s32 $0x400, s31  }
0x281: {  	v3 =	vmul.f32 v3, v2;
	[tilespmem:s0+$0x0] =	vst v9;
	v4 =	vmul.f32 v4, v2;
	v9 =	vmov s3;
	s3 =	smov.u32 s2;
	s2 =	sadd.s32 $0x8, s2  }
0x282: {  	v1 =	vmul.f32 v1, v2;
	[tilespmem:s0+$0x40] =	vst v8;
	v5 =	vmul.f32 v5, v2;
	v2 =	vand.u32 $0xFFFFFFFD, v9  }
0x283: {  	[tilespmem:s0+$0x20] =	vst v7;
	v2 =	vbroadcast v2, $0x0  }
0x284: {  	[tilespmem:s0+$0x50] =	vst v3  }
0x285: {  	[tilespmem:s0+$0x70] =	vst v1;
	v1 =	vld [tilespmem:s0+$0xA0]  }
0x286: {  	[tilespmem:s0+$0x30] =	vst v6;
	v3 =	vld [tilespmem:s0+$0x80]  }
0x287: {  	[tilespmem:s0+$0x60] =	vst v5;
	v5 =	vld [tilespmem:s0+$0xD0]  }
0x288: {  	[tilespmem:s0+$0x10] =	vst v4;
	v4 =	vld [tilespmem:s0+$0xF0]  }
0x289: {  	v2 =	vld.idx.msk [tilespmem:v2+s10+$0x0], $0xffff  }
0x28a: {  	v6 =	vld [tilespmem:s0+$0xC0]  }
0x28b: {  	v7 =	vld [tilespmem:s0+$0xB0]  }
0x28c: {  	v8 =	vld [tilespmem:s0+$0x90]  }
0x28d: {  	v9 =	vld [tilespmem:s0+$0xE0];
	_ =	sdelay $0x1  }
0x28e: {  	v3 =	vmul.f32 v3, v2;
	v6 =	vmul.f32 v6, v2  }
0x28f: {  	s4 =	sadd.s32 $0x6, s30;
	v1 =	vmul.f32 v1, v2;
	v7 =	vmul.f32 v7, v2  }
0x290: {  	v5 =	vmul.f32 v5, v2;
	[tilespmem:s0+$0x80] =	vst v3;
	v3 =	vmul.f32 v8, v2;
	v8 =	vmov s4  }
0x291: {  	[tilespmem:s0+$0xA0] =	vst v1;
	v1 =	vmul.f32 v9, v2;
	v2 =	vmul.f32 v4, v2;
	v4 =	vand.u32 $0xFFFFFFFE, v8  }
0x292: {  	[tilespmem:s0+$0xD0] =	vst v5;
	v4 =	vbroadcast v4, $0x0  }
0x293: {  	[tilespmem:s0+$0xC0] =	vst v6  }
0x294: {  	[tilespmem:s0+$0xF0] =	vst v2;
	v2 =	vld [tilespmem:s0+$0x120]  }
0x295: {  	[tilespmem:s0+$0xB0] =	vst v7;
	v5 =	vld [tilespmem:s0+$0x100]  }
0x296: {  	[tilespmem:s0+$0x90] =	vst v3;
	v3 =	vld [tilespmem:s0+$0x140]  }
0x297: {  	[tilespmem:s0+$0xE0] =	vst v1;
	v1 =	vld [tilespmem:s0+$0x130]  }
0x298: {  	v4 =	vld.idx.msk [tilespmem:v4+s10+$0x0], $0xffff  }
0x299: {  	v6 =	vld [tilespmem:s0+$0x110]  }
0x29a: {  	v7 =	vld [tilespmem:s0+$0x160]  }
0x29b: {  	v8 =	vld [tilespmem:s0+$0x150]  }
0x29c: {  	v9 =	vld [tilespmem:s0+$0x170];
	_ =	sdelay $0x1  }
0x29d: {  	v5 =	vmul.f32 v5, v4;
	v6 =	vmul.f32 v6, v4  }
0x29e: {  	v2 =	vmul.f32 v2, v4;
	v1 =	vmul.f32 v1, v4  }
0x29f: {  	v3 =	vmul.f32 v3, v4;
	[tilespmem:s0+$0x100] =	vst v5;
	v5 =	vmul.f32 v8, v4  }
0x2a0: {  	[tilespmem:s0+$0x120] =	vst v2;
	v2 =	vmul.f32 v7, v4;
	v4 =	vmul.f32 v9, v4  }
0x2a1: {  	s4 =	sadd.s32 $0x7, s30;
	s30 =	smov.u32 s3;
	[tilespmem:s0+$0x130] =	vst v1  }
0x2a2: {  	v1 =	vmov s4;
	[tilespmem:s0+$0x140] =	vst v3  }
0x2a3: {  	[tilespmem:s0+$0x160] =	vst v2;
	v2 =	vld [tilespmem:s0+$0x180]  }
0x2a4: {  	[tilespmem:s0+$0x110] =	vst v6;
	v3 =	vld [tilespmem:s0+$0x1D0]  }
0x2a5: {  	[tilespmem:s0+$0x150] =	vst v5;
	v5 =	vld [tilespmem:s0+$0x190]  }
0x2a6: {  	[tilespmem:s0+$0x170] =	vst v4;
	v4 =	vld [tilespmem:s0+$0x1F0]  }
0x2a7: {  	v1 =	vld.idx.msk [tilespmem:v1+s10+$0x0], $0xffff  }
0x2a8: {  	v6 =	vld [tilespmem:s0+$0x1B0]  }
0x2a9: {  	v7 =	vld [tilespmem:s0+$0x1A0]  }
0x2aa: {  	v8 =	vld [tilespmem:s0+$0x1C0]  }
0x2ab: {  	v9 =	vld [tilespmem:s0+$0x1E0];
	_ =	sdelay $0x1  }
0x2ac: {  	v2 =	vmul.f32 v2, v1;
	v5 =	vmul.f32 v5, v1  }
0x2ad: {  	v6 =	vmul.f32 v6, v1;
	v7 =	vmul.f32 v7, v1  }
0x2ae: {  	v10 =	vmov s30;
	v3 =	vmul.f32 v3, v1;
	[tilespmem:s0+$0x180] =	vst v2;
	v2 =	vmul.f32 v8, v1  }
0x2af: {  	v8 =	vand.u32 $0xFFFFFFF8, v10;
	[tilespmem:s0+$0x190] =	vst v5;
	v5 =	vmul.f32 v9, v1;
	v1 =	vmul.f32 v4, v1  }
0x2b0: {  	v4 =	vbroadcast v8, $0x0;
	[tilespmem:s0+$0x1D0] =	vst v3  }
0x2b1: {  	[tilespmem:s0+$0x1A0] =	vst v7  }
0x2b2: {  	v3 =	vld [tilespmem:s31+$0xFFFFFE50];
	[tilespmem:s0+$0x1F0] =	vst v1  }
0x2b3: {  	v1 =	vld [tilespmem:s31+$0xFFFFFE30];
	[tilespmem:s0+$0x1B0] =	vst v6  }
0x2b4: {  	v6 =	vld [tilespmem:s31+$0xFFFFFE60];
	[tilespmem:s0+$0x1E0] =	vst v5  }
0x2b5: {  	v5 =	vld [tilespmem:s31+$0xFFFFFE70];
	[tilespmem:s0+$0x1C0] =	vst v2;
	s0 =	smov.u32 s31  }
0x2b6: {  	v2 =	vld.idx.msk [tilespmem:v4+s10+$0x0], $0xffff  }
0x2b7: {  	v4 =	vld [tilespmem:s31+$0xFFFFFE00]  }
0x2b8: {  	v7 =	vld [tilespmem:s31+$0xFFFFFE20]  }
0x2b9: {  	v8 =	vld [tilespmem:s31+$0xFFFFFE10]  }
0x2ba: {  	v9 =	vld [tilespmem:s31+$0xFFFFFE40];
	_ =	sdelay $0x1  }
0x2bb: {  	v5 =	vmul.f32 v5, v2;
	v4 =	vmul.f32 v4, v2  }
0x2bc: {  	s3 =	sadd.s32 $0x1, s30;
	v6 =	vmul.f32 v6, v2;
	v7 =	vmul.f32 v7, v2  }
0x2bd: {  	v1 =	vmul.f32 v1, v2;
	v8 =	vmul.f32 v8, v2;
	[tilespmem:s31+$0xFFFFFE70] =	vst v5;
	v5 =	vmov s3  }
0x2be: {  	[tilespmem:s31+$0xFFFFFE00] =	vst v4;
	v4 =	vmul.f32 v9, v2;
	v2 =	vmul.f32 v3, v2;
	v3 =	vand.u32 $0xFFFFFFF9, v5  }
0x2bf: {  	[tilespmem:s31+$0xFFFFFE20] =	vst v7;
	v3 =	vbroadcast v3, $0x0  }
0x2c0: {  	[tilespmem:s31+$0xFFFFFE30] =	vst v1  }
0x2c1: {  	[tilespmem:s31+$0xFFFFFE50] =	vst v2;
	v1 =	vld [tilespmem:s31+$0xFFFFFEF0]  }
0x2c2: {  	[tilespmem:s31+$0xFFFFFE10] =	vst v8;
	v2 =	vld [tilespmem:s31+$0xFFFFFED0]  }
0x2c3: {  	[tilespmem:s31+$0xFFFFFE60] =	vst v6;
	v5 =	vld [tilespmem:s31+$0xFFFFFEB0]  }
0x2c4: {  	[tilespmem:s31+$0xFFFFFE40] =	vst v4;
	v4 =	vld [tilespmem:s31+$0xFFFFFEC0]  }
0x2c5: {  	v3 =	vld.idx.msk [tilespmem:v3+s10+$0x0], $0xffff  }
0x2c6: {  	v6 =	vld [tilespmem:s31+$0xFFFFFE90]  }
0x2c7: {  	v7 =	vld [tilespmem:s31+$0xFFFFFE80]  }
0x2c8: {  	v8 =	vld [tilespmem:s31+$0xFFFFFEA0]  }
0x2c9: {  	v9 =	vld [tilespmem:s31+$0xFFFFFEE0];
	_ =	sdelay $0x1  }
0x2ca: {  	v4 =	vmul.f32 v4, v3;
	v6 =	vmul.f32 v6, v3  }
0x2cb: {  	s3 =	sadd.s32 $0x2, s30;
	v5 =	vmul.f32 v5, v3;
	v7 =	vmul.f32 v7, v3  }
0x2cc: {  	v2 =	vmul.f32 v2, v3;
	[tilespmem:s31+$0xFFFFFE90] =	vst v6;
	v6 =	vmul.f32 v8, v3;
	v8 =	vmov s3  }
0x2cd: {  	v1 =	vmul.f32 v1, v3;
	[tilespmem:s31+$0xFFFFFEC0] =	vst v4;
	v4 =	vmul.f32 v9, v3;
	v3 =	vand.u32 $0xFFFFFFFA, v8  }
0x2ce: {  	[tilespmem:s31+$0xFFFFFE80] =	vst v7;
	v3 =	vbroadcast v3, $0x0  }
0x2cf: {  	[tilespmem:s31+$0xFFFFFED0] =	vst v2  }
0x2d0: {  	[tilespmem:s31+$0xFFFFFEE0] =	vst v4;
	v2 =	vld [tilespmem:s31+$0xFFFFFF70]  }
0x2d1: {  	[tilespmem:s31+$0xFFFFFEB0] =	vst v5;
	v4 =	vld [tilespmem:s31+$0xFFFFFF50]  }
0x2d2: {  	[tilespmem:s31+$0xFFFFFEF0] =	vst v1;
	v1 =	vld [tilespmem:s31+$0xFFFFFF20]  }
0x2d3: {  	[tilespmem:s31+$0xFFFFFEA0] =	vst v6;
	v5 =	vld [tilespmem:s31+$0xFFFFFF60]  }
0x2d4: {  	v3 =	vld.idx.msk [tilespmem:v3+s10+$0x0], $0xffff  }
0x2d5: {  	v6 =	vld [tilespmem:s31+$0xFFFFFF00]  }
0x2d6: {  	v7 =	vld [tilespmem:s31+$0xFFFFFF10]  }
0x2d7: {  	v8 =	vld [tilespmem:s31+$0xFFFFFF40]  }
0x2d8: {  	v9 =	vld [tilespmem:s31+$0xFFFFFF30];
	_ =	sdelay $0x1  }
0x2d9: {  	v5 =	vmul.f32 v5, v3;
	v6 =	vmul.f32 v6, v3  }
0x2da: {  	s3 =	sadd.s32 $0x3, s30;
	v1 =	vmul.f32 v1, v3;
	v7 =	vmul.f32 v7, v3  }
0x2db: {  	v4 =	vmul.f32 v4, v3;
	[tilespmem:s31+$0xFFFFFF00] =	vst v6;
	v6 =	vmul.f32 v8, v3;
	v8 =	vmov s3  }
0x2dc: {  	v2 =	vmul.f32 v2, v3;
	v9 =	vmul.f32 v9, v3;
	[tilespmem:s31+$0xFFFFFF60] =	vst v5;
	v3 =	vand.u32 $0xFFFFFFFB, v8  }
0x2dd: {  	[tilespmem:s31+$0xFFFFFF10] =	vst v7;
	v3 =	vbroadcast v3, $0x0  }
0x2de: {  	[tilespmem:s31+$0xFFFFFF50] =	vst v4  }
0x2df: {  	[tilespmem:s31+$0xFFFFFF70] =	vst v2;
	v2 =	vld [tilespmem:s31+$0xFFFFFFF0]  }
0x2e0: {  	[tilespmem:s31+$0xFFFFFF20] =	vst v1;
	v1 =	vld [tilespmem:s31+$0xFFFFFFD0]  }
0x2e1: {  	[tilespmem:s31+$0xFFFFFF30] =	vst v9;
	v4 =	vld [tilespmem:s31+$0xFFFFFF90]  }
0x2e2: {  	[tilespmem:s31+$0xFFFFFF40] =	vst v6;
	v5 =	vld [tilespmem:s31+$0xFFFFFFE0]  }
0x2e3: {  	v3 =	vld.idx.msk [tilespmem:v3+s10+$0x0], $0xffff  }
0x2e4: {  	v6 =	vld [tilespmem:s31+$0xFFFFFFB0]  }
0x2e5: {  	v7 =	vld [tilespmem:s31+$0xFFFFFF80]  }
0x2e6: {  	v8 =	vld [tilespmem:s31+$0xFFFFFFC0]  }
0x2e7: {  	v9 =	vld [tilespmem:s31+$0xFFFFFFA0];
	_ =	sdelay $0x1  }
0x2e8: {  	v5 =	vmul.f32 v5, v3;
	v6 =	vmul.f32 v6, v3  }
0x2e9: {  	s3 =	sadd.s32 $0x4, s30;
	v4 =	vmul.f32 v4, v3;
	v7 =	vmul.f32 v7, v3  }
0x2ea: {  	v1 =	vmul.f32 v1, v3;
	[tilespmem:s31+$0xFFFFFFB0] =	vst v6;
	v6 =	vmul.f32 v8, v3;
	v8 =	vmov s3  }
0x2eb: {  	v2 =	vmul.f32 v2, v3;
	v9 =	vmul.f32 v9, v3;
	[tilespmem:s31+$0xFFFFFFE0] =	vst v5;
	v3 =	vand.u32 $0xFFFFFFFC, v8  }
0x2ec: {  	[tilespmem:s31+$0xFFFFFF80] =	vst v7;
	v5 =	vbroadcast v3, $0x0  }
0x2ed: {  	[tilespmem:s31+$0xFFFFFFD0] =	vst v1  }
0x2ee: {  	[tilespmem:s31+$0xFFFFFFF0] =	vst v2;
	v8 =	vld [tilespmem:s31+$0x0]  }
0x2ef: {  	[tilespmem:s31+$0xFFFFFFA0] =	vst v9;
	v1 =	vld [tilespmem:s31+$0x70]  }
0x2f0: {  	[tilespmem:s31+$0xFFFFFF90] =	vst v4;
	v3 =	vld [tilespmem:s31+$0x50]  }
0x2f1: {  	[tilespmem:s31+$0xFFFFFFC0] =	vst v6;
	v7 =	vld [tilespmem:s31+$0x20]  }
0x2f2: {  	v2 =	vld.idx.msk [tilespmem:v5+s10+$0x0], $0xffff  }
0x2f3: {  	v10 =	vld [tilespmem:s31+$0x40]  }
.Ltmp5:
0x2f4: {  	v6 =	vld [tilespmem:s31+$0x30];
	(pc) =	sbr.rel @p0 .LBB2_9-.Ltmp5, $3  }
0x2f5: {  	v4 =	vld [tilespmem:s31+$0x10]  }
0x2f6: {  	v5 =	vld [tilespmem:s31+$0x60];
	_ =	sdelay $0x1  }
0x2f7: {  	v9 =	vmul.f32 v8, v2;
	v8 =	vmul.f32 v10, v2  }
0x2f8: {  	s2 =	sadd.s32 $0x5, s30  }
0x2f9: {  	v7 =	vmul.f32 v7, v2;
	[tilespmem:s0+$0x0] =	vst v9;
	v37 =	vmov s2  }
0x2fa: {  	v3 =	vmul.f32 v3, v2;
	[tilespmem:s0+$0x40] =	vst v8;
	v38 =	vand.u32 $0xFFFFFFFD, v37  }
0x2fb: {  	v1 =	vmul.f32 v1, v2;
	[tilespmem:s0+$0x20] =	vst v7;
	v39 =	vbroadcast v38, $0x0  }
0x2fc: {  	v6 =	vmul.f32 v6, v2;
	[tilespmem:s0+$0x50] =	vst v3  }
0x2fd: {  	v3 =	vmul.f32 v5, v2;
	[tilespmem:s0+$0x70] =	vst v1  }
0x2fe: {  	v1 =	vmul.f32 v4, v2;
	[tilespmem:s0+$0x30] =	vst v6  }
0x2ff: {  	[tilespmem:s0+$0x60] =	vst v3  }
0x300: {  	v2 =	vld [tilespmem:s0+$0x80];
	[tilespmem:s0+$0x10] =	vst v1  }
0x301: {  	v1 =	vld.idx.msk [tilespmem:v39+s10+$0x0], $0xffff  }
0x302: {  	v3 =	vld [tilespmem:s0+$0xA0]  }
0x303: {  	v40 =	vld [tilespmem:s0+$0xD0]  }
0x304: {  	v41 =	vld [tilespmem:s0+$0xC0]  }
0x305: {  	v42 =	vld [tilespmem:s0+$0xF0]  }
0x306: {  	v44 =	vld [tilespmem:s0+$0x90];
	v2 =	vmul.f32 v2, v1  }
0x307: {  	v43 =	vld [tilespmem:s0+$0xB0];
	s29 =	sadd.s32 $0x6, s30;
	v3 =	vmul.f32 v3, v1  }
0x308: {  	v45 =	vld [tilespmem:s0+$0xE0];
	v46 =	vmov s29;
	[tilespmem:s0+$0x80] =	vst v2;
	v2 =	vmul.f32 v40, v1  }
0x309: {  	v5 =	vmul.f32 v41, v1;
	[tilespmem:s0+$0xA0] =	vst v3;
	v3 =	vand.u32 $0xFFFFFFFE, v46  }
0x30a: {  	v47 =	vmul.f32 v42, v1;
	[tilespmem:s0+$0xD0] =	vst v2;
	v2 =	vbroadcast v3, $0x0  }
0x30b: {  	v48 =	vmul.f32 v44, v1;
	[tilespmem:s0+$0xC0] =	vst v5  }
0x30c: {  	[tilespmem:s0+$0xF0] =	vst v47;
	v3 =	vmul.f32 v43, v1  }
0x30d: {  	[tilespmem:s0+$0x90] =	vst v48;
	v1 =	vmul.f32 v45, v1  }
0x30e: {  	[tilespmem:s0+$0xB0] =	vst v3  }
0x30f: {  	v3 =	vld [tilespmem:s0+$0x100];
	[tilespmem:s0+$0xE0] =	vst v1  }
0x310: {  	v1 =	vld.idx.msk [tilespmem:v2+s10+$0x0], $0xffff  }
0x311: {  	v2 =	vld [tilespmem:s0+$0x120]  }
0x312: {  	v49 =	vld [tilespmem:s0+$0x130]  }
0x313: {  	v50 =	vld [tilespmem:s0+$0x140]  }
0x314: {  	v52 =	vld [tilespmem:s0+$0x110]  }
0x315: {  	v53 =	vld [tilespmem:s0+$0x150];
	v3 =	vmul.f32 v3, v1  }
0x316: {  	v51 =	vld [tilespmem:s0+$0x160];
	v2 =	vmul.f32 v2, v1  }
0x317: {  	v54 =	vld [tilespmem:s0+$0x170];
	v4 =	vmul.f32 v49, v1;
	[tilespmem:s0+$0x100] =	vst v3  }
0x318: {  	v3 =	vmul.f32 v50, v1;
	[tilespmem:s0+$0x120] =	vst v2  }
0x319: {  	s31 =	sadd.s32 $0x7, s30;
	v55 =	vmul.f32 v52, v1;
	[tilespmem:s0+$0x130] =	vst v4  }
0x31a: {  	v56 =	vmul.f32 v53, v1;
	[tilespmem:s0+$0x140] =	vst v3;
	v3 =	vmov s31  }
0x31b: {  	v2 =	vmul.f32 v51, v1;
	[tilespmem:s0+$0x110] =	vst v55  }
0x31c: {  	v1 =	vmul.f32 v54, v1;
	[tilespmem:s0+$0x150] =	vst v56  }
0x31d: {  	[tilespmem:s0+$0x160] =	vst v2  }
0x31e: {  	v2 =	vld [tilespmem:s0+$0x180];
	[tilespmem:s0+$0x170] =	vst v1  }
0x31f: {  	v1 =	vld.idx.msk [tilespmem:v3+s10+$0x0], $0xffff  }
0x320: {  	v57 =	vld [tilespmem:s0+$0x190]  }
0x321: {  	v59 =	vld [tilespmem:s0+$0x1F0]  }
0x322: {  	v3 =	vld [tilespmem:s0+$0x1D0]  }
0x323: {  	v58 =	vld [tilespmem:s0+$0x1A0]  }
0x324: {  	v60 =	vld [tilespmem:s0+$0x1B0];
	v2 =	vmul.f32 v2, v1  }
0x325: {  	v61 =	vld [tilespmem:s0+$0x1E0];
	v4 =	vmul.f32 v57, v1  }
0x326: {  	v62 =	vld [tilespmem:s0+$0x1C0];
	v63 =	vmul.f32 v59, v1;
	[tilespmem:s0+$0x180] =	vst v2  }
0x327: {  	v2 =	vmul.f32 v3, v1;
	[tilespmem:s0+$0x190] =	vst v4  }
0x328: {  	v3 =	vmul.f32 v58, v1;
	[tilespmem:s0+$0x1F0] =	vst v63  }
0x329: {  	[tilespmem:s0+$0x1D0] =	vst v2;
	v2 =	vmul.f32 v60, v1  }
0x32a: {  	[tilespmem:s0+$0x1A0] =	vst v3;
	v3 =	vmul.f32 v61, v1  }
0x32b: {  	v1 =	vmul.f32 v62, v1;
	[tilespmem:s0+$0x1B0] =	vst v2  }
0x32c: {  	[tilespmem:s0+$0x1E0] =	vst v3  }
0x32d: {  	p0 =	seq.s32 s25, $0x6B;
	[tilespmem:s0+$0x1C0] =	vst v1  }
0x32e: {  	[spmem:s17] =	stream.indirect.scatter.add.f32 [tilespmem:s7], [sflag:$0x4], $0x80, s14, s21, $0xb8;
	[tilespmem:$0x1F300] =	vst v63  }
0x32f: {  	p1 =	sne.s32 @!p0 s26, $0x3;
	_ =	swait.ge [sflag:s12], $0x1800  }
0x330: {  	p0 =	por p1, p0;
	[sflag:s12] =	ssyncset.done $0x0  }
0x331: {  	s0 =	simm.s32 @!p0 $0x5;
	[sflag:s12] =	ssyncadd.s32 $0xFFFFE800  }
0x332: {  	p1 =	sne.s32 s25, $0x6B;
	_ =	swait.ge @!p0 [sflag:s0], $0x400  }
.Ltmp6:
0x333: {  	[sflag:s0] =	ssyncset.done @!p0 $0x0;
	(pc) =	sbr.rel @!p1 .LBB2_11-.Ltmp6, $4  }
0x334: {  	[sflag:s0] =	ssyncadd.s32 @!p0 $0xFFFFFC00  }
0x335: {  	_ =	swait.ge @!p0 [sflag:s0], $0x400  }
0x336: {  	[sflag:s0] =	ssyncset.done @!p0 $0x0  }
0x337: {  	[sflag:s0] =	ssyncadd.s32 @!p0 $0xFFFFFC00  }
0x338: {  	s25 =	sadd.s32 $0x1, s25  }
0x339: {  	s0 =	sshll.u32 s25, $0x8  }
0x33a: {  	s2 =	sadd.s32 $0x100, s28;
	s0 =	sand.u32 $0x400, s0  }
0x33b: {  	s2 =	sand.u32 $0x300, s2;
	s0 =	sor.u32 $0x18B00, s0  }
0x33c: {  	p0 =	sne.s32 s25, $0x6C;
	s2 =	sadd.s32 s2, s0  }
0x33d: {  	[tilespmem:s20], [sflag:$0x1] =	stream.indirect.gather [hbm4b:s19+s21], $0x80, s2, s21, $0xb8;
	[tilespmem:$0x1F300] =	vst v63  }
.Ltmp7:
0x33e: {  	_ = 	snop;
	(pc) =	sbr.rel @p0 .LBB2_6-.Ltmp7, $4  }
.Ltmp8:
0x33f: {  	s31 =	sadd.s32 $0x180, s28;
	_ =	swait.ge [sflag:s23], $0x1800;
	(pc) =	sbr.rel @!p0 .LBB2_13-.Ltmp8, $4  }
0x340: {  	s2 =	sand.u32 $0x380, s31;
	[sflag:s23] =	ssyncset.done $0x0  }
0x341: {  	s0 =	sadd.s32 s2, s0;
	[sflag:s23] =	ssyncadd.s32 $0xFFFFE800  }
0x342: {  	[tilespmem:s7], [sflag:$0x2] =	stream.indirect.gather [hbm4b:s19+s21], $0x80, s0, s21, $0xb8;
	[tilespmem:$0x1F300] =	vst v63  }
0x343: {  	_ = 	snop  }
.LBB2_14:
0x344: {  	_ =	sfence.sel $0x180000  }
0x345: {  	[bflag:$0x0] =	sbarrier.arrive $0xFFFF  }
0x346: {  	_ =	strace $0x90000047  }
0x347: {  	s0 =	stileid.u32;
	[bflag:$0x2] =	sbarrier.arrive $0xFFFF  }
0x348: {  	p0 =	sne.s32 s0, $0x0;
	s0 =	rddreg [dreg:$0x3]  }
0x349: {  	s0 =	sadd.s32 @!p0 $0x100000, s0  }
0x34a: {  	[sflag:s0] =	ssyncadd.tile.s32 @!p0 $0x1;
	_ =	shalt  }
.Lfunc_end2:
_tile_overlayer_lowered:
.L_overlay_start_2:
0x34b: {  	(tag) =	ssettag $0x2  }
0x34c: {  	s0 =	rddreg [dreg:$0x0];
	s2 =	stileid.u32  }
0x34d: {  	s1 =	rddreg [dreg:$0x1];
	p0 =	sne.s32 s2, $0x0  }
0x34e: {  	s3 =	rddreg [dreg:$0x2];
	[bflag:$0x3] =	sbarrier.arrive $0xFFFF;
	s2 =	simm.s32 @!p0 $0x1C06  }
0x34f: {  	[timem:s3], [sflag:s2] =	dma.local @!p0 [hbm:s0], s1  }
0x350: {  	s0 =	simm.s32 @!p0 $0x6  }
0x351: {  	_ =	swait.ge @!p0 [sflag:s0], s1  }
0x352: {  	s1 =	ssub.s32 @!p0 $0x0, s1;
	[sflag:s0] =	ssyncset.done @!p0 $0x0  }
0x353: {  	[sflag:s0] =	ssyncadd.s32 @!p0 s1  }
0x354: {  	[bflag:$0x3] =	sbarrier.arrive $0xFFFF  }
0x355: {  	_ =	shalt  }

</sc_bundles>
